<compile_context>
chip_gen: v7x
topology: tpu7x:2x2x1
jax: 0.10.2.dev20260603
libtpu: 0.0.44.dev20260713+nightly
codegen_flags: <defaults>
</compile_context>

<pallas_src>
import functools

import jax
import jax.numpy as jnp
from jax import lax
from jax.experimental import pallas as pl
from jax.experimental.pallas import tpu as pltpu
from jax.experimental.pallas import tpu_sc as plsc

N = 50000
IN = 6
H = 64
HH = 32
OUT = 4
L = 4
E = 800000

NC, NS = 2, 16
SLOTS = 4
CPT = 392
BCH = 8
EDG_ROWS = 2 * CPT * NS
E_PAD = NS * CPT * 128
ROWS128 = E_PAD // 128
N_ACC = 50176
N_DUMMY = N
N_TILE = N_ACC // NS
W_OUT = 3128
W_OUT_LAST = N - (NS - 1) * W_OUT

CH_DEG = 4
DEG_ITERS = (ROWS128 // NC // NS) // CH_DEG

def _sc_aggregate_body(h_hbm, edg_hbm, zero_hbm, out_hbm,
                       idx_v, rows_v, acc_sh,
                       zsem, g0, g1, g2, g3, s0, s1, s2, s3):
    c = lax.axis_index("c")
    s = lax.axis_index("s")
    gsems = (g0, g1, g2, g3)
    ssems = (s0, s1, s2, s3)

    pltpu.async_copy(zero_hbm, acc_sh.at[pl.ds(s * N_TILE, N_TILE)],
                     zsem).wait()
    plsc.subcore_barrier()

    base = s * (2 * CPT)

    def gather(q, slot):
        return pltpu.async_copy(h_hbm.at[c].at[idx_v.at[2 * q]],
                                rows_v.at[pl.ds(slot * 128, 128)],
                                gsems[slot])

    def scat(q, slot):
        return pltpu.async_copy(rows_v.at[pl.ds(slot * 128, 128)],
                                acc_sh.at[idx_v.at[2 * q + 1]],
                                ssems[slot], add=True)

    def outer(b, carry):
        pltpu.sync_copy(edg_hbm.at[pl.ds(base + 2 * BCH * b, 2 * BCH)],
                        idx_v)
        gd = [None] * BCH
        sd = [None] * BCH
        for q in range(BCH):
            if q >= SLOTS:
                sd[q - SLOTS].wait()
            gd[q] = gather(q, q % SLOTS)
            if q >= 3:
                gd[q - 3].wait()
                sd[q - 3] = scat(q - 3, (q - 3) % SLOTS)
        for qq in range(BCH - 3, BCH):
            gd[qq].wait()
            sd[qq] = scat(qq, qq % SLOTS)
        for qq in range(BCH - SLOTS, BCH):
            sd[qq].wait()
        return carry

    lax.fori_loop(0, CPT // BCH, outer, 0)
    plsc.subcore_barrier()

    @pl.when(s < NS - 1)
    def _():
        pltpu.async_copy(acc_sh.at[pl.ds(s * W_OUT, W_OUT)],
                         out_hbm.at[c].at[pl.ds(s * W_OUT, W_OUT)],
                         zsem).wait()

    @pl.when(s == NS - 1)
    def _():
        pltpu.async_copy(acc_sh.at[pl.ds((NS - 1) * W_OUT, W_OUT_LAST)],
                         out_hbm.at[c].at[pl.ds((NS - 1) * W_OUT, W_OUT_LAST)],
                         zsem).wait()


def _sc_degree_body(dst_hbm, ones_hbm, zero_hbm, out_hbm,
                    idst_v, ones_v, acc_sh, zsem, ssem):
    c = lax.axis_index("c")
    s = lax.axis_index("s")

    pltpu.async_copy(zero_hbm, acc_sh.at[pl.ds(s * N_TILE, N_TILE)],
                     zsem).wait()
    pltpu.async_copy(ones_hbm, ones_v, ssem).wait()
    plsc.subcore_barrier()

    def body(i, carry):
        rbase = (c * NS + s) * (DEG_ITERS * CH_DEG) + i * CH_DEG
        pltpu.sync_copy(dst_hbm.at[pl.ds(rbase, CH_DEG)], idst_v)
        ss = [pltpu.async_copy(ones_v, acc_sh.at[idst_v.at[j]], ssem,
                               add=True)
              for j in range(CH_DEG)]
        for d in ss:
            d.wait()
        return carry

    lax.fori_loop(0, DEG_ITERS, body, 0)
    plsc.subcore_barrier()

    @pl.when(s < NS - 1)
    def _():
        pltpu.async_copy(acc_sh.at[pl.ds(s * W_OUT, W_OUT)],
                         out_hbm.at[c].at[pl.ds(s * W_OUT, W_OUT)],
                         zsem).wait()

    @pl.when(s == NS - 1)
    def _():
        pltpu.async_copy(acc_sh.at[pl.ds((NS - 1) * W_OUT, W_OUT_LAST)],
                         out_hbm.at[c].at[pl.ds((NS - 1) * W_OUT, W_OUT_LAST)],
                         zsem).wait()


@functools.cache
def _sc_kernels():
    mesh = plsc.VectorSubcoreMesh(core_axis_name="c", subcore_axis_name="s",
                                  num_cores=NC, num_subcores=NS)
    agg = pl.kernel(
        _sc_aggregate_body,
        out_type=jax.ShapeDtypeStruct((NC, N, HH), jnp.float32),
        mesh=mesh,
        scratch_types=[
            pltpu.VMEM((2 * BCH, 128), jnp.int32),
            pltpu.VMEM((SLOTS * 128, HH), jnp.float32),
            pltpu.VMEM_SHARED((N_ACC, HH), jnp.float32),
        ] + [pltpu.SemaphoreType.DMA] * 9,
        compiler_params=pltpu.CompilerParams(use_tc_tiling_on_sc=False),
    )
    deg = pl.kernel(
        _sc_degree_body,
        out_type=jax.ShapeDtypeStruct((NC, N, 16), jnp.float32),
        mesh=mesh,
        scratch_types=[
            pltpu.VMEM((CH_DEG, 128), jnp.int32),
            pltpu.VMEM((128, 16), jnp.float32),
            pltpu.VMEM_SHARED((N_ACC, 16), jnp.float32),
            pltpu.SemaphoreType.DMA,
            pltpu.SemaphoreType.DMA,
        ],
        compiler_params=pltpu.CompilerParams(use_tc_tiling_on_sc=False),
    )
    return agg, deg


B = 2000


def _ln_relu(z, g, b):
    m = jnp.mean(z, axis=-1, keepdims=True)
    v = jnp.mean((z - m) * (z - m), axis=-1, keepdims=True)
    return jnp.maximum((z - m) / jnp.sqrt(v + 1e-5) * g + b, 0.0)


def _tc_input_body(x_ref, w_ref, b_ref, g_ref, bb_ref, out_ref):
    z = jnp.dot(x_ref[...], w_ref[...],
                preferred_element_type=jnp.float32) + b_ref[...]
    h = _ln_relu(z, g_ref[...], bb_ref[...])
    out_ref[0] = h[:, :HH]
    out_ref[1] = h[:, HH:]


def _tc_layer_body(agg_ref, h_ref, deg_ref, wl_ref, bl_ref, wr_ref,
                   g_ref, bb_ref, out_ref):
    hb = jnp.concatenate([h_ref[0], h_ref[1]], axis=-1)
    ab = jnp.concatenate([agg_ref[0], agg_ref[1]], axis=-1)
    deg = deg_ref[0][:, 0:1] + deg_ref[1][:, 0:1]
    inv = 1.0 / jnp.maximum(deg, 1.0)
    z = (jnp.dot(ab * inv, wl_ref[...], preferred_element_type=jnp.float32)
         + bl_ref[...]
         + jnp.dot(hb, wr_ref[...], preferred_element_type=jnp.float32))
    hn = hb + _ln_relu(z, g_ref[...], bb_ref[...])
    out_ref[0] = hn[:, :HH]
    out_ref[1] = hn[:, HH:]


def _tc_out_body(h_ref, w1_ref, b1_ref, g_ref, bb_ref, w2_ref, b2_ref,
                 w3_ref, b3_ref, out_ref):
    hb = jnp.concatenate([h_ref[0], h_ref[1]], axis=-1)
    z1 = _ln_relu(jnp.dot(hb, w1_ref[...],
                          preferred_element_type=jnp.float32) + b1_ref[...],
                  g_ref[...], bb_ref[...])
    z2 = jnp.maximum(jnp.dot(z1, w2_ref[...],
                             preferred_element_type=jnp.float32)
                     + b2_ref[...], 0.0)
    out_ref[...] = jnp.dot(z2, w3_ref[...],
                           preferred_element_type=jnp.float32) + b3_ref[...]


def _full(shape):
    return pl.BlockSpec(shape, lambda i: tuple(0 for _ in shape))


_GRID = N // B
_h2_spec = pl.BlockSpec((NC, B, HH), lambda i: (0, i, 0))


def _tc_input(x8, w8t, b, g, bb):
    return pl.pallas_call(
        _tc_input_body,
        grid=(_GRID,),
        in_specs=[pl.BlockSpec((B, 8), lambda i: (i, 0)),
                  _full((8, H)), _full((1, H)), _full((1, H)), _full((1, H))],
        out_specs=_h2_spec,
        out_shape=jax.ShapeDtypeStruct((NC, N, HH), jnp.float32),
    )(x8, w8t, b, g, bb)


def _tc_layer(agg2, h2, dega, wlt, bl, wrt, g, bb):
    return pl.pallas_call(
        _tc_layer_body,
        grid=(_GRID,),
        in_specs=[_h2_spec, _h2_spec,
                  pl.BlockSpec((NC, B, 16), lambda i: (0, i, 0)),
                  _full((H, H)), _full((1, H)), _full((H, H)),
                  _full((1, H)), _full((1, H))],
        out_specs=_h2_spec,
        out_shape=jax.ShapeDtypeStruct((NC, N, HH), jnp.float32),
    )(agg2, h2, dega, wlt, bl, wrt, g, bb)


def _tc_output(h2, w1t, b1, g, bb, w2t, b2, w3t, b3):
    return pl.pallas_call(
        _tc_out_body,
        grid=(_GRID,),
        in_specs=[_h2_spec,
                  _full((H, H)), _full((1, H)), _full((1, H)), _full((1, H)),
                  _full((H, HH)), _full((1, HH)),
                  _full((HH, OUT)), _full((1, OUT))],
        out_specs=pl.BlockSpec((B, OUT), lambda i: (i, 0)),
        out_shape=jax.ShapeDtypeStruct((N, OUT), jnp.float32),
    )(h2, w1t, b1, g, bb, w2t, b2, w3t, b3)


def kernel(x, edge_index, params):
    src = edge_index[0]
    dst = edge_index[1]
    pad = E_PAD - E
    src2 = jnp.concatenate([src, jnp.zeros((pad,), jnp.int32)]
                           ).reshape(ROWS128, 128)
    dst2 = jnp.concatenate([dst, jnp.full((pad,), N_DUMMY, jnp.int32)]
                           ).reshape(ROWS128, 128)
    edg2 = jnp.stack([src2, dst2], axis=1).reshape(EDG_ROWS, 128)

    x8 = jnp.pad(x, ((0, 0), (0, 8 - IN)))
    zero32 = jnp.zeros((N_TILE, HH), jnp.float32)
    zero16 = jnp.zeros((N_TILE, 16), jnp.float32)
    ones16 = jnp.ones((128, 16), jnp.float32)

    p = params
    row = lambda a: a.reshape(1, -1)

    sc_agg, sc_deg = _sc_kernels()
    h2 = _tc_input(x8, jnp.pad(p['in_W'], ((0, 0), (0, 8 - IN))).T,
                   row(p['in_b']), row(p['in_ln_g']), row(p['in_ln_b']))
    dega = sc_deg(dst2, ones16, zero16)
    for lp in p['layers']:
        agg2 = sc_agg(h2, edg2, zero32)
        h2 = _tc_layer(agg2, h2, dega, lp['Wl'].T, row(lp['bl']),
                       lp['Wr'].T, row(lp['ln_g']), row(lp['ln_b']))
    return _tc_output(h2, p['out_W1'].T, row(p['out_b1']),
                      row(p['out_ln_g']), row(p['out_ln_b']),
                      p['out_W2'].T, row(p['out_b2']),
                      p['out_W3'].T, row(p['out_b3']))

# --- scband reference (transcript-rebuilt; emitter-appended) ---
"""Pipeline reference for scband-mesh-gnn-30056181137887 (READ-ONLY COPY).

The authoritative reference and input builder live on the scoring server;
editing this copy changes nothing except your own understanding.
"""

import jax, jax.numpy as jnp
import numpy as np

N = 50000
E = 800000
IN = 6
H = 64
OUT = 4
L = 4


def _ln(x, g, b):
    m = jnp.mean(x, axis=-1, keepdims=True)
    v = jnp.var(x, axis=-1, keepdims=True)
    return (x - m) / jnp.sqrt(v + 1e-5) * g + b


def setup_inputs(seed: int = 0) -> dict:
    key = jax.random.key(seed)
    ks = jax.random.split(key, 64)
    x = jax.random.normal(ks[0], (N, IN), dtype=jnp.float32)
    edge_index = jax.random.randint(ks[1], (2, E), 0, N, dtype=jnp.int32)

    def lin(k, fan_out, fan_in):
        s = 1.0 / np.sqrt(fan_in)
        return jax.random.uniform(k, (fan_out, fan_in), jnp.float32, -s, s)

    layers = []
    for i in range(L):
        layers.append({
            'Wl': lin(ks[10 + 4 * i], H, H),
            'bl': jnp.zeros((H,), jnp.float32),
            'Wr': lin(ks[11 + 4 * i], H, H),
            'ln_g': jnp.ones((H,), jnp.float32),
            'ln_b': jnp.zeros((H,), jnp.float32),
        })
    params = {
        'in_W': lin(ks[2], H, IN),
        'in_b': jnp.zeros((H,), jnp.float32),
        'in_ln_g': jnp.ones((H,), jnp.float32),
        'in_ln_b': jnp.zeros((H,), jnp.float32),
        'layers': layers,
        'out_W1': lin(ks[3], H, H),
        'out_b1': jnp.zeros((H,), jnp.float32),
        'out_ln_g': jnp.ones((H,), jnp.float32),
        'out_ln_b': jnp.zeros((H,), jnp.float32),
        'out_W2': lin(ks[4], H // 2, H),
        'out_b2': jnp.zeros((H // 2,), jnp.float32),
        'out_W3': lin(ks[5], OUT, H // 2),
        'out_b3': jnp.zeros((OUT,), jnp.float32),
    }
    return {'x': x, 'edge_index': edge_index, 'params': params}


def reference(x, edge_index, params):
    # eval mode: dropout is a no-op
    src = edge_index[0]
    dst = edge_index[1]
    # input MLP: Linear -> LayerNorm -> ReLU
    h = jnp.maximum(_ln(x @ params['in_W'].T + params['in_b'], params['in_ln_g'], params['in_ln_b']), 0.0)
    # in-degree for mean aggregation (SAGEConv default aggr='mean')
    deg = jnp.zeros((N,), jnp.float32).at[dst].add(1.0)
    denom = jnp.maximum(deg, 1.0)[:, None]
    for lp in params['layers']:
        msgs = h[src]  # gather source-node features per edge
        agg = jax.ops.segment_sum(msgs, dst, num_segments=N) / denom  # scatter-add + mean
        h_new = agg @ lp['Wl'].T + lp['bl'] + h @ lp['Wr'].T
        h_new = jnp.maximum(_ln(h_new, lp['ln_g'], lp['ln_b']), 0.0)
        h = h + h_new  # residual
    o = jnp.maximum(_ln(h @ params['out_W1'].T + params['out_b1'], params['out_ln_g'], params['out_ln_b']), 0.0)
    o = jnp.maximum(o @ params['out_W2'].T + params['out_b2'], 0.0)
    o = o @ params['out_W3'].T + params['out_b3']
    return o

if __name__ == "__main__":
    import jax
    _d = setup_inputs()
    print(jax.jit(kernel)(*tuple(_d.values())))

</pallas_src>

<mosaic_0001>
#map = affine_map<(d0, d1) -> (0, 0, 0)>
#map1 = affine_map<(d0, d1) -> (0, 0)>
module attributes {stable_mosaic.version = 14 : i64} {
  func.func @_sc_aggregate_body(%arg0: i32, %arg1: i32, %arg2: memref<2x50000x32xf32, #tpu.memory_space<hbm>>, %arg3: memref<12544x128xi32, #tpu.memory_space<hbm>>, %arg4: memref<3136x32xf32, #tpu.memory_space<hbm>>, %arg5: memref<2x50000x32xf32, #tpu.memory_space<hbm>>, %arg6: memref<16x128xi32, #tpu.memory_space<vmem>>, %arg7: memref<512x32xf32, #tpu.memory_space<vmem>>, %arg8: memref<50176x32xf32, #tpu.memory_space<vmem_shared>>, %arg9: memref<!tpu.dma_semaphore, #tpu.memory_space<semaphore_mem>>, %arg10: memref<!tpu.dma_semaphore, #tpu.memory_space<semaphore_mem>>, %arg11: memref<!tpu.dma_semaphore, #tpu.memory_space<semaphore_mem>>, %arg12: memref<!tpu.dma_semaphore, #tpu.memory_space<semaphore_mem>>, %arg13: memref<!tpu.dma_semaphore, #tpu.memory_space<semaphore_mem>>, %arg14: memref<!tpu.dma_semaphore, #tpu.memory_space<semaphore_mem>>, %arg15: memref<!tpu.dma_semaphore, #tpu.memory_space<semaphore_mem>>, %arg16: memref<!tpu.dma_semaphore, #tpu.memory_space<semaphore_mem>>, %arg17: memref<!tpu.dma_semaphore, #tpu.memory_space<semaphore_mem>>) attributes {dimension_semantics = [#tpu.dimension_semantics<core_parallel>, #tpu.dimension_semantics<subcore_parallel>], iteration_bounds = array<i64: 2, 16>, scalar_prefetch = 0 : i64, scratch_operands = 12 : i64, tpu.core_type = #tpu.core_type<sc_vector_subcore>, window_params = [{transform_indices = #map}, {transform_indices = #map1}, {transform_indices = #map1}, {transform_indices = #map}]} {
    %mul3A = arith.constant 3136 : i32
    %mul3A_0 = arith.muli %arg1, %mul3A : i32
    %dma_start3A = arith.constant 0 : i32
    %dma_start3A_1 = tpu.memref_slice %arg8[%mul3A_0, %dma_start3A] : memref<50176x32xf32, #tpu.memory_space<vmem_shared>> -> memref<3136x32xf32, #tpu.memory_space<vmem_shared>>
    tpu.enqueue_dma source(%arg4 : memref<3136x32xf32, #tpu.memory_space<hbm>>) target(%dma_start3A_1 : memref<3136x32xf32, #tpu.memory_space<vmem_shared>>) target_semaphore(%arg9 : memref<!tpu.dma_semaphore, #tpu.memory_space<semaphore_mem>>)
    %dma_wait3A = arith.constant 0 : i32
    %dma_wait3A_2 = tpu.memref_slice %arg8[%mul3A_0, %dma_wait3A] : memref<50176x32xf32, #tpu.memory_space<vmem_shared>> -> memref<3136x32xf32, #tpu.memory_space<vmem_shared>>
    tpu.wait_dma2 semaphore(%arg9 : memref<!tpu.dma_semaphore, #tpu.memory_space<semaphore_mem>>) src(%arg4 : memref<3136x32xf32, #tpu.memory_space<hbm>>) dst(%dma_wait3A_2 : memref<3136x32xf32, #tpu.memory_space<vmem_shared>>)
    %barrier3A = arith.constant 0 : index
    tpu.barrier barrier_id(%barrier3A)
    %mul3A_3 = arith.constant 784 : i32
    %mul3A_4 = arith.muli %arg1, %mul3A_3 : i32
    %scan3A = arith.constant 0 : i32
    %scan3A_5 = arith.constant 0 : i32
    %scan3A_6 = arith.constant 49 : i32
    %scan3A_7 = arith.addi %scan3A_5, %scan3A_6 : i32
    %scan3A_8 = arith.constant 1 : i32
    scf.for %scan3A_17 = %scan3A_5 to %scan3A_7 step %scan3A_8  : i32 {
      %mul3A_18 = arith.constant 16 : i32
      %mul3A_19 = arith.muli %mul3A_18, %scan3A_17 : i32
      %add3A = arith.addi %mul3A_4, %mul3A_19 : i32
      "tpu.region"() ({
        %run_scoped3A = tpu.sem_alloc : memref<!tpu.dma_semaphore, #tpu.memory_space<semaphore_mem>>
        %dma_start3A_404 = arith.constant 0 : i32
        %dma_start3A_405 = tpu.memref_slice %arg3[%add3A, %dma_start3A_404] : memref<12544x128xi32, #tpu.memory_space<hbm>> -> memref<16x128xi32, #tpu.memory_space<hbm>>
        %dma_start3A_406 = arith.constant 0 : i32
        %dma_start3A_407 = tpu.memref_slice %arg3[%add3A, %dma_start3A_406] : memref<12544x128xi32, #tpu.memory_space<hbm>> -> memref<16x128xi32, #tpu.memory_space<hbm>>
        tpu.enqueue_dma source(%dma_start3A_407 : memref<16x128xi32, #tpu.memory_space<hbm>>) target(%arg6 : memref<16x128xi32, #tpu.memory_space<vmem>>) target_semaphore(%run_scoped3A : memref<!tpu.dma_semaphore, #tpu.memory_space<semaphore_mem>>)
        %dma_wait3A_408 = arith.constant 0 : i32
        %dma_wait3A_409 = tpu.memref_slice %arg3[%add3A, %dma_wait3A_408] : memref<12544x128xi32, #tpu.memory_space<hbm>> -> memref<16x128xi32, #tpu.memory_space<hbm>>
        %dma_wait3A_410 = arith.constant 0 : i32
        %dma_wait3A_411 = tpu.memref_slice %arg3[%add3A, %dma_wait3A_410] : memref<12544x128xi32, #tpu.memory_space<hbm>> -> memref<16x128xi32, #tpu.memory_space<hbm>>
        tpu.wait_dma2 semaphore(%run_scoped3A : memref<!tpu.dma_semaphore, #tpu.memory_space<semaphore_mem>>) src(%dma_wait3A_411 : memref<16x128xi32, #tpu.memory_space<hbm>>) dst(%arg6 : memref<16x128xi32, #tpu.memory_space<vmem>>)
        tpu.yield
      }) : () -> ()
      %dma_start3A_20 = arith.constant 0 : i32
      %dma_start3A_21 = arith.constant 0 : i32
      %dma_start3A_22 = arith.constant 0 : i32
      %dma_start3A_23 = tpu.memref_slice %arg7[%dma_start3A_21, %dma_start3A_22] : memref<512x32xf32, #tpu.memory_space<vmem>> -> memref<128x32xf32, #tpu.memory_space<vmem>>
      %dma_start3A_24 = arith.constant 0 : i32
      %dma_start3A_25 = tpu.memref_slice %arg6[%dma_start3A_20, %dma_start3A_24] : memref<16x128xi32, #tpu.memory_space<vmem>> -> memref<1x128xi32, #tpu.memory_space<vmem>>
      %dma_start3A_26 = tpu.memref_squeeze %dma_start3A_25 : memref<1x128xi32, #tpu.memory_space<vmem>> -> memref<128xi32, #tpu.memory_space<vmem>>
      %dma_start3A_27 = arith.constant 0 : i32
      %dma_start3A_28 = arith.constant 0 : i32
      %dma_start3A_29 = tpu.memref_slice %arg2[%arg0, %dma_start3A_27, %dma_start3A_28] : memref<2x50000x32xf32, #tpu.memory_space<hbm>> -> memref<1x50000x32xf32, #tpu.memory_space<hbm>>
      %dma_start3A_30 = tpu.memref_squeeze %dma_start3A_29 : memref<1x50000x32xf32, #tpu.memory_space<hbm>> -> memref<50000x32xf32, #tpu.memory_space<hbm>>
      %dma_start3A_31 = arith.constant 0 : i32
      %dma_start3A_32 = arith.constant 0 : i32
      %dma_start3A_33 = tpu.memref_slice %dma_start3A_30[%dma_start3A_31, %dma_start3A_32] : memref<50000x32xf32, #tpu.memory_space<hbm>> -> memref<50000x32xf32, #tpu.memory_space<hbm>>
      tpu.enqueue_indirect_dma source(%dma_start3A_33 : memref<50000x32xf32, #tpu.memory_space<hbm>>) target(%dma_start3A_23 : memref<128x32xf32, #tpu.memory_space<vmem>>) offsets(%dma_start3A_26 : memref<128xi32, #tpu.memory_space<vmem>>) semaphore(%arg10 : memref<!tpu.dma_semaphore, #tpu.memory_space<semaphore_mem>>)
      %dma_start3A_34 = arith.constant 2 : i32
      %dma_start3A_35 = arith.constant 128 : i32
      %dma_start3A_36 = arith.constant 0 : i32
      %dma_start3A_37 = tpu.memref_slice %arg7[%dma_start3A_35, %dma_start3A_36] : memref<512x32xf32, #tpu.memory_space<vmem>> -> memref<128x32xf32, #tpu.memory_space<vmem>>
      %dma_start3A_38 = arith.constant 0 : i32
      %dma_start3A_39 = tpu.memref_slice %arg6[%dma_start3A_34, %dma_start3A_38] : memref<16x128xi32, #tpu.memory_space<vmem>> -> memref<1x128xi32, #tpu.memory_space<vmem>>
      %dma_start3A_40 = tpu.memref_squeeze %dma_start3A_39 : memref<1x128xi32, #tpu.memory_space<vmem>> -> memref<128xi32, #tpu.memory_space<vmem>>
      %dma_start3A_41 = arith.constant 0 : i32
      %dma_start3A_42 = arith.constant 0 : i32
      %dma_start3A_43 = tpu.memref_slice %arg2[%arg0, %dma_start3A_41, %dma_start3A_42] : memref<2x50000x32xf32, #tpu.memory_space<hbm>> -> memref<1x50000x32xf32, #tpu.memory_space<hbm>>
      %dma_start3A_44 = tpu.memref_squeeze %dma_start3A_43 : memref<1x50000x32xf32, #tpu.memory_space<hbm>> -> memref<50000x32xf32, #tpu.memory_space<hbm>>
      %dma_start3A_45 = arith.constant 0 : i32
      %dma_start3A_46 = arith.constant 0 : i32
      %dma_start3A_47 = tpu.memref_slice %dma_start3A_44[%dma_start3A_45, %dma_start3A_46] : memref<50000x32xf32, #tpu.memory_space<hbm>> -> memref<50000x32xf32, #tpu.memory_space<hbm>>
      tpu.enqueue_indirect_dma source(%dma_start3A_47 : memref<50000x32xf32, #tpu.memory_space<hbm>>) target(%dma_start3A_37 : memref<128x32xf32, #tpu.memory_space<vmem>>) offsets(%dma_start3A_40 : memref<128xi32, #tpu.memory_space<vmem>>) semaphore(%arg11 : memref<!tpu.dma_semaphore, #tpu.memory_space<semaphore_mem>>)
      %dma_start3A_48 = arith.constant 4 : i32
      %dma_start3A_49 = arith.constant 256 : i32
      %dma_start3A_50 = arith.constant 0 : i32
      %dma_start3A_51 = tpu.memref_slice %arg7[%dma_start3A_49, %dma_start3A_50] : memref<512x32xf32, #tpu.memory_space<vmem>> -> memref<128x32xf32, #tpu.memory_space<vmem>>
      %dma_start3A_52 = arith.constant 0 : i32
      %dma_start3A_53 = tpu.memref_slice %arg6[%dma_start3A_48, %dma_start3A_52] : memref<16x128xi32, #tpu.memory_space<vmem>> -> memref<1x128xi32, #tpu.memory_space<vmem>>
      %dma_start3A_54 = tpu.memref_squeeze %dma_start3A_53 : memref<1x128xi32, #tpu.memory_space<vmem>> -> memref<128xi32, #tpu.memory_space<vmem>>
      %dma_start3A_55 = arith.constant 0 : i32
      %dma_start3A_56 = arith.constant 0 : i32
      %dma_start3A_57 = tpu.memref_slice %arg2[%arg0, %dma_start3A_55, %dma_start3A_56] : memref<2x50000x32xf32, #tpu.memory_space<hbm>> -> memref<1x50000x32xf32, #tpu.memory_space<hbm>>
      %dma_start3A_58 = tpu.memref_squeeze %dma_start3A_57 : memref<1x50000x32xf32, #tpu.memory_space<hbm>> -> memref<50000x32xf32, #tpu.memory_space<hbm>>
      %dma_start3A_59 = arith.constant 0 : i32
      %dma_start3A_60 = arith.constant 0 : i32
      %dma_start3A_61 = tpu.memref_slice %dma_start3A_58[%dma_start3A_59, %dma_start3A_60] : memref<50000x32xf32, #tpu.memory_space<hbm>> -> memref<50000x32xf32, #tpu.memory_space<hbm>>
      tpu.enqueue_indirect_dma source(%dma_start3A_61 : memref<50000x32xf32, #tpu.memory_space<hbm>>) target(%dma_start3A_51 : memref<128x32xf32, #tpu.memory_space<vmem>>) offsets(%dma_start3A_54 : memref<128xi32, #tpu.memory_space<vmem>>) semaphore(%arg12 : memref<!tpu.dma_semaphore, #tpu.memory_space<semaphore_mem>>)
      %dma_start3A_62 = arith.constant 6 : i32
      %dma_start3A_63 = arith.constant 384 : i32
      %dma_start3A_64 = arith.constant 0 : i32
      %dma_start3A_65 = tpu.memref_slice %arg7[%dma_start3A_63, %dma_start3A_64] : memref<512x32xf32, #tpu.memory_space<vmem>> -> memref<128x32xf32, #tpu.memory_space<vmem>>
      %dma_start3A_66 = arith.constant 0 : i32
      %dma_start3A_67 = tpu.memref_slice %arg6[%dma_start3A_62, %dma_start3A_66] : memref<16x128xi32, #tpu.memory_space<vmem>> -> memref<1x128xi32, #tpu.memory_space<vmem>>
      %dma_start3A_68 = tpu.memref_squeeze %dma_start3A_67 : memref<1x128xi32, #tpu.memory_space<vmem>> -> memref<128xi32, #tpu.memory_space<vmem>>
      %dma_start3A_69 = arith.constant 0 : i32
      %dma_start3A_70 = arith.constant 0 : i32
      %dma_start3A_71 = tpu.memref_slice %arg2[%arg0, %dma_start3A_69, %dma_start3A_70] : memref<2x50000x32xf32, #tpu.memory_space<hbm>> -> memref<1x50000x32xf32, #tpu.memory_space<hbm>>
      %dma_start3A_72 = tpu.memref_squeeze %dma_start3A_71 : memref<1x50000x32xf32, #tpu.memory_space<hbm>> -> memref<50000x32xf32, #tpu.memory_space<hbm>>
      %dma_start3A_73 = arith.constant 0 : i32
      %dma_start3A_74 = arith.constant 0 : i32
      %dma_start3A_75 = tpu.memref_slice %dma_start3A_72[%dma_start3A_73, %dma_start3A_74] : memref<50000x32xf32, #tpu.memory_space<hbm>> -> memref<50000x32xf32, #tpu.memory_space<hbm>>
      tpu.enqueue_indirect_dma source(%dma_start3A_75 : memref<50000x32xf32, #tpu.memory_space<hbm>>) target(%dma_start3A_65 : memref<128x32xf32, #tpu.memory_space<vmem>>) offsets(%dma_start3A_68 : memref<128xi32, #tpu.memory_space<vmem>>) semaphore(%arg13 : memref<!tpu.dma_semaphore, #tpu.memory_space<semaphore_mem>>)
      %dma_wait3A_76 = arith.constant 0 : i32
      %dma_wait3A_77 = arith.constant 0 : i32
      %dma_wait3A_78 = arith.constant 0 : i32
      %dma_wait3A_79 = tpu.memref_slice %arg7[%dma_wait3A_77, %dma_wait3A_78] : memref<512x32xf32, #tpu.memory_space<vmem>> -> memref<128x32xf32, #tpu.memory_space<vmem>>
      %dma_wait3A_80 = arith.constant 0 : i32
      %dma_wait3A_81 = tpu.memref_slice %arg6[%dma_wait3A_76, %dma_wait3A_80] : memref<16x128xi32, #tpu.memory_space<vmem>> -> memref<1x128xi32, #tpu.memory_space<vmem>>
      %dma_wait3A_82 = tpu.memref_squeeze %dma_wait3A_81 : memref<1x128xi32, #tpu.memory_space<vmem>> -> memref<128xi32, #tpu.memory_space<vmem>>
      %dma_wait3A_83 = arith.constant 0 : i32
      %dma_wait3A_84 = arith.constant 0 : i32
      %dma_wait3A_85 = tpu.memref_slice %arg2[%arg0, %dma_wait3A_83, %dma_wait3A_84] : memref<2x50000x32xf32, #tpu.memory_space<hbm>> -> memref<1x50000x32xf32, #tpu.memory_space<hbm>>
      %dma_wait3A_86 = tpu.memref_squeeze %dma_wait3A_85 : memref<1x50000x32xf32, #tpu.memory_space<hbm>> -> memref<50000x32xf32, #tpu.memory_space<hbm>>
      %dma_wait3A_87 = arith.constant 0 : i32
      %dma_wait3A_88 = arith.constant 0 : i32
      %dma_wait3A_89 = tpu.memref_slice %dma_wait3A_86[%dma_wait3A_87, %dma_wait3A_88] : memref<50000x32xf32, #tpu.memory_space<hbm>> -> memref<50000x32xf32, #tpu.memory_space<hbm>>
      tpu.wait_indirect_dma semaphore(%arg10 : memref<!tpu.dma_semaphore, #tpu.memory_space<semaphore_mem>>) src(%dma_wait3A_89 : memref<50000x32xf32, #tpu.memory_space<hbm>>) dst(%dma_wait3A_79 : memref<128x32xf32, #tpu.memory_space<vmem>>)
      %dma_start3A_90 = arith.constant 1 : i32
      %dma_start3A_91 = arith.constant 0 : i32
      %dma_start3A_92 = arith.constant 0 : i32
      %dma_start3A_93 = tpu.memref_slice %arg7[%dma_start3A_91, %dma_start3A_92] : memref<512x32xf32, #tpu.memory_space<vmem>> -> memref<128x32xf32, #tpu.memory_space<vmem>>
      %dma_start3A_94 = arith.constant 0 : i32
      %dma_start3A_95 = tpu.memref_slice %arg6[%dma_start3A_90, %dma_start3A_94] : memref<16x128xi32, #tpu.memory_space<vmem>> -> memref<1x128xi32, #tpu.memory_space<vmem>>
      %dma_start3A_96 = tpu.memref_squeeze %dma_start3A_95 : memref<1x128xi32, #tpu.memory_space<vmem>> -> memref<128xi32, #tpu.memory_space<vmem>>
      %dma_start3A_97 = arith.constant 0 : i32
      %dma_start3A_98 = arith.constant 0 : i32
      %dma_start3A_99 = tpu.memref_slice %arg8[%dma_start3A_97, %dma_start3A_98] : memref<50176x32xf32, #tpu.memory_space<vmem_shared>> -> memref<50176x32xf32, #tpu.memory_space<vmem_shared>>
      tpu.enqueue_indirect_dma source(%dma_start3A_93 : memref<128x32xf32, #tpu.memory_space<vmem>>) target(%dma_start3A_99 : memref<50176x32xf32, #tpu.memory_space<vmem_shared>>) offsets(%dma_start3A_96 : memref<128xi32, #tpu.memory_space<vmem>>) semaphore(%arg14 : memref<!tpu.dma_semaphore, #tpu.memory_space<semaphore_mem>>) {add = true}
      %dma_wait3A_100 = arith.constant 1 : i32
      %dma_wait3A_101 = arith.constant 0 : i32
      %dma_wait3A_102 = arith.constant 0 : i32
      %dma_wait3A_103 = tpu.memref_slice %arg7[%dma_wait3A_101, %dma_wait3A_102] : memref<512x32xf32, #tpu.memory_space<vmem>> -> memref<128x32xf32, #tpu.memory_space<vmem>>
      %dma_wait3A_104 = arith.constant 0 : i32
      %dma_wait3A_105 = tpu.memref_slice %arg6[%dma_wait3A_100, %dma_wait3A_104] : memref<16x128xi32, #tpu.memory_space<vmem>> -> memref<1x128xi32, #tpu.memory_space<vmem>>
      %dma_wait3A_106 = tpu.memref_squeeze %dma_wait3A_105 : memref<1x128xi32, #tpu.memory_space<vmem>> -> memref<128xi32, #tpu.memory_space<vmem>>
      %dma_wait3A_107 = arith.constant 0 : i32
      %dma_wait3A_108 = arith.constant 0 : i32
      %dma_wait3A_109 = tpu.memref_slice %arg8[%dma_wait3A_107, %dma_wait3A_108] : memref<50176x32xf32, #tpu.memory_space<vmem_shared>> -> memref<50176x32xf32, #tpu.memory_space<vmem_shared>>
      tpu.wait_indirect_dma semaphore(%arg14 : memref<!tpu.dma_semaphore, #tpu.memory_space<semaphore_mem>>) src(%dma_wait3A_103 : memref<128x32xf32, #tpu.memory_space<vmem>>) dst(%dma_wait3A_109 : memref<50176x32xf32, #tpu.memory_space<vmem_shared>>)
      %dma_start3A_110 = arith.constant 8 : i32
      %dma_start3A_111 = arith.constant 0 : i32
      %dma_start3A_112 = arith.constant 0 : i32
      %dma_start3A_113 = tpu.memref_slice %arg7[%dma_start3A_111, %dma_start3A_112] : memref<512x32xf32, #tpu.memory_space<vmem>> -> memref<128x32xf32, #tpu.memory_space<vmem>>
      %dma_start3A_114 = arith.constant 0 : i32
      %dma_start3A_115 = tpu.memref_slice %arg6[%dma_start3A_110, %dma_start3A_114] : memref<16x128xi32, #tpu.memory_space<vmem>> -> memref<1x128xi32, #tpu.memory_space<vmem>>
      %dma_start3A_116 = tpu.memref_squeeze %dma_start3A_115 : memref<1x128xi32, #tpu.memory_space<vmem>> -> memref<128xi32, #tpu.memory_space<vmem>>
      %dma_start3A_117 = arith.constant 0 : i32
      %dma_start3A_118 = arith.constant 0 : i32
      %dma_start3A_119 = tpu.memref_slice %arg2[%arg0, %dma_start3A_117, %dma_start3A_118] : memref<2x50000x32xf32, #tpu.memory_space<hbm>> -> memref<1x50000x32xf32, #tpu.memory_space<hbm>>
      %dma_start3A_120 = tpu.memref_squeeze %dma_start3A_119 : memref<1x50000x32xf32, #tpu.memory_space<hbm>> -> memref<50000x32xf32, #tpu.memory_space<hbm>>
      %dma_start3A_121 = arith.constant 0 : i32
      %dma_start3A_122 = arith.constant 0 : i32
      %dma_start3A_123 = tpu.memref_slice %dma_start3A_120[%dma_start3A_121, %dma_start3A_122] : memref<50000x32xf32, #tpu.memory_space<hbm>> -> memref<50000x32xf32, #tpu.memory_space<hbm>>
      tpu.enqueue_indirect_dma source(%dma_start3A_123 : memref<50000x32xf32, #tpu.memory_space<hbm>>) target(%dma_start3A_113 : memref<128x32xf32, #tpu.memory_space<vmem>>) offsets(%dma_start3A_116 : memref<128xi32, #tpu.memory_space<vmem>>) semaphore(%arg10 : memref<!tpu.dma_semaphore, #tpu.memory_space<semaphore_mem>>)
      %dma_wait3A_124 = arith.constant 2 : i32
      %dma_wait3A_125 = arith.constant 128 : i32
      %dma_wait3A_126 = arith.constant 0 : i32
      %dma_wait3A_127 = tpu.memref_slice %arg7[%dma_wait3A_125, %dma_wait3A_126] : memref<512x32xf32, #tpu.memory_space<vmem>> -> memref<128x32xf32, #tpu.memory_space<vmem>>
      %dma_wait3A_128 = arith.constant 0 : i32
      %dma_wait3A_129 = tpu.memref_slice %arg6[%dma_wait3A_124, %dma_wait3A_128] : memref<16x128xi32, #tpu.memory_space<vmem>> -> memref<1x128xi32, #tpu.memory_space<vmem>>
      %dma_wait3A_130 = tpu.memref_squeeze %dma_wait3A_129 : memref<1x128xi32, #tpu.memory_space<vmem>> -> memref<128xi32, #tpu.memory_space<vmem>>
      %dma_wait3A_131 = arith.constant 0 : i32
      %dma_wait3A_132 = arith.constant 0 : i32
      %dma_wait3A_133 = tpu.memref_slice %arg2[%arg0, %dma_wait3A_131, %dma_wait3A_132] : memref<2x50000x32xf32, #tpu.memory_space<hbm>> -> memref<1x50000x32xf32, #tpu.memory_space<hbm>>
      %dma_wait3A_134 = tpu.memref_squeeze %dma_wait3A_133 : memref<1x50000x32xf32, #tpu.memory_space<hbm>> -> memref<50000x32xf32, #tpu.memory_space<hbm>>
      %dma_wait3A_135 = arith.constant 0 : i32
      %dma_wait3A_136 = arith.constant 0 : i32
      %dma_wait3A_137 = tpu.memref_slice %dma_wait3A_134[%dma_wait3A_135, %dma_wait3A_136] : memref<50000x32xf32, #tpu.memory_space<hbm>> -> memref<50000x32xf32, #tpu.memory_space<hbm>>
      tpu.wait_indirect_dma semaphore(%arg11 : memref<!tpu.dma_semaphore, #tpu.memory_space<semaphore_mem>>) src(%dma_wait3A_137 : memref<50000x32xf32, #tpu.memory_space<hbm>>) dst(%dma_wait3A_127 : memref<128x32xf32, #tpu.memory_space<vmem>>)
      %dma_start3A_138 = arith.constant 3 : i32
      %dma_start3A_139 = arith.constant 128 : i32
      %dma_start3A_140 = arith.constant 0 : i32
      %dma_start3A_141 = tpu.memref_slice %arg7[%dma_start3A_139, %dma_start3A_140] : memref<512x32xf32, #tpu.memory_space<vmem>> -> memref<128x32xf32, #tpu.memory_space<vmem>>
      %dma_start3A_142 = arith.constant 0 : i32
      %dma_start3A_143 = tpu.memref_slice %arg6[%dma_start3A_138, %dma_start3A_142] : memref<16x128xi32, #tpu.memory_space<vmem>> -> memref<1x128xi32, #tpu.memory_space<vmem>>
      %dma_start3A_144 = tpu.memref_squeeze %dma_start3A_143 : memref<1x128xi32, #tpu.memory_space<vmem>> -> memref<128xi32, #tpu.memory_space<vmem>>
      %dma_start3A_145 = arith.constant 0 : i32
      %dma_start3A_146 = arith.constant 0 : i32
      %dma_start3A_147 = tpu.memref_slice %arg8[%dma_start3A_145, %dma_start3A_146] : memref<50176x32xf32, #tpu.memory_space<vmem_shared>> -> memref<50176x32xf32, #tpu.memory_space<vmem_shared>>
      tpu.enqueue_indirect_dma source(%dma_start3A_141 : memref<128x32xf32, #tpu.memory_space<vmem>>) target(%dma_start3A_147 : memref<50176x32xf32, #tpu.memory_space<vmem_shared>>) offsets(%dma_start3A_144 : memref<128xi32, #tpu.memory_space<vmem>>) semaphore(%arg15 : memref<!tpu.dma_semaphore, #tpu.memory_space<semaphore_mem>>) {add = true}
      %dma_wait3A_148 = arith.constant 3 : i32
      %dma_wait3A_149 = arith.constant 128 : i32
      %dma_wait3A_150 = arith.constant 0 : i32
      %dma_wait3A_151 = tpu.memref_slice %arg7[%dma_wait3A_149, %dma_wait3A_150] : memref<512x32xf32, #tpu.memory_space<vmem>> -> memref<128x32xf32, #tpu.memory_space<vmem>>
      %dma_wait3A_152 = arith.constant 0 : i32
      %dma_wait3A_153 = tpu.memref_slice %arg6[%dma_wait3A_148, %dma_wait3A_152] : memref<16x128xi32, #tpu.memory_space<vmem>> -> memref<1x128xi32, #tpu.memory_space<vmem>>
      %dma_wait3A_154 = tpu.memref_squeeze %dma_wait3A_153 : memref<1x128xi32, #tpu.memory_space<vmem>> -> memref<128xi32, #tpu.memory_space<vmem>>
      %dma_wait3A_155 = arith.constant 0 : i32
      %dma_wait3A_156 = arith.constant 0 : i32
      %dma_wait3A_157 = tpu.memref_slice %arg8[%dma_wait3A_155, %dma_wait3A_156] : memref<50176x32xf32, #tpu.memory_space<vmem_shared>> -> memref<50176x32xf32, #tpu.memory_space<vmem_shared>>
      tpu.wait_indirect_dma semaphore(%arg15 : memref<!tpu.dma_semaphore, #tpu.memory_space<semaphore_mem>>) src(%dma_wait3A_151 : memref<128x32xf32, #tpu.memory_space<vmem>>) dst(%dma_wait3A_157 : memref<50176x32xf32, #tpu.memory_space<vmem_shared>>)
      %dma_start3A_158 = arith.constant 10 : i32
      %dma_start3A_159 = arith.constant 128 : i32
      %dma_start3A_160 = arith.constant 0 : i32
      %dma_start3A_161 = tpu.memref_slice %arg7[%dma_start3A_159, %dma_start3A_160] : memref<512x32xf32, #tpu.memory_space<vmem>> -> memref<128x32xf32, #tpu.memory_space<vmem>>
      %dma_start3A_162 = arith.constant 0 : i32
      %dma_start3A_163 = tpu.memref_slice %arg6[%dma_start3A_158, %dma_start3A_162] : memref<16x128xi32, #tpu.memory_space<vmem>> -> memref<1x128xi32, #tpu.memory_space<vmem>>
      %dma_start3A_164 = tpu.memref_squeeze %dma_start3A_163 : memref<1x128xi32, #tpu.memory_space<vmem>> -> memref<128xi32, #tpu.memory_space<vmem>>
      %dma_start3A_165 = arith.constant 0 : i32
      %dma_start3A_166 = arith.constant 0 : i32
      %dma_start3A_167 = tpu.memref_slice %arg2[%arg0, %dma_start3A_165, %dma_start3A_166] : memref<2x50000x32xf32, #tpu.memory_space<hbm>> -> memref<1x50000x32xf32, #tpu.memory_space<hbm>>
      %dma_start3A_168 = tpu.memref_squeeze %dma_start3A_167 : memref<1x50000x32xf32, #tpu.memory_space<hbm>> -> memref<50000x32xf32, #tpu.memory_space<hbm>>
      %dma_start3A_169 = arith.constant 0 : i32
      %dma_start3A_170 = arith.constant 0 : i32
      %dma_start3A_171 = tpu.memref_slice %dma_start3A_168[%dma_start3A_169, %dma_start3A_170] : memref<50000x32xf32, #tpu.memory_space<hbm>> -> memref<50000x32xf32, #tpu.memory_space<hbm>>
      tpu.enqueue_indirect_dma source(%dma_start3A_171 : memref<50000x32xf32, #tpu.memory_space<hbm>>) target(%dma_start3A_161 : memref<128x32xf32, #tpu.memory_space<vmem>>) offsets(%dma_start3A_164 : memref<128xi32, #tpu.memory_space<vmem>>) semaphore(%arg11 : memref<!tpu.dma_semaphore, #tpu.memory_space<semaphore_mem>>)
      %dma_wait3A_172 = arith.constant 4 : i32
      %dma_wait3A_173 = arith.constant 256 : i32
      %dma_wait3A_174 = arith.constant 0 : i32
      %dma_wait3A_175 = tpu.memref_slice %arg7[%dma_wait3A_173, %dma_wait3A_174] : memref<512x32xf32, #tpu.memory_space<vmem>> -> memref<128x32xf32, #tpu.memory_space<vmem>>
      %dma_wait3A_176 = arith.constant 0 : i32
      %dma_wait3A_177 = tpu.memref_slice %arg6[%dma_wait3A_172, %dma_wait3A_176] : memref<16x128xi32, #tpu.memory_space<vmem>> -> memref<1x128xi32, #tpu.memory_space<vmem>>
      %dma_wait3A_178 = tpu.memref_squeeze %dma_wait3A_177 : memref<1x128xi32, #tpu.memory_space<vmem>> -> memref<128xi32, #tpu.memory_space<vmem>>
      %dma_wait3A_179 = arith.constant 0 : i32
      %dma_wait3A_180 = arith.constant 0 : i32
      %dma_wait3A_181 = tpu.memref_slice %arg2[%arg0, %dma_wait3A_179, %dma_wait3A_180] : memref<2x50000x32xf32, #tpu.memory_space<hbm>> -> memref<1x50000x32xf32, #tpu.memory_space<hbm>>
      %dma_wait3A_182 = tpu.memref_squeeze %dma_wait3A_181 : memref<1x50000x32xf32, #tpu.memory_space<hbm>> -> memref<50000x32xf32, #tpu.memory_space<hbm>>
      %dma_wait3A_183 = arith.constant 0 : i32
      %dma_wait3A_184 = arith.constant 0 : i32
      %dma_wait3A_185 = tpu.memref_slice %dma_wait3A_182[%dma_wait3A_183, %dma_wait3A_184] : memref<50000x32xf32, #tpu.memory_space<hbm>> -> memref<50000x32xf32, #tpu.memory_space<hbm>>
      tpu.wait_indirect_dma semaphore(%arg12 : memref<!tpu.dma_semaphore, #tpu.memory_space<semaphore_mem>>) src(%dma_wait3A_185 : memref<50000x32xf32, #tpu.memory_space<hbm>>) dst(%dma_wait3A_175 : memref<128x32xf32, #tpu.memory_space<vmem>>)
      %dma_start3A_186 = arith.constant 5 : i32
      %dma_start3A_187 = arith.constant 256 : i32
      %dma_start3A_188 = arith.constant 0 : i32
      %dma_start3A_189 = tpu.memref_slice %arg7[%dma_start3A_187, %dma_start3A_188] : memref<512x32xf32, #tpu.memory_space<vmem>> -> memref<128x32xf32, #tpu.memory_space<vmem>>
      %dma_start3A_190 = arith.constant 0 : i32
      %dma_start3A_191 = tpu.memref_slice %arg6[%dma_start3A_186, %dma_start3A_190] : memref<16x128xi32, #tpu.memory_space<vmem>> -> memref<1x128xi32, #tpu.memory_space<vmem>>
      %dma_start3A_192 = tpu.memref_squeeze %dma_start3A_191 : memref<1x128xi32, #tpu.memory_space<vmem>> -> memref<128xi32, #tpu.memory_space<vmem>>
      %dma_start3A_193 = arith.constant 0 : i32
      %dma_start3A_194 = arith.constant 0 : i32
      %dma_start3A_195 = tpu.memref_slice %arg8[%dma_start3A_193, %dma_start3A_194] : memref<50176x32xf32, #tpu.memory_space<vmem_shared>> -> memref<50176x32xf32, #tpu.memory_space<vmem_shared>>
      tpu.enqueue_indirect_dma source(%dma_start3A_189 : memref<128x32xf32, #tpu.memory_space<vmem>>) target(%dma_start3A_195 : memref<50176x32xf32, #tpu.memory_space<vmem_shared>>) offsets(%dma_start3A_192 : memref<128xi32, #tpu.memory_space<vmem>>) semaphore(%arg16 : memref<!tpu.dma_semaphore, #tpu.memory_space<semaphore_mem>>) {add = true}
      %dma_wait3A_196 = arith.constant 5 : i32
      %dma_wait3A_197 = arith.constant 256 : i32
      %dma_wait3A_198 = arith.constant 0 : i32
      %dma_wait3A_199 = tpu.memref_slice %arg7[%dma_wait3A_197, %dma_wait3A_198] : memref<512x32xf32, #tpu.memory_space<vmem>> -> memref<128x32xf32, #tpu.memory_space<vmem>>
      %dma_wait3A_200 = arith.constant 0 : i32
      %dma_wait3A_201 = tpu.memref_slice %arg6[%dma_wait3A_196, %dma_wait3A_200] : memref<16x128xi32, #tpu.memory_space<vmem>> -> memref<1x128xi32, #tpu.memory_space<vmem>>
      %dma_wait3A_202 = tpu.memref_squeeze %dma_wait3A_201 : memref<1x128xi32, #tpu.memory_space<vmem>> -> memref<128xi32, #tpu.memory_space<vmem>>
      %dma_wait3A_203 = arith.constant 0 : i32
      %dma_wait3A_204 = arith.constant 0 : i32
      %dma_wait3A_205 = tpu.memref_slice %arg8[%dma_wait3A_203, %dma_wait3A_204] : memref<50176x32xf32, #tpu.memory_space<vmem_shared>> -> memref<50176x32xf32, #tpu.memory_space<vmem_shared>>
      tpu.wait_indirect_dma semaphore(%arg16 : memref<!tpu.dma_semaphore, #tpu.memory_space<semaphore_mem>>) src(%dma_wait3A_199 : memref<128x32xf32, #tpu.memory_space<vmem>>) dst(%dma_wait3A_205 : memref<50176x32xf32, #tpu.memory_space<vmem_shared>>)
      %dma_start3A_206 = arith.constant 12 : i32
      %dma_start3A_207 = arith.constant 256 : i32
      %dma_start3A_208 = arith.constant 0 : i32
      %dma_start3A_209 = tpu.memref_slice %arg7[%dma_start3A_207, %dma_start3A_208] : memref<512x32xf32, #tpu.memory_space<vmem>> -> memref<128x32xf32, #tpu.memory_space<vmem>>
      %dma_start3A_210 = arith.constant 0 : i32
      %dma_start3A_211 = tpu.memref_slice %arg6[%dma_start3A_206, %dma_start3A_210] : memref<16x128xi32, #tpu.memory_space<vmem>> -> memref<1x128xi32, #tpu.memory_space<vmem>>
      %dma_start3A_212 = tpu.memref_squeeze %dma_start3A_211 : memref<1x128xi32, #tpu.memory_space<vmem>> -> memref<128xi32, #tpu.memory_space<vmem>>
      %dma_start3A_213 = arith.constant 0 : i32
      %dma_start3A_214 = arith.constant 0 : i32
      %dma_start3A_215 = tpu.memref_slice %arg2[%arg0, %dma_start3A_213, %dma_start3A_214] : memref<2x50000x32xf32, #tpu.memory_space<hbm>> -> memref<1x50000x32xf32, #tpu.memory_space<hbm>>
      %dma_start3A_216 = tpu.memref_squeeze %dma_start3A_215 : memref<1x50000x32xf32, #tpu.memory_space<hbm>> -> memref<50000x32xf32, #tpu.memory_space<hbm>>
      %dma_start3A_217 = arith.constant 0 : i32
      %dma_start3A_218 = arith.constant 0 : i32
      %dma_start3A_219 = tpu.memref_slice %dma_start3A_216[%dma_start3A_217, %dma_start3A_218] : memref<50000x32xf32, #tpu.memory_space<hbm>> -> memref<50000x32xf32, #tpu.memory_space<hbm>>
      tpu.enqueue_indirect_dma source(%dma_start3A_219 : memref<50000x32xf32, #tpu.memory_space<hbm>>) target(%dma_start3A_209 : memref<128x32xf32, #tpu.memory_space<vmem>>) offsets(%dma_start3A_212 : memref<128xi32, #tpu.memory_space<vmem>>) semaphore(%arg12 : memref<!tpu.dma_semaphore, #tpu.memory_space<semaphore_mem>>)
      %dma_wait3A_220 = arith.constant 6 : i32
      %dma_wait3A_221 = arith.constant 384 : i32
      %dma_wait3A_222 = arith.constant 0 : i32
      %dma_wait3A_223 = tpu.memref_slice %arg7[%dma_wait3A_221, %dma_wait3A_222] : memref<512x32xf32, #tpu.memory_space<vmem>> -> memref<128x32xf32, #tpu.memory_space<vmem>>
      %dma_wait3A_224 = arith.constant 0 : i32
      %dma_wait3A_225 = tpu.memref_slice %arg6[%dma_wait3A_220, %dma_wait3A_224] : memref<16x128xi32, #tpu.memory_space<vmem>> -> memref<1x128xi32, #tpu.memory_space<vmem>>
      %dma_wait3A_226 = tpu.memref_squeeze %dma_wait3A_225 : memref<1x128xi32, #tpu.memory_space<vmem>> -> memref<128xi32, #tpu.memory_space<vmem>>
      %dma_wait3A_227 = arith.constant 0 : i32
      %dma_wait3A_228 = arith.constant 0 : i32
      %dma_wait3A_229 = tpu.memref_slice %arg2[%arg0, %dma_wait3A_227, %dma_wait3A_228] : memref<2x50000x32xf32, #tpu.memory_space<hbm>> -> memref<1x50000x32xf32, #tpu.memory_space<hbm>>
      %dma_wait3A_230 = tpu.memref_squeeze %dma_wait3A_229 : memref<1x50000x32xf32, #tpu.memory_space<hbm>> -> memref<50000x32xf32, #tpu.memory_space<hbm>>
      %dma_wait3A_231 = arith.constant 0 : i32
      %dma_wait3A_232 = arith.constant 0 : i32
      %dma_wait3A_233 = tpu.memref_slice %dma_wait3A_230[%dma_wait3A_231, %dma_wait3A_232] : memref<50000x32xf32, #tpu.memory_space<hbm>> -> memref<50000x32xf32, #tpu.memory_space<hbm>>
      tpu.wait_indirect_dma semaphore(%arg13 : memref<!tpu.dma_semaphore, #tpu.memory_space<semaphore_mem>>) src(%dma_wait3A_233 : memref<50000x32xf32, #tpu.memory_space<hbm>>) dst(%dma_wait3A_223 : memref<128x32xf32, #tpu.memory_space<vmem>>)
      %dma_start3A_234 = arith.constant 7 : i32
      %dma_start3A_235 = arith.constant 384 : i32
      %dma_start3A_236 = arith.constant 0 : i32
      %dma_start3A_237 = tpu.memref_slice %arg7[%dma_start3A_235, %dma_start3A_236] : memref<512x32xf32, #tpu.memory_space<vmem>> -> memref<128x32xf32, #tpu.memory_space<vmem>>
      %dma_start3A_238 = arith.constant 0 : i32
      %dma_start3A_239 = tpu.memref_slice %arg6[%dma_start3A_234, %dma_start3A_238] : memref<16x128xi32, #tpu.memory_space<vmem>> -> memref<1x128xi32, #tpu.memory_space<vmem>>
      %dma_start3A_240 = tpu.memref_squeeze %dma_start3A_239 : memref<1x128xi32, #tpu.memory_space<vmem>> -> memref<128xi32, #tpu.memory_space<vmem>>
      %dma_start3A_241 = arith.constant 0 : i32
      %dma_start3A_242 = arith.constant 0 : i32
      %dma_start3A_243 = tpu.memref_slice %arg8[%dma_start3A_241, %dma_start3A_242] : memref<50176x32xf32, #tpu.memory_space<vmem_shared>> -> memref<50176x32xf32, #tpu.memory_space<vmem_shared>>
      tpu.enqueue_indirect_dma source(%dma_start3A_237 : memref<128x32xf32, #tpu.memory_space<vmem>>) target(%dma_start3A_243 : memref<50176x32xf32, #tpu.memory_space<vmem_shared>>) offsets(%dma_start3A_240 : memref<128xi32, #tpu.memory_space<vmem>>) semaphore(%arg17 : memref<!tpu.dma_semaphore, #tpu.memory_space<semaphore_mem>>) {add = true}
      %dma_wait3A_244 = arith.constant 7 : i32
      %dma_wait3A_245 = arith.constant 384 : i32
      %dma_wait3A_246 = arith.constant 0 : i32
      %dma_wait3A_247 = tpu.memref_slice %arg7[%dma_wait3A_245, %dma_wait3A_246] : memref<512x32xf32, #tpu.memory_space<vmem>> -> memref<128x32xf32, #tpu.memory_space<vmem>>
      %dma_wait3A_248 = arith.constant 0 : i32
      %dma_wait3A_249 = tpu.memref_slice %arg6[%dma_wait3A_244, %dma_wait3A_248] : memref<16x128xi32, #tpu.memory_space<vmem>> -> memref<1x128xi32, #tpu.memory_space<vmem>>
      %dma_wait3A_250 = tpu.memref_squeeze %dma_wait3A_249 : memref<1x128xi32, #tpu.memory_space<vmem>> -> memref<128xi32, #tpu.memory_space<vmem>>
      %dma_wait3A_251 = arith.constant 0 : i32
      %dma_wait3A_252 = arith.constant 0 : i32
      %dma_wait3A_253 = tpu.memref_slice %arg8[%dma_wait3A_251, %dma_wait3A_252] : memref<50176x32xf32, #tpu.memory_space<vmem_shared>> -> memref<50176x32xf32, #tpu.memory_space<vmem_shared>>
      tpu.wait_indirect_dma semaphore(%arg17 : memref<!tpu.dma_semaphore, #tpu.memory_space<semaphore_mem>>) src(%dma_wait3A_247 : memref<128x32xf32, #tpu.memory_space<vmem>>) dst(%dma_wait3A_253 : memref<50176x32xf32, #tpu.memory_space<vmem_shared>>)
      %dma_start3A_254 = arith.constant 14 : i32
      %dma_start3A_255 = arith.constant 384 : i32
      %dma_start3A_256 = arith.constant 0 : i32
      %dma_start3A_257 = tpu.memref_slice %arg7[%dma_start3A_255, %dma_start3A_256] : memref<512x32xf32, #tpu.memory_space<vmem>> -> memref<128x32xf32, #tpu.memory_space<vmem>>
      %dma_start3A_258 = arith.constant 0 : i32
      %dma_start3A_259 = tpu.memref_slice %arg6[%dma_start3A_254, %dma_start3A_258] : memref<16x128xi32, #tpu.memory_space<vmem>> -> memref<1x128xi32, #tpu.memory_space<vmem>>
      %dma_start3A_260 = tpu.memref_squeeze %dma_start3A_259 : memref<1x128xi32, #tpu.memory_space<vmem>> -> memref<128xi32, #tpu.memory_space<vmem>>
      %dma_start3A_261 = arith.constant 0 : i32
      %dma_start3A_262 = arith.constant 0 : i32
      %dma_start3A_263 = tpu.memref_slice %arg2[%arg0, %dma_start3A_261, %dma_start3A_262] : memref<2x50000x32xf32, #tpu.memory_space<hbm>> -> memref<1x50000x32xf32, #tpu.memory_space<hbm>>
      %dma_start3A_264 = tpu.memref_squeeze %dma_start3A_263 : memref<1x50000x32xf32, #tpu.memory_space<hbm>> -> memref<50000x32xf32, #tpu.memory_space<hbm>>
      %dma_start3A_265 = arith.constant 0 : i32
      %dma_start3A_266 = arith.constant 0 : i32
      %dma_start3A_267 = tpu.memref_slice %dma_start3A_264[%dma_start3A_265, %dma_start3A_266] : memref<50000x32xf32, #tpu.memory_space<hbm>> -> memref<50000x32xf32, #tpu.memory_space<hbm>>
      tpu.enqueue_indirect_dma source(%dma_start3A_267 : memref<50000x32xf32, #tpu.memory_space<hbm>>) target(%dma_start3A_257 : memref<128x32xf32, #tpu.memory_space<vmem>>) offsets(%dma_start3A_260 : memref<128xi32, #tpu.memory_space<vmem>>) semaphore(%arg13 : memref<!tpu.dma_semaphore, #tpu.memory_space<semaphore_mem>>)
      %dma_wait3A_268 = arith.constant 8 : i32
      %dma_wait3A_269 = arith.constant 0 : i32
      %dma_wait3A_270 = arith.constant 0 : i32
      %dma_wait3A_271 = tpu.memref_slice %arg7[%dma_wait3A_269, %dma_wait3A_270] : memref<512x32xf32, #tpu.memory_space<vmem>> -> memref<128x32xf32, #tpu.memory_space<vmem>>
      %dma_wait3A_272 = arith.constant 0 : i32
      %dma_wait3A_273 = tpu.memref_slice %arg6[%dma_wait3A_268, %dma_wait3A_272] : memref<16x128xi32, #tpu.memory_space<vmem>> -> memref<1x128xi32, #tpu.memory_space<vmem>>
      %dma_wait3A_274 = tpu.memref_squeeze %dma_wait3A_273 : memref<1x128xi32, #tpu.memory_space<vmem>> -> memref<128xi32, #tpu.memory_space<vmem>>
      %dma_wait3A_275 = arith.constant 0 : i32
      %dma_wait3A_276 = arith.constant 0 : i32
      %dma_wait3A_277 = tpu.memref_slice %arg2[%arg0, %dma_wait3A_275, %dma_wait3A_276] : memref<2x50000x32xf32, #tpu.memory_space<hbm>> -> memref<1x50000x32xf32, #tpu.memory_space<hbm>>
      %dma_wait3A_278 = tpu.memref_squeeze %dma_wait3A_277 : memref<1x50000x32xf32, #tpu.memory_space<hbm>> -> memref<50000x32xf32, #tpu.memory_space<hbm>>
      %dma_wait3A_279 = arith.constant 0 : i32
      %dma_wait3A_280 = arith.constant 0 : i32
      %dma_wait3A_281 = tpu.memref_slice %dma_wait3A_278[%dma_wait3A_279, %dma_wait3A_280] : memref<50000x32xf32, #tpu.memory_space<hbm>> -> memref<50000x32xf32, #tpu.memory_space<hbm>>
      tpu.wait_indirect_dma semaphore(%arg10 : memref<!tpu.dma_semaphore, #tpu.memory_space<semaphore_mem>>) src(%dma_wait3A_281 : memref<50000x32xf32, #tpu.memory_space<hbm>>) dst(%dma_wait3A_271 : memref<128x32xf32, #tpu.memory_space<vmem>>)
      %dma_start3A_282 = arith.constant 9 : i32
      %dma_start3A_283 = arith.constant 0 : i32
      %dma_start3A_284 = arith.constant 0 : i32
      %dma_start3A_285 = tpu.memref_slice %arg7[%dma_start3A_283, %dma_start3A_284] : memref<512x32xf32, #tpu.memory_space<vmem>> -> memref<128x32xf32, #tpu.memory_space<vmem>>
      %dma_start3A_286 = arith.constant 0 : i32
      %dma_start3A_287 = tpu.memref_slice %arg6[%dma_start3A_282, %dma_start3A_286] : memref<16x128xi32, #tpu.memory_space<vmem>> -> memref<1x128xi32, #tpu.memory_space<vmem>>
      %dma_start3A_288 = tpu.memref_squeeze %dma_start3A_287 : memref<1x128xi32, #tpu.memory_space<vmem>> -> memref<128xi32, #tpu.memory_space<vmem>>
      %dma_start3A_289 = arith.constant 0 : i32
      %dma_start3A_290 = arith.constant 0 : i32
      %dma_start3A_291 = tpu.memref_slice %arg8[%dma_start3A_289, %dma_start3A_290] : memref<50176x32xf32, #tpu.memory_space<vmem_shared>> -> memref<50176x32xf32, #tpu.memory_space<vmem_shared>>
      tpu.enqueue_indirect_dma source(%dma_start3A_285 : memref<128x32xf32, #tpu.memory_space<vmem>>) target(%dma_start3A_291 : memref<50176x32xf32, #tpu.memory_space<vmem_shared>>) offsets(%dma_start3A_288 : memref<128xi32, #tpu.memory_space<vmem>>) semaphore(%arg14 : memref<!tpu.dma_semaphore, #tpu.memory_space<semaphore_mem>>) {add = true}
      %dma_wait3A_292 = arith.constant 10 : i32
      %dma_wait3A_293 = arith.constant 128 : i32
      %dma_wait3A_294 = arith.constant 0 : i32
      %dma_wait3A_295 = tpu.memref_slice %arg7[%dma_wait3A_293, %dma_wait3A_294] : memref<512x32xf32, #tpu.memory_space<vmem>> -> memref<128x32xf32, #tpu.memory_space<vmem>>
      %dma_wait3A_296 = arith.constant 0 : i32
      %dma_wait3A_297 = tpu.memref_slice %arg6[%dma_wait3A_292, %dma_wait3A_296] : memref<16x128xi32, #tpu.memory_space<vmem>> -> memref<1x128xi32, #tpu.memory_space<vmem>>
      %dma_wait3A_298 = tpu.memref_squeeze %dma_wait3A_297 : memref<1x128xi32, #tpu.memory_space<vmem>> -> memref<128xi32, #tpu.memory_space<vmem>>
      %dma_wait3A_299 = arith.constant 0 : i32
      %dma_wait3A_300 = arith.constant 0 : i32
      %dma_wait3A_301 = tpu.memref_slice %arg2[%arg0, %dma_wait3A_299, %dma_wait3A_300] : memref<2x50000x32xf32, #tpu.memory_space<hbm>> -> memref<1x50000x32xf32, #tpu.memory_space<hbm>>
      %dma_wait3A_302 = tpu.memref_squeeze %dma_wait3A_301 : memref<1x50000x32xf32, #tpu.memory_space<hbm>> -> memref<50000x32xf32, #tpu.memory_space<hbm>>
      %dma_wait3A_303 = arith.constant 0 : i32
      %dma_wait3A_304 = arith.constant 0 : i32
      %dma_wait3A_305 = tpu.memref_slice %dma_wait3A_302[%dma_wait3A_303, %dma_wait3A_304] : memref<50000x32xf32, #tpu.memory_space<hbm>> -> memref<50000x32xf32, #tpu.memory_space<hbm>>
      tpu.wait_indirect_dma semaphore(%arg11 : memref<!tpu.dma_semaphore, #tpu.memory_space<semaphore_mem>>) src(%dma_wait3A_305 : memref<50000x32xf32, #tpu.memory_space<hbm>>) dst(%dma_wait3A_295 : memref<128x32xf32, #tpu.memory_space<vmem>>)
      %dma_start3A_306 = arith.constant 11 : i32
      %dma_start3A_307 = arith.constant 128 : i32
      %dma_start3A_308 = arith.constant 0 : i32
      %dma_start3A_309 = tpu.memref_slice %arg7[%dma_start3A_307, %dma_start3A_308] : memref<512x32xf32, #tpu.memory_space<vmem>> -> memref<128x32xf32, #tpu.memory_space<vmem>>
      %dma_start3A_310 = arith.constant 0 : i32
      %dma_start3A_311 = tpu.memref_slice %arg6[%dma_start3A_306, %dma_start3A_310] : memref<16x128xi32, #tpu.memory_space<vmem>> -> memref<1x128xi32, #tpu.memory_space<vmem>>
      %dma_start3A_312 = tpu.memref_squeeze %dma_start3A_311 : memref<1x128xi32, #tpu.memory_space<vmem>> -> memref<128xi32, #tpu.memory_space<vmem>>
      %dma_start3A_313 = arith.constant 0 : i32
      %dma_start3A_314 = arith.constant 0 : i32
      %dma_start3A_315 = tpu.memref_slice %arg8[%dma_start3A_313, %dma_start3A_314] : memref<50176x32xf32, #tpu.memory_space<vmem_shared>> -> memref<50176x32xf32, #tpu.memory_space<vmem_shared>>
      tpu.enqueue_indirect_dma source(%dma_start3A_309 : memref<128x32xf32, #tpu.memory_space<vmem>>) target(%dma_start3A_315 : memref<50176x32xf32, #tpu.memory_space<vmem_shared>>) offsets(%dma_start3A_312 : memref<128xi32, #tpu.memory_space<vmem>>) semaphore(%arg15 : memref<!tpu.dma_semaphore, #tpu.memory_space<semaphore_mem>>) {add = true}
      %dma_wait3A_316 = arith.constant 12 : i32
      %dma_wait3A_317 = arith.constant 256 : i32
      %dma_wait3A_318 = arith.constant 0 : i32
      %dma_wait3A_319 = tpu.memref_slice %arg7[%dma_wait3A_317, %dma_wait3A_318] : memref<512x32xf32, #tpu.memory_space<vmem>> -> memref<128x32xf32, #tpu.memory_space<vmem>>
      %dma_wait3A_320 = arith.constant 0 : i32
      %dma_wait3A_321 = tpu.memref_slice %arg6[%dma_wait3A_316, %dma_wait3A_320] : memref<16x128xi32, #tpu.memory_space<vmem>> -> memref<1x128xi32, #tpu.memory_space<vmem>>
      %dma_wait3A_322 = tpu.memref_squeeze %dma_wait3A_321 : memref<1x128xi32, #tpu.memory_space<vmem>> -> memref<128xi32, #tpu.memory_space<vmem>>
      %dma_wait3A_323 = arith.constant 0 : i32
      %dma_wait3A_324 = arith.constant 0 : i32
      %dma_wait3A_325 = tpu.memref_slice %arg2[%arg0, %dma_wait3A_323, %dma_wait3A_324] : memref<2x50000x32xf32, #tpu.memory_space<hbm>> -> memref<1x50000x32xf32, #tpu.memory_space<hbm>>
      %dma_wait3A_326 = tpu.memref_squeeze %dma_wait3A_325 : memref<1x50000x32xf32, #tpu.memory_space<hbm>> -> memref<50000x32xf32, #tpu.memory_space<hbm>>
      %dma_wait3A_327 = arith.constant 0 : i32
      %dma_wait3A_328 = arith.constant 0 : i32
      %dma_wait3A_329 = tpu.memref_slice %dma_wait3A_326[%dma_wait3A_327, %dma_wait3A_328] : memref<50000x32xf32, #tpu.memory_space<hbm>> -> memref<50000x32xf32, #tpu.memory_space<hbm>>
      tpu.wait_indirect_dma semaphore(%arg12 : memref<!tpu.dma_semaphore, #tpu.memory_space<semaphore_mem>>) src(%dma_wait3A_329 : memref<50000x32xf32, #tpu.memory_space<hbm>>) dst(%dma_wait3A_319 : memref<128x32xf32, #tpu.memory_space<vmem>>)
      %dma_start3A_330 = arith.constant 13 : i32
      %dma_start3A_331 = arith.constant 256 : i32
      %dma_start3A_332 = arith.constant 0 : i32
      %dma_start3A_333 = tpu.memref_slice %arg7[%dma_start3A_331, %dma_start3A_332] : memref<512x32xf32, #tpu.memory_space<vmem>> -> memref<128x32xf32, #tpu.memory_space<vmem>>
      %dma_start3A_334 = arith.constant 0 : i32
      %dma_start3A_335 = tpu.memref_slice %arg6[%dma_start3A_330, %dma_start3A_334] : memref<16x128xi32, #tpu.memory_space<vmem>> -> memref<1x128xi32, #tpu.memory_space<vmem>>
      %dma_start3A_336 = tpu.memref_squeeze %dma_start3A_335 : memref<1x128xi32, #tpu.memory_space<vmem>> -> memref<128xi32, #tpu.memory_space<vmem>>
      %dma_start3A_337 = arith.constant 0 : i32
      %dma_start3A_338 = arith.constant 0 : i32
      %dma_start3A_339 = tpu.memref_slice %arg8[%dma_start3A_337, %dma_start3A_338] : memref<50176x32xf32, #tpu.memory_space<vmem_shared>> -> memref<50176x32xf32, #tpu.memory_space<vmem_shared>>
      tpu.enqueue_indirect_dma source(%dma_start3A_333 : memref<128x32xf32, #tpu.memory_space<vmem>>) target(%dma_start3A_339 : memref<50176x32xf32, #tpu.memory_space<vmem_shared>>) offsets(%dma_start3A_336 : memref<128xi32, #tpu.memory_space<vmem>>) semaphore(%arg16 : memref<!tpu.dma_semaphore, #tpu.memory_space<semaphore_mem>>) {add = true}
      %dma_wait3A_340 = arith.constant 14 : i32
      %dma_wait3A_341 = arith.constant 384 : i32
      %dma_wait3A_342 = arith.constant 0 : i32
      %dma_wait3A_343 = tpu.memref_slice %arg7[%dma_wait3A_341, %dma_wait3A_342] : memref<512x32xf32, #tpu.memory_space<vmem>> -> memref<128x32xf32, #tpu.memory_space<vmem>>
      %dma_wait3A_344 = arith.constant 0 : i32
      %dma_wait3A_345 = tpu.memref_slice %arg6[%dma_wait3A_340, %dma_wait3A_344] : memref<16x128xi32, #tpu.memory_space<vmem>> -> memref<1x128xi32, #tpu.memory_space<vmem>>
      %dma_wait3A_346 = tpu.memref_squeeze %dma_wait3A_345 : memref<1x128xi32, #tpu.memory_space<vmem>> -> memref<128xi32, #tpu.memory_space<vmem>>
      %dma_wait3A_347 = arith.constant 0 : i32
      %dma_wait3A_348 = arith.constant 0 : i32
      %dma_wait3A_349 = tpu.memref_slice %arg2[%arg0, %dma_wait3A_347, %dma_wait3A_348] : memref<2x50000x32xf32, #tpu.memory_space<hbm>> -> memref<1x50000x32xf32, #tpu.memory_space<hbm>>
      %dma_wait3A_350 = tpu.memref_squeeze %dma_wait3A_349 : memref<1x50000x32xf32, #tpu.memory_space<hbm>> -> memref<50000x32xf32, #tpu.memory_space<hbm>>
      %dma_wait3A_351 = arith.constant 0 : i32
      %dma_wait3A_352 = arith.constant 0 : i32
      %dma_wait3A_353 = tpu.memref_slice %dma_wait3A_350[%dma_wait3A_351, %dma_wait3A_352] : memref<50000x32xf32, #tpu.memory_space<hbm>> -> memref<50000x32xf32, #tpu.memory_space<hbm>>
      tpu.wait_indirect_dma semaphore(%arg13 : memref<!tpu.dma_semaphore, #tpu.memory_space<semaphore_mem>>) src(%dma_wait3A_353 : memref<50000x32xf32, #tpu.memory_space<hbm>>) dst(%dma_wait3A_343 : memref<128x32xf32, #tpu.memory_space<vmem>>)
      %dma_start3A_354 = arith.constant 15 : i32
      %dma_start3A_355 = arith.constant 384 : i32
      %dma_start3A_356 = arith.constant 0 : i32
      %dma_start3A_357 = tpu.memref_slice %arg7[%dma_start3A_355, %dma_start3A_356] : memref<512x32xf32, #tpu.memory_space<vmem>> -> memref<128x32xf32, #tpu.memory_space<vmem>>
      %dma_start3A_358 = arith.constant 0 : i32
      %dma_start3A_359 = tpu.memref_slice %arg6[%dma_start3A_354, %dma_start3A_358] : memref<16x128xi32, #tpu.memory_space<vmem>> -> memref<1x128xi32, #tpu.memory_space<vmem>>
      %dma_start3A_360 = tpu.memref_squeeze %dma_start3A_359 : memref<1x128xi32, #tpu.memory_space<vmem>> -> memref<128xi32, #tpu.memory_space<vmem>>
      %dma_start3A_361 = arith.constant 0 : i32
      %dma_start3A_362 = arith.constant 0 : i32
      %dma_start3A_363 = tpu.memref_slice %arg8[%dma_start3A_361, %dma_start3A_362] : memref<50176x32xf32, #tpu.memory_space<vmem_shared>> -> memref<50176x32xf32, #tpu.memory_space<vmem_shared>>
      tpu.enqueue_indirect_dma source(%dma_start3A_357 : memref<128x32xf32, #tpu.memory_space<vmem>>) target(%dma_start3A_363 : memref<50176x32xf32, #tpu.memory_space<vmem_shared>>) offsets(%dma_start3A_360 : memref<128xi32, #tpu.memory_space<vmem>>) semaphore(%arg17 : memref<!tpu.dma_semaphore, #tpu.memory_space<semaphore_mem>>) {add = true}
      %dma_wait3A_364 = arith.constant 9 : i32
      %dma_wait3A_365 = arith.constant 0 : i32
      %dma_wait3A_366 = arith.constant 0 : i32
      %dma_wait3A_367 = tpu.memref_slice %arg7[%dma_wait3A_365, %dma_wait3A_366] : memref<512x32xf32, #tpu.memory_space<vmem>> -> memref<128x32xf32, #tpu.memory_space<vmem>>
      %dma_wait3A_368 = arith.constant 0 : i32
      %dma_wait3A_369 = tpu.memref_slice %arg6[%dma_wait3A_364, %dma_wait3A_368] : memref<16x128xi32, #tpu.memory_space<vmem>> -> memref<1x128xi32, #tpu.memory_space<vmem>>
      %dma_wait3A_370 = tpu.memref_squeeze %dma_wait3A_369 : memref<1x128xi32, #tpu.memory_space<vmem>> -> memref<128xi32, #tpu.memory_space<vmem>>
      %dma_wait3A_371 = arith.constant 0 : i32
      %dma_wait3A_372 = arith.constant 0 : i32
      %dma_wait3A_373 = tpu.memref_slice %arg8[%dma_wait3A_371, %dma_wait3A_372] : memref<50176x32xf32, #tpu.memory_space<vmem_shared>> -> memref<50176x32xf32, #tpu.memory_space<vmem_shared>>
      tpu.wait_indirect_dma semaphore(%arg14 : memref<!tpu.dma_semaphore, #tpu.memory_space<semaphore_mem>>) src(%dma_wait3A_367 : memref<128x32xf32, #tpu.memory_space<vmem>>) dst(%dma_wait3A_373 : memref<50176x32xf32, #tpu.memory_space<vmem_shared>>)
      %dma_wait3A_374 = arith.constant 11 : i32
      %dma_wait3A_375 = arith.constant 128 : i32
      %dma_wait3A_376 = arith.constant 0 : i32
      %dma_wait3A_377 = tpu.memref_slice %arg7[%dma_wait3A_375, %dma_wait3A_376] : memref<512x32xf32, #tpu.memory_space<vmem>> -> memref<128x32xf32, #tpu.memory_space<vmem>>
      %dma_wait3A_378 = arith.constant 0 : i32
      %dma_wait3A_379 = tpu.memref_slice %arg6[%dma_wait3A_374, %dma_wait3A_378] : memref<16x128xi32, #tpu.memory_space<vmem>> -> memref<1x128xi32, #tpu.memory_space<vmem>>
      %dma_wait3A_380 = tpu.memref_squeeze %dma_wait3A_379 : memref<1x128xi32, #tpu.memory_space<vmem>> -> memref<128xi32, #tpu.memory_space<vmem>>
      %dma_wait3A_381 = arith.constant 0 : i32
      %dma_wait3A_382 = arith.constant 0 : i32
      %dma_wait3A_383 = tpu.memref_slice %arg8[%dma_wait3A_381, %dma_wait3A_382] : memref<50176x32xf32, #tpu.memory_space<vmem_shared>> -> memref<50176x32xf32, #tpu.memory_space<vmem_shared>>
      tpu.wait_indirect_dma semaphore(%arg15 : memref<!tpu.dma_semaphore, #tpu.memory_space<semaphore_mem>>) src(%dma_wait3A_377 : memref<128x32xf32, #tpu.memory_space<vmem>>) dst(%dma_wait3A_383 : memref<50176x32xf32, #tpu.memory_space<vmem_shared>>)
      %dma_wait3A_384 = arith.constant 13 : i32
      %dma_wait3A_385 = arith.constant 256 : i32
      %dma_wait3A_386 = arith.constant 0 : i32
      %dma_wait3A_387 = tpu.memref_slice %arg7[%dma_wait3A_385, %dma_wait3A_386] : memref<512x32xf32, #tpu.memory_space<vmem>> -> memref<128x32xf32, #tpu.memory_space<vmem>>
      %dma_wait3A_388 = arith.constant 0 : i32
      %dma_wait3A_389 = tpu.memref_slice %arg6[%dma_wait3A_384, %dma_wait3A_388] : memref<16x128xi32, #tpu.memory_space<vmem>> -> memref<1x128xi32, #tpu.memory_space<vmem>>
      %dma_wait3A_390 = tpu.memref_squeeze %dma_wait3A_389 : memref<1x128xi32, #tpu.memory_space<vmem>> -> memref<128xi32, #tpu.memory_space<vmem>>
      %dma_wait3A_391 = arith.constant 0 : i32
      %dma_wait3A_392 = arith.constant 0 : i32
      %dma_wait3A_393 = tpu.memref_slice %arg8[%dma_wait3A_391, %dma_wait3A_392] : memref<50176x32xf32, #tpu.memory_space<vmem_shared>> -> memref<50176x32xf32, #tpu.memory_space<vmem_shared>>
      tpu.wait_indirect_dma semaphore(%arg16 : memref<!tpu.dma_semaphore, #tpu.memory_space<semaphore_mem>>) src(%dma_wait3A_387 : memref<128x32xf32, #tpu.memory_space<vmem>>) dst(%dma_wait3A_393 : memref<50176x32xf32, #tpu.memory_space<vmem_shared>>)
      %dma_wait3A_394 = arith.constant 15 : i32
      %dma_wait3A_395 = arith.constant 384 : i32
      %dma_wait3A_396 = arith.constant 0 : i32
      %dma_wait3A_397 = tpu.memref_slice %arg7[%dma_wait3A_395, %dma_wait3A_396] : memref<512x32xf32, #tpu.memory_space<vmem>> -> memref<128x32xf32, #tpu.memory_space<vmem>>
      %dma_wait3A_398 = arith.constant 0 : i32
      %dma_wait3A_399 = tpu.memref_slice %arg6[%dma_wait3A_394, %dma_wait3A_398] : memref<16x128xi32, #tpu.memory_space<vmem>> -> memref<1x128xi32, #tpu.memory_space<vmem>>
      %dma_wait3A_400 = tpu.memref_squeeze %dma_wait3A_399 : memref<1x128xi32, #tpu.memory_space<vmem>> -> memref<128xi32, #tpu.memory_space<vmem>>
      %dma_wait3A_401 = arith.constant 0 : i32
      %dma_wait3A_402 = arith.constant 0 : i32
      %dma_wait3A_403 = tpu.memref_slice %arg8[%dma_wait3A_401, %dma_wait3A_402] : memref<50176x32xf32, #tpu.memory_space<vmem_shared>> -> memref<50176x32xf32, #tpu.memory_space<vmem_shared>>
      tpu.wait_indirect_dma semaphore(%arg17 : memref<!tpu.dma_semaphore, #tpu.memory_space<semaphore_mem>>) src(%dma_wait3A_397 : memref<128x32xf32, #tpu.memory_space<vmem>>) dst(%dma_wait3A_403 : memref<50176x32xf32, #tpu.memory_space<vmem_shared>>)
    }
    %scan3A_9 = arith.constant 49 : i32
    %barrier3A_10 = arith.constant 0 : index
    tpu.barrier barrier_id(%barrier3A_10)
    %lt3A = arith.constant 15 : i32
    %lt3A_11 = arith.cmpi slt, %arg1, %lt3A : i32
    %convert_element_type3A = arith.extui %lt3A_11 : i1 to i32
    %cond3A = arith.constant 0 : i32
    %cond3A_12 = arith.cmpi ne, %convert_element_type3A, %cond3A : i32
    scf.if %cond3A_12 {
      %mul3A_17 = arith.constant 3128 : i32
      %mul3A_18 = arith.muli %arg1, %mul3A_17 : i32
      %mul3A_19 = arith.constant 3128 : i32
      %mul3A_20 = arith.muli %arg1, %mul3A_19 : i32
      %dma_start3A_21 = arith.constant 0 : i32
      %dma_start3A_22 = arith.constant 0 : i32
      %dma_start3A_23 = tpu.memref_slice %arg5[%arg0, %dma_start3A_21, %dma_start3A_22] : memref<2x50000x32xf32, #tpu.memory_space<hbm>> -> memref<1x50000x32xf32, #tpu.memory_space<hbm>>
      %dma_start3A_24 = tpu.memref_squeeze %dma_start3A_23 : memref<1x50000x32xf32, #tpu.memory_space<hbm>> -> memref<50000x32xf32, #tpu.memory_space<hbm>>
      %dma_start3A_25 = arith.constant 0 : i32
      %dma_start3A_26 = tpu.memref_slice %dma_start3A_24[%mul3A_20, %dma_start3A_25] : memref<50000x32xf32, #tpu.memory_space<hbm>> -> memref<3128x32xf32, #tpu.memory_space<hbm>>
      %dma_start3A_27 = arith.constant 0 : i32
      %dma_start3A_28 = tpu.memref_slice %arg8[%mul3A_18, %dma_start3A_27] : memref<50176x32xf32, #tpu.memory_space<vmem_shared>> -> memref<3128x32xf32, #tpu.memory_space<vmem_shared>>
      tpu.enqueue_dma source(%dma_start3A_28 : memref<3128x32xf32, #tpu.memory_space<vmem_shared>>) target(%dma_start3A_26 : memref<3128x32xf32, #tpu.memory_space<hbm>>) target_semaphore(%arg9 : memref<!tpu.dma_semaphore, #tpu.memory_space<semaphore_mem>>)
      %dma_wait3A_29 = arith.constant 0 : i32
      %dma_wait3A_30 = arith.constant 0 : i32
      %dma_wait3A_31 = tpu.memref_slice %arg5[%arg0, %dma_wait3A_29, %dma_wait3A_30] : memref<2x50000x32xf32, #tpu.memory_space<hbm>> -> memref<1x50000x32xf32, #tpu.memory_space<hbm>>
      %dma_wait3A_32 = tpu.memref_squeeze %dma_wait3A_31 : memref<1x50000x32xf32, #tpu.memory_space<hbm>> -> memref<50000x32xf32, #tpu.memory_space<hbm>>
      %dma_wait3A_33 = arith.constant 0 : i32
      %dma_wait3A_34 = tpu.memref_slice %dma_wait3A_32[%mul3A_20, %dma_wait3A_33] : memref<50000x32xf32, #tpu.memory_space<hbm>> -> memref<3128x32xf32, #tpu.memory_space<hbm>>
      %dma_wait3A_35 = arith.constant 0 : i32
      %dma_wait3A_36 = tpu.memref_slice %arg8[%mul3A_18, %dma_wait3A_35] : memref<50176x32xf32, #tpu.memory_space<vmem_shared>> -> memref<3128x32xf32, #tpu.memory_space<vmem_shared>>
      tpu.wait_dma2 semaphore(%arg9 : memref<!tpu.dma_semaphore, #tpu.memory_space<semaphore_mem>>) src(%dma_wait3A_36 : memref<3128x32xf32, #tpu.memory_space<vmem_shared>>) dst(%dma_wait3A_34 : memref<3128x32xf32, #tpu.memory_space<hbm>>)
    } else {
    }
    %eq3A = arith.constant 15 : i32
    %eq3A_13 = arith.cmpi eq, %arg1, %eq3A : i32
    %convert_element_type3A_14 = arith.extui %eq3A_13 : i1 to i32
    %cond3A_15 = arith.constant 0 : i32
    %cond3A_16 = arith.cmpi ne, %convert_element_type3A_14, %cond3A_15 : i32
    scf.if %cond3A_16 {
      %dma_start3A_17 = arith.constant 0 : i32
      %dma_start3A_18 = arith.constant 0 : i32
      %dma_start3A_19 = tpu.memref_slice %arg5[%arg0, %dma_start3A_17, %dma_start3A_18] : memref<2x50000x32xf32, #tpu.memory_space<hbm>> -> memref<1x50000x32xf32, #tpu.memory_space<hbm>>
      %dma_start3A_20 = tpu.memref_squeeze %dma_start3A_19 : memref<1x50000x32xf32, #tpu.memory_space<hbm>> -> memref<50000x32xf32, #tpu.memory_space<hbm>>
      %dma_start3A_21 = arith.constant 46920 : i32
      %dma_start3A_22 = arith.constant 0 : i32
      %dma_start3A_23 = tpu.memref_slice %dma_start3A_20[%dma_start3A_21, %dma_start3A_22] : memref<50000x32xf32, #tpu.memory_space<hbm>> -> memref<3080x32xf32, #tpu.memory_space<hbm>>
      %dma_start3A_24 = arith.constant 46920 : i32
      %dma_start3A_25 = arith.constant 0 : i32
      %dma_start3A_26 = tpu.memref_slice %arg8[%dma_start3A_24, %dma_start3A_25] : memref<50176x32xf32, #tpu.memory_space<vmem_shared>> -> memref<3080x32xf32, #tpu.memory_space<vmem_shared>>
      tpu.enqueue_dma source(%dma_start3A_26 : memref<3080x32xf32, #tpu.memory_space<vmem_shared>>) target(%dma_start3A_23 : memref<3080x32xf32, #tpu.memory_space<hbm>>) target_semaphore(%arg9 : memref<!tpu.dma_semaphore, #tpu.memory_space<semaphore_mem>>)
      %dma_wait3A_27 = arith.constant 0 : i32
      %dma_wait3A_28 = arith.constant 0 : i32
      %dma_wait3A_29 = tpu.memref_slice %arg5[%arg0, %dma_wait3A_27, %dma_wait3A_28] : memref<2x50000x32xf32, #tpu.memory_space<hbm>> -> memref<1x50000x32xf32, #tpu.memory_space<hbm>>
      %dma_wait3A_30 = tpu.memref_squeeze %dma_wait3A_29 : memref<1x50000x32xf32, #tpu.memory_space<hbm>> -> memref<50000x32xf32, #tpu.memory_space<hbm>>
      %dma_wait3A_31 = arith.constant 46920 : i32
      %dma_wait3A_32 = arith.constant 0 : i32
      %dma_wait3A_33 = tpu.memref_slice %dma_wait3A_30[%dma_wait3A_31, %dma_wait3A_32] : memref<50000x32xf32, #tpu.memory_space<hbm>> -> memref<3080x32xf32, #tpu.memory_space<hbm>>
      %dma_wait3A_34 = arith.constant 46920 : i32
      %dma_wait3A_35 = arith.constant 0 : i32
      %dma_wait3A_36 = tpu.memref_slice %arg8[%dma_wait3A_34, %dma_wait3A_35] : memref<50176x32xf32, #tpu.memory_space<vmem_shared>> -> memref<3080x32xf32, #tpu.memory_space<vmem_shared>>
      tpu.wait_dma2 semaphore(%arg9 : memref<!tpu.dma_semaphore, #tpu.memory_space<semaphore_mem>>) src(%dma_wait3A_36 : memref<3080x32xf32, #tpu.memory_space<vmem_shared>>) dst(%dma_wait3A_33 : memref<3080x32xf32, #tpu.memory_space<hbm>>)
    } else {
    }
    return
  }
}

#map = affine_map<(d0, d1) -> (0, 0, 0)>
#map1 = affine_map<(d0, d1) -> (0, 0)>
module attributes {stable_mosaic.version = 14 : i64} {
  func.func @_sc_aggregate_body(%arg0: i32, %arg1: i32, %arg2: memref<2x50000x32xf32, #tpu.memory_space<hbm>>, %arg3: memref<12544x128xi32, #tpu.memory_space<hbm>>, %arg4: memref<3136x32xf32, #tpu.memory_space<hbm>>, %arg5: memref<2x50000x32xf32, #tpu.memory_space<hbm>>, %arg6: memref<16x128xi32, #tpu.memory_space<vmem>>, %arg7: memref<512x32xf32, #tpu.memory_space<vmem>>, %arg8: memref<50176x32xf32, #tpu.memory_space<vmem_shared>>, %arg9: memref<!tpu.dma_semaphore, #tpu.memory_space<semaphore_mem>>, %arg10: memref<!tpu.dma_semaphore, #tpu.memory_space<semaphore_mem>>, %arg11: memref<!tpu.dma_semaphore, #tpu.memory_space<semaphore_mem>>, %arg12: memref<!tpu.dma_semaphore, #tpu.memory_space<semaphore_mem>>, %arg13: memref<!tpu.dma_semaphore, #tpu.memory_space<semaphore_mem>>, %arg14: memref<!tpu.dma_semaphore, #tpu.memory_space<semaphore_mem>>, %arg15: memref<!tpu.dma_semaphore, #tpu.memory_space<semaphore_mem>>, %arg16: memref<!tpu.dma_semaphore, #tpu.memory_space<semaphore_mem>>, %arg17: memref<!tpu.dma_semaphore, #tpu.memory_space<semaphore_mem>>) attributes {dimension_semantics = [#tpu.dimension_semantics<core_parallel>, #tpu.dimension_semantics<subcore_parallel>], iteration_bounds = array<i64: 2, 16>, scalar_prefetch = 0 : i64, scratch_operands = 12 : i64, tpu.core_type = #tpu.core_type<sc_vector_subcore>, window_params = [{transform_indices = #map}, {transform_indices = #map1}, {transform_indices = #map1}, {transform_indices = #map}]} {
    %mul3A = arith.constant 3136 : i32
    %mul3A_0 = arith.muli %arg1, %mul3A : i32
    %dma_start3A = arith.constant 0 : i32
    %dma_start3A_1 = tpu.memref_slice %arg8[%mul3A_0, %dma_start3A] : memref<50176x32xf32, #tpu.memory_space<vmem_shared>> -> memref<3136x32xf32, #tpu.memory_space<vmem_shared>>
    tpu.enqueue_dma source(%arg4 : memref<3136x32xf32, #tpu.memory_space<hbm>>) target(%dma_start3A_1 : memref<3136x32xf32, #tpu.memory_space<vmem_shared>>) target_semaphore(%arg9 : memref<!tpu.dma_semaphore, #tpu.memory_space<semaphore_mem>>)
    %dma_wait3A = arith.constant 0 : i32
    %dma_wait3A_2 = tpu.memref_slice %arg8[%mul3A_0, %dma_wait3A] : memref<50176x32xf32, #tpu.memory_space<vmem_shared>> -> memref<3136x32xf32, #tpu.memory_space<vmem_shared>>
    tpu.wait_dma2 semaphore(%arg9 : memref<!tpu.dma_semaphore, #tpu.memory_space<semaphore_mem>>) src(%arg4 : memref<3136x32xf32, #tpu.memory_space<hbm>>) dst(%dma_wait3A_2 : memref<3136x32xf32, #tpu.memory_space<vmem_shared>>)
    %barrier3A = arith.constant 0 : index
    tpu.barrier barrier_id(%barrier3A)
    %mul3A_3 = arith.constant 784 : i32
    %mul3A_4 = arith.muli %arg1, %mul3A_3 : i32
    %scan3A = arith.constant 0 : i32
    %scan3A_5 = arith.constant 0 : i32
    %scan3A_6 = arith.constant 49 : i32
    %scan3A_7 = arith.addi %scan3A_5, %scan3A_6 : i32
    %scan3A_8 = arith.constant 1 : i32
    scf.for %scan3A_17 = %scan3A_5 to %scan3A_7 step %scan3A_8  : i32 {
      %mul3A_18 = arith.constant 16 : i32
      %mul3A_19 = arith.muli %mul3A_18, %scan3A_17 : i32
      %add3A = arith.addi %mul3A_4, %mul3A_19 : i32
      "tpu.region"() ({
        %run_scoped3A = tpu.sem_alloc : memref<!tpu.dma_semaphore, #tpu.memory_space<semaphore_mem>>
        %dma_start3A_404 = arith.constant 0 : i32
        %dma_start3A_405 = tpu.memref_slice %arg3[%add3A, %dma_start3A_404] : memref<12544x128xi32, #tpu.memory_space<hbm>> -> memref<16x128xi32, #tpu.memory_space<hbm>>
        %dma_start3A_406 = arith.constant 0 : i32
        %dma_start3A_407 = tpu.memref_slice %arg3[%add3A, %dma_start3A_406] : memref<12544x128xi32, #tpu.memory_space<hbm>> -> memref<16x128xi32, #tpu.memory_space<hbm>>
        tpu.enqueue_dma source(%dma_start3A_407 : memref<16x128xi32, #tpu.memory_space<hbm>>) target(%arg6 : memref<16x128xi32, #tpu.memory_space<vmem>>) target_semaphore(%run_scoped3A : memref<!tpu.dma_semaphore, #tpu.memory_space<semaphore_mem>>)
        %dma_wait3A_408 = arith.constant 0 : i32
        %dma_wait3A_409 = tpu.memref_slice %arg3[%add3A, %dma_wait3A_408] : memref<12544x128xi32, #tpu.memory_space<hbm>> -> memref<16x128xi32, #tpu.memory_space<hbm>>
        %dma_wait3A_410 = arith.constant 0 : i32
        %dma_wait3A_411 = tpu.memref_slice %arg3[%add3A, %dma_wait3A_410] : memref<12544x128xi32, #tpu.memory_space<hbm>> -> memref<16x128xi32, #tpu.memory_space<hbm>>
        tpu.wait_dma2 semaphore(%run_scoped3A : memref<!tpu.dma_semaphore, #tpu.memory_space<semaphore_mem>>) src(%dma_wait3A_411 : memref<16x128xi32, #tpu.memory_space<hbm>>) dst(%arg6 : memref<16x128xi32, #tpu.memory_space<vmem>>)
        tpu.yield
      }) : () -> ()
      %dma_start3A_20 = arith.constant 0 : i32
      %dma_start3A_21 = arith.constant 0 : i32
      %dma_start3A_22 = arith.constant 0 : i32
      %dma_start3A_23 = tpu.memref_slice %arg7[%dma_start3A_21, %dma_start3A_22] : memref<512x32xf32, #tpu.memory_space<vmem>> -> memref<128x32xf32, #tpu.memory_space<vmem>>
      %dma_start3A_24 = arith.constant 0 : i32
      %dma_start3A_25 = tpu.memref_slice %arg6[%dma_start3A_20, %dma_start3A_24] : memref<16x128xi32, #tpu.memory_space<vmem>> -> memref<1x128xi32, #tpu.memory_space<vmem>>
      %dma_start3A_26 = tpu.memref_squeeze %dma_start3A_25 : memref<1x128xi32, #tpu.memory_space<vmem>> -> memref<128xi32, #tpu.memory_space<vmem>>
      %dma_start3A_27 = arith.constant 0 : i32
      %dma_start3A_28 = arith.constant 0 : i32
      %dma_start3A_29 = tpu.memref_slice %arg2[%arg0, %dma_start3A_27, %dma_start3A_28] : memref<2x50000x32xf32, #tpu.memory_space<hbm>> -> memref<1x50000x32xf32, #tpu.memory_space<hbm>>
      %dma_start3A_30 = tpu.memref_squeeze %dma_start3A_29 : memref<1x50000x32xf32, #tpu.memory_space<hbm>> -> memref<50000x32xf32, #tpu.memory_space<hbm>>
      %dma_start3A_31 = arith.constant 0 : i32
      %dma_start3A_32 = arith.constant 0 : i32
      %dma_start3A_33 = tpu.memref_slice %dma_start3A_30[%dma_start3A_31, %dma_start3A_32] : memref<50000x32xf32, #tpu.memory_space<hbm>> -> memref<50000x32xf32, #tpu.memory_space<hbm>>
      tpu.enqueue_indirect_dma source(%dma_start3A_33 : memref<50000x32xf32, #tpu.memory_space<hbm>>) target(%dma_start3A_23 : memref<128x32xf32, #tpu.memory_space<vmem>>) offsets(%dma_start3A_26 : memref<128xi32, #tpu.memory_space<vmem>>) semaphore(%arg10 : memref<!tpu.dma_semaphore, #tpu.memory_space<semaphore_mem>>)
      %dma_start3A_34 = arith.constant 2 : i32
      %dma_start3A_35 = arith.constant 128 : i32
      %dma_start3A_36 = arith.constant 0 : i32
      %dma_start3A_37 = tpu.memref_slice %arg7[%dma_start3A_35, %dma_start3A_36] : memref<512x32xf32, #tpu.memory_space<vmem>> -> memref<128x32xf32, #tpu.memory_space<vmem>>
      %dma_start3A_38 = arith.constant 0 : i32
      %dma_start3A_39 = tpu.memref_slice %arg6[%dma_start3A_34, %dma_start3A_38] : memref<16x128xi32, #tpu.memory_space<vmem>> -> memref<1x128xi32, #tpu.memory_space<vmem>>
      %dma_start3A_40 = tpu.memref_squeeze %dma_start3A_39 : memref<1x128xi32, #tpu.memory_space<vmem>> -> memref<128xi32, #tpu.memory_space<vmem>>
      %dma_start3A_41 = arith.constant 0 : i32
      %dma_start3A_42 = arith.constant 0 : i32
      %dma_start3A_43 = tpu.memref_slice %arg2[%arg0, %dma_start3A_41, %dma_start3A_42] : memref<2x50000x32xf32, #tpu.memory_space<hbm>> -> memref<1x50000x32xf32, #tpu.memory_space<hbm>>
      %dma_start3A_44 = tpu.memref_squeeze %dma_start3A_43 : memref<1x50000x32xf32, #tpu.memory_space<hbm>> -> memref<50000x32xf32, #tpu.memory_space<hbm>>
      %dma_start3A_45 = arith.constant 0 : i32
      %dma_start3A_46 = arith.constant 0 : i32
      %dma_start3A_47 = tpu.memref_slice %dma_start3A_44[%dma_start3A_45, %dma_start3A_46] : memref<50000x32xf32, #tpu.memory_space<hbm>> -> memref<50000x32xf32, #tpu.memory_space<hbm>>
      tpu.enqueue_indirect_dma source(%dma_start3A_47 : memref<50000x32xf32, #tpu.memory_space<hbm>>) target(%dma_start3A_37 : memref<128x32xf32, #tpu.memory_space<vmem>>) offsets(%dma_start3A_40 : memref<128xi32, #tpu.memory_space<vmem>>) semaphore(%arg11 : memref<!tpu.dma_semaphore, #tpu.memory_space<semaphore_mem>>)
      %dma_start3A_48 = arith.constant 4 : i32
      %dma_start3A_49 = arith.constant 256 : i32
      %dma_start3A_50 = arith.constant 0 : i32
      %dma_start3A_51 = tpu.memref_slice %arg7[%dma_start3A_49, %dma_start3A_50] : memref<512x32xf32, #tpu.memory_space<vmem>> -> memref<128x32xf32, #tpu.memory_space<vmem>>
      %dma_start3A_52 = arith.constant 0 : i32
      %dma_start3A_53 = tpu.memref_slice %arg6[%dma_start3A_48, %dma_start3A_52] : memref<16x128xi32, #tpu.memory_space<vmem>> -> memref<1x128xi32, #tpu.memory_space<vmem>>
      %dma_start3A_54 = tpu.memref_squeeze %dma_start3A_53 : memref<1x128xi32, #tpu.memory_space<vmem>> -> memref<128xi32, #tpu.memory_space<vmem>>
      %dma_start3A_55 = arith.constant 0 : i32
      %dma_start3A_56 = arith.constant 0 : i32
      %dma_start3A_57 = tpu.memref_slice %arg2[%arg0, %dma_start3A_55, %dma_start3A_56] : memref<2x50000x32xf32, #tpu.memory_space<hbm>> -> memref<1x50000x32xf32, #tpu.memory_space<hbm>>
      %dma_start3A_58 = tpu.memref_squeeze %dma_start3A_57 : memref<1x50000x32xf32, #tpu.memory_space<hbm>> -> memref<50000x32xf32, #tpu.memory_space<hbm>>
      %dma_start3A_59 = arith.constant 0 : i32
      %dma_start3A_60 = arith.constant 0 : i32
      %dma_start3A_61 = tpu.memref_slice %dma_start3A_58[%dma_start3A_59, %dma_start3A_60] : memref<50000x32xf32, #tpu.memory_space<hbm>> -> memref<50000x32xf32, #tpu.memory_space<hbm>>
      tpu.enqueue_indirect_dma source(%dma_start3A_61 : memref<50000x32xf32, #tpu.memory_space<hbm>>) target(%dma_start3A_51 : memref<128x32xf32, #tpu.memory_space<vmem>>) offsets(%dma_start3A_54 : memref<128xi32, #tpu.memory_space<vmem>>) semaphore(%arg12 : memref<!tpu.dma_semaphore, #tpu.memory_space<semaphore_mem>>)
      %dma_start3A_62 = arith.constant 6 : i32
      %dma_start3A_63 = arith.constant 384 : i32
      %dma_start3A_64 = arith.constant 0 : i32
      %dma_start3A_65 = tpu.memref_slice %arg7[%dma_start3A_63, %dma_start3A_64] : memref<512x32xf32, #tpu.memory_space<vmem>> -> memref<128x32xf32, #tpu.memory_space<vmem>>
      %dma_start3A_66 = arith.constant 0 : i32
      %dma_start3A_67 = tpu.memref_slice %arg6[%dma_start3A_62, %dma_start3A_66] : memref<16x128xi32, #tpu.memory_space<vmem>> -> memref<1x128xi32, #tpu.memory_space<vmem>>
      %dma_start3A_68 = tpu.memref_squeeze %dma_start3A_67 : memref<1x128xi32, #tpu.memory_space<vmem>> -> memref<128xi32, #tpu.memory_space<vmem>>
      %dma_start3A_69 = arith.constant 0 : i32
      %dma_start3A_70 = arith.constant 0 : i32
      %dma_start3A_71 = tpu.memref_slice %arg2[%arg0, %dma_start3A_69, %dma_start3A_70] : memref<2x50000x32xf32, #tpu.memory_space<hbm>> -> memref<1x50000x32xf32, #tpu.memory_space<hbm>>
      %dma_start3A_72 = tpu.memref_squeeze %dma_start3A_71 : memref<1x50000x32xf32, #tpu.memory_space<hbm>> -> memref<50000x32xf32, #tpu.memory_space<hbm>>
      %dma_start3A_73 = arith.constant 0 : i32
      %dma_start3A_74 = arith.constant 0 : i32
      %dma_start3A_75 = tpu.memref_slice %dma_start3A_72[%dma_start3A_73, %dma_start3A_74] : memref<50000x32xf32, #tpu.memory_space<hbm>> -> memref<50000x32xf32, #tpu.memory_space<hbm>>
      tpu.enqueue_indirect_dma source(%dma_start3A_75 : memref<50000x32xf32, #tpu.memory_space<hbm>>) target(%dma_start3A_65 : memref<128x32xf32, #tpu.memory_space<vmem>>) offsets(%dma_start3A_68 : memref<128xi32, #tpu.memory_space<vmem>>) semaphore(%arg13 : memref<!tpu.dma_semaphore, #tpu.memory_space<semaphore_mem>>)
      %dma_wait3A_76 = arith.constant 0 : i32
      %dma_wait3A_77 = arith.constant 0 : i32
      %dma_wait3A_78 = arith.constant 0 : i32
      %dma_wait3A_79 = tpu.memref_slice %arg7[%dma_wait3A_77, %dma_wait3A_78] : memref<512x32xf32, #tpu.memory_space<vmem>> -> memref<128x32xf32, #tpu.memory_space<vmem>>
      %dma_wait3A_80 = arith.constant 0 : i32
      %dma_wait3A_81 = tpu.memref_slice %arg6[%dma_wait3A_76, %dma_wait3A_80] : memref<16x128xi32, #tpu.memory_space<vmem>> -> memref<1x128xi32, #tpu.memory_space<vmem>>
      %dma_wait3A_82 = tpu.memref_squeeze %dma_wait3A_81 : memref<1x128xi32, #tpu.memory_space<vmem>> -> memref<128xi32, #tpu.memory_space<vmem>>
      %dma_wait3A_83 = arith.constant 0 : i32
      %dma_wait3A_84 = arith.constant 0 : i32
      %dma_wait3A_85 = tpu.memref_slice %arg2[%arg0, %dma_wait3A_83, %dma_wait3A_84] : memref<2x50000x32xf32, #tpu.memory_space<hbm>> -> memref<1x50000x32xf32, #tpu.memory_space<hbm>>
      %dma_wait3A_86 = tpu.memref_squeeze %dma_wait3A_85 : memref<1x50000x32xf32, #tpu.memory_space<hbm>> -> memref<50000x32xf32, #tpu.memory_space<hbm>>
      %dma_wait3A_87 = arith.constant 0 : i32
      %dma_wait3A_88 = arith.constant 0 : i32
      %dma_wait3A_89 = tpu.memref_slice %dma_wait3A_86[%dma_wait3A_87, %dma_wait3A_88] : memref<50000x32xf32, #tpu.memory_space<hbm>> -> memref<50000x32xf32, #tpu.memory_space<hbm>>
      tpu.wait_indirect_dma semaphore(%arg10 : memref<!tpu.dma_semaphore, #tpu.memory_space<semaphore_mem>>) src(%dma_wait3A_89 : memref<50000x32xf32, #tpu.memory_space<hbm>>) dst(%dma_wait3A_79 : memref<128x32xf32, #tpu.memory_space<vmem>>)
      %dma_start3A_90 = arith.constant 1 : i32
      %dma_start3A_91 = arith.constant 0 : i32
      %dma_start3A_92 = arith.constant 0 : i32
      %dma_start3A_93 = tpu.memref_slice %arg7[%dma_start3A_91, %dma_start3A_92] : memref<512x32xf32, #tpu.memory_space<vmem>> -> memref<128x32xf32, #tpu.memory_space<vmem>>
      %dma_start3A_94 = arith.constant 0 : i32
      %dma_start3A_95 = tpu.memref_slice %arg6[%dma_start3A_90, %dma_start3A_94] : memref<16x128xi32, #tpu.memory_space<vmem>> -> memref<1x128xi32, #tpu.memory_space<vmem>>
      %dma_start3A_96 = tpu.memref_squeeze %dma_start3A_95 : memref<1x128xi32, #tpu.memory_space<vmem>> -> memref<128xi32, #tpu.memory_space<vmem>>
      %dma_start3A_97 = arith.constant 0 : i32
      %dma_start3A_98 = arith.constant 0 : i32
      %dma_start3A_99 = tpu.memref_slice %arg8[%dma_start3A_97, %dma_start3A_98] : memref<50176x32xf32, #tpu.memory_space<vmem_shared>> -> memref<50176x32xf32, #tpu.memory_space<vmem_shared>>
      tpu.enqueue_indirect_dma source(%dma_start3A_93 : memref<128x32xf32, #tpu.memory_space<vmem>>) target(%dma_start3A_99 : memref<50176x32xf32, #tpu.memory_space<vmem_shared>>) offsets(%dma_start3A_96 : memref<128xi32, #tpu.memory_space<vmem>>) semaphore(%arg14 : memref<!tpu.dma_semaphore, #tpu.memory_space<semaphore_mem>>) {add = true}
      %dma_wait3A_100 = arith.constant 1 : i32
      %dma_wait3A_101 = arith.constant 0 : i32
      %dma_wait3A_102 = arith.constant 0 : i32
      %dma_wait3A_103 = tpu.memref_slice %arg7[%dma_wait3A_101, %dma_wait3A_102] : memref<512x32xf32, #tpu.memory_space<vmem>> -> memref<128x32xf32, #tpu.memory_space<vmem>>
      %dma_wait3A_104 = arith.constant 0 : i32
      %dma_wait3A_105 = tpu.memref_slice %arg6[%dma_wait3A_100, %dma_wait3A_104] : memref<16x128xi32, #tpu.memory_space<vmem>> -> memref<1x128xi32, #tpu.memory_space<vmem>>
      %dma_wait3A_106 = tpu.memref_squeeze %dma_wait3A_105 : memref<1x128xi32, #tpu.memory_space<vmem>> -> memref<128xi32, #tpu.memory_space<vmem>>
      %dma_wait3A_107 = arith.constant 0 : i32
      %dma_wait3A_108 = arith.constant 0 : i32
      %dma_wait3A_109 = tpu.memref_slice %arg8[%dma_wait3A_107, %dma_wait3A_108] : memref<50176x32xf32, #tpu.memory_space<vmem_shared>> -> memref<50176x32xf32, #tpu.memory_space<vmem_shared>>
      tpu.wait_indirect_dma semaphore(%arg14 : memref<!tpu.dma_semaphore, #tpu.memory_space<semaphore_mem>>) src(%dma_wait3A_103 : memref<128x32xf32, #tpu.memory_space<vmem>>) dst(%dma_wait3A_109 : memref<50176x32xf32, #tpu.memory_space<vmem_shared>>)
      %dma_start3A_110 = arith.constant 8 : i32
      %dma_start3A_111 = arith.constant 0 : i32
      %dma_start3A_112 = arith.constant 0 : i32
      %dma_start3A_113 = tpu.memref_slice %arg7[%dma_start3A_111, %dma_start3A_112] : memref<512x32xf32, #tpu.memory_space<vmem>> -> memref<128x32xf32, #tpu.memory_space<vmem>>
      %dma_start3A_114 = arith.constant 0 : i32
      %dma_start3A_115 = tpu.memref_slice %arg6[%dma_start3A_110, %dma_start3A_114] : memref<16x128xi32, #tpu.memory_space<vmem>> -> memref<1x128xi32, #tpu.memory_space<vmem>>
      %dma_start3A_116 = tpu.memref_squeeze %dma_start3A_115 : memref<1x128xi32, #tpu.memory_space<vmem>> -> memref<128xi32, #tpu.memory_space<vmem>>
      %dma_start3A_117 = arith.constant 0 : i32
      %dma_start3A_118 = arith.constant 0 : i32
      %dma_start3A_119 = tpu.memref_slice %arg2[%arg0, %dma_start3A_117, %dma_start3A_118] : memref<2x50000x32xf32, #tpu.memory_space<hbm>> -> memref<1x50000x32xf32, #tpu.memory_space<hbm>>
      %dma_start3A_120 = tpu.memref_squeeze %dma_start3A_119 : memref<1x50000x32xf32, #tpu.memory_space<hbm>> -> memref<50000x32xf32, #tpu.memory_space<hbm>>
      %dma_start3A_121 = arith.constant 0 : i32
      %dma_start3A_122 = arith.constant 0 : i32
      %dma_start3A_123 = tpu.memref_slice %dma_start3A_120[%dma_start3A_121, %dma_start3A_122] : memref<50000x32xf32, #tpu.memory_space<hbm>> -> memref<50000x32xf32, #tpu.memory_space<hbm>>
      tpu.enqueue_indirect_dma source(%dma_start3A_123 : memref<50000x32xf32, #tpu.memory_space<hbm>>) target(%dma_start3A_113 : memref<128x32xf32, #tpu.memory_space<vmem>>) offsets(%dma_start3A_116 : memref<128xi32, #tpu.memory_space<vmem>>) semaphore(%arg10 : memref<!tpu.dma_semaphore, #tpu.memory_space<semaphore_mem>>)
      %dma_wait3A_124 = arith.constant 2 : i32
      %dma_wait3A_125 = arith.constant 128 : i32
      %dma_wait3A_126 = arith.constant 0 : i32
      %dma_wait3A_127 = tpu.memref_slice %arg7[%dma_wait3A_125, %dma_wait3A_126] : memref<512x32xf32, #tpu.memory_space<vmem>> -> memref<128x32xf32, #tpu.memory_space<vmem>>
      %dma_wait3A_128 = arith.constant 0 : i32
      %dma_wait3A_129 = tpu.memref_slice %arg6[%dma_wait3A_124, %dma_wait3A_128] : memref<16x128xi32, #tpu.memory_space<vmem>> -> memref<1x128xi32, #tpu.memory_space<vmem>>
      %dma_wait3A_130 = tpu.memref_squeeze %dma_wait3A_129 : memref<1x128xi32, #tpu.memory_space<vmem>> -> memref<128xi32, #tpu.memory_space<vmem>>
      %dma_wait3A_131 = arith.constant 0 : i32
      %dma_wait3A_132 = arith.constant 0 : i32
      %dma_wait3A_133 = tpu.memref_slice %arg2[%arg0, %dma_wait3A_131, %dma_wait3A_132] : memref<2x50000x32xf32, #tpu.memory_space<hbm>> -> memref<1x50000x32xf32, #tpu.memory_space<hbm>>
      %dma_wait3A_134 = tpu.memref_squeeze %dma_wait3A_133 : memref<1x50000x32xf32, #tpu.memory_space<hbm>> -> memref<50000x32xf32, #tpu.memory_space<hbm>>
      %dma_wait3A_135 = arith.constant 0 : i32
      %dma_wait3A_136 = arith.constant 0 : i32
      %dma_wait3A_137 = tpu.memref_slice %dma_wait3A_134[%dma_wait3A_135, %dma_wait3A_136] : memref<50000x32xf32, #tpu.memory_space<hbm>> -> memref<50000x32xf32, #tpu.memory_space<hbm>>
      tpu.wait_indirect_dma semaphore(%arg11 : memref<!tpu.dma_semaphore, #tpu.memory_space<semaphore_mem>>) src(%dma_wait3A_137 : memref<50000x32xf32, #tpu.memory_space<hbm>>) dst(%dma_wait3A_127 : memref<128x32xf32, #tpu.memory_space<vmem>>)
      %dma_start3A_138 = arith.constant 3 : i32
      %dma_start3A_139 = arith.constant 128 : i32
      %dma_start3A_140 = arith.constant 0 : i32
      %dma_start3A_141 = tpu.memref_slice %arg7[%dma_start3A_139, %dma_start3A_140] : memref<512x32xf32, #tpu.memory_space<vmem>> -> memref<128x32xf32, #tpu.memory_space<vmem>>
      %dma_start3A_142 = arith.constant 0 : i32
      %dma_start3A_143 = tpu.memref_slice %arg6[%dma_start3A_138, %dma_start3A_142] : memref<16x128xi32, #tpu.memory_space<vmem>> -> memref<1x128xi32, #tpu.memory_space<vmem>>
      %dma_start3A_144 = tpu.memref_squeeze %dma_start3A_143 : memref<1x128xi32, #tpu.memory_space<vmem>> -> memref<128xi32, #tpu.memory_space<vmem>>
      %dma_start3A_145 = arith.constant 0 : i32
      %dma_start3A_146 = arith.constant 0 : i32
      %dma_start3A_147 = tpu.memref_slice %arg8[%dma_start3A_145, %dma_start3A_146] : memref<50176x32xf32, #tpu.memory_space<vmem_shared>> -> memref<50176x32xf32, #tpu.memory_space<vmem_shared>>
      tpu.enqueue_indirect_dma source(%dma_start3A_141 : memref<128x32xf32, #tpu.memory_space<vmem>>) target(%dma_start3A_147 : memref<50176x32xf32, #tpu.memory_space<vmem_shared>>) offsets(%dma_start3A_144 : memref<128xi32, #tpu.memory_space<vmem>>) semaphore(%arg15 : memref<!tpu.dma_semaphore, #tpu.memory_space<semaphore_mem>>) {add = true}
      %dma_wait3A_148 = arith.constant 3 : i32
      %dma_wait3A_149 = arith.constant 128 : i32
      %dma_wait3A_150 = arith.constant 0 : i32
      %dma_wait3A_151 = tpu.memref_slice %arg7[%dma_wait3A_149, %dma_wait3A_150] : memref<512x32xf32, #tpu.memory_space<vmem>> -> memref<128x32xf32, #tpu.memory_space<vmem>>
      %dma_wait3A_152 = arith.constant 0 : i32
      %dma_wait3A_153 = tpu.memref_slice %arg6[%dma_wait3A_148, %dma_wait3A_152] : memref<16x128xi32, #tpu.memory_space<vmem>> -> memref<1x128xi32, #tpu.memory_space<vmem>>
      %dma_wait3A_154 = tpu.memref_squeeze %dma_wait3A_153 : memref<1x128xi32, #tpu.memory_space<vmem>> -> memref<128xi32, #tpu.memory_space<vmem>>
      %dma_wait3A_155 = arith.constant 0 : i32
      %dma_wait3A_156 = arith.constant 0 : i32
      %dma_wait3A_157 = tpu.memref_slice %arg8[%dma_wait3A_155, %dma_wait3A_156] : memref<50176x32xf32, #tpu.memory_space<vmem_shared>> -> memref<50176x32xf32, #tpu.memory_space<vmem_shared>>
      tpu.wait_indirect_dma semaphore(%arg15 : memref<!tpu.dma_semaphore, #tpu.memory_space<semaphore_mem>>) src(%dma_wait3A_151 : memref<128x32xf32, #tpu.memory_space<vmem>>) dst(%dma_wait3A_157 : memref<50176x32xf32, #tpu.memory_space<vmem_shared>>)
      %dma_start3A_158 = arith.constant 10 : i32
      %dma_start3A_159 = arith.constant 128 : i32
      %dma_start3A_160 = arith.constant 0 : i32
      %dma_start3A_161 = tpu.memref_slice %arg7[%dma_start3A_159, %dma_start3A_160] : memref<512x32xf32, #tpu.memory_space<vmem>> -> memref<128x32xf32, #tpu.memory_space<vmem>>
      %dma_start3A_162 = arith.constant 0 : i32
      %dma_start3A_163 = tpu.memref_slice %arg6[%dma_start3A_158, %dma_start3A_162] : memref<16x128xi32, #tpu.memory_space<vmem>> -> memref<1x128xi32, #tpu.memory_space<vmem>>
      %dma_start3A_164 = tpu.memref_squeeze %dma_start3A_163 : memref<1x128xi32, #tpu.memory_space<vmem>> -> memref<128xi32, #tpu.memory_space<vmem>>
      %dma_start3A_165 = arith.constant 0 : i32
      %dma_start3A_166 = arith.constant 0 : i32
      %dma_start3A_167 = tpu.memref_slice %arg2[%arg0, %dma_start3A_165, %dma_start3A_166] : memref<2x50000x32xf32, #tpu.memory_space<hbm>> -> memref<1x50000x32xf32, #tpu.memory_space<hbm>>
      %dma_start3A_168 = tpu.memref_squeeze %dma_start3A_167 : memref<1x50000x32xf32, #tpu.memory_space<hbm>> -> memref<50000x32xf32, #tpu.memory_space<hbm>>
      %dma_start3A_169 = arith.constant 0 : i32
      %dma_start3A_170 = arith.constant 0 : i32
      %dma_start3A_171 = tpu.memref_slice %dma_start3A_168[%dma_start3A_169, %dma_start3A_170] : memref<50000x32xf32, #tpu.memory_space<hbm>> -> memref<50000x32xf32, #tpu.memory_space<hbm>>
      tpu.enqueue_indirect_dma source(%dma_start3A_171 : memref<50000x32xf32, #tpu.memory_space<hbm>>) target(%dma_start3A_161 : memref<128x32xf32, #tpu.memory_space<vmem>>) offsets(%dma_start3A_164 : memref<128xi32, #tpu.memory_space<vmem>>) semaphore(%arg11 : memref<!tpu.dma_semaphore, #tpu.memory_space<semaphore_mem>>)
      %dma_wait3A_172 = arith.constant 4 : i32
      %dma_wait3A_173 = arith.constant 256 : i32
      %dma_wait3A_174 = arith.constant 0 : i32
      %dma_wait3A_175 = tpu.memref_slice %arg7[%dma_wait3A_173, %dma_wait3A_174] : memref<512x32xf32, #tpu.memory_space<vmem>> -> memref<128x32xf32, #tpu.memory_space<vmem>>
      %dma_wait3A_176 = arith.constant 0 : i32
      %dma_wait3A_177 = tpu.memref_slice %arg6[%dma_wait3A_172, %dma_wait3A_176] : memref<16x128xi32, #tpu.memory_space<vmem>> -> memref<1x128xi32, #tpu.memory_space<vmem>>
      %dma_wait3A_178 = tpu.memref_squeeze %dma_wait3A_177 : memref<1x128xi32, #tpu.memory_space<vmem>> -> memref<128xi32, #tpu.memory_space<vmem>>
      %dma_wait3A_179 = arith.constant 0 : i32
      %dma_wait3A_180 = arith.constant 0 : i32
      %dma_wait3A_181 = tpu.memref_slice %arg2[%arg0, %dma_wait3A_179, %dma_wait3A_180] : memref<2x50000x32xf32, #tpu.memory_space<hbm>> -> memref<1x50000x32xf32, #tpu.memory_space<hbm>>
      %dma_wait3A_182 = tpu.memref_squeeze %dma_wait3A_181 : memref<1x50000x32xf32, #tpu.memory_space<hbm>> -> memref<50000x32xf32, #tpu.memory_space<hbm>>
      %dma_wait3A_183 = arith.constant 0 : i32
      %dma_wait3A_184 = arith.constant 0 : i32
      %dma_wait3A_185 = tpu.memref_slice %dma_wait3A_182[%dma_wait3A_183, %dma_wait3A_184] : memref<50000x32xf32, #tpu.memory_space<hbm>> -> memref<50000x32xf32, #tpu.memory_space<hbm>>
      tpu.wait_indirect_dma semaphore(%arg12 : memref<!tpu.dma_semaphore, #tpu.memory_space<semaphore_mem>>) src(%dma_wait3A_185 : memref<50000x32xf32, #tpu.memory_space<hbm>>) dst(%dma_wait3A_175 : memref<128x32xf32, #tpu.memory_space<vmem>>)
      %dma_start3A_186 = arith.constant 5 : i32
      %dma_start3A_187 = arith.constant 256 : i32
      %dma_start3A_188 = arith.constant 0 : i32
      %dma_start3A_189 = tpu.memref_slice %arg7[%dma_start3A_187, %dma_start3A_188] : memref<512x32xf32, #tpu.memory_space<vmem>> -> memref<128x32xf32, #tpu.memory_space<vmem>>
      %dma_start3A_190 = arith.constant 0 : i32
      %dma_start3A_191 = tpu.memref_slice %arg6[%dma_start3A_186, %dma_start3A_190] : memref<16x128xi32, #tpu.memory_space<vmem>> -> memref<1x128xi32, #tpu.memory_space<vmem>>
      %dma_start3A_192 = tpu.memref_squeeze %dma_start3A_191 : memref<1x128xi32, #tpu.memory_space<vmem>> -> memref<128xi32, #tpu.memory_space<vmem>>
      %dma_start3A_193 = arith.constant 0 : i32
      %dma_start3A_194 = arith.constant 0 : i32
      %dma_start3A_195 = tpu.memref_slice %arg8[%dma_start3A_193, %dma_start3A_194] : memref<50176x32xf32, #tpu.memory_space<vmem_shared>> -> memref<50176x32xf32, #tpu.memory_space<vmem_shared>>
      tpu.enqueue_indirect_dma source(%dma_start3A_189 : memref<128x32xf32, #tpu.memory_space<vmem>>) target(%dma_start3A_195 : memref<50176x32xf32, #tpu.memory_space<vmem_shared>>) offsets(%dma_start3A_192 : memref<128xi32, #tpu.memory_space<vmem>>) semaphore(%arg16 : memref<!tpu.dma_semaphore, #tpu.memory_space<semaphore_mem>>) {add = true}
      %dma_wait3A_196 = arith.constant 5 : i32
      %dma_wait3A_197 = arith.constant 256 : i32
      %dma_wait3A_198 = arith.constant 0 : i32
      %dma_wait3A_199 = tpu.memref_slice %arg7[%dma_wait3A_197, %dma_wait3A_198] : memref<512x32xf32, #tpu.memory_space<vmem>> -> memref<128x32xf32, #tpu.memory_space<vmem>>
      %dma_wait3A_200 = arith.constant 0 : i32
      %dma_wait3A_201 = tpu.memref_slice %arg6[%dma_wait3A_196, %dma_wait3A_200] : memref<16x128xi32, #tpu.memory_space<vmem>> -> memref<1x128xi32, #tpu.memory_space<vmem>>
      %dma_wait3A_202 = tpu.memref_squeeze %dma_wait3A_201 : memref<1x128xi32, #tpu.memory_space<vmem>> -> memref<128xi32, #tpu.memory_space<vmem>>
      %dma_wait3A_203 = arith.constant 0 : i32
      %dma_wait3A_204 = arith.constant 0 : i32
      %dma_wait3A_205 = tpu.memref_slice %arg8[%dma_wait3A_203, %dma_wait3A_204] : memref<50176x32xf32, #tpu.memory_space<vmem_shared>> -> memref<50176x32xf32, #tpu.memory_space<vmem_shared>>
      tpu.wait_indirect_dma semaphore(%arg16 : memref<!tpu.dma_semaphore, #tpu.memory_space<semaphore_mem>>) src(%dma_wait3A_199 : memref<128x32xf32, #tpu.memory_space<vmem>>) dst(%dma_wait3A_205 : memref<50176x32xf32, #tpu.memory_space<vmem_shared>>)
      %dma_start3A_206 = arith.constant 12 : i32
      %dma_start3A_207 = arith.constant 256 : i32
      %dma_start3A_208 = arith.constant 0 : i32
      %dma_start3A_209 = tpu.memref_slice %arg7[%dma_start3A_207, %dma_start3A_208] : memref<512x32xf32, #tpu.memory_space<vmem>> -> memref<128x32xf32, #tpu.memory_space<vmem>>
      %dma_start3A_210 = arith.constant 0 : i32
      %dma_start3A_211 = tpu.memref_slice %arg6[%dma_start3A_206, %dma_start3A_210] : memref<16x128xi32, #tpu.memory_space<vmem>> -> memref<1x128xi32, #tpu.memory_space<vmem>>
      %dma_start3A_212 = tpu.memref_squeeze %dma_start3A_211 : memref<1x128xi32, #tpu.memory_space<vmem>> -> memref<128xi32, #tpu.memory_space<vmem>>
      %dma_start3A_213 = arith.constant 0 : i32
      %dma_start3A_214 = arith.constant 0 : i32
      %dma_start3A_215 = tpu.memref_slice %arg2[%arg0, %dma_start3A_213, %dma_start3A_214] : memref<2x50000x32xf32, #tpu.memory_space<hbm>> -> memref<1x50000x32xf32, #tpu.memory_space<hbm>>
      %dma_start3A_216 = tpu.memref_squeeze %dma_start3A_215 : memref<1x50000x32xf32, #tpu.memory_space<hbm>> -> memref<50000x32xf32, #tpu.memory_space<hbm>>
      %dma_start3A_217 = arith.constant 0 : i32
      %dma_start3A_218 = arith.constant 0 : i32
      %dma_start3A_219 = tpu.memref_slice %dma_start3A_216[%dma_start3A_217, %dma_start3A_218] : memref<50000x32xf32, #tpu.memory_space<hbm>> -> memref<50000x32xf32, #tpu.memory_space<hbm>>
      tpu.enqueue_indirect_dma source(%dma_start3A_219 : memref<50000x32xf32, #tpu.memory_space<hbm>>) target(%dma_start3A_209 : memref<128x32xf32, #tpu.memory_space<vmem>>) offsets(%dma_start3A_212 : memref<128xi32, #tpu.memory_space<vmem>>) semaphore(%arg12 : memref<!tpu.dma_semaphore, #tpu.memory_space<semaphore_mem>>)
      %dma_wait3A_220 = arith.constant 6 : i32
      %dma_wait3A_221 = arith.constant 384 : i32
      %dma_wait3A_222 = arith.constant 0 : i32
      %dma_wait3A_223 = tpu.memref_slice %arg7[%dma_wait3A_221, %dma_wait3A_222] : memref<512x32xf32, #tpu.memory_space<vmem>> -> memref<128x32xf32, #tpu.memory_space<vmem>>
      %dma_wait3A_224 = arith.constant 0 : i32
      %dma_wait3A_225 = tpu.memref_slice %arg6[%dma_wait3A_220, %dma_wait3A_224] : memref<16x128xi32, #tpu.memory_space<vmem>> -> memref<1x128xi32, #tpu.memory_space<vmem>>
      %dma_wait3A_226 = tpu.memref_squeeze %dma_wait3A_225 : memref<1x128xi32, #tpu.memory_space<vmem>> -> memref<128xi32, #tpu.memory_space<vmem>>
      %dma_wait3A_227 = arith.constant 0 : i32
      %dma_wait3A_228 = arith.constant 0 : i32
      %dma_wait3A_229 = tpu.memref_slice %arg2[%arg0, %dma_wait3A_227, %dma_wait3A_228] : memref<2x50000x32xf32, #tpu.memory_space<hbm>> -> memref<1x50000x32xf32, #tpu.memory_space<hbm>>
      %dma_wait3A_230 = tpu.memref_squeeze %dma_wait3A_229 : memref<1x50000x32xf32, #tpu.memory_space<hbm>> -> memref<50000x32xf32, #tpu.memory_space<hbm>>
      %dma_wait3A_231 = arith.constant 0 : i32
      %dma_wait3A_232 = arith.constant 0 : i32
      %dma_wait3A_233 = tpu.memref_slice %dma_wait3A_230[%dma_wait3A_231, %dma_wait3A_232] : memref<50000x32xf32, #tpu.memory_space<hbm>> -> memref<50000x32xf32, #tpu.memory_space<hbm>>
      tpu.wait_indirect_dma semaphore(%arg13 : memref<!tpu.dma_semaphore, #tpu.memory_space<semaphore_mem>>) src(%dma_wait3A_233 : memref<50000x32xf32, #tpu.memory_space<hbm>>) dst(%dma_wait3A_223 : memref<128x32xf32, #tpu.memory_space<vmem>>)
      %dma_start3A_234 = arith.constant 7 : i32
      %dma_start3A_235 = arith.constant 384 : i32
      %dma_start3A_236 = arith.constant 0 : i32
      %dma_start3A_237 = tpu.memref_slice %arg7[%dma_start3A_235, %dma_start3A_236] : memref<512x32xf32, #tpu.memory_space<vmem>> -> memref<128x32xf32, #tpu.memory_space<vmem>>
      %dma_start3A_238 = arith.constant 0 : i32
      %dma_start3A_239 = tpu.memref_slice %arg6[%dma_start3A_234, %dma_start3A_238] : memref<16x128xi32, #tpu.memory_space<vmem>> -> memref<1x128xi32, #tpu.memory_space<vmem>>
      %dma_start3A_240 = tpu.memref_squeeze %dma_start3A_239 : memref<1x128xi32, #tpu.memory_space<vmem>> -> memref<128xi32, #tpu.memory_space<vmem>>
      %dma_start3A_241 = arith.constant 0 : i32
      %dma_start3A_242 = arith.constant 0 : i32
      %dma_start3A_243 = tpu.memref_slice %arg8[%dma_start3A_241, %dma_start3A_242] : memref<50176x32xf32, #tpu.memory_space<vmem_shared>> -> memref<50176x32xf32, #tpu.memory_space<vmem_shared>>
      tpu.enqueue_indirect_dma source(%dma_start3A_237 : memref<128x32xf32, #tpu.memory_space<vmem>>) target(%dma_start3A_243 : memref<50176x32xf32, #tpu.memory_space<vmem_shared>>) offsets(%dma_start3A_240 : memref<128xi32, #tpu.memory_space<vmem>>) semaphore(%arg17 : memref<!tpu.dma_semaphore, #tpu.memory_space<semaphore_mem>>) {add = true}
      %dma_wait3A_244 = arith.constant 7 : i32
      %dma_wait3A_245 = arith.constant 384 : i32
      %dma_wait3A_246 = arith.constant 0 : i32
      %dma_wait3A_247 = tpu.memref_slice %arg7[%dma_wait3A_245, %dma_wait3A_246] : memref<512x32xf32, #tpu.memory_space<vmem>> -> memref<128x32xf32, #tpu.memory_space<vmem>>
      %dma_wait3A_248 = arith.constant 0 : i32
      %dma_wait3A_249 = tpu.memref_slice %arg6[%dma_wait3A_244, %dma_wait3A_248] : memref<16x128xi32, #tpu.memory_space<vmem>> -> memref<1x128xi32, #tpu.memory_space<vmem>>
      %dma_wait3A_250 = tpu.memref_squeeze %dma_wait3A_249 : memref<1x128xi32, #tpu.memory_space<vmem>> -> memref<128xi32, #tpu.memory_space<vmem>>
      %dma_wait3A_251 = arith.constant 0 : i32
      %dma_wait3A_252 = arith.constant 0 : i32
      %dma_wait3A_253 = tpu.memref_slice %arg8[%dma_wait3A_251, %dma_wait3A_252] : memref<50176x32xf32, #tpu.memory_space<vmem_shared>> -> memref<50176x32xf32, #tpu.memory_space<vmem_shared>>
      tpu.wait_indirect_dma semaphore(%arg17 : memref<!tpu.dma_semaphore, #tpu.memory_space<semaphore_mem>>) src(%dma_wait3A_247 : memref<128x32xf32, #tpu.memory_space<vmem>>) dst(%dma_wait3A_253 : memref<50176x32xf32, #tpu.memory_space<vmem_shared>>)
      %dma_start3A_254 = arith.constant 14 : i32
      %dma_start3A_255 = arith.constant 384 : i32
      %dma_start3A_256 = arith.constant 0 : i32
      %dma_start3A_257 = tpu.memref_slice %arg7[%dma_start3A_255, %dma_start3A_256] : memref<512x32xf32, #tpu.memory_space<vmem>> -> memref<128x32xf32, #tpu.memory_space<vmem>>
      %dma_start3A_258 = arith.constant 0 : i32
      %dma_start3A_259 = tpu.memref_slice %arg6[%dma_start3A_254, %dma_start3A_258] : memref<16x128xi32, #tpu.memory_space<vmem>> -> memref<1x128xi32, #tpu.memory_space<vmem>>
      %dma_start3A_260 = tpu.memref_squeeze %dma_start3A_259 : memref<1x128xi32, #tpu.memory_space<vmem>> -> memref<128xi32, #tpu.memory_space<vmem>>
      %dma_start3A_261 = arith.constant 0 : i32
      %dma_start3A_262 = arith.constant 0 : i32
      %dma_start3A_263 = tpu.memref_slice %arg2[%arg0, %dma_start3A_261, %dma_start3A_262] : memref<2x50000x32xf32, #tpu.memory_space<hbm>> -> memref<1x50000x32xf32, #tpu.memory_space<hbm>>
      %dma_start3A_264 = tpu.memref_squeeze %dma_start3A_263 : memref<1x50000x32xf32, #tpu.memory_space<hbm>> -> memref<50000x32xf32, #tpu.memory_space<hbm>>
      %dma_start3A_265 = arith.constant 0 : i32
      %dma_start3A_266 = arith.constant 0 : i32
      %dma_start3A_267 = tpu.memref_slice %dma_start3A_264[%dma_start3A_265, %dma_start3A_266] : memref<50000x32xf32, #tpu.memory_space<hbm>> -> memref<50000x32xf32, #tpu.memory_space<hbm>>
      tpu.enqueue_indirect_dma source(%dma_start3A_267 : memref<50000x32xf32, #tpu.memory_space<hbm>>) target(%dma_start3A_257 : memref<128x32xf32, #tpu.memory_space<vmem>>) offsets(%dma_start3A_260 : memref<128xi32, #tpu.memory_space<vmem>>) semaphore(%arg13 : memref<!tpu.dma_semaphore, #tpu.memory_space<semaphore_mem>>)
      %dma_wait3A_268 = arith.constant 8 : i32
      %dma_wait3A_269 = arith.constant 0 : i32
      %dma_wait3A_270 = arith.constant 0 : i32
      %dma_wait3A_271 = tpu.memref_slice %arg7[%dma_wait3A_269, %dma_wait3A_270] : memref<512x32xf32, #tpu.memory_space<vmem>> -> memref<128x32xf32, #tpu.memory_space<vmem>>
      %dma_wait3A_272 = arith.constant 0 : i32
      %dma_wait3A_273 = tpu.memref_slice %arg6[%dma_wait3A_268, %dma_wait3A_272] : memref<16x128xi32, #tpu.memory_space<vmem>> -> memref<1x128xi32, #tpu.memory_space<vmem>>
      %dma_wait3A_274 = tpu.memref_squeeze %dma_wait3A_273 : memref<1x128xi32, #tpu.memory_space<vmem>> -> memref<128xi32, #tpu.memory_space<vmem>>
      %dma_wait3A_275 = arith.constant 0 : i32
      %dma_wait3A_276 = arith.constant 0 : i32
      %dma_wait3A_277 = tpu.memref_slice %arg2[%arg0, %dma_wait3A_275, %dma_wait3A_276] : memref<2x50000x32xf32, #tpu.memory_space<hbm>> -> memref<1x50000x32xf32, #tpu.memory_space<hbm>>
      %dma_wait3A_278 = tpu.memref_squeeze %dma_wait3A_277 : memref<1x50000x32xf32, #tpu.memory_space<hbm>> -> memref<50000x32xf32, #tpu.memory_space<hbm>>
      %dma_wait3A_279 = arith.constant 0 : i32
      %dma_wait3A_280 = arith.constant 0 : i32
      %dma_wait3A_281 = tpu.memref_slice %dma_wait3A_278[%dma_wait3A_279, %dma_wait3A_280] : memref<50000x32xf32, #tpu.memory_space<hbm>> -> memref<50000x32xf32, #tpu.memory_space<hbm>>
      tpu.wait_indirect_dma semaphore(%arg10 : memref<!tpu.dma_semaphore, #tpu.memory_space<semaphore_mem>>) src(%dma_wait3A_281 : memref<50000x32xf32, #tpu.memory_space<hbm>>) dst(%dma_wait3A_271 : memref<128x32xf32, #tpu.memory_space<vmem>>)
      %dma_start3A_282 = arith.constant 9 : i32
      %dma_start3A_283 = arith.constant 0 : i32
      %dma_start3A_284 = arith.constant 0 : i32
      %dma_start3A_285 = tpu.memref_slice %arg7[%dma_start3A_283, %dma_start3A_284] : memref<512x32xf32, #tpu.memory_space<vmem>> -> memref<128x32xf32, #tpu.memory_space<vmem>>
      %dma_start3A_286 = arith.constant 0 : i32
      %dma_start3A_287 = tpu.memref_slice %arg6[%dma_start3A_282, %dma_start3A_286] : memref<16x128xi32, #tpu.memory_space<vmem>> -> memref<1x128xi32, #tpu.memory_space<vmem>>
      %dma_start3A_288 = tpu.memref_squeeze %dma_start3A_287 : memref<1x128xi32, #tpu.memory_space<vmem>> -> memref<128xi32, #tpu.memory_space<vmem>>
      %dma_start3A_289 = arith.constant 0 : i32
      %dma_start3A_290 = arith.constant 0 : i32
      %dma_start3A_291 = tpu.memref_slice %arg8[%dma_start3A_289, %dma_start3A_290] : memref<50176x32xf32, #tpu.memory_space<vmem_shared>> -> memref<50176x32xf32, #tpu.memory_space<vmem_shared>>
      tpu.enqueue_indirect_dma source(%dma_start3A_285 : memref<128x32xf32, #tpu.memory_space<vmem>>) target(%dma_start3A_291 : memref<50176x32xf32, #tpu.memory_space<vmem_shared>>) offsets(%dma_start3A_288 : memref<128xi32, #tpu.memory_space<vmem>>) semaphore(%arg14 : memref<!tpu.dma_semaphore, #tpu.memory_space<semaphore_mem>>) {add = true}
      %dma_wait3A_292 = arith.constant 10 : i32
      %dma_wait3A_293 = arith.constant 128 : i32
      %dma_wait3A_294 = arith.constant 0 : i32
      %dma_wait3A_295 = tpu.memref_slice %arg7[%dma_wait3A_293, %dma_wait3A_294] : memref<512x32xf32, #tpu.memory_space<vmem>> -> memref<128x32xf32, #tpu.memory_space<vmem>>
      %dma_wait3A_296 = arith.constant 0 : i32
      %dma_wait3A_297 = tpu.memref_slice %arg6[%dma_wait3A_292, %dma_wait3A_296] : memref<16x128xi32, #tpu.memory_space<vmem>> -> memref<1x128xi32, #tpu.memory_space<vmem>>
      %dma_wait3A_298 = tpu.memref_squeeze %dma_wait3A_297 : memref<1x128xi32, #tpu.memory_space<vmem>> -> memref<128xi32, #tpu.memory_space<vmem>>
      %dma_wait3A_299 = arith.constant 0 : i32
      %dma_wait3A_300 = arith.constant 0 : i32
      %dma_wait3A_301 = tpu.memref_slice %arg2[%arg0, %dma_wait3A_299, %dma_wait3A_300] : memref<2x50000x32xf32, #tpu.memory_space<hbm>> -> memref<1x50000x32xf32, #tpu.memory_space<hbm>>
      %dma_wait3A_302 = tpu.memref_squeeze %dma_wait3A_301 : memref<1x50000x32xf32, #tpu.memory_space<hbm>> -> memref<50000x32xf32, #tpu.memory_space<hbm>>
      %dma_wait3A_303 = arith.constant 0 : i32
      %dma_wait3A_304 = arith.constant 0 : i32
      %dma_wait3A_305 = tpu.memref_slice %dma_wait3A_302[%dma_wait3A_303, %dma_wait3A_304] : memref<50000x32xf32, #tpu.memory_space<hbm>> -> memref<50000x32xf32, #tpu.memory_space<hbm>>
      tpu.wait_indirect_dma semaphore(%arg11 : memref<!tpu.dma_semaphore, #tpu.memory_space<semaphore_mem>>) src(%dma_wait3A_305 : memref<50000x32xf32, #tpu.memory_space<hbm>>) dst(%dma_wait3A_295 : memref<128x32xf32, #tpu.memory_space<vmem>>)
      %dma_start3A_306 = arith.constant 11 : i32
      %dma_start3A_307 = arith.constant 128 : i32
      %dma_start3A_308 = arith.constant 0 : i32
      %dma_start3A_309 = tpu.memref_slice %arg7[%dma_start3A_307, %dma_start3A_308] : memref<512x32xf32, #tpu.memory_space<vmem>> -> memref<128x32xf32, #tpu.memory_space<vmem>>
      %dma_start3A_310 = arith.constant 0 : i32
      %dma_start3A_311 = tpu.memref_slice %arg6[%dma_start3A_306, %dma_start3A_310] : memref<16x128xi32, #tpu.memory_space<vmem>> -> memref<1x128xi32, #tpu.memory_space<vmem>>
      %dma_start3A_312 = tpu.memref_squeeze %dma_start3A_311 : memref<1x128xi32, #tpu.memory_space<vmem>> -> memref<128xi32, #tpu.memory_space<vmem>>
      %dma_start3A_313 = arith.constant 0 : i32
      %dma_start3A_314 = arith.constant 0 : i32
      %dma_start3A_315 = tpu.memref_slice %arg8[%dma_start3A_313, %dma_start3A_314] : memref<50176x32xf32, #tpu.memory_space<vmem_shared>> -> memref<50176x32xf32, #tpu.memory_space<vmem_shared>>
      tpu.enqueue_indirect_dma source(%dma_start3A_309 : memref<128x32xf32, #tpu.memory_space<vmem>>) target(%dma_start3A_315 : memref<50176x32xf32, #tpu.memory_space<vmem_shared>>) offsets(%dma_start3A_312 : memref<128xi32, #tpu.memory_space<vmem>>) semaphore(%arg15 : memref<!tpu.dma_semaphore, #tpu.memory_space<semaphore_mem>>) {add = true}
      %dma_wait3A_316 = arith.constant 12 : i32
      %dma_wait3A_317 = arith.constant 256 : i32
      %dma_wait3A_318 = arith.constant 0 : i32
      %dma_wait3A_319 = tpu.memref_slice %arg7[%dma_wait3A_317, %dma_wait3A_318] : memref<512x32xf32, #tpu.memory_space<vmem>> -> memref<128x32xf32, #tpu.memory_space<vmem>>
      %dma_wait3A_320 = arith.constant 0 : i32
      %dma_wait3A_321 = tpu.memref_slice %arg6[%dma_wait3A_316, %dma_wait3A_320] : memref<16x128xi32, #tpu.memory_space<vmem>> -> memref<1x128xi32, #tpu.memory_space<vmem>>
      %dma_wait3A_322 = tpu.memref_squeeze %dma_wait3A_321 : memref<1x128xi32, #tpu.memory_space<vmem>> -> memref<128xi32, #tpu.memory_space<vmem>>
      %dma_wait3A_323 = arith.constant 0 : i32
      %dma_wait3A_324 = arith.constant 0 : i32
      %dma_wait3A_325 = tpu.memref_slice %arg2[%arg0, %dma_wait3A_323, %dma_wait3A_324] : memref<2x50000x32xf32, #tpu.memory_space<hbm>> -> memref<1x50000x32xf32, #tpu.memory_space<hbm>>
      %dma_wait3A_326 = tpu.memref_squeeze %dma_wait3A_325 : memref<1x50000x32xf32, #tpu.memory_space<hbm>> -> memref<50000x32xf32, #tpu.memory_space<hbm>>
      %dma_wait3A_327 = arith.constant 0 : i32
      %dma_wait3A_328 = arith.constant 0 : i32
      %dma_wait3A_329 = tpu.memref_slice %dma_wait3A_326[%dma_wait3A_327, %dma_wait3A_328] : memref<50000x32xf32, #tpu.memory_space<hbm>> -> memref<50000x32xf32, #tpu.memory_space<hbm>>
      tpu.wait_indirect_dma semaphore(%arg12 : memref<!tpu.dma_semaphore, #tpu.memory_space<semaphore_mem>>) src(%dma_wait3A_329 : memref<50000x32xf32, #tpu.memory_space<hbm>>) dst(%dma_wait3A_319 : memref<128x32xf32, #tpu.memory_space<vmem>>)
      %dma_start3A_330 = arith.constant 13 : i32
      %dma_start3A_331 = arith.constant 256 : i32
      %dma_start3A_332 = arith.constant 0 : i32
      %dma_start3A_333 = tpu.memref_slice %arg7[%dma_start3A_331, %dma_start3A_332] : memref<512x32xf32, #tpu.memory_space<vmem>> -> memref<128x32xf32, #tpu.memory_space<vmem>>
      %dma_start3A_334 = arith.constant 0 : i32
      %dma_start3A_335 = tpu.memref_slice %arg6[%dma_start3A_330, %dma_start3A_334] : memref<16x128xi32, #tpu.memory_space<vmem>> -> memref<1x128xi32, #tpu.memory_space<vmem>>
      %dma_start3A_336 = tpu.memref_squeeze %dma_start3A_335 : memref<1x128xi32, #tpu.memory_space<vmem>> -> memref<128xi32, #tpu.memory_space<vmem>>
      %dma_start3A_337 = arith.constant 0 : i32
      %dma_start3A_338 = arith.constant 0 : i32
      %dma_start3A_339 = tpu.memref_slice %arg8[%dma_start3A_337, %dma_start3A_338] : memref<50176x32xf32, #tpu.memory_space<vmem_shared>> -> memref<50176x32xf32, #tpu.memory_space<vmem_shared>>
      tpu.enqueue_indirect_dma source(%dma_start3A_333 : memref<128x32xf32, #tpu.memory_space<vmem>>) target(%dma_start3A_339 : memref<50176x32xf32, #tpu.memory_space<vmem_shared>>) offsets(%dma_start3A_336 : memref<128xi32, #tpu.memory_space<vmem>>) semaphore(%arg16 : memref<!tpu.dma_semaphore, #tpu.memory_space<semaphore_mem>>) {add = true}
      %dma_wait3A_340 = arith.constant 14 : i32
      %dma_wait3A_341 = arith.constant 384 : i32
      %dma_wait3A_342 = arith.constant 0 : i32
      %dma_wait3A_343 = tpu.memref_slice %arg7[%dma_wait3A_341, %dma_wait3A_342] : memref<512x32xf32, #tpu.memory_space<vmem>> -> memref<128x32xf32, #tpu.memory_space<vmem>>
      %dma_wait3A_344 = arith.constant 0 : i32
      %dma_wait3A_345 = tpu.memref_slice %arg6[%dma_wait3A_340, %dma_wait3A_344] : memref<16x128xi32, #tpu.memory_space<vmem>> -> memref<1x128xi32, #tpu.memory_space<vmem>>
      %dma_wait3A_346 = tpu.memref_squeeze %dma_wait3A_345 : memref<1x128xi32, #tpu.memory_space<vmem>> -> memref<128xi32, #tpu.memory_space<vmem>>
      %dma_wait3A_347 = arith.constant 0 : i32
      %dma_wait3A_348 = arith.constant 0 : i32
      %dma_wait3A_349 = tpu.memref_slice %arg2[%arg0, %dma_wait3A_347, %dma_wait3A_348] : memref<2x50000x32xf32, #tpu.memory_space<hbm>> -> memref<1x50000x32xf32, #tpu.memory_space<hbm>>
      %dma_wait3A_350 = tpu.memref_squeeze %dma_wait3A_349 : memref<1x50000x32xf32, #tpu.memory_space<hbm>> -> memref<50000x32xf32, #tpu.memory_space<hbm>>
      %dma_wait3A_351 = arith.constant 0 : i32
      %dma_wait3A_352 = arith.constant 0 : i32
      %dma_wait3A_353 = tpu.memref_slice %dma_wait3A_350[%dma_wait3A_351, %dma_wait3A_352] : memref<50000x32xf32, #tpu.memory_space<hbm>> -> memref<50000x32xf32, #tpu.memory_space<hbm>>
      tpu.wait_indirect_dma semaphore(%arg13 : memref<!tpu.dma_semaphore, #tpu.memory_space<semaphore_mem>>) src(%dma_wait3A_353 : memref<50000x32xf32, #tpu.memory_space<hbm>>) dst(%dma_wait3A_343 : memref<128x32xf32, #tpu.memory_space<vmem>>)
      %dma_start3A_354 = arith.constant 15 : i32
      %dma_start3A_355 = arith.constant 384 : i32
      %dma_start3A_356 = arith.constant 0 : i32
      %dma_start3A_357 = tpu.memref_slice %arg7[%dma_start3A_355, %dma_start3A_356] : memref<512x32xf32, #tpu.memory_space<vmem>> -> memref<128x32xf32, #tpu.memory_space<vmem>>
      %dma_start3A_358 = arith.constant 0 : i32
      %dma_start3A_359 = tpu.memref_slice %arg6[%dma_start3A_354, %dma_start3A_358] : memref<16x128xi32, #tpu.memory_space<vmem>> -> memref<1x128xi32, #tpu.memory_space<vmem>>
      %dma_start3A_360 = tpu.memref_squeeze %dma_start3A_359 : memref<1x128xi32, #tpu.memory_space<vmem>> -> memref<128xi32, #tpu.memory_space<vmem>>
      %dma_start3A_361 = arith.constant 0 : i32
      %dma_start3A_362 = arith.constant 0 : i32
      %dma_start3A_363 = tpu.memref_slice %arg8[%dma_start3A_361, %dma_start3A_362] : memref<50176x32xf32, #tpu.memory_space<vmem_shared>> -> memref<50176x32xf32, #tpu.memory_space<vmem_shared>>
      tpu.enqueue_indirect_dma source(%dma_start3A_357 : memref<128x32xf32, #tpu.memory_space<vmem>>) target(%dma_start3A_363 : memref<50176x32xf32, #tpu.memory_space<vmem_shared>>) offsets(%dma_start3A_360 : memref<128xi32, #tpu.memory_space<vmem>>) semaphore(%arg17 : memref<!tpu.dma_semaphore, #tpu.memory_space<semaphore_mem>>) {add = true}
      %dma_wait3A_364 = arith.constant 9 : i32
      %dma_wait3A_365 = arith.constant 0 : i32
      %dma_wait3A_366 = arith.constant 0 : i32
      %dma_wait3A_367 = tpu.memref_slice %arg7[%dma_wait3A_365, %dma_wait3A_366] : memref<512x32xf32, #tpu.memory_space<vmem>> -> memref<128x32xf32, #tpu.memory_space<vmem>>
      %dma_wait3A_368 = arith.constant 0 : i32
      %dma_wait3A_369 = tpu.memref_slice %arg6[%dma_wait3A_364, %dma_wait3A_368] : memref<16x128xi32, #tpu.memory_space<vmem>> -> memref<1x128xi32, #tpu.memory_space<vmem>>
      %dma_wait3A_370 = tpu.memref_squeeze %dma_wait3A_369 : memref<1x128xi32, #tpu.memory_space<vmem>> -> memref<128xi32, #tpu.memory_space<vmem>>
      %dma_wait3A_371 = arith.constant 0 : i32
      %dma_wait3A_372 = arith.constant 0 : i32
      %dma_wait3A_373 = tpu.memref_slice %arg8[%dma_wait3A_371, %dma_wait3A_372] : memref<50176x32xf32, #tpu.memory_space<vmem_shared>> -> memref<50176x32xf32, #tpu.memory_space<vmem_shared>>
      tpu.wait_indirect_dma semaphore(%arg14 : memref<!tpu.dma_semaphore, #tpu.memory_space<semaphore_mem>>) src(%dma_wait3A_367 : memref<128x32xf32, #tpu.memory_space<vmem>>) dst(%dma_wait3A_373 : memref<50176x32xf32, #tpu.memory_space<vmem_shared>>)
      %dma_wait3A_374 = arith.constant 11 : i32
      %dma_wait3A_375 = arith.constant 128 : i32
      %dma_wait3A_376 = arith.constant 0 : i32
      %dma_wait3A_377 = tpu.memref_slice %arg7[%dma_wait3A_375, %dma_wait3A_376] : memref<512x32xf32, #tpu.memory_space<vmem>> -> memref<128x32xf32, #tpu.memory_space<vmem>>
      %dma_wait3A_378 = arith.constant 0 : i32
      %dma_wait3A_379 = tpu.memref_slice %arg6[%dma_wait3A_374, %dma_wait3A_378] : memref<16x128xi32, #tpu.memory_space<vmem>> -> memref<1x128xi32, #tpu.memory_space<vmem>>
      %dma_wait3A_380 = tpu.memref_squeeze %dma_wait3A_379 : memref<1x128xi32, #tpu.memory_space<vmem>> -> memref<128xi32, #tpu.memory_space<vmem>>
      %dma_wait3A_381 = arith.constant 0 : i32
      %dma_wait3A_382 = arith.constant 0 : i32
      %dma_wait3A_383 = tpu.memref_slice %arg8[%dma_wait3A_381, %dma_wait3A_382] : memref<50176x32xf32, #tpu.memory_space<vmem_shared>> -> memref<50176x32xf32, #tpu.memory_space<vmem_shared>>
      tpu.wait_indirect_dma semaphore(%arg15 : memref<!tpu.dma_semaphore, #tpu.memory_space<semaphore_mem>>) src(%dma_wait3A_377 : memref<128x32xf32, #tpu.memory_space<vmem>>) dst(%dma_wait3A_383 : memref<50176x32xf32, #tpu.memory_space<vmem_shared>>)
      %dma_wait3A_384 = arith.constant 13 : i32
      %dma_wait3A_385 = arith.constant 256 : i32
      %dma_wait3A_386 = arith.constant 0 : i32
      %dma_wait3A_387 = tpu.memref_slice %arg7[%dma_wait3A_385, %dma_wait3A_386] : memref<512x32xf32, #tpu.memory_space<vmem>> -> memref<128x32xf32, #tpu.memory_space<vmem>>
      %dma_wait3A_388 = arith.constant 0 : i32
      %dma_wait3A_389 = tpu.memref_slice %arg6[%dma_wait3A_384, %dma_wait3A_388] : memref<16x128xi32, #tpu.memory_space<vmem>> -> memref<1x128xi32, #tpu.memory_space<vmem>>
      %dma_wait3A_390 = tpu.memref_squeeze %dma_wait3A_389 : memref<1x128xi32, #tpu.memory_space<vmem>> -> memref<128xi32, #tpu.memory_space<vmem>>
      %dma_wait3A_391 = arith.constant 0 : i32
      %dma_wait3A_392 = arith.constant 0 : i32
      %dma_wait3A_393 = tpu.memref_slice %arg8[%dma_wait3A_391, %dma_wait3A_392] : memref<50176x32xf32, #tpu.memory_space<vmem_shared>> -> memref<50176x32xf32, #tpu.memory_space<vmem_shared>>
      tpu.wait_indirect_dma semaphore(%arg16 : memref<!tpu.dma_semaphore, #tpu.memory_space<semaphore_mem>>) src(%dma_wait3A_387 : memref<128x32xf32, #tpu.memory_space<vmem>>) dst(%dma_wait3A_393 : memref<50176x32xf32, #tpu.memory_space<vmem_shared>>)
      %dma_wait3A_394 = arith.constant 15 : i32
      %dma_wait3A_395 = arith.constant 384 : i32
      %dma_wait3A_396 = arith.constant 0 : i32
      %dma_wait3A_397 = tpu.memref_slice %arg7[%dma_wait3A_395, %dma_wait3A_396] : memref<512x32xf32, #tpu.memory_space<vmem>> -> memref<128x32xf32, #tpu.memory_space<vmem>>
      %dma_wait3A_398 = arith.constant 0 : i32
      %dma_wait3A_399 = tpu.memref_slice %arg6[%dma_wait3A_394, %dma_wait3A_398] : memref<16x128xi32, #tpu.memory_space<vmem>> -> memref<1x128xi32, #tpu.memory_space<vmem>>
      %dma_wait3A_400 = tpu.memref_squeeze %dma_wait3A_399 : memref<1x128xi32, #tpu.memory_space<vmem>> -> memref<128xi32, #tpu.memory_space<vmem>>
      %dma_wait3A_401 = arith.constant 0 : i32
      %dma_wait3A_402 = arith.constant 0 : i32
      %dma_wait3A_403 = tpu.memref_slice %arg8[%dma_wait3A_401, %dma_wait3A_402] : memref<50176x32xf32, #tpu.memory_space<vmem_shared>> -> memref<50176x32xf32, #tpu.memory_space<vmem_shared>>
      tpu.wait_indirect_dma semaphore(%arg17 : memref<!tpu.dma_semaphore, #tpu.memory_space<semaphore_mem>>) src(%dma_wait3A_397 : memref<128x32xf32, #tpu.memory_space<vmem>>) dst(%dma_wait3A_403 : memref<50176x32xf32, #tpu.memory_space<vmem_shared>>)
    }
    %scan3A_9 = arith.constant 49 : i32
    %barrier3A_10 = arith.constant 0 : index
    tpu.barrier barrier_id(%barrier3A_10)
    %lt3A = arith.constant 15 : i32
    %lt3A_11 = arith.cmpi slt, %arg1, %lt3A : i32
    %convert_element_type3A = arith.extui %lt3A_11 : i1 to i32
    %cond3A = arith.constant 0 : i32
    %cond3A_12 = arith.cmpi ne, %convert_element_type3A, %cond3A : i32
    scf.if %cond3A_12 {
      %mul3A_17 = arith.constant 3128 : i32
      %mul3A_18 = arith.muli %arg1, %mul3A_17 : i32
      %mul3A_19 = arith.constant 3128 : i32
      %mul3A_20 = arith.muli %arg1, %mul3A_19 : i32
      %dma_start3A_21 = arith.constant 0 : i32
      %dma_start3A_22 = arith.constant 0 : i32
      %dma_start3A_23 = tpu.memref_slice %arg5[%arg0, %dma_start3A_21, %dma_start3A_22] : memref<2x50000x32xf32, #tpu.memory_space<hbm>> -> memref<1x50000x32xf32, #tpu.memory_space<hbm>>
      %dma_start3A_24 = tpu.memref_squeeze %dma_start3A_23 : memref<1x50000x32xf32, #tpu.memory_space<hbm>> -> memref<50000x32xf32, #tpu.memory_space<hbm>>
      %dma_start3A_25 = arith.constant 0 : i32
      %dma_start3A_26 = tpu.memref_slice %dma_start3A_24[%mul3A_20, %dma_start3A_25] : memref<50000x32xf32, #tpu.memory_space<hbm>> -> memref<3128x32xf32, #tpu.memory_space<hbm>>
      %dma_start3A_27 = arith.constant 0 : i32
      %dma_start3A_28 = tpu.memref_slice %arg8[%mul3A_18, %dma_start3A_27] : memref<50176x32xf32, #tpu.memory_space<vmem_shared>> -> memref<3128x32xf32, #tpu.memory_space<vmem_shared>>
      tpu.enqueue_dma source(%dma_start3A_28 : memref<3128x32xf32, #tpu.memory_space<vmem_shared>>) target(%dma_start3A_26 : memref<3128x32xf32, #tpu.memory_space<hbm>>) target_semaphore(%arg9 : memref<!tpu.dma_semaphore, #tpu.memory_space<semaphore_mem>>)
      %dma_wait3A_29 = arith.constant 0 : i32
      %dma_wait3A_30 = arith.constant 0 : i32
      %dma_wait3A_31 = tpu.memref_slice %arg5[%arg0, %dma_wait3A_29, %dma_wait3A_30] : memref<2x50000x32xf32, #tpu.memory_space<hbm>> -> memref<1x50000x32xf32, #tpu.memory_space<hbm>>
      %dma_wait3A_32 = tpu.memref_squeeze %dma_wait3A_31 : memref<1x50000x32xf32, #tpu.memory_space<hbm>> -> memref<50000x32xf32, #tpu.memory_space<hbm>>
      %dma_wait3A_33 = arith.constant 0 : i32
      %dma_wait3A_34 = tpu.memref_slice %dma_wait3A_32[%mul3A_20, %dma_wait3A_33] : memref<50000x32xf32, #tpu.memory_space<hbm>> -> memref<3128x32xf32, #tpu.memory_space<hbm>>
      %dma_wait3A_35 = arith.constant 0 : i32
      %dma_wait3A_36 = tpu.memref_slice %arg8[%mul3A_18, %dma_wait3A_35] : memref<50176x32xf32, #tpu.memory_space<vmem_shared>> -> memref<3128x32xf32, #tpu.memory_space<vmem_shared>>
      tpu.wait_dma2 semaphore(%arg9 : memref<!tpu.dma_semaphore, #tpu.memory_space<semaphore_mem>>) src(%dma_wait3A_36 : memref<3128x32xf32, #tpu.memory_space<vmem_shared>>) dst(%dma_wait3A_34 : memref<3128x32xf32, #tpu.memory_space<hbm>>)
    } else {
    }
    %eq3A = arith.constant 15 : i32
    %eq3A_13 = arith.cmpi eq, %arg1, %eq3A : i32
    %convert_element_type3A_14 = arith.extui %eq3A_13 : i1 to i32
    %cond3A_15 = arith.constant 0 : i32
    %cond3A_16 = arith.cmpi ne, %convert_element_type3A_14, %cond3A_15 : i32
    scf.if %cond3A_16 {
      %dma_start3A_17 = arith.constant 0 : i32
      %dma_start3A_18 = arith.constant 0 : i32
      %dma_start3A_19 = tpu.memref_slice %arg5[%arg0, %dma_start3A_17, %dma_start3A_18] : memref<2x50000x32xf32, #tpu.memory_space<hbm>> -> memref<1x50000x32xf32, #tpu.memory_space<hbm>>
      %dma_start3A_20 = tpu.memref_squeeze %dma_start3A_19 : memref<1x50000x32xf32, #tpu.memory_space<hbm>> -> memref<50000x32xf32, #tpu.memory_space<hbm>>
      %dma_start3A_21 = arith.constant 46920 : i32
      %dma_start3A_22 = arith.constant 0 : i32
      %dma_start3A_23 = tpu.memref_slice %dma_start3A_20[%dma_start3A_21, %dma_start3A_22] : memref<50000x32xf32, #tpu.memory_space<hbm>> -> memref<3080x32xf32, #tpu.memory_space<hbm>>
      %dma_start3A_24 = arith.constant 46920 : i32
      %dma_start3A_25 = arith.constant 0 : i32
      %dma_start3A_26 = tpu.memref_slice %arg8[%dma_start3A_24, %dma_start3A_25] : memref<50176x32xf32, #tpu.memory_space<vmem_shared>> -> memref<3080x32xf32, #tpu.memory_space<vmem_shared>>
      tpu.enqueue_dma source(%dma_start3A_26 : memref<3080x32xf32, #tpu.memory_space<vmem_shared>>) target(%dma_start3A_23 : memref<3080x32xf32, #tpu.memory_space<hbm>>) target_semaphore(%arg9 : memref<!tpu.dma_semaphore, #tpu.memory_space<semaphore_mem>>)
      %dma_wait3A_27 = arith.constant 0 : i32
      %dma_wait3A_28 = arith.constant 0 : i32
      %dma_wait3A_29 = tpu.memref_slice %arg5[%arg0, %dma_wait3A_27, %dma_wait3A_28] : memref<2x50000x32xf32, #tpu.memory_space<hbm>> -> memref<1x50000x32xf32, #tpu.memory_space<hbm>>
      %dma_wait3A_30 = tpu.memref_squeeze %dma_wait3A_29 : memref<1x50000x32xf32, #tpu.memory_space<hbm>> -> memref<50000x32xf32, #tpu.memory_space<hbm>>
      %dma_wait3A_31 = arith.constant 46920 : i32
      %dma_wait3A_32 = arith.constant 0 : i32
      %dma_wait3A_33 = tpu.memref_slice %dma_wait3A_30[%dma_wait3A_31, %dma_wait3A_32] : memref<50000x32xf32, #tpu.memory_space<hbm>> -> memref<3080x32xf32, #tpu.memory_space<hbm>>
      %dma_wait3A_34 = arith.constant 46920 : i32
      %dma_wait3A_35 = arith.constant 0 : i32
      %dma_wait3A_36 = tpu.memref_slice %arg8[%dma_wait3A_34, %dma_wait3A_35] : memref<50176x32xf32, #tpu.memory_space<vmem_shared>> -> memref<3080x32xf32, #tpu.memory_space<vmem_shared>>
      tpu.wait_dma2 semaphore(%arg9 : memref<!tpu.dma_semaphore, #tpu.memory_space<semaphore_mem>>) src(%dma_wait3A_36 : memref<3080x32xf32, #tpu.memory_space<vmem_shared>>) dst(%dma_wait3A_33 : memref<3080x32xf32, #tpu.memory_space<hbm>>)
    } else {
    }
    return
  }
}

#map = affine_map<(d0, d1) -> (0, 0)>
#map1 = affine_map<(d0, d1) -> (0, 0, 0)>
module attributes {stable_mosaic.version = 14 : i64} {
  func.func @_sc_degree_body(%arg0: i32, %arg1: i32, %arg2: memref<6272x128xi32, #tpu.memory_space<hbm>>, %arg3: memref<128x16xf32, #tpu.memory_space<hbm>>, %arg4: memref<3136x16xf32, #tpu.memory_space<hbm>>, %arg5: memref<2x50000x16xf32, #tpu.memory_space<hbm>>, %arg6: memref<4x128xi32, #tpu.memory_space<vmem>>, %arg7: memref<128x16xf32, #tpu.memory_space<vmem>>, %arg8: memref<50176x16xf32, #tpu.memory_space<vmem_shared>>, %arg9: memref<!tpu.dma_semaphore, #tpu.memory_space<semaphore_mem>>, %arg10: memref<!tpu.dma_semaphore, #tpu.memory_space<semaphore_mem>>) attributes {dimension_semantics = [#tpu.dimension_semantics<core_parallel>, #tpu.dimension_semantics<subcore_parallel>], iteration_bounds = array<i64: 2, 16>, scalar_prefetch = 0 : i64, scratch_operands = 5 : i64, tpu.core_type = #tpu.core_type<sc_vector_subcore>, window_params = [{transform_indices = #map}, {transform_indices = #map}, {transform_indices = #map}, {transform_indices = #map1}]} {
    %mul3A = arith.constant 3136 : i32
    %mul3A_0 = arith.muli %arg1, %mul3A : i32
    %dma_start3A = arith.constant 0 : i32
    %dma_start3A_1 = tpu.memref_slice %arg8[%mul3A_0, %dma_start3A] : memref<50176x16xf32, #tpu.memory_space<vmem_shared>> -> memref<3136x16xf32, #tpu.memory_space<vmem_shared>>
    tpu.enqueue_dma source(%arg4 : memref<3136x16xf32, #tpu.memory_space<hbm>>) target(%dma_start3A_1 : memref<3136x16xf32, #tpu.memory_space<vmem_shared>>) target_semaphore(%arg9 : memref<!tpu.dma_semaphore, #tpu.memory_space<semaphore_mem>>)
    %dma_wait3A = arith.constant 0 : i32
    %dma_wait3A_2 = tpu.memref_slice %arg8[%mul3A_0, %dma_wait3A] : memref<50176x16xf32, #tpu.memory_space<vmem_shared>> -> memref<3136x16xf32, #tpu.memory_space<vmem_shared>>
    tpu.wait_dma2 semaphore(%arg9 : memref<!tpu.dma_semaphore, #tpu.memory_space<semaphore_mem>>) src(%arg4 : memref<3136x16xf32, #tpu.memory_space<hbm>>) dst(%dma_wait3A_2 : memref<3136x16xf32, #tpu.memory_space<vmem_shared>>)
    tpu.enqueue_dma source(%arg3 : memref<128x16xf32, #tpu.memory_space<hbm>>) target(%arg7 : memref<128x16xf32, #tpu.memory_space<vmem>>) target_semaphore(%arg10 : memref<!tpu.dma_semaphore, #tpu.memory_space<semaphore_mem>>)
    tpu.wait_dma2 semaphore(%arg10 : memref<!tpu.dma_semaphore, #tpu.memory_space<semaphore_mem>>) src(%arg3 : memref<128x16xf32, #tpu.memory_space<hbm>>) dst(%arg7 : memref<128x16xf32, #tpu.memory_space<vmem>>)
    %barrier3A = arith.constant 0 : index
    tpu.barrier barrier_id(%barrier3A)
    %scan3A = arith.constant 0 : i32
    %scan3A_3 = arith.constant 0 : i32
    %scan3A_4 = arith.constant 49 : i32
    %scan3A_5 = arith.addi %scan3A_3, %scan3A_4 : i32
    %scan3A_6 = arith.constant 1 : i32
    scf.for %scan3A_15 = %scan3A_3 to %scan3A_5 step %scan3A_6  : i32 {
      %mul3A_16 = arith.constant 16 : i32
      %mul3A_17 = arith.muli %arg0, %mul3A_16 : i32
      %add3A = arith.addi %mul3A_17, %arg1 : i32
      %mul3A_18 = arith.constant 196 : i32
      %mul3A_19 = arith.muli %add3A, %mul3A_18 : i32
      %mul3A_20 = arith.constant 4 : i32
      %mul3A_21 = arith.muli %scan3A_15, %mul3A_20 : i32
      %add3A_22 = arith.addi %mul3A_19, %mul3A_21 : i32
      "tpu.region"() ({
        %run_scoped3A = tpu.sem_alloc : memref<!tpu.dma_semaphore, #tpu.memory_space<semaphore_mem>>
        %dma_start3A_79 = arith.constant 0 : i32
        %dma_start3A_80 = tpu.memref_slice %arg2[%add3A_22, %dma_start3A_79] : memref<6272x128xi32, #tpu.memory_space<hbm>> -> memref<4x128xi32, #tpu.memory_space<hbm>>
        %dma_start3A_81 = arith.constant 0 : i32
        %dma_start3A_82 = tpu.memref_slice %arg2[%add3A_22, %dma_start3A_81] : memref<6272x128xi32, #tpu.memory_space<hbm>> -> memref<4x128xi32, #tpu.memory_space<hbm>>
        tpu.enqueue_dma source(%dma_start3A_82 : memref<4x128xi32, #tpu.memory_space<hbm>>) target(%arg6 : memref<4x128xi32, #tpu.memory_space<vmem>>) target_semaphore(%run_scoped3A : memref<!tpu.dma_semaphore, #tpu.memory_space<semaphore_mem>>)
        %dma_wait3A_83 = arith.constant 0 : i32
        %dma_wait3A_84 = tpu.memref_slice %arg2[%add3A_22, %dma_wait3A_83] : memref<6272x128xi32, #tpu.memory_space<hbm>> -> memref<4x128xi32, #tpu.memory_space<hbm>>
        %dma_wait3A_85 = arith.constant 0 : i32
        %dma_wait3A_86 = tpu.memref_slice %arg2[%add3A_22, %dma_wait3A_85] : memref<6272x128xi32, #tpu.memory_space<hbm>> -> memref<4x128xi32, #tpu.memory_space<hbm>>
        tpu.wait_dma2 semaphore(%run_scoped3A : memref<!tpu.dma_semaphore, #tpu.memory_space<semaphore_mem>>) src(%dma_wait3A_86 : memref<4x128xi32, #tpu.memory_space<hbm>>) dst(%arg6 : memref<4x128xi32, #tpu.memory_space<vmem>>)
        tpu.yield
      }) : () -> ()
      %dma_start3A_23 = arith.constant 0 : i32
      %dma_start3A_24 = arith.constant 0 : i32
      %dma_start3A_25 = tpu.memref_slice %arg6[%dma_start3A_23, %dma_start3A_24] : memref<4x128xi32, #tpu.memory_space<vmem>> -> memref<1x128xi32, #tpu.memory_space<vmem>>
      %dma_start3A_26 = tpu.memref_squeeze %dma_start3A_25 : memref<1x128xi32, #tpu.memory_space<vmem>> -> memref<128xi32, #tpu.memory_space<vmem>>
      %dma_start3A_27 = arith.constant 0 : i32
      %dma_start3A_28 = arith.constant 0 : i32
      %dma_start3A_29 = tpu.memref_slice %arg8[%dma_start3A_27, %dma_start3A_28] : memref<50176x16xf32, #tpu.memory_space<vmem_shared>> -> memref<50176x16xf32, #tpu.memory_space<vmem_shared>>
      tpu.enqueue_indirect_dma source(%arg7 : memref<128x16xf32, #tpu.memory_space<vmem>>) target(%dma_start3A_29 : memref<50176x16xf32, #tpu.memory_space<vmem_shared>>) offsets(%dma_start3A_26 : memref<128xi32, #tpu.memory_space<vmem>>) semaphore(%arg10 : memref<!tpu.dma_semaphore, #tpu.memory_space<semaphore_mem>>) {add = true}
      %dma_start3A_30 = arith.constant 1 : i32
      %dma_start3A_31 = arith.constant 0 : i32
      %dma_start3A_32 = tpu.memref_slice %arg6[%dma_start3A_30, %dma_start3A_31] : memref<4x128xi32, #tpu.memory_space<vmem>> -> memref<1x128xi32, #tpu.memory_space<vmem>>
      %dma_start3A_33 = tpu.memref_squeeze %dma_start3A_32 : memref<1x128xi32, #tpu.memory_space<vmem>> -> memref<128xi32, #tpu.memory_space<vmem>>
      %dma_start3A_34 = arith.constant 0 : i32
      %dma_start3A_35 = arith.constant 0 : i32
      %dma_start3A_36 = tpu.memref_slice %arg8[%dma_start3A_34, %dma_start3A_35] : memref<50176x16xf32, #tpu.memory_space<vmem_shared>> -> memref<50176x16xf32, #tpu.memory_space<vmem_shared>>
      tpu.enqueue_indirect_dma source(%arg7 : memref<128x16xf32, #tpu.memory_space<vmem>>) target(%dma_start3A_36 : memref<50176x16xf32, #tpu.memory_space<vmem_shared>>) offsets(%dma_start3A_33 : memref<128xi32, #tpu.memory_space<vmem>>) semaphore(%arg10 : memref<!tpu.dma_semaphore, #tpu.memory_space<semaphore_mem>>) {add = true}
      %dma_start3A_37 = arith.constant 2 : i32
      %dma_start3A_38 = arith.constant 0 : i32
      %dma_start3A_39 = tpu.memref_slice %arg6[%dma_start3A_37, %dma_start3A_38] : memref<4x128xi32, #tpu.memory_space<vmem>> -> memref<1x128xi32, #tpu.memory_space<vmem>>
      %dma_start3A_40 = tpu.memref_squeeze %dma_start3A_39 : memref<1x128xi32, #tpu.memory_space<vmem>> -> memref<128xi32, #tpu.memory_space<vmem>>
      %dma_start3A_41 = arith.constant 0 : i32
      %dma_start3A_42 = arith.constant 0 : i32
      %dma_start3A_43 = tpu.memref_slice %arg8[%dma_start3A_41, %dma_start3A_42] : memref<50176x16xf32, #tpu.memory_space<vmem_shared>> -> memref<50176x16xf32, #tpu.memory_space<vmem_shared>>
      tpu.enqueue_indirect_dma source(%arg7 : memref<128x16xf32, #tpu.memory_space<vmem>>) target(%dma_start3A_43 : memref<50176x16xf32, #tpu.memory_space<vmem_shared>>) offsets(%dma_start3A_40 : memref<128xi32, #tpu.memory_space<vmem>>) semaphore(%arg10 : memref<!tpu.dma_semaphore, #tpu.memory_space<semaphore_mem>>) {add = true}
      %dma_start3A_44 = arith.constant 3 : i32
      %dma_start3A_45 = arith.constant 0 : i32
      %dma_start3A_46 = tpu.memref_slice %arg6[%dma_start3A_44, %dma_start3A_45] : memref<4x128xi32, #tpu.memory_space<vmem>> -> memref<1x128xi32, #tpu.memory_space<vmem>>
      %dma_start3A_47 = tpu.memref_squeeze %dma_start3A_46 : memref<1x128xi32, #tpu.memory_space<vmem>> -> memref<128xi32, #tpu.memory_space<vmem>>
      %dma_start3A_48 = arith.constant 0 : i32
      %dma_start3A_49 = arith.constant 0 : i32
      %dma_start3A_50 = tpu.memref_slice %arg8[%dma_start3A_48, %dma_start3A_49] : memref<50176x16xf32, #tpu.memory_space<vmem_shared>> -> memref<50176x16xf32, #tpu.memory_space<vmem_shared>>
      tpu.enqueue_indirect_dma source(%arg7 : memref<128x16xf32, #tpu.memory_space<vmem>>) target(%dma_start3A_50 : memref<50176x16xf32, #tpu.memory_space<vmem_shared>>) offsets(%dma_start3A_47 : memref<128xi32, #tpu.memory_space<vmem>>) semaphore(%arg10 : memref<!tpu.dma_semaphore, #tpu.memory_space<semaphore_mem>>) {add = true}
      %dma_wait3A_51 = arith.constant 0 : i32
      %dma_wait3A_52 = arith.constant 0 : i32
      %dma_wait3A_53 = tpu.memref_slice %arg6[%dma_wait3A_51, %dma_wait3A_52] : memref<4x128xi32, #tpu.memory_space<vmem>> -> memref<1x128xi32, #tpu.memory_space<vmem>>
      %dma_wait3A_54 = tpu.memref_squeeze %dma_wait3A_53 : memref<1x128xi32, #tpu.memory_space<vmem>> -> memref<128xi32, #tpu.memory_space<vmem>>
      %dma_wait3A_55 = arith.constant 0 : i32
      %dma_wait3A_56 = arith.constant 0 : i32
      %dma_wait3A_57 = tpu.memref_slice %arg8[%dma_wait3A_55, %dma_wait3A_56] : memref<50176x16xf32, #tpu.memory_space<vmem_shared>> -> memref<50176x16xf32, #tpu.memory_space<vmem_shared>>
      tpu.wait_indirect_dma semaphore(%arg10 : memref<!tpu.dma_semaphore, #tpu.memory_space<semaphore_mem>>) src(%arg7 : memref<128x16xf32, #tpu.memory_space<vmem>>) dst(%dma_wait3A_57 : memref<50176x16xf32, #tpu.memory_space<vmem_shared>>)
      %dma_wait3A_58 = arith.constant 1 : i32
      %dma_wait3A_59 = arith.constant 0 : i32
      %dma_wait3A_60 = tpu.memref_slice %arg6[%dma_wait3A_58, %dma_wait3A_59] : memref<4x128xi32, #tpu.memory_space<vmem>> -> memref<1x128xi32, #tpu.memory_space<vmem>>
      %dma_wait3A_61 = tpu.memref_squeeze %dma_wait3A_60 : memref<1x128xi32, #tpu.memory_space<vmem>> -> memref<128xi32, #tpu.memory_space<vmem>>
      %dma_wait3A_62 = arith.constant 0 : i32
      %dma_wait3A_63 = arith.constant 0 : i32
      %dma_wait3A_64 = tpu.memref_slice %arg8[%dma_wait3A_62, %dma_wait3A_63] : memref<50176x16xf32, #tpu.memory_space<vmem_shared>> -> memref<50176x16xf32, #tpu.memory_space<vmem_shared>>
      tpu.wait_indirect_dma semaphore(%arg10 : memref<!tpu.dma_semaphore, #tpu.memory_space<semaphore_mem>>) src(%arg7 : memref<128x16xf32, #tpu.memory_space<vmem>>) dst(%dma_wait3A_64 : memref<50176x16xf32, #tpu.memory_space<vmem_shared>>)
      %dma_wait3A_65 = arith.constant 2 : i32
      %dma_wait3A_66 = arith.constant 0 : i32
      %dma_wait3A_67 = tpu.memref_slice %arg6[%dma_wait3A_65, %dma_wait3A_66] : memref<4x128xi32, #tpu.memory_space<vmem>> -> memref<1x128xi32, #tpu.memory_space<vmem>>
      %dma_wait3A_68 = tpu.memref_squeeze %dma_wait3A_67 : memref<1x128xi32, #tpu.memory_space<vmem>> -> memref<128xi32, #tpu.memory_space<vmem>>
      %dma_wait3A_69 = arith.constant 0 : i32
      %dma_wait3A_70 = arith.constant 0 : i32
      %dma_wait3A_71 = tpu.memref_slice %arg8[%dma_wait3A_69, %dma_wait3A_70] : memref<50176x16xf32, #tpu.memory_space<vmem_shared>> -> memref<50176x16xf32, #tpu.memory_space<vmem_shared>>
      tpu.wait_indirect_dma semaphore(%arg10 : memref<!tpu.dma_semaphore, #tpu.memory_space<semaphore_mem>>) src(%arg7 : memref<128x16xf32, #tpu.memory_space<vmem>>) dst(%dma_wait3A_71 : memref<50176x16xf32, #tpu.memory_space<vmem_shared>>)
      %dma_wait3A_72 = arith.constant 3 : i32
      %dma_wait3A_73 = arith.constant 0 : i32
      %dma_wait3A_74 = tpu.memref_slice %arg6[%dma_wait3A_72, %dma_wait3A_73] : memref<4x128xi32, #tpu.memory_space<vmem>> -> memref<1x128xi32, #tpu.memory_space<vmem>>
      %dma_wait3A_75 = tpu.memref_squeeze %dma_wait3A_74 : memref<1x128xi32, #tpu.memory_space<vmem>> -> memref<128xi32, #tpu.memory_space<vmem>>
      %dma_wait3A_76 = arith.constant 0 : i32
      %dma_wait3A_77 = arith.constant 0 : i32
      %dma_wait3A_78 = tpu.memref_slice %arg8[%dma_wait3A_76, %dma_wait3A_77] : memref<50176x16xf32, #tpu.memory_space<vmem_shared>> -> memref<50176x16xf32, #tpu.memory_space<vmem_shared>>
      tpu.wait_indirect_dma semaphore(%arg10 : memref<!tpu.dma_semaphore, #tpu.memory_space<semaphore_mem>>) src(%arg7 : memref<128x16xf32, #tpu.memory_space<vmem>>) dst(%dma_wait3A_78 : memref<50176x16xf32, #tpu.memory_space<vmem_shared>>)
    }
    %scan3A_7 = arith.constant 49 : i32
    %barrier3A_8 = arith.constant 0 : index
    tpu.barrier barrier_id(%barrier3A_8)
    %lt3A = arith.constant 15 : i32
    %lt3A_9 = arith.cmpi slt, %arg1, %lt3A : i32
    %convert_element_type3A = arith.extui %lt3A_9 : i1 to i32
    %cond3A = arith.constant 0 : i32
    %cond3A_10 = arith.cmpi ne, %convert_element_type3A, %cond3A : i32
    scf.if %cond3A_10 {
      %mul3A_15 = arith.constant 3128 : i32
      %mul3A_16 = arith.muli %arg1, %mul3A_15 : i32
      %mul3A_17 = arith.constant 3128 : i32
      %mul3A_18 = arith.muli %arg1, %mul3A_17 : i32
      %dma_start3A_19 = arith.constant 0 : i32
      %dma_start3A_20 = arith.constant 0 : i32
      %dma_start3A_21 = tpu.memref_slice %arg5[%arg0, %dma_start3A_19, %dma_start3A_20] : memref<2x50000x16xf32, #tpu.memory_space<hbm>> -> memref<1x50000x16xf32, #tpu.memory_space<hbm>>
      %dma_start3A_22 = tpu.memref_squeeze %dma_start3A_21 : memref<1x50000x16xf32, #tpu.memory_space<hbm>> -> memref<50000x16xf32, #tpu.memory_space<hbm>>
      %dma_start3A_23 = arith.constant 0 : i32
      %dma_start3A_24 = tpu.memref_slice %dma_start3A_22[%mul3A_18, %dma_start3A_23] : memref<50000x16xf32, #tpu.memory_space<hbm>> -> memref<3128x16xf32, #tpu.memory_space<hbm>>
      %dma_start3A_25 = arith.constant 0 : i32
      %dma_start3A_26 = tpu.memref_slice %arg8[%mul3A_16, %dma_start3A_25] : memref<50176x16xf32, #tpu.memory_space<vmem_shared>> -> memref<3128x16xf32, #tpu.memory_space<vmem_shared>>
      tpu.enqueue_dma source(%dma_start3A_26 : memref<3128x16xf32, #tpu.memory_space<vmem_shared>>) target(%dma_start3A_24 : memref<3128x16xf32, #tpu.memory_space<hbm>>) target_semaphore(%arg9 : memref<!tpu.dma_semaphore, #tpu.memory_space<semaphore_mem>>)
      %dma_wait3A_27 = arith.constant 0 : i32
      %dma_wait3A_28 = arith.constant 0 : i32
      %dma_wait3A_29 = tpu.memref_slice %arg5[%arg0, %dma_wait3A_27, %dma_wait3A_28] : memref<2x50000x16xf32, #tpu.memory_space<hbm>> -> memref<1x50000x16xf32, #tpu.memory_space<hbm>>
      %dma_wait3A_30 = tpu.memref_squeeze %dma_wait3A_29 : memref<1x50000x16xf32, #tpu.memory_space<hbm>> -> memref<50000x16xf32, #tpu.memory_space<hbm>>
      %dma_wait3A_31 = arith.constant 0 : i32
      %dma_wait3A_32 = tpu.memref_slice %dma_wait3A_30[%mul3A_18, %dma_wait3A_31] : memref<50000x16xf32, #tpu.memory_space<hbm>> -> memref<3128x16xf32, #tpu.memory_space<hbm>>
      %dma_wait3A_33 = arith.constant 0 : i32
      %dma_wait3A_34 = tpu.memref_slice %arg8[%mul3A_16, %dma_wait3A_33] : memref<50176x16xf32, #tpu.memory_space<vmem_shared>> -> memref<3128x16xf32, #tpu.memory_space<vmem_shared>>
      tpu.wait_dma2 semaphore(%arg9 : memref<!tpu.dma_semaphore, #tpu.memory_space<semaphore_mem>>) src(%dma_wait3A_34 : memref<3128x16xf32, #tpu.memory_space<vmem_shared>>) dst(%dma_wait3A_32 : memref<3128x16xf32, #tpu.memory_space<hbm>>)
    } else {
    }
    %eq3A = arith.constant 15 : i32
    %eq3A_11 = arith.cmpi eq, %arg1, %eq3A : i32
    %convert_element_type3A_12 = arith.extui %eq3A_11 : i1 to i32
    %cond3A_13 = arith.constant 0 : i32
    %cond3A_14 = arith.cmpi ne, %convert_element_type3A_12, %cond3A_13 : i32
    scf.if %cond3A_14 {
      %dma_start3A_15 = arith.constant 0 : i32
      %dma_start3A_16 = arith.constant 0 : i32
      %dma_start3A_17 = tpu.memref_slice %arg5[%arg0, %dma_start3A_15, %dma_start3A_16] : memref<2x50000x16xf32, #tpu.memory_space<hbm>> -> memref<1x50000x16xf32, #tpu.memory_space<hbm>>
      %dma_start3A_18 = tpu.memref_squeeze %dma_start3A_17 : memref<1x50000x16xf32, #tpu.memory_space<hbm>> -> memref<50000x16xf32, #tpu.memory_space<hbm>>
      %dma_start3A_19 = arith.constant 46920 : i32
      %dma_start3A_20 = arith.constant 0 : i32
      %dma_start3A_21 = tpu.memref_slice %dma_start3A_18[%dma_start3A_19, %dma_start3A_20] : memref<50000x16xf32, #tpu.memory_space<hbm>> -> memref<3080x16xf32, #tpu.memory_space<hbm>>
      %dma_start3A_22 = arith.constant 46920 : i32
      %dma_start3A_23 = arith.constant 0 : i32
      %dma_start3A_24 = tpu.memref_slice %arg8[%dma_start3A_22, %dma_start3A_23] : memref<50176x16xf32, #tpu.memory_space<vmem_shared>> -> memref<3080x16xf32, #tpu.memory_space<vmem_shared>>
      tpu.enqueue_dma source(%dma_start3A_24 : memref<3080x16xf32, #tpu.memory_space<vmem_shared>>) target(%dma_start3A_21 : memref<3080x16xf32, #tpu.memory_space<hbm>>) target_semaphore(%arg9 : memref<!tpu.dma_semaphore, #tpu.memory_space<semaphore_mem>>)
      %dma_wait3A_25 = arith.constant 0 : i32
      %dma_wait3A_26 = arith.constant 0 : i32
      %dma_wait3A_27 = tpu.memref_slice %arg5[%arg0, %dma_wait3A_25, %dma_wait3A_26] : memref<2x50000x16xf32, #tpu.memory_space<hbm>> -> memref<1x50000x16xf32, #tpu.memory_space<hbm>>
      %dma_wait3A_28 = tpu.memref_squeeze %dma_wait3A_27 : memref<1x50000x16xf32, #tpu.memory_space<hbm>> -> memref<50000x16xf32, #tpu.memory_space<hbm>>
      %dma_wait3A_29 = arith.constant 46920 : i32
      %dma_wait3A_30 = arith.constant 0 : i32
      %dma_wait3A_31 = tpu.memref_slice %dma_wait3A_28[%dma_wait3A_29, %dma_wait3A_30] : memref<50000x16xf32, #tpu.memory_space<hbm>> -> memref<3080x16xf32, #tpu.memory_space<hbm>>
      %dma_wait3A_32 = arith.constant 46920 : i32
      %dma_wait3A_33 = arith.constant 0 : i32
      %dma_wait3A_34 = tpu.memref_slice %arg8[%dma_wait3A_32, %dma_wait3A_33] : memref<50176x16xf32, #tpu.memory_space<vmem_shared>> -> memref<3080x16xf32, #tpu.memory_space<vmem_shared>>
      tpu.wait_dma2 semaphore(%arg9 : memref<!tpu.dma_semaphore, #tpu.memory_space<semaphore_mem>>) src(%dma_wait3A_34 : memref<3080x16xf32, #tpu.memory_space<vmem_shared>>) dst(%dma_wait3A_31 : memref<3080x16xf32, #tpu.memory_space<hbm>>)
    } else {
    }
    return
  }
}

#map = affine_map<(d0, d1) -> (0, 0, 0)>
#map1 = affine_map<(d0, d1) -> (0, 0)>
module attributes {stable_mosaic.version = 14 : i64} {
  func.func @_sc_aggregate_body(%arg0: i32, %arg1: i32, %arg2: memref<2x50000x32xf32, #tpu.memory_space<hbm>>, %arg3: memref<12544x128xi32, #tpu.memory_space<hbm>>, %arg4: memref<3136x32xf32, #tpu.memory_space<hbm>>, %arg5: memref<2x50000x32xf32, #tpu.memory_space<hbm>>, %arg6: memref<16x128xi32, #tpu.memory_space<vmem>>, %arg7: memref<512x32xf32, #tpu.memory_space<vmem>>, %arg8: memref<50176x32xf32, #tpu.memory_space<vmem_shared>>, %arg9: memref<!tpu.dma_semaphore, #tpu.memory_space<semaphore_mem>>, %arg10: memref<!tpu.dma_semaphore, #tpu.memory_space<semaphore_mem>>, %arg11: memref<!tpu.dma_semaphore, #tpu.memory_space<semaphore_mem>>, %arg12: memref<!tpu.dma_semaphore, #tpu.memory_space<semaphore_mem>>, %arg13: memref<!tpu.dma_semaphore, #tpu.memory_space<semaphore_mem>>, %arg14: memref<!tpu.dma_semaphore, #tpu.memory_space<semaphore_mem>>, %arg15: memref<!tpu.dma_semaphore, #tpu.memory_space<semaphore_mem>>, %arg16: memref<!tpu.dma_semaphore, #tpu.memory_space<semaphore_mem>>, %arg17: memref<!tpu.dma_semaphore, #tpu.memory_space<semaphore_mem>>) attributes {dimension_semantics = [#tpu.dimension_semantics<core_parallel>, #tpu.dimension_semantics<subcore_parallel>], iteration_bounds = array<i64: 2, 16>, scalar_prefetch = 0 : i64, scratch_operands = 12 : i64, tpu.core_type = #tpu.core_type<sc_vector_subcore>, window_params = [{transform_indices = #map}, {transform_indices = #map1}, {transform_indices = #map1}, {transform_indices = #map}]} {
    %mul3A = arith.constant 3136 : i32
    %mul3A_0 = arith.muli %arg1, %mul3A : i32
    %dma_start3A = arith.constant 0 : i32
    %dma_start3A_1 = tpu.memref_slice %arg8[%mul3A_0, %dma_start3A] : memref<50176x32xf32, #tpu.memory_space<vmem_shared>> -> memref<3136x32xf32, #tpu.memory_space<vmem_shared>>
    tpu.enqueue_dma source(%arg4 : memref<3136x32xf32, #tpu.memory_space<hbm>>) target(%dma_start3A_1 : memref<3136x32xf32, #tpu.memory_space<vmem_shared>>) target_semaphore(%arg9 : memref<!tpu.dma_semaphore, #tpu.memory_space<semaphore_mem>>)
    %dma_wait3A = arith.constant 0 : i32
    %dma_wait3A_2 = tpu.memref_slice %arg8[%mul3A_0, %dma_wait3A] : memref<50176x32xf32, #tpu.memory_space<vmem_shared>> -> memref<3136x32xf32, #tpu.memory_space<vmem_shared>>
    tpu.wait_dma2 semaphore(%arg9 : memref<!tpu.dma_semaphore, #tpu.memory_space<semaphore_mem>>) src(%arg4 : memref<3136x32xf32, #tpu.memory_space<hbm>>) dst(%dma_wait3A_2 : memref<3136x32xf32, #tpu.memory_space<vmem_shared>>)
    %barrier3A = arith.constant 0 : index
    tpu.barrier barrier_id(%barrier3A)
    %mul3A_3 = arith.constant 784 : i32
    %mul3A_4 = arith.muli %arg1, %mul3A_3 : i32
    %scan3A = arith.constant 0 : i32
    %scan3A_5 = arith.constant 0 : i32
    %scan3A_6 = arith.constant 49 : i32
    %scan3A_7 = arith.addi %scan3A_5, %scan3A_6 : i32
    %scan3A_8 = arith.constant 1 : i32
    scf.for %scan3A_17 = %scan3A_5 to %scan3A_7 step %scan3A_8  : i32 {
      %mul3A_18 = arith.constant 16 : i32
      %mul3A_19 = arith.muli %mul3A_18, %scan3A_17 : i32
      %add3A = arith.addi %mul3A_4, %mul3A_19 : i32
      "tpu.region"() ({
        %run_scoped3A = tpu.sem_alloc : memref<!tpu.dma_semaphore, #tpu.memory_space<semaphore_mem>>
        %dma_start3A_404 = arith.constant 0 : i32
        %dma_start3A_405 = tpu.memref_slice %arg3[%add3A, %dma_start3A_404] : memref<12544x128xi32, #tpu.memory_space<hbm>> -> memref<16x128xi32, #tpu.memory_space<hbm>>
        %dma_start3A_406 = arith.constant 0 : i32
        %dma_start3A_407 = tpu.memref_slice %arg3[%add3A, %dma_start3A_406] : memref<12544x128xi32, #tpu.memory_space<hbm>> -> memref<16x128xi32, #tpu.memory_space<hbm>>
        tpu.enqueue_dma source(%dma_start3A_407 : memref<16x128xi32, #tpu.memory_space<hbm>>) target(%arg6 : memref<16x128xi32, #tpu.memory_space<vmem>>) target_semaphore(%run_scoped3A : memref<!tpu.dma_semaphore, #tpu.memory_space<semaphore_mem>>)
        %dma_wait3A_408 = arith.constant 0 : i32
        %dma_wait3A_409 = tpu.memref_slice %arg3[%add3A, %dma_wait3A_408] : memref<12544x128xi32, #tpu.memory_space<hbm>> -> memref<16x128xi32, #tpu.memory_space<hbm>>
        %dma_wait3A_410 = arith.constant 0 : i32
        %dma_wait3A_411 = tpu.memref_slice %arg3[%add3A, %dma_wait3A_410] : memref<12544x128xi32, #tpu.memory_space<hbm>> -> memref<16x128xi32, #tpu.memory_space<hbm>>
        tpu.wait_dma2 semaphore(%run_scoped3A : memref<!tpu.dma_semaphore, #tpu.memory_space<semaphore_mem>>) src(%dma_wait3A_411 : memref<16x128xi32, #tpu.memory_space<hbm>>) dst(%arg6 : memref<16x128xi32, #tpu.memory_space<vmem>>)
        tpu.yield
      }) : () -> ()
      %dma_start3A_20 = arith.constant 0 : i32
      %dma_start3A_21 = arith.constant 0 : i32
      %dma_start3A_22 = arith.constant 0 : i32
      %dma_start3A_23 = tpu.memref_slice %arg7[%dma_start3A_21, %dma_start3A_22] : memref<512x32xf32, #tpu.memory_space<vmem>> -> memref<128x32xf32, #tpu.memory_space<vmem>>
      %dma_start3A_24 = arith.constant 0 : i32
      %dma_start3A_25 = tpu.memref_slice %arg6[%dma_start3A_20, %dma_start3A_24] : memref<16x128xi32, #tpu.memory_space<vmem>> -> memref<1x128xi32, #tpu.memory_space<vmem>>
      %dma_start3A_26 = tpu.memref_squeeze %dma_start3A_25 : memref<1x128xi32, #tpu.memory_space<vmem>> -> memref<128xi32, #tpu.memory_space<vmem>>
      %dma_start3A_27 = arith.constant 0 : i32
      %dma_start3A_28 = arith.constant 0 : i32
      %dma_start3A_29 = tpu.memref_slice %arg2[%arg0, %dma_start3A_27, %dma_start3A_28] : memref<2x50000x32xf32, #tpu.memory_space<hbm>> -> memref<1x50000x32xf32, #tpu.memory_space<hbm>>
      %dma_start3A_30 = tpu.memref_squeeze %dma_start3A_29 : memref<1x50000x32xf32, #tpu.memory_space<hbm>> -> memref<50000x32xf32, #tpu.memory_space<hbm>>
      %dma_start3A_31 = arith.constant 0 : i32
      %dma_start3A_32 = arith.constant 0 : i32
      %dma_start3A_33 = tpu.memref_slice %dma_start3A_30[%dma_start3A_31, %dma_start3A_32] : memref<50000x32xf32, #tpu.memory_space<hbm>> -> memref<50000x32xf32, #tpu.memory_space<hbm>>
      tpu.enqueue_indirect_dma source(%dma_start3A_33 : memref<50000x32xf32, #tpu.memory_space<hbm>>) target(%dma_start3A_23 : memref<128x32xf32, #tpu.memory_space<vmem>>) offsets(%dma_start3A_26 : memref<128xi32, #tpu.memory_space<vmem>>) semaphore(%arg10 : memref<!tpu.dma_semaphore, #tpu.memory_space<semaphore_mem>>)
      %dma_start3A_34 = arith.constant 2 : i32
      %dma_start3A_35 = arith.constant 128 : i32
      %dma_start3A_36 = arith.constant 0 : i32
      %dma_start3A_37 = tpu.memref_slice %arg7[%dma_start3A_35, %dma_start3A_36] : memref<512x32xf32, #tpu.memory_space<vmem>> -> memref<128x32xf32, #tpu.memory_space<vmem>>
      %dma_start3A_38 = arith.constant 0 : i32
      %dma_start3A_39 = tpu.memref_slice %arg6[%dma_start3A_34, %dma_start3A_38] : memref<16x128xi32, #tpu.memory_space<vmem>> -> memref<1x128xi32, #tpu.memory_space<vmem>>
      %dma_start3A_40 = tpu.memref_squeeze %dma_start3A_39 : memref<1x128xi32, #tpu.memory_space<vmem>> -> memref<128xi32, #tpu.memory_space<vmem>>
      %dma_start3A_41 = arith.constant 0 : i32
      %dma_start3A_42 = arith.constant 0 : i32
      %dma_start3A_43 = tpu.memref_slice %arg2[%arg0, %dma_start3A_41, %dma_start3A_42] : memref<2x50000x32xf32, #tpu.memory_space<hbm>> -> memref<1x50000x32xf32, #tpu.memory_space<hbm>>
      %dma_start3A_44 = tpu.memref_squeeze %dma_start3A_43 : memref<1x50000x32xf32, #tpu.memory_space<hbm>> -> memref<50000x32xf32, #tpu.memory_space<hbm>>
      %dma_start3A_45 = arith.constant 0 : i32
      %dma_start3A_46 = arith.constant 0 : i32
      %dma_start3A_47 = tpu.memref_slice %dma_start3A_44[%dma_start3A_45, %dma_start3A_46] : memref<50000x32xf32, #tpu.memory_space<hbm>> -> memref<50000x32xf32, #tpu.memory_space<hbm>>
      tpu.enqueue_indirect_dma source(%dma_start3A_47 : memref<50000x32xf32, #tpu.memory_space<hbm>>) target(%dma_start3A_37 : memref<128x32xf32, #tpu.memory_space<vmem>>) offsets(%dma_start3A_40 : memref<128xi32, #tpu.memory_space<vmem>>) semaphore(%arg11 : memref<!tpu.dma_semaphore, #tpu.memory_space<semaphore_mem>>)
      %dma_start3A_48 = arith.constant 4 : i32
      %dma_start3A_49 = arith.constant 256 : i32
      %dma_start3A_50 = arith.constant 0 : i32
      %dma_start3A_51 = tpu.memref_slice %arg7[%dma_start3A_49, %dma_start3A_50] : memref<512x32xf32, #tpu.memory_space<vmem>> -> memref<128x32xf32, #tpu.memory_space<vmem>>
      %dma_start3A_52 = arith.constant 0 : i32
      %dma_start3A_53 = tpu.memref_slice %arg6[%dma_start3A_48, %dma_start3A_52] : memref<16x128xi32, #tpu.memory_space<vmem>> -> memref<1x128xi32, #tpu.memory_space<vmem>>
      %dma_start3A_54 = tpu.memref_squeeze %dma_start3A_53 : memref<1x128xi32, #tpu.memory_space<vmem>> -> memref<128xi32, #tpu.memory_space<vmem>>
      %dma_start3A_55 = arith.constant 0 : i32
      %dma_start3A_56 = arith.constant 0 : i32
      %dma_start3A_57 = tpu.memref_slice %arg2[%arg0, %dma_start3A_55, %dma_start3A_56] : memref<2x50000x32xf32, #tpu.memory_space<hbm>> -> memref<1x50000x32xf32, #tpu.memory_space<hbm>>
      %dma_start3A_58 = tpu.memref_squeeze %dma_start3A_57 : memref<1x50000x32xf32, #tpu.memory_space<hbm>> -> memref<50000x32xf32, #tpu.memory_space<hbm>>
      %dma_start3A_59 = arith.constant 0 : i32
      %dma_start3A_60 = arith.constant 0 : i32
      %dma_start3A_61 = tpu.memref_slice %dma_start3A_58[%dma_start3A_59, %dma_start3A_60] : memref<50000x32xf32, #tpu.memory_space<hbm>> -> memref<50000x32xf32, #tpu.memory_space<hbm>>
      tpu.enqueue_indirect_dma source(%dma_start3A_61 : memref<50000x32xf32, #tpu.memory_space<hbm>>) target(%dma_start3A_51 : memref<128x32xf32, #tpu.memory_space<vmem>>) offsets(%dma_start3A_54 : memref<128xi32, #tpu.memory_space<vmem>>) semaphore(%arg12 : memref<!tpu.dma_semaphore, #tpu.memory_space<semaphore_mem>>)
      %dma_start3A_62 = arith.constant 6 : i32
      %dma_start3A_63 = arith.constant 384 : i32
      %dma_start3A_64 = arith.constant 0 : i32
      %dma_start3A_65 = tpu.memref_slice %arg7[%dma_start3A_63, %dma_start3A_64] : memref<512x32xf32, #tpu.memory_space<vmem>> -> memref<128x32xf32, #tpu.memory_space<vmem>>
      %dma_start3A_66 = arith.constant 0 : i32
      %dma_start3A_67 = tpu.memref_slice %arg6[%dma_start3A_62, %dma_start3A_66] : memref<16x128xi32, #tpu.memory_space<vmem>> -> memref<1x128xi32, #tpu.memory_space<vmem>>
      %dma_start3A_68 = tpu.memref_squeeze %dma_start3A_67 : memref<1x128xi32, #tpu.memory_space<vmem>> -> memref<128xi32, #tpu.memory_space<vmem>>
      %dma_start3A_69 = arith.constant 0 : i32
      %dma_start3A_70 = arith.constant 0 : i32
      %dma_start3A_71 = tpu.memref_slice %arg2[%arg0, %dma_start3A_69, %dma_start3A_70] : memref<2x50000x32xf32, #tpu.memory_space<hbm>> -> memref<1x50000x32xf32, #tpu.memory_space<hbm>>
      %dma_start3A_72 = tpu.memref_squeeze %dma_start3A_71 : memref<1x50000x32xf32, #tpu.memory_space<hbm>> -> memref<50000x32xf32, #tpu.memory_space<hbm>>
      %dma_start3A_73 = arith.constant 0 : i32
      %dma_start3A_74 = arith.constant 0 : i32
      %dma_start3A_75 = tpu.memref_slice %dma_start3A_72[%dma_start3A_73, %dma_start3A_74] : memref<50000x32xf32, #tpu.memory_space<hbm>> -> memref<50000x32xf32, #tpu.memory_space<hbm>>
      tpu.enqueue_indirect_dma source(%dma_start3A_75 : memref<50000x32xf32, #tpu.memory_space<hbm>>) target(%dma_start3A_65 : memref<128x32xf32, #tpu.memory_space<vmem>>) offsets(%dma_start3A_68 : memref<128xi32, #tpu.memory_space<vmem>>) semaphore(%arg13 : memref<!tpu.dma_semaphore, #tpu.memory_space<semaphore_mem>>)
      %dma_wait3A_76 = arith.constant 0 : i32
      %dma_wait3A_77 = arith.constant 0 : i32
      %dma_wait3A_78 = arith.constant 0 : i32
      %dma_wait3A_79 = tpu.memref_slice %arg7[%dma_wait3A_77, %dma_wait3A_78] : memref<512x32xf32, #tpu.memory_space<vmem>> -> memref<128x32xf32, #tpu.memory_space<vmem>>
      %dma_wait3A_80 = arith.constant 0 : i32
      %dma_wait3A_81 = tpu.memref_slice %arg6[%dma_wait3A_76, %dma_wait3A_80] : memref<16x128xi32, #tpu.memory_space<vmem>> -> memref<1x128xi32, #tpu.memory_space<vmem>>
      %dma_wait3A_82 = tpu.memref_squeeze %dma_wait3A_81 : memref<1x128xi32, #tpu.memory_space<vmem>> -> memref<128xi32, #tpu.memory_space<vmem>>
      %dma_wait3A_83 = arith.constant 0 : i32
      %dma_wait3A_84 = arith.constant 0 : i32
      %dma_wait3A_85 = tpu.memref_slice %arg2[%arg0, %dma_wait3A_83, %dma_wait3A_84] : memref<2x50000x32xf32, #tpu.memory_space<hbm>> -> memref<1x50000x32xf32, #tpu.memory_space<hbm>>
      %dma_wait3A_86 = tpu.memref_squeeze %dma_wait3A_85 : memref<1x50000x32xf32, #tpu.memory_space<hbm>> -> memref<50000x32xf32, #tpu.memory_space<hbm>>
      %dma_wait3A_87 = arith.constant 0 : i32
      %dma_wait3A_88 = arith.constant 0 : i32
      %dma_wait3A_89 = tpu.memref_slice %dma_wait3A_86[%dma_wait3A_87, %dma_wait3A_88] : memref<50000x32xf32, #tpu.memory_space<hbm>> -> memref<50000x32xf32, #tpu.memory_space<hbm>>
      tpu.wait_indirect_dma semaphore(%arg10 : memref<!tpu.dma_semaphore, #tpu.memory_space<semaphore_mem>>) src(%dma_wait3A_89 : memref<50000x32xf32, #tpu.memory_space<hbm>>) dst(%dma_wait3A_79 : memref<128x32xf32, #tpu.memory_space<vmem>>)
      %dma_start3A_90 = arith.constant 1 : i32
      %dma_start3A_91 = arith.constant 0 : i32
      %dma_start3A_92 = arith.constant 0 : i32
      %dma_start3A_93 = tpu.memref_slice %arg7[%dma_start3A_91, %dma_start3A_92] : memref<512x32xf32, #tpu.memory_space<vmem>> -> memref<128x32xf32, #tpu.memory_space<vmem>>
      %dma_start3A_94 = arith.constant 0 : i32
      %dma_start3A_95 = tpu.memref_slice %arg6[%dma_start3A_90, %dma_start3A_94] : memref<16x128xi32, #tpu.memory_space<vmem>> -> memref<1x128xi32, #tpu.memory_space<vmem>>
      %dma_start3A_96 = tpu.memref_squeeze %dma_start3A_95 : memref<1x128xi32, #tpu.memory_space<vmem>> -> memref<128xi32, #tpu.memory_space<vmem>>
      %dma_start3A_97 = arith.constant 0 : i32
      %dma_start3A_98 = arith.constant 0 : i32
      %dma_start3A_99 = tpu.memref_slice %arg8[%dma_start3A_97, %dma_start3A_98] : memref<50176x32xf32, #tpu.memory_space<vmem_shared>> -> memref<50176x32xf32, #tpu.memory_space<vmem_shared>>
      tpu.enqueue_indirect_dma source(%dma_start3A_93 : memref<128x32xf32, #tpu.memory_space<vmem>>) target(%dma_start3A_99 : memref<50176x32xf32, #tpu.memory_space<vmem_shared>>) offsets(%dma_start3A_96 : memref<128xi32, #tpu.memory_space<vmem>>) semaphore(%arg14 : memref<!tpu.dma_semaphore, #tpu.memory_space<semaphore_mem>>) {add = true}
      %dma_wait3A_100 = arith.constant 1 : i32
      %dma_wait3A_101 = arith.constant 0 : i32
      %dma_wait3A_102 = arith.constant 0 : i32
      %dma_wait3A_103 = tpu.memref_slice %arg7[%dma_wait3A_101, %dma_wait3A_102] : memref<512x32xf32, #tpu.memory_space<vmem>> -> memref<128x32xf32, #tpu.memory_space<vmem>>
      %dma_wait3A_104 = arith.constant 0 : i32
      %dma_wait3A_105 = tpu.memref_slice %arg6[%dma_wait3A_100, %dma_wait3A_104] : memref<16x128xi32, #tpu.memory_space<vmem>> -> memref<1x128xi32, #tpu.memory_space<vmem>>
      %dma_wait3A_106 = tpu.memref_squeeze %dma_wait3A_105 : memref<1x128xi32, #tpu.memory_space<vmem>> -> memref<128xi32, #tpu.memory_space<vmem>>
      %dma_wait3A_107 = arith.constant 0 : i32
      %dma_wait3A_108 = arith.constant 0 : i32
      %dma_wait3A_109 = tpu.memref_slice %arg8[%dma_wait3A_107, %dma_wait3A_108] : memref<50176x32xf32, #tpu.memory_space<vmem_shared>> -> memref<50176x32xf32, #tpu.memory_space<vmem_shared>>
      tpu.wait_indirect_dma semaphore(%arg14 : memref<!tpu.dma_semaphore, #tpu.memory_space<semaphore_mem>>) src(%dma_wait3A_103 : memref<128x32xf32, #tpu.memory_space<vmem>>) dst(%dma_wait3A_109 : memref<50176x32xf32, #tpu.memory_space<vmem_shared>>)
      %dma_start3A_110 = arith.constant 8 : i32
      %dma_start3A_111 = arith.constant 0 : i32
      %dma_start3A_112 = arith.constant 0 : i32
      %dma_start3A_113 = tpu.memref_slice %arg7[%dma_start3A_111, %dma_start3A_112] : memref<512x32xf32, #tpu.memory_space<vmem>> -> memref<128x32xf32, #tpu.memory_space<vmem>>
      %dma_start3A_114 = arith.constant 0 : i32
      %dma_start3A_115 = tpu.memref_slice %arg6[%dma_start3A_110, %dma_start3A_114] : memref<16x128xi32, #tpu.memory_space<vmem>> -> memref<1x128xi32, #tpu.memory_space<vmem>>
      %dma_start3A_116 = tpu.memref_squeeze %dma_start3A_115 : memref<1x128xi32, #tpu.memory_space<vmem>> -> memref<128xi32, #tpu.memory_space<vmem>>
      %dma_start3A_117 = arith.constant 0 : i32
      %dma_start3A_118 = arith.constant 0 : i32
      %dma_start3A_119 = tpu.memref_slice %arg2[%arg0, %dma_start3A_117, %dma_start3A_118] : memref<2x50000x32xf32, #tpu.memory_space<hbm>> -> memref<1x50000x32xf32, #tpu.memory_space<hbm>>
      %dma_start3A_120 = tpu.memref_squeeze %dma_start3A_119 : memref<1x50000x32xf32, #tpu.memory_space<hbm>> -> memref<50000x32xf32, #tpu.memory_space<hbm>>
      %dma_start3A_121 = arith.constant 0 : i32
      %dma_start3A_122 = arith.constant 0 : i32
      %dma_start3A_123 = tpu.memref_slice %dma_start3A_120[%dma_start3A_121, %dma_start3A_122] : memref<50000x32xf32, #tpu.memory_space<hbm>> -> memref<50000x32xf32, #tpu.memory_space<hbm>>
      tpu.enqueue_indirect_dma source(%dma_start3A_123 : memref<50000x32xf32, #tpu.memory_space<hbm>>) target(%dma_start3A_113 : memref<128x32xf32, #tpu.memory_space<vmem>>) offsets(%dma_start3A_116 : memref<128xi32, #tpu.memory_space<vmem>>) semaphore(%arg10 : memref<!tpu.dma_semaphore, #tpu.memory_space<semaphore_mem>>)
      %dma_wait3A_124 = arith.constant 2 : i32
      %dma_wait3A_125 = arith.constant 128 : i32
      %dma_wait3A_126 = arith.constant 0 : i32
      %dma_wait3A_127 = tpu.memref_slice %arg7[%dma_wait3A_125, %dma_wait3A_126] : memref<512x32xf32, #tpu.memory_space<vmem>> -> memref<128x32xf32, #tpu.memory_space<vmem>>
      %dma_wait3A_128 = arith.constant 0 : i32
      %dma_wait3A_129 = tpu.memref_slice %arg6[%dma_wait3A_124, %dma_wait3A_128] : memref<16x128xi32, #tpu.memory_space<vmem>> -> memref<1x128xi32, #tpu.memory_space<vmem>>
      %dma_wait3A_130 = tpu.memref_squeeze %dma_wait3A_129 : memref<1x128xi32, #tpu.memory_space<vmem>> -> memref<128xi32, #tpu.memory_space<vmem>>
      %dma_wait3A_131 = arith.constant 0 : i32
      %dma_wait3A_132 = arith.constant 0 : i32
      %dma_wait3A_133 = tpu.memref_slice %arg2[%arg0, %dma_wait3A_131, %dma_wait3A_132] : memref<2x50000x32xf32, #tpu.memory_space<hbm>> -> memref<1x50000x32xf32, #tpu.memory_space<hbm>>
      %dma_wait3A_134 = tpu.memref_squeeze %dma_wait3A_133 : memref<1x50000x32xf32, #tpu.memory_space<hbm>> -> memref<50000x32xf32, #tpu.memory_space<hbm>>
      %dma_wait3A_135 = arith.constant 0 : i32
      %dma_wait3A_136 = arith.constant 0 : i32
      %dma_wait3A_137 = tpu.memref_slice %dma_wait3A_134[%dma_wait3A_135, %dma_wait3A_136] : memref<50000x32xf32, #tpu.memory_space<hbm>> -> memref<50000x32xf32, #tpu.memory_space<hbm>>
      tpu.wait_indirect_dma semaphore(%arg11 : memref<!tpu.dma_semaphore, #tpu.memory_space<semaphore_mem>>) src(%dma_wait3A_137 : memref<50000x32xf32, #tpu.memory_space<hbm>>) dst(%dma_wait3A_127 : memref<128x32xf32, #tpu.memory_space<vmem>>)
      %dma_start3A_138 = arith.constant 3 : i32
      %dma_start3A_139 = arith.constant 128 : i32
      %dma_start3A_140 = arith.constant 0 : i32
      %dma_start3A_141 = tpu.memref_slice %arg7[%dma_start3A_139, %dma_start3A_140] : memref<512x32xf32, #tpu.memory_space<vmem>> -> memref<128x32xf32, #tpu.memory_space<vmem>>
      %dma_start3A_142 = arith.constant 0 : i32
      %dma_start3A_143 = tpu.memref_slice %arg6[%dma_start3A_138, %dma_start3A_142] : memref<16x128xi32, #tpu.memory_space<vmem>> -> memref<1x128xi32, #tpu.memory_space<vmem>>
      %dma_start3A_144 = tpu.memref_squeeze %dma_start3A_143 : memref<1x128xi32, #tpu.memory_space<vmem>> -> memref<128xi32, #tpu.memory_space<vmem>>
      %dma_start3A_145 = arith.constant 0 : i32
      %dma_start3A_146 = arith.constant 0 : i32
      %dma_start3A_147 = tpu.memref_slice %arg8[%dma_start3A_145, %dma_start3A_146] : memref<50176x32xf32, #tpu.memory_space<vmem_shared>> -> memref<50176x32xf32, #tpu.memory_space<vmem_shared>>
      tpu.enqueue_indirect_dma source(%dma_start3A_141 : memref<128x32xf32, #tpu.memory_space<vmem>>) target(%dma_start3A_147 : memref<50176x32xf32, #tpu.memory_space<vmem_shared>>) offsets(%dma_start3A_144 : memref<128xi32, #tpu.memory_space<vmem>>) semaphore(%arg15 : memref<!tpu.dma_semaphore, #tpu.memory_space<semaphore_mem>>) {add = true}
      %dma_wait3A_148 = arith.constant 3 : i32
      %dma_wait3A_149 = arith.constant 128 : i32
      %dma_wait3A_150 = arith.constant 0 : i32
      %dma_wait3A_151 = tpu.memref_slice %arg7[%dma_wait3A_149, %dma_wait3A_150] : memref<512x32xf32, #tpu.memory_space<vmem>> -> memref<128x32xf32, #tpu.memory_space<vmem>>
      %dma_wait3A_152 = arith.constant 0 : i32
      %dma_wait3A_153 = tpu.memref_slice %arg6[%dma_wait3A_148, %dma_wait3A_152] : memref<16x128xi32, #tpu.memory_space<vmem>> -> memref<1x128xi32, #tpu.memory_space<vmem>>
      %dma_wait3A_154 = tpu.memref_squeeze %dma_wait3A_153 : memref<1x128xi32, #tpu.memory_space<vmem>> -> memref<128xi32, #tpu.memory_space<vmem>>
      %dma_wait3A_155 = arith.constant 0 : i32
      %dma_wait3A_156 = arith.constant 0 : i32
      %dma_wait3A_157 = tpu.memref_slice %arg8[%dma_wait3A_155, %dma_wait3A_156] : memref<50176x32xf32, #tpu.memory_space<vmem_shared>> -> memref<50176x32xf32, #tpu.memory_space<vmem_shared>>
      tpu.wait_indirect_dma semaphore(%arg15 : memref<!tpu.dma_semaphore, #tpu.memory_space<semaphore_mem>>) src(%dma_wait3A_151 : memref<128x32xf32, #tpu.memory_space<vmem>>) dst(%dma_wait3A_157 : memref<50176x32xf32, #tpu.memory_space<vmem_shared>>)
      %dma_start3A_158 = arith.constant 10 : i32
      %dma_start3A_159 = arith.constant 128 : i32
      %dma_start3A_160 = arith.constant 0 : i32
      %dma_start3A_161 = tpu.memref_slice %arg7[%dma_start3A_159, %dma_start3A_160] : memref<512x32xf32, #tpu.memory_space<vmem>> -> memref<128x32xf32, #tpu.memory_space<vmem>>
      %dma_start3A_162 = arith.constant 0 : i32
      %dma_start3A_163 = tpu.memref_slice %arg6[%dma_start3A_158, %dma_start3A_162] : memref<16x128xi32, #tpu.memory_space<vmem>> -> memref<1x128xi32, #tpu.memory_space<vmem>>
      %dma_start3A_164 = tpu.memref_squeeze %dma_start3A_163 : memref<1x128xi32, #tpu.memory_space<vmem>> -> memref<128xi32, #tpu.memory_space<vmem>>
      %dma_start3A_165 = arith.constant 0 : i32
      %dma_start3A_166 = arith.constant 0 : i32
      %dma_start3A_167 = tpu.memref_slice %arg2[%arg0, %dma_start3A_165, %dma_start3A_166] : memref<2x50000x32xf32, #tpu.memory_space<hbm>> -> memref<1x50000x32xf32, #tpu.memory_space<hbm>>
      %dma_start3A_168 = tpu.memref_squeeze %dma_start3A_167 : memref<1x50000x32xf32, #tpu.memory_space<hbm>> -> memref<50000x32xf32, #tpu.memory_space<hbm>>
      %dma_start3A_169 = arith.constant 0 : i32
      %dma_start3A_170 = arith.constant 0 : i32
      %dma_start3A_171 = tpu.memref_slice %dma_start3A_168[%dma_start3A_169, %dma_start3A_170] : memref<50000x32xf32, #tpu.memory_space<hbm>> -> memref<50000x32xf32, #tpu.memory_space<hbm>>
      tpu.enqueue_indirect_dma source(%dma_start3A_171 : memref<50000x32xf32, #tpu.memory_space<hbm>>) target(%dma_start3A_161 : memref<128x32xf32, #tpu.memory_space<vmem>>) offsets(%dma_start3A_164 : memref<128xi32, #tpu.memory_space<vmem>>) semaphore(%arg11 : memref<!tpu.dma_semaphore, #tpu.memory_space<semaphore_mem>>)
      %dma_wait3A_172 = arith.constant 4 : i32
      %dma_wait3A_173 = arith.constant 256 : i32
      %dma_wait3A_174 = arith.constant 0 : i32
      %dma_wait3A_175 = tpu.memref_slice %arg7[%dma_wait3A_173, %dma_wait3A_174] : memref<512x32xf32, #tpu.memory_space<vmem>> -> memref<128x32xf32, #tpu.memory_space<vmem>>
      %dma_wait3A_176 = arith.constant 0 : i32
      %dma_wait3A_177 = tpu.memref_slice %arg6[%dma_wait3A_172, %dma_wait3A_176] : memref<16x128xi32, #tpu.memory_space<vmem>> -> memref<1x128xi32, #tpu.memory_space<vmem>>
      %dma_wait3A_178 = tpu.memref_squeeze %dma_wait3A_177 : memref<1x128xi32, #tpu.memory_space<vmem>> -> memref<128xi32, #tpu.memory_space<vmem>>
      %dma_wait3A_179 = arith.constant 0 : i32
      %dma_wait3A_180 = arith.constant 0 : i32
      %dma_wait3A_181 = tpu.memref_slice %arg2[%arg0, %dma_wait3A_179, %dma_wait3A_180] : memref<2x50000x32xf32, #tpu.memory_space<hbm>> -> memref<1x50000x32xf32, #tpu.memory_space<hbm>>
      %dma_wait3A_182 = tpu.memref_squeeze %dma_wait3A_181 : memref<1x50000x32xf32, #tpu.memory_space<hbm>> -> memref<50000x32xf32, #tpu.memory_space<hbm>>
      %dma_wait3A_183 = arith.constant 0 : i32
      %dma_wait3A_184 = arith.constant 0 : i32
      %dma_wait3A_185 = tpu.memref_slice %dma_wait3A_182[%dma_wait3A_183, %dma_wait3A_184] : memref<50000x32xf32, #tpu.memory_space<hbm>> -> memref<50000x32xf32, #tpu.memory_space<hbm>>
      tpu.wait_indirect_dma semaphore(%arg12 : memref<!tpu.dma_semaphore, #tpu.memory_space<semaphore_mem>>) src(%dma_wait3A_185 : memref<50000x32xf32, #tpu.memory_space<hbm>>) dst(%dma_wait3A_175 : memref<128x32xf32, #tpu.memory_space<vmem>>)
      %dma_start3A_186 = arith.constant 5 : i32
      %dma_start3A_187 = arith.constant 256 : i32
      %dma_start3A_188 = arith.constant 0 : i32
      %dma_start3A_189 = tpu.memref_slice %arg7[%dma_start3A_187, %dma_start3A_188] : memref<512x32xf32, #tpu.memory_space<vmem>> -> memref<128x32xf32, #tpu.memory_space<vmem>>
      %dma_start3A_190 = arith.constant 0 : i32
      %dma_start3A_191 = tpu.memref_slice %arg6[%dma_start3A_186, %dma_start3A_190] : memref<16x128xi32, #tpu.memory_space<vmem>> -> memref<1x128xi32, #tpu.memory_space<vmem>>
      %dma_start3A_192 = tpu.memref_squeeze %dma_start3A_191 : memref<1x128xi32, #tpu.memory_space<vmem>> -> memref<128xi32, #tpu.memory_space<vmem>>
      %dma_start3A_193 = arith.constant 0 : i32
      %dma_start3A_194 = arith.constant 0 : i32
      %dma_start3A_195 = tpu.memref_slice %arg8[%dma_start3A_193, %dma_start3A_194] : memref<50176x32xf32, #tpu.memory_space<vmem_shared>> -> memref<50176x32xf32, #tpu.memory_space<vmem_shared>>
      tpu.enqueue_indirect_dma source(%dma_start3A_189 : memref<128x32xf32, #tpu.memory_space<vmem>>) target(%dma_start3A_195 : memref<50176x32xf32, #tpu.memory_space<vmem_shared>>) offsets(%dma_start3A_192 : memref<128xi32, #tpu.memory_space<vmem>>) semaphore(%arg16 : memref<!tpu.dma_semaphore, #tpu.memory_space<semaphore_mem>>) {add = true}
      %dma_wait3A_196 = arith.constant 5 : i32
      %dma_wait3A_197 = arith.constant 256 : i32
      %dma_wait3A_198 = arith.constant 0 : i32
      %dma_wait3A_199 = tpu.memref_slice %arg7[%dma_wait3A_197, %dma_wait3A_198] : memref<512x32xf32, #tpu.memory_space<vmem>> -> memref<128x32xf32, #tpu.memory_space<vmem>>
      %dma_wait3A_200 = arith.constant 0 : i32
      %dma_wait3A_201 = tpu.memref_slice %arg6[%dma_wait3A_196, %dma_wait3A_200] : memref<16x128xi32, #tpu.memory_space<vmem>> -> memref<1x128xi32, #tpu.memory_space<vmem>>
      %dma_wait3A_202 = tpu.memref_squeeze %dma_wait3A_201 : memref<1x128xi32, #tpu.memory_space<vmem>> -> memref<128xi32, #tpu.memory_space<vmem>>
      %dma_wait3A_203 = arith.constant 0 : i32
      %dma_wait3A_204 = arith.constant 0 : i32
      %dma_wait3A_205 = tpu.memref_slice %arg8[%dma_wait3A_203, %dma_wait3A_204] : memref<50176x32xf32, #tpu.memory_space<vmem_shared>> -> memref<50176x32xf32, #tpu.memory_space<vmem_shared>>
      tpu.wait_indirect_dma semaphore(%arg16 : memref<!tpu.dma_semaphore, #tpu.memory_space<semaphore_mem>>) src(%dma_wait3A_199 : memref<128x32xf32, #tpu.memory_space<vmem>>) dst(%dma_wait3A_205 : memref<50176x32xf32, #tpu.memory_space<vmem_shared>>)
      %dma_start3A_206 = arith.constant 12 : i32
      %dma_start3A_207 = arith.constant 256 : i32
      %dma_start3A_208 = arith.constant 0 : i32
      %dma_start3A_209 = tpu.memref_slice %arg7[%dma_start3A_207, %dma_start3A_208] : memref<512x32xf32, #tpu.memory_space<vmem>> -> memref<128x32xf32, #tpu.memory_space<vmem>>
      %dma_start3A_210 = arith.constant 0 : i32
      %dma_start3A_211 = tpu.memref_slice %arg6[%dma_start3A_206, %dma_start3A_210] : memref<16x128xi32, #tpu.memory_space<vmem>> -> memref<1x128xi32, #tpu.memory_space<vmem>>
      %dma_start3A_212 = tpu.memref_squeeze %dma_start3A_211 : memref<1x128xi32, #tpu.memory_space<vmem>> -> memref<128xi32, #tpu.memory_space<vmem>>
      %dma_start3A_213 = arith.constant 0 : i32
      %dma_start3A_214 = arith.constant 0 : i32
      %dma_start3A_215 = tpu.memref_slice %arg2[%arg0, %dma_start3A_213, %dma_start3A_214] : memref<2x50000x32xf32, #tpu.memory_space<hbm>> -> memref<1x50000x32xf32, #tpu.memory_space<hbm>>
      %dma_start3A_216 = tpu.memref_squeeze %dma_start3A_215 : memref<1x50000x32xf32, #tpu.memory_space<hbm>> -> memref<50000x32xf32, #tpu.memory_space<hbm>>
      %dma_start3A_217 = arith.constant 0 : i32
      %dma_start3A_218 = arith.constant 0 : i32
      %dma_start3A_219 = tpu.memref_slice %dma_start3A_216[%dma_start3A_217, %dma_start3A_218] : memref<50000x32xf32, #tpu.memory_space<hbm>> -> memref<50000x32xf32, #tpu.memory_space<hbm>>
      tpu.enqueue_indirect_dma source(%dma_start3A_219 : memref<50000x32xf32, #tpu.memory_space<hbm>>) target(%dma_start3A_209 : memref<128x32xf32, #tpu.memory_space<vmem>>) offsets(%dma_start3A_212 : memref<128xi32, #tpu.memory_space<vmem>>) semaphore(%arg12 : memref<!tpu.dma_semaphore, #tpu.memory_space<semaphore_mem>>)
      %dma_wait3A_220 = arith.constant 6 : i32
      %dma_wait3A_221 = arith.constant 384 : i32
      %dma_wait3A_222 = arith.constant 0 : i32
      %dma_wait3A_223 = tpu.memref_slice %arg7[%dma_wait3A_221, %dma_wait3A_222] : memref<512x32xf32, #tpu.memory_space<vmem>> -> memref<128x32xf32, #tpu.memory_space<vmem>>
      %dma_wait3A_224 = arith.constant 0 : i32
      %dma_wait3A_225 = tpu.memref_slice %arg6[%dma_wait3A_220, %dma_wait3A_224] : memref<16x128xi32, #tpu.memory_space<vmem>> -> memref<1x128xi32, #tpu.memory_space<vmem>>
      %dma_wait3A_226 = tpu.memref_squeeze %dma_wait3A_225 : memref<1x128xi32, #tpu.memory_space<vmem>> -> memref<128xi32, #tpu.memory_space<vmem>>
      %dma_wait3A_227 = arith.constant 0 : i32
      %dma_wait3A_228 = arith.constant 0 : i32
      %dma_wait3A_229 = tpu.memref_slice %arg2[%arg0, %dma_wait3A_227, %dma_wait3A_228] : memref<2x50000x32xf32, #tpu.memory_space<hbm>> -> memref<1x50000x32xf32, #tpu.memory_space<hbm>>
      %dma_wait3A_230 = tpu.memref_squeeze %dma_wait3A_229 : memref<1x50000x32xf32, #tpu.memory_space<hbm>> -> memref<50000x32xf32, #tpu.memory_space<hbm>>
      %dma_wait3A_231 = arith.constant 0 : i32
      %dma_wait3A_232 = arith.constant 0 : i32
      %dma_wait3A_233 = tpu.memref_slice %dma_wait3A_230[%dma_wait3A_231, %dma_wait3A_232] : memref<50000x32xf32, #tpu.memory_space<hbm>> -> memref<50000x32xf32, #tpu.memory_space<hbm>>
      tpu.wait_indirect_dma semaphore(%arg13 : memref<!tpu.dma_semaphore, #tpu.memory_space<semaphore_mem>>) src(%dma_wait3A_233 : memref<50000x32xf32, #tpu.memory_space<hbm>>) dst(%dma_wait3A_223 : memref<128x32xf32, #tpu.memory_space<vmem>>)
      %dma_start3A_234 = arith.constant 7 : i32
      %dma_start3A_235 = arith.constant 384 : i32
      %dma_start3A_236 = arith.constant 0 : i32
      %dma_start3A_237 = tpu.memref_slice %arg7[%dma_start3A_235, %dma_start3A_236] : memref<512x32xf32, #tpu.memory_space<vmem>> -> memref<128x32xf32, #tpu.memory_space<vmem>>
      %dma_start3A_238 = arith.constant 0 : i32
      %dma_start3A_239 = tpu.memref_slice %arg6[%dma_start3A_234, %dma_start3A_238] : memref<16x128xi32, #tpu.memory_space<vmem>> -> memref<1x128xi32, #tpu.memory_space<vmem>>
      %dma_start3A_240 = tpu.memref_squeeze %dma_start3A_239 : memref<1x128xi32, #tpu.memory_space<vmem>> -> memref<128xi32, #tpu.memory_space<vmem>>
      %dma_start3A_241 = arith.constant 0 : i32
      %dma_start3A_242 = arith.constant 0 : i32
      %dma_start3A_243 = tpu.memref_slice %arg8[%dma_start3A_241, %dma_start3A_242] : memref<50176x32xf32, #tpu.memory_space<vmem_shared>> -> memref<50176x32xf32, #tpu.memory_space<vmem_shared>>
      tpu.enqueue_indirect_dma source(%dma_start3A_237 : memref<128x32xf32, #tpu.memory_space<vmem>>) target(%dma_start3A_243 : memref<50176x32xf32, #tpu.memory_space<vmem_shared>>) offsets(%dma_start3A_240 : memref<128xi32, #tpu.memory_space<vmem>>) semaphore(%arg17 : memref<!tpu.dma_semaphore, #tpu.memory_space<semaphore_mem>>) {add = true}
      %dma_wait3A_244 = arith.constant 7 : i32
      %dma_wait3A_245 = arith.constant 384 : i32
      %dma_wait3A_246 = arith.constant 0 : i32
      %dma_wait3A_247 = tpu.memref_slice %arg7[%dma_wait3A_245, %dma_wait3A_246] : memref<512x32xf32, #tpu.memory_space<vmem>> -> memref<128x32xf32, #tpu.memory_space<vmem>>
      %dma_wait3A_248 = arith.constant 0 : i32
      %dma_wait3A_249 = tpu.memref_slice %arg6[%dma_wait3A_244, %dma_wait3A_248] : memref<16x128xi32, #tpu.memory_space<vmem>> -> memref<1x128xi32, #tpu.memory_space<vmem>>
      %dma_wait3A_250 = tpu.memref_squeeze %dma_wait3A_249 : memref<1x128xi32, #tpu.memory_space<vmem>> -> memref<128xi32, #tpu.memory_space<vmem>>
      %dma_wait3A_251 = arith.constant 0 : i32
      %dma_wait3A_252 = arith.constant 0 : i32
      %dma_wait3A_253 = tpu.memref_slice %arg8[%dma_wait3A_251, %dma_wait3A_252] : memref<50176x32xf32, #tpu.memory_space<vmem_shared>> -> memref<50176x32xf32, #tpu.memory_space<vmem_shared>>
      tpu.wait_indirect_dma semaphore(%arg17 : memref<!tpu.dma_semaphore, #tpu.memory_space<semaphore_mem>>) src(%dma_wait3A_247 : memref<128x32xf32, #tpu.memory_space<vmem>>) dst(%dma_wait3A_253 : memref<50176x32xf32, #tpu.memory_space<vmem_shared>>)
      %dma_start3A_254 = arith.constant 14 : i32
      %dma_start3A_255 = arith.constant 384 : i32
      %dma_start3A_256 = arith.constant 0 : i32
      %dma_start3A_257 = tpu.memref_slice %arg7[%dma_start3A_255, %dma_start3A_256] : memref<512x32xf32, #tpu.memory_space<vmem>> -> memref<128x32xf32, #tpu.memory_space<vmem>>
      %dma_start3A_258 = arith.constant 0 : i32
      %dma_start3A_259 = tpu.memref_slice %arg6[%dma_start3A_254, %dma_start3A_258] : memref<16x128xi32, #tpu.memory_space<vmem>> -> memref<1x128xi32, #tpu.memory_space<vmem>>
      %dma_start3A_260 = tpu.memref_squeeze %dma_start3A_259 : memref<1x128xi32, #tpu.memory_space<vmem>> -> memref<128xi32, #tpu.memory_space<vmem>>
      %dma_start3A_261 = arith.constant 0 : i32
      %dma_start3A_262 = arith.constant 0 : i32
      %dma_start3A_263 = tpu.memref_slice %arg2[%arg0, %dma_start3A_261, %dma_start3A_262] : memref<2x50000x32xf32, #tpu.memory_space<hbm>> -> memref<1x50000x32xf32, #tpu.memory_space<hbm>>
      %dma_start3A_264 = tpu.memref_squeeze %dma_start3A_263 : memref<1x50000x32xf32, #tpu.memory_space<hbm>> -> memref<50000x32xf32, #tpu.memory_space<hbm>>
      %dma_start3A_265 = arith.constant 0 : i32
      %dma_start3A_266 = arith.constant 0 : i32
      %dma_start3A_267 = tpu.memref_slice %dma_start3A_264[%dma_start3A_265, %dma_start3A_266] : memref<50000x32xf32, #tpu.memory_space<hbm>> -> memref<50000x32xf32, #tpu.memory_space<hbm>>
      tpu.enqueue_indirect_dma source(%dma_start3A_267 : memref<50000x32xf32, #tpu.memory_space<hbm>>) target(%dma_start3A_257 : memref<128x32xf32, #tpu.memory_space<vmem>>) offsets(%dma_start3A_260 : memref<128xi32, #tpu.memory_space<vmem>>) semaphore(%arg13 : memref<!tpu.dma_semaphore, #tpu.memory_space<semaphore_mem>>)
      %dma_wait3A_268 = arith.constant 8 : i32
      %dma_wait3A_269 = arith.constant 0 : i32
      %dma_wait3A_270 = arith.constant 0 : i32
      %dma_wait3A_271 = tpu.memref_slice %arg7[%dma_wait3A_269, %dma_wait3A_270] : memref<512x32xf32, #tpu.memory_space<vmem>> -> memref<128x32xf32, #tpu.memory_space<vmem>>
      %dma_wait3A_272 = arith.constant 0 : i32
      %dma_wait3A_273 = tpu.memref_slice %arg6[%dma_wait3A_268, %dma_wait3A_272] : memref<16x128xi32, #tpu.memory_space<vmem>> -> memref<1x128xi32, #tpu.memory_space<vmem>>
      %dma_wait3A_274 = tpu.memref_squeeze %dma_wait3A_273 : memref<1x128xi32, #tpu.memory_space<vmem>> -> memref<128xi32, #tpu.memory_space<vmem>>
      %dma_wait3A_275 = arith.constant 0 : i32
      %dma_wait3A_276 = arith.constant 0 : i32
      %dma_wait3A_277 = tpu.memref_slice %arg2[%arg0, %dma_wait3A_275, %dma_wait3A_276] : memref<2x50000x32xf32, #tpu.memory_space<hbm>> -> memref<1x50000x32xf32, #tpu.memory_space<hbm>>
      %dma_wait3A_278 = tpu.memref_squeeze %dma_wait3A_277 : memref<1x50000x32xf32, #tpu.memory_space<hbm>> -> memref<50000x32xf32, #tpu.memory_space<hbm>>
      %dma_wait3A_279 = arith.constant 0 : i32
      %dma_wait3A_280 = arith.constant 0 : i32
      %dma_wait3A_281 = tpu.memref_slice %dma_wait3A_278[%dma_wait3A_279, %dma_wait3A_280] : memref<50000x32xf32, #tpu.memory_space<hbm>> -> memref<50000x32xf32, #tpu.memory_space<hbm>>
      tpu.wait_indirect_dma semaphore(%arg10 : memref<!tpu.dma_semaphore, #tpu.memory_space<semaphore_mem>>) src(%dma_wait3A_281 : memref<50000x32xf32, #tpu.memory_space<hbm>>) dst(%dma_wait3A_271 : memref<128x32xf32, #tpu.memory_space<vmem>>)
      %dma_start3A_282 = arith.constant 9 : i32
      %dma_start3A_283 = arith.constant 0 : i32
      %dma_start3A_284 = arith.constant 0 : i32
      %dma_start3A_285 = tpu.memref_slice %arg7[%dma_start3A_283, %dma_start3A_284] : memref<512x32xf32, #tpu.memory_space<vmem>> -> memref<128x32xf32, #tpu.memory_space<vmem>>
      %dma_start3A_286 = arith.constant 0 : i32
      %dma_start3A_287 = tpu.memref_slice %arg6[%dma_start3A_282, %dma_start3A_286] : memref<16x128xi32, #tpu.memory_space<vmem>> -> memref<1x128xi32, #tpu.memory_space<vmem>>
      %dma_start3A_288 = tpu.memref_squeeze %dma_start3A_287 : memref<1x128xi32, #tpu.memory_space<vmem>> -> memref<128xi32, #tpu.memory_space<vmem>>
      %dma_start3A_289 = arith.constant 0 : i32
      %dma_start3A_290 = arith.constant 0 : i32
      %dma_start3A_291 = tpu.memref_slice %arg8[%dma_start3A_289, %dma_start3A_290] : memref<50176x32xf32, #tpu.memory_space<vmem_shared>> -> memref<50176x32xf32, #tpu.memory_space<vmem_shared>>
      tpu.enqueue_indirect_dma source(%dma_start3A_285 : memref<128x32xf32, #tpu.memory_space<vmem>>) target(%dma_start3A_291 : memref<50176x32xf32, #tpu.memory_space<vmem_shared>>) offsets(%dma_start3A_288 : memref<128xi32, #tpu.memory_space<vmem>>) semaphore(%arg14 : memref<!tpu.dma_semaphore, #tpu.memory_space<semaphore_mem>>) {add = true}
      %dma_wait3A_292 = arith.constant 10 : i32
      %dma_wait3A_293 = arith.constant 128 : i32
      %dma_wait3A_294 = arith.constant 0 : i32
      %dma_wait3A_295 = tpu.memref_slice %arg7[%dma_wait3A_293, %dma_wait3A_294] : memref<512x32xf32, #tpu.memory_space<vmem>> -> memref<128x32xf32, #tpu.memory_space<vmem>>
      %dma_wait3A_296 = arith.constant 0 : i32
      %dma_wait3A_297 = tpu.memref_slice %arg6[%dma_wait3A_292, %dma_wait3A_296] : memref<16x128xi32, #tpu.memory_space<vmem>> -> memref<1x128xi32, #tpu.memory_space<vmem>>
      %dma_wait3A_298 = tpu.memref_squeeze %dma_wait3A_297 : memref<1x128xi32, #tpu.memory_space<vmem>> -> memref<128xi32, #tpu.memory_space<vmem>>
      %dma_wait3A_299 = arith.constant 0 : i32
      %dma_wait3A_300 = arith.constant 0 : i32
      %dma_wait3A_301 = tpu.memref_slice %arg2[%arg0, %dma_wait3A_299, %dma_wait3A_300] : memref<2x50000x32xf32, #tpu.memory_space<hbm>> -> memref<1x50000x32xf32, #tpu.memory_space<hbm>>
      %dma_wait3A_302 = tpu.memref_squeeze %dma_wait3A_301 : memref<1x50000x32xf32, #tpu.memory_space<hbm>> -> memref<50000x32xf32, #tpu.memory_space<hbm>>
      %dma_wait3A_303 = arith.constant 0 : i32
      %dma_wait3A_304 = arith.constant 0 : i32
      %dma_wait3A_305 = tpu.memref_slice %dma_wait3A_302[%dma_wait3A_303, %dma_wait3A_304] : memref<50000x32xf32, #tpu.memory_space<hbm>> -> memref<50000x32xf32, #tpu.memory_space<hbm>>
      tpu.wait_indirect_dma semaphore(%arg11 : memref<!tpu.dma_semaphore, #tpu.memory_space<semaphore_mem>>) src(%dma_wait3A_305 : memref<50000x32xf32, #tpu.memory_space<hbm>>) dst(%dma_wait3A_295 : memref<128x32xf32, #tpu.memory_space<vmem>>)
      %dma_start3A_306 = arith.constant 11 : i32
      %dma_start3A_307 = arith.constant 128 : i32
      %dma_start3A_308 = arith.constant 0 : i32
      %dma_start3A_309 = tpu.memref_slice %arg7[%dma_start3A_307, %dma_start3A_308] : memref<512x32xf32, #tpu.memory_space<vmem>> -> memref<128x32xf32, #tpu.memory_space<vmem>>
      %dma_start3A_310 = arith.constant 0 : i32
      %dma_start3A_311 = tpu.memref_slice %arg6[%dma_start3A_306, %dma_start3A_310] : memref<16x128xi32, #tpu.memory_space<vmem>> -> memref<1x128xi32, #tpu.memory_space<vmem>>
      %dma_start3A_312 = tpu.memref_squeeze %dma_start3A_311 : memref<1x128xi32, #tpu.memory_space<vmem>> -> memref<128xi32, #tpu.memory_space<vmem>>
      %dma_start3A_313 = arith.constant 0 : i32
      %dma_start3A_314 = arith.constant 0 : i32
      %dma_start3A_315 = tpu.memref_slice %arg8[%dma_start3A_313, %dma_start3A_314] : memref<50176x32xf32, #tpu.memory_space<vmem_shared>> -> memref<50176x32xf32, #tpu.memory_space<vmem_shared>>
      tpu.enqueue_indirect_dma source(%dma_start3A_309 : memref<128x32xf32, #tpu.memory_space<vmem>>) target(%dma_start3A_315 : memref<50176x32xf32, #tpu.memory_space<vmem_shared>>) offsets(%dma_start3A_312 : memref<128xi32, #tpu.memory_space<vmem>>) semaphore(%arg15 : memref<!tpu.dma_semaphore, #tpu.memory_space<semaphore_mem>>) {add = true}
      %dma_wait3A_316 = arith.constant 12 : i32
      %dma_wait3A_317 = arith.constant 256 : i32
      %dma_wait3A_318 = arith.constant 0 : i32
      %dma_wait3A_319 = tpu.memref_slice %arg7[%dma_wait3A_317, %dma_wait3A_318] : memref<512x32xf32, #tpu.memory_space<vmem>> -> memref<128x32xf32, #tpu.memory_space<vmem>>
      %dma_wait3A_320 = arith.constant 0 : i32
      %dma_wait3A_321 = tpu.memref_slice %arg6[%dma_wait3A_316, %dma_wait3A_320] : memref<16x128xi32, #tpu.memory_space<vmem>> -> memref<1x128xi32, #tpu.memory_space<vmem>>
      %dma_wait3A_322 = tpu.memref_squeeze %dma_wait3A_321 : memref<1x128xi32, #tpu.memory_space<vmem>> -> memref<128xi32, #tpu.memory_space<vmem>>
      %dma_wait3A_323 = arith.constant 0 : i32
      %dma_wait3A_324 = arith.constant 0 : i32
      %dma_wait3A_325 = tpu.memref_slice %arg2[%arg0, %dma_wait3A_323, %dma_wait3A_324] : memref<2x50000x32xf32, #tpu.memory_space<hbm>> -> memref<1x50000x32xf32, #tpu.memory_space<hbm>>
      %dma_wait3A_326 = tpu.memref_squeeze %dma_wait3A_325 : memref<1x50000x32xf32, #tpu.memory_space<hbm>> -> memref<50000x32xf32, #tpu.memory_space<hbm>>
      %dma_wait3A_327 = arith.constant 0 : i32
      %dma_wait3A_328 = arith.constant 0 : i32
      %dma_wait3A_329 = tpu.memref_slice %dma_wait3A_326[%dma_wait3A_327, %dma_wait3A_328] : memref<50000x32xf32, #tpu.memory_space<hbm>> -> memref<50000x32xf32, #tpu.memory_space<hbm>>
      tpu.wait_indirect_dma semaphore(%arg12 : memref<!tpu.dma_semaphore, #tpu.memory_space<semaphore_mem>>) src(%dma_wait3A_329 : memref<50000x32xf32, #tpu.memory_space<hbm>>) dst(%dma_wait3A_319 : memref<128x32xf32, #tpu.memory_space<vmem>>)
      %dma_start3A_330 = arith.constant 13 : i32
      %dma_start3A_331 = arith.constant 256 : i32
      %dma_start3A_332 = arith.constant 0 : i32
      %dma_start3A_333 = tpu.memref_slice %arg7[%dma_start3A_331, %dma_start3A_332] : memref<512x32xf32, #tpu.memory_space<vmem>> -> memref<128x32xf32, #tpu.memory_space<vmem>>
      %dma_start3A_334 = arith.constant 0 : i32
      %dma_start3A_335 = tpu.memref_slice %arg6[%dma_start3A_330, %dma_start3A_334] : memref<16x128xi32, #tpu.memory_space<vmem>> -> memref<1x128xi32, #tpu.memory_space<vmem>>
      %dma_start3A_336 = tpu.memref_squeeze %dma_start3A_335 : memref<1x128xi32, #tpu.memory_space<vmem>> -> memref<128xi32, #tpu.memory_space<vmem>>
      %dma_start3A_337 = arith.constant 0 : i32
      %dma_start3A_338 = arith.constant 0 : i32
      %dma_start3A_339 = tpu.memref_slice %arg8[%dma_start3A_337, %dma_start3A_338] : memref<50176x32xf32, #tpu.memory_space<vmem_shared>> -> memref<50176x32xf32, #tpu.memory_space<vmem_shared>>
      tpu.enqueue_indirect_dma source(%dma_start3A_333 : memref<128x32xf32, #tpu.memory_space<vmem>>) target(%dma_start3A_339 : memref<50176x32xf32, #tpu.memory_space<vmem_shared>>) offsets(%dma_start3A_336 : memref<128xi32, #tpu.memory_space<vmem>>) semaphore(%arg16 : memref<!tpu.dma_semaphore, #tpu.memory_space<semaphore_mem>>) {add = true}
      %dma_wait3A_340 = arith.constant 14 : i32
      %dma_wait3A_341 = arith.constant 384 : i32
      %dma_wait3A_342 = arith.constant 0 : i32
      %dma_wait3A_343 = tpu.memref_slice %arg7[%dma_wait3A_341, %dma_wait3A_342] : memref<512x32xf32, #tpu.memory_space<vmem>> -> memref<128x32xf32, #tpu.memory_space<vmem>>
      %dma_wait3A_344 = arith.constant 0 : i32
      %dma_wait3A_345 = tpu.memref_slice %arg6[%dma_wait3A_340, %dma_wait3A_344] : memref<16x128xi32, #tpu.memory_space<vmem>> -> memref<1x128xi32, #tpu.memory_space<vmem>>
      %dma_wait3A_346 = tpu.memref_squeeze %dma_wait3A_345 : memref<1x128xi32, #tpu.memory_space<vmem>> -> memref<128xi32, #tpu.memory_space<vmem>>
      %dma_wait3A_347 = arith.constant 0 : i32
      %dma_wait3A_348 = arith.constant 0 : i32
      %dma_wait3A_349 = tpu.memref_slice %arg2[%arg0, %dma_wait3A_347, %dma_wait3A_348] : memref<2x50000x32xf32, #tpu.memory_space<hbm>> -> memref<1x50000x32xf32, #tpu.memory_space<hbm>>
      %dma_wait3A_350 = tpu.memref_squeeze %dma_wait3A_349 : memref<1x50000x32xf32, #tpu.memory_space<hbm>> -> memref<50000x32xf32, #tpu.memory_space<hbm>>
      %dma_wait3A_351 = arith.constant 0 : i32
      %dma_wait3A_352 = arith.constant 0 : i32
      %dma_wait3A_353 = tpu.memref_slice %dma_wait3A_350[%dma_wait3A_351, %dma_wait3A_352] : memref<50000x32xf32, #tpu.memory_space<hbm>> -> memref<50000x32xf32, #tpu.memory_space<hbm>>
      tpu.wait_indirect_dma semaphore(%arg13 : memref<!tpu.dma_semaphore, #tpu.memory_space<semaphore_mem>>) src(%dma_wait3A_353 : memref<50000x32xf32, #tpu.memory_space<hbm>>) dst(%dma_wait3A_343 : memref<128x32xf32, #tpu.memory_space<vmem>>)
      %dma_start3A_354 = arith.constant 15 : i32
      %dma_start3A_355 = arith.constant 384 : i32
      %dma_start3A_356 = arith.constant 0 : i32
      %dma_start3A_357 = tpu.memref_slice %arg7[%dma_start3A_355, %dma_start3A_356] : memref<512x32xf32, #tpu.memory_space<vmem>> -> memref<128x32xf32, #tpu.memory_space<vmem>>
      %dma_start3A_358 = arith.constant 0 : i32
      %dma_start3A_359 = tpu.memref_slice %arg6[%dma_start3A_354, %dma_start3A_358] : memref<16x128xi32, #tpu.memory_space<vmem>> -> memref<1x128xi32, #tpu.memory_space<vmem>>
      %dma_start3A_360 = tpu.memref_squeeze %dma_start3A_359 : memref<1x128xi32, #tpu.memory_space<vmem>> -> memref<128xi32, #tpu.memory_space<vmem>>
      %dma_start3A_361 = arith.constant 0 : i32
      %dma_start3A_362 = arith.constant 0 : i32
      %dma_start3A_363 = tpu.memref_slice %arg8[%dma_start3A_361, %dma_start3A_362] : memref<50176x32xf32, #tpu.memory_space<vmem_shared>> -> memref<50176x32xf32, #tpu.memory_space<vmem_shared>>
      tpu.enqueue_indirect_dma source(%dma_start3A_357 : memref<128x32xf32, #tpu.memory_space<vmem>>) target(%dma_start3A_363 : memref<50176x32xf32, #tpu.memory_space<vmem_shared>>) offsets(%dma_start3A_360 : memref<128xi32, #tpu.memory_space<vmem>>) semaphore(%arg17 : memref<!tpu.dma_semaphore, #tpu.memory_space<semaphore_mem>>) {add = true}
      %dma_wait3A_364 = arith.constant 9 : i32
      %dma_wait3A_365 = arith.constant 0 : i32
      %dma_wait3A_366 = arith.constant 0 : i32
      %dma_wait3A_367 = tpu.memref_slice %arg7[%dma_wait3A_365, %dma_wait3A_366] : memref<512x32xf32, #tpu.memory_space<vmem>> -> memref<128x32xf32, #tpu.memory_space<vmem>>
      %dma_wait3A_368 = arith.constant 0 : i32
      %dma_wait3A_369 = tpu.memref_slice %arg6[%dma_wait3A_364, %dma_wait3A_368] : memref<16x128xi32, #tpu.memory_space<vmem>> -> memref<1x128xi32, #tpu.memory_space<vmem>>
      %dma_wait3A_370 = tpu.memref_squeeze %dma_wait3A_369 : memref<1x128xi32, #tpu.memory_space<vmem>> -> memref<128xi32, #tpu.memory_space<vmem>>
      %dma_wait3A_371 = arith.constant 0 : i32
      %dma_wait3A_372 = arith.constant 0 : i32
      %dma_wait3A_373 = tpu.memref_slice %arg8[%dma_wait3A_371, %dma_wait3A_372] : memref<50176x32xf32, #tpu.memory_space<vmem_shared>> -> memref<50176x32xf32, #tpu.memory_space<vmem_shared>>
      tpu.wait_indirect_dma semaphore(%arg14 : memref<!tpu.dma_semaphore, #tpu.memory_space<semaphore_mem>>) src(%dma_wait3A_367 : memref<128x32xf32, #tpu.memory_space<vmem>>) dst(%dma_wait3A_373 : memref<50176x32xf32, #tpu.memory_space<vmem_shared>>)
      %dma_wait3A_374 = arith.constant 11 : i32
      %dma_wait3A_375 = arith.constant 128 : i32
      %dma_wait3A_376 = arith.constant 0 : i32
      %dma_wait3A_377 = tpu.memref_slice %arg7[%dma_wait3A_375, %dma_wait3A_376] : memref<512x32xf32, #tpu.memory_space<vmem>> -> memref<128x32xf32, #tpu.memory_space<vmem>>
      %dma_wait3A_378 = arith.constant 0 : i32
      %dma_wait3A_379 = tpu.memref_slice %arg6[%dma_wait3A_374, %dma_wait3A_378] : memref<16x128xi32, #tpu.memory_space<vmem>> -> memref<1x128xi32, #tpu.memory_space<vmem>>
      %dma_wait3A_380 = tpu.memref_squeeze %dma_wait3A_379 : memref<1x128xi32, #tpu.memory_space<vmem>> -> memref<128xi32, #tpu.memory_space<vmem>>
      %dma_wait3A_381 = arith.constant 0 : i32
      %dma_wait3A_382 = arith.constant 0 : i32
      %dma_wait3A_383 = tpu.memref_slice %arg8[%dma_wait3A_381, %dma_wait3A_382] : memref<50176x32xf32, #tpu.memory_space<vmem_shared>> -> memref<50176x32xf32, #tpu.memory_space<vmem_shared>>
      tpu.wait_indirect_dma semaphore(%arg15 : memref<!tpu.dma_semaphore, #tpu.memory_space<semaphore_mem>>) src(%dma_wait3A_377 : memref<128x32xf32, #tpu.memory_space<vmem>>) dst(%dma_wait3A_383 : memref<50176x32xf32, #tpu.memory_space<vmem_shared>>)
      %dma_wait3A_384 = arith.constant 13 : i32
      %dma_wait3A_385 = arith.constant 256 : i32
      %dma_wait3A_386 = arith.constant 0 : i32
      %dma_wait3A_387 = tpu.memref_slice %arg7[%dma_wait3A_385, %dma_wait3A_386] : memref<512x32xf32, #tpu.memory_space<vmem>> -> memref<128x32xf32, #tpu.memory_space<vmem>>
      %dma_wait3A_388 = arith.constant 0 : i32
      %dma_wait3A_389 = tpu.memref_slice %arg6[%dma_wait3A_384, %dma_wait3A_388] : memref<16x128xi32, #tpu.memory_space<vmem>> -> memref<1x128xi32, #tpu.memory_space<vmem>>
      %dma_wait3A_390 = tpu.memref_squeeze %dma_wait3A_389 : memref<1x128xi32, #tpu.memory_space<vmem>> -> memref<128xi32, #tpu.memory_space<vmem>>
      %dma_wait3A_391 = arith.constant 0 : i32
      %dma_wait3A_392 = arith.constant 0 : i32
      %dma_wait3A_393 = tpu.memref_slice %arg8[%dma_wait3A_391, %dma_wait3A_392] : memref<50176x32xf32, #tpu.memory_space<vmem_shared>> -> memref<50176x32xf32, #tpu.memory_space<vmem_shared>>
      tpu.wait_indirect_dma semaphore(%arg16 : memref<!tpu.dma_semaphore, #tpu.memory_space<semaphore_mem>>) src(%dma_wait3A_387 : memref<128x32xf32, #tpu.memory_space<vmem>>) dst(%dma_wait3A_393 : memref<50176x32xf32, #tpu.memory_space<vmem_shared>>)
      %dma_wait3A_394 = arith.constant 15 : i32
      %dma_wait3A_395 = arith.constant 384 : i32
      %dma_wait3A_396 = arith.constant 0 : i32
      %dma_wait3A_397 = tpu.memref_slice %arg7[%dma_wait3A_395, %dma_wait3A_396] : memref<512x32xf32, #tpu.memory_space<vmem>> -> memref<128x32xf32, #tpu.memory_space<vmem>>
      %dma_wait3A_398 = arith.constant 0 : i32
      %dma_wait3A_399 = tpu.memref_slice %arg6[%dma_wait3A_394, %dma_wait3A_398] : memref<16x128xi32, #tpu.memory_space<vmem>> -> memref<1x128xi32, #tpu.memory_space<vmem>>
      %dma_wait3A_400 = tpu.memref_squeeze %dma_wait3A_399 : memref<1x128xi32, #tpu.memory_space<vmem>> -> memref<128xi32, #tpu.memory_space<vmem>>
      %dma_wait3A_401 = arith.constant 0 : i32
      %dma_wait3A_402 = arith.constant 0 : i32
      %dma_wait3A_403 = tpu.memref_slice %arg8[%dma_wait3A_401, %dma_wait3A_402] : memref<50176x32xf32, #tpu.memory_space<vmem_shared>> -> memref<50176x32xf32, #tpu.memory_space<vmem_shared>>
      tpu.wait_indirect_dma semaphore(%arg17 : memref<!tpu.dma_semaphore, #tpu.memory_space<semaphore_mem>>) src(%dma_wait3A_397 : memref<128x32xf32, #tpu.memory_space<vmem>>) dst(%dma_wait3A_403 : memref<50176x32xf32, #tpu.memory_space<vmem_shared>>)
    }
    %scan3A_9 = arith.constant 49 : i32
    %barrier3A_10 = arith.constant 0 : index
    tpu.barrier barrier_id(%barrier3A_10)
    %lt3A = arith.constant 15 : i32
    %lt3A_11 = arith.cmpi slt, %arg1, %lt3A : i32
    %convert_element_type3A = arith.extui %lt3A_11 : i1 to i32
    %cond3A = arith.constant 0 : i32
    %cond3A_12 = arith.cmpi ne, %convert_element_type3A, %cond3A : i32
    scf.if %cond3A_12 {
      %mul3A_17 = arith.constant 3128 : i32
      %mul3A_18 = arith.muli %arg1, %mul3A_17 : i32
      %mul3A_19 = arith.constant 3128 : i32
      %mul3A_20 = arith.muli %arg1, %mul3A_19 : i32
      %dma_start3A_21 = arith.constant 0 : i32
      %dma_start3A_22 = arith.constant 0 : i32
      %dma_start3A_23 = tpu.memref_slice %arg5[%arg0, %dma_start3A_21, %dma_start3A_22] : memref<2x50000x32xf32, #tpu.memory_space<hbm>> -> memref<1x50000x32xf32, #tpu.memory_space<hbm>>
      %dma_start3A_24 = tpu.memref_squeeze %dma_start3A_23 : memref<1x50000x32xf32, #tpu.memory_space<hbm>> -> memref<50000x32xf32, #tpu.memory_space<hbm>>
      %dma_start3A_25 = arith.constant 0 : i32
      %dma_start3A_26 = tpu.memref_slice %dma_start3A_24[%mul3A_20, %dma_start3A_25] : memref<50000x32xf32, #tpu.memory_space<hbm>> -> memref<3128x32xf32, #tpu.memory_space<hbm>>
      %dma_start3A_27 = arith.constant 0 : i32
      %dma_start3A_28 = tpu.memref_slice %arg8[%mul3A_18, %dma_start3A_27] : memref<50176x32xf32, #tpu.memory_space<vmem_shared>> -> memref<3128x32xf32, #tpu.memory_space<vmem_shared>>
      tpu.enqueue_dma source(%dma_start3A_28 : memref<3128x32xf32, #tpu.memory_space<vmem_shared>>) target(%dma_start3A_26 : memref<3128x32xf32, #tpu.memory_space<hbm>>) target_semaphore(%arg9 : memref<!tpu.dma_semaphore, #tpu.memory_space<semaphore_mem>>)
      %dma_wait3A_29 = arith.constant 0 : i32
      %dma_wait3A_30 = arith.constant 0 : i32
      %dma_wait3A_31 = tpu.memref_slice %arg5[%arg0, %dma_wait3A_29, %dma_wait3A_30] : memref<2x50000x32xf32, #tpu.memory_space<hbm>> -> memref<1x50000x32xf32, #tpu.memory_space<hbm>>
      %dma_wait3A_32 = tpu.memref_squeeze %dma_wait3A_31 : memref<1x50000x32xf32, #tpu.memory_space<hbm>> -> memref<50000x32xf32, #tpu.memory_space<hbm>>
      %dma_wait3A_33 = arith.constant 0 : i32
      %dma_wait3A_34 = tpu.memref_slice %dma_wait3A_32[%mul3A_20, %dma_wait3A_33] : memref<50000x32xf32, #tpu.memory_space<hbm>> -> memref<3128x32xf32, #tpu.memory_space<hbm>>
      %dma_wait3A_35 = arith.constant 0 : i32
      %dma_wait3A_36 = tpu.memref_slice %arg8[%mul3A_18, %dma_wait3A_35] : memref<50176x32xf32, #tpu.memory_space<vmem_shared>> -> memref<3128x32xf32, #tpu.memory_space<vmem_shared>>
      tpu.wait_dma2 semaphore(%arg9 : memref<!tpu.dma_semaphore, #tpu.memory_space<semaphore_mem>>) src(%dma_wait3A_36 : memref<3128x32xf32, #tpu.memory_space<vmem_shared>>) dst(%dma_wait3A_34 : memref<3128x32xf32, #tpu.memory_space<hbm>>)
    } else {
    }
    %eq3A = arith.constant 15 : i32
    %eq3A_13 = arith.cmpi eq, %arg1, %eq3A : i32
    %convert_element_type3A_14 = arith.extui %eq3A_13 : i1 to i32
    %cond3A_15 = arith.constant 0 : i32
    %cond3A_16 = arith.cmpi ne, %convert_element_type3A_14, %cond3A_15 : i32
    scf.if %cond3A_16 {
      %dma_start3A_17 = arith.constant 0 : i32
      %dma_start3A_18 = arith.constant 0 : i32
      %dma_start3A_19 = tpu.memref_slice %arg5[%arg0, %dma_start3A_17, %dma_start3A_18] : memref<2x50000x32xf32, #tpu.memory_space<hbm>> -> memref<1x50000x32xf32, #tpu.memory_space<hbm>>
      %dma_start3A_20 = tpu.memref_squeeze %dma_start3A_19 : memref<1x50000x32xf32, #tpu.memory_space<hbm>> -> memref<50000x32xf32, #tpu.memory_space<hbm>>
      %dma_start3A_21 = arith.constant 46920 : i32
      %dma_start3A_22 = arith.constant 0 : i32
      %dma_start3A_23 = tpu.memref_slice %dma_start3A_20[%dma_start3A_21, %dma_start3A_22] : memref<50000x32xf32, #tpu.memory_space<hbm>> -> memref<3080x32xf32, #tpu.memory_space<hbm>>
      %dma_start3A_24 = arith.constant 46920 : i32
      %dma_start3A_25 = arith.constant 0 : i32
      %dma_start3A_26 = tpu.memref_slice %arg8[%dma_start3A_24, %dma_start3A_25] : memref<50176x32xf32, #tpu.memory_space<vmem_shared>> -> memref<3080x32xf32, #tpu.memory_space<vmem_shared>>
      tpu.enqueue_dma source(%dma_start3A_26 : memref<3080x32xf32, #tpu.memory_space<vmem_shared>>) target(%dma_start3A_23 : memref<3080x32xf32, #tpu.memory_space<hbm>>) target_semaphore(%arg9 : memref<!tpu.dma_semaphore, #tpu.memory_space<semaphore_mem>>)
      %dma_wait3A_27 = arith.constant 0 : i32
      %dma_wait3A_28 = arith.constant 0 : i32
      %dma_wait3A_29 = tpu.memref_slice %arg5[%arg0, %dma_wait3A_27, %dma_wait3A_28] : memref<2x50000x32xf32, #tpu.memory_space<hbm>> -> memref<1x50000x32xf32, #tpu.memory_space<hbm>>
      %dma_wait3A_30 = tpu.memref_squeeze %dma_wait3A_29 : memref<1x50000x32xf32, #tpu.memory_space<hbm>> -> memref<50000x32xf32, #tpu.memory_space<hbm>>
      %dma_wait3A_31 = arith.constant 46920 : i32
      %dma_wait3A_32 = arith.constant 0 : i32
      %dma_wait3A_33 = tpu.memref_slice %dma_wait3A_30[%dma_wait3A_31, %dma_wait3A_32] : memref<50000x32xf32, #tpu.memory_space<hbm>> -> memref<3080x32xf32, #tpu.memory_space<hbm>>
      %dma_wait3A_34 = arith.constant 46920 : i32
      %dma_wait3A_35 = arith.constant 0 : i32
      %dma_wait3A_36 = tpu.memref_slice %arg8[%dma_wait3A_34, %dma_wait3A_35] : memref<50176x32xf32, #tpu.memory_space<vmem_shared>> -> memref<3080x32xf32, #tpu.memory_space<vmem_shared>>
      tpu.wait_dma2 semaphore(%arg9 : memref<!tpu.dma_semaphore, #tpu.memory_space<semaphore_mem>>) src(%dma_wait3A_36 : memref<3080x32xf32, #tpu.memory_space<vmem_shared>>) dst(%dma_wait3A_33 : memref<3080x32xf32, #tpu.memory_space<hbm>>)
    } else {
    }
    return
  }
}

#map = affine_map<(d0, d1) -> (0, 0, 0)>
#map1 = affine_map<(d0, d1) -> (0, 0)>
module attributes {stable_mosaic.version = 14 : i64} {
  func.func @_sc_aggregate_body(%arg0: i32, %arg1: i32, %arg2: memref<2x50000x32xf32, #tpu.memory_space<hbm>>, %arg3: memref<12544x128xi32, #tpu.memory_space<hbm>>, %arg4: memref<3136x32xf32, #tpu.memory_space<hbm>>, %arg5: memref<2x50000x32xf32, #tpu.memory_space<hbm>>, %arg6: memref<16x128xi32, #tpu.memory_space<vmem>>, %arg7: memref<512x32xf32, #tpu.memory_space<vmem>>, %arg8: memref<50176x32xf32, #tpu.memory_space<vmem_shared>>, %arg9: memref<!tpu.dma_semaphore, #tpu.memory_space<semaphore_mem>>, %arg10: memref<!tpu.dma_semaphore, #tpu.memory_space<semaphore_mem>>, %arg11: memref<!tpu.dma_semaphore, #tpu.memory_space<semaphore_mem>>, %arg12: memref<!tpu.dma_semaphore, #tpu.memory_space<semaphore_mem>>, %arg13: memref<!tpu.dma_semaphore, #tpu.memory_space<semaphore_mem>>, %arg14: memref<!tpu.dma_semaphore, #tpu.memory_space<semaphore_mem>>, %arg15: memref<!tpu.dma_semaphore, #tpu.memory_space<semaphore_mem>>, %arg16: memref<!tpu.dma_semaphore, #tpu.memory_space<semaphore_mem>>, %arg17: memref<!tpu.dma_semaphore, #tpu.memory_space<semaphore_mem>>) attributes {dimension_semantics = [#tpu.dimension_semantics<core_parallel>, #tpu.dimension_semantics<subcore_parallel>], iteration_bounds = array<i64: 2, 16>, scalar_prefetch = 0 : i64, scratch_operands = 12 : i64, tpu.core_type = #tpu.core_type<sc_vector_subcore>, window_params = [{transform_indices = #map}, {transform_indices = #map1}, {transform_indices = #map1}, {transform_indices = #map}]} {
    %mul3A = arith.constant 3136 : i32
    %mul3A_0 = arith.muli %arg1, %mul3A : i32
    %dma_start3A = arith.constant 0 : i32
    %dma_start3A_1 = tpu.memref_slice %arg8[%mul3A_0, %dma_start3A] : memref<50176x32xf32, #tpu.memory_space<vmem_shared>> -> memref<3136x32xf32, #tpu.memory_space<vmem_shared>>
    tpu.enqueue_dma source(%arg4 : memref<3136x32xf32, #tpu.memory_space<hbm>>) target(%dma_start3A_1 : memref<3136x32xf32, #tpu.memory_space<vmem_shared>>) target_semaphore(%arg9 : memref<!tpu.dma_semaphore, #tpu.memory_space<semaphore_mem>>)
    %dma_wait3A = arith.constant 0 : i32
    %dma_wait3A_2 = tpu.memref_slice %arg8[%mul3A_0, %dma_wait3A] : memref<50176x32xf32, #tpu.memory_space<vmem_shared>> -> memref<3136x32xf32, #tpu.memory_space<vmem_shared>>
    tpu.wait_dma2 semaphore(%arg9 : memref<!tpu.dma_semaphore, #tpu.memory_space<semaphore_mem>>) src(%arg4 : memref<3136x32xf32, #tpu.memory_space<hbm>>) dst(%dma_wait3A_2 : memref<3136x32xf32, #tpu.memory_space<vmem_shared>>)
    %barrier3A = arith.constant 0 : index
    tpu.barrier barrier_id(%barrier3A)
    %mul3A_3 = arith.constant 784 : i32
    %mul3A_4 = arith.muli %arg1, %mul3A_3 : i32
    %scan3A = arith.constant 0 : i32
    %scan3A_5 = arith.constant 0 : i32
    %scan3A_6 = arith.constant 49 : i32
    %scan3A_7 = arith.addi %scan3A_5, %scan3A_6 : i32
    %scan3A_8 = arith.constant 1 : i32
    scf.for %scan3A_17 = %scan3A_5 to %scan3A_7 step %scan3A_8  : i32 {
      %mul3A_18 = arith.constant 16 : i32
      %mul3A_19 = arith.muli %mul3A_18, %scan3A_17 : i32
      %add3A = arith.addi %mul3A_4, %mul3A_19 : i32
      "tpu.region"() ({
        %run_scoped3A = tpu.sem_alloc : memref<!tpu.dma_semaphore, #tpu.memory_space<semaphore_mem>>
        %dma_start3A_404 = arith.constant 0 : i32
        %dma_start3A_405 = tpu.memref_slice %arg3[%add3A, %dma_start3A_404] : memref<12544x128xi32, #tpu.memory_space<hbm>> -> memref<16x128xi32, #tpu.memory_space<hbm>>
        %dma_start3A_406 = arith.constant 0 : i32
        %dma_start3A_407 = tpu.memref_slice %arg3[%add3A, %dma_start3A_406] : memref<12544x128xi32, #tpu.memory_space<hbm>> -> memref<16x128xi32, #tpu.memory_space<hbm>>
        tpu.enqueue_dma source(%dma_start3A_407 : memref<16x128xi32, #tpu.memory_space<hbm>>) target(%arg6 : memref<16x128xi32, #tpu.memory_space<vmem>>) target_semaphore(%run_scoped3A : memref<!tpu.dma_semaphore, #tpu.memory_space<semaphore_mem>>)
        %dma_wait3A_408 = arith.constant 0 : i32
        %dma_wait3A_409 = tpu.memref_slice %arg3[%add3A, %dma_wait3A_408] : memref<12544x128xi32, #tpu.memory_space<hbm>> -> memref<16x128xi32, #tpu.memory_space<hbm>>
        %dma_wait3A_410 = arith.constant 0 : i32
        %dma_wait3A_411 = tpu.memref_slice %arg3[%add3A, %dma_wait3A_410] : memref<12544x128xi32, #tpu.memory_space<hbm>> -> memref<16x128xi32, #tpu.memory_space<hbm>>
        tpu.wait_dma2 semaphore(%run_scoped3A : memref<!tpu.dma_semaphore, #tpu.memory_space<semaphore_mem>>) src(%dma_wait3A_411 : memref<16x128xi32, #tpu.memory_space<hbm>>) dst(%arg6 : memref<16x128xi32, #tpu.memory_space<vmem>>)
        tpu.yield
      }) : () -> ()
      %dma_start3A_20 = arith.constant 0 : i32
      %dma_start3A_21 = arith.constant 0 : i32
      %dma_start3A_22 = arith.constant 0 : i32
      %dma_start3A_23 = tpu.memref_slice %arg7[%dma_start3A_21, %dma_start3A_22] : memref<512x32xf32, #tpu.memory_space<vmem>> -> memref<128x32xf32, #tpu.memory_space<vmem>>
      %dma_start3A_24 = arith.constant 0 : i32
      %dma_start3A_25 = tpu.memref_slice %arg6[%dma_start3A_20, %dma_start3A_24] : memref<16x128xi32, #tpu.memory_space<vmem>> -> memref<1x128xi32, #tpu.memory_space<vmem>>
      %dma_start3A_26 = tpu.memref_squeeze %dma_start3A_25 : memref<1x128xi32, #tpu.memory_space<vmem>> -> memref<128xi32, #tpu.memory_space<vmem>>
      %dma_start3A_27 = arith.constant 0 : i32
      %dma_start3A_28 = arith.constant 0 : i32
      %dma_start3A_29 = tpu.memref_slice %arg2[%arg0, %dma_start3A_27, %dma_start3A_28] : memref<2x50000x32xf32, #tpu.memory_space<hbm>> -> memref<1x50000x32xf32, #tpu.memory_space<hbm>>
      %dma_start3A_30 = tpu.memref_squeeze %dma_start3A_29 : memref<1x50000x32xf32, #tpu.memory_space<hbm>> -> memref<50000x32xf32, #tpu.memory_space<hbm>>
      %dma_start3A_31 = arith.constant 0 : i32
      %dma_start3A_32 = arith.constant 0 : i32
      %dma_start3A_33 = tpu.memref_slice %dma_start3A_30[%dma_start3A_31, %dma_start3A_32] : memref<50000x32xf32, #tpu.memory_space<hbm>> -> memref<50000x32xf32, #tpu.memory_space<hbm>>
      tpu.enqueue_indirect_dma source(%dma_start3A_33 : memref<50000x32xf32, #tpu.memory_space<hbm>>) target(%dma_start3A_23 : memref<128x32xf32, #tpu.memory_space<vmem>>) offsets(%dma_start3A_26 : memref<128xi32, #tpu.memory_space<vmem>>) semaphore(%arg10 : memref<!tpu.dma_semaphore, #tpu.memory_space<semaphore_mem>>)
      %dma_start3A_34 = arith.constant 2 : i32
      %dma_start3A_35 = arith.constant 128 : i32
      %dma_start3A_36 = arith.constant 0 : i32
      %dma_start3A_37 = tpu.memref_slice %arg7[%dma_start3A_35, %dma_start3A_36] : memref<512x32xf32, #tpu.memory_space<vmem>> -> memref<128x32xf32, #tpu.memory_space<vmem>>
      %dma_start3A_38 = arith.constant 0 : i32
      %dma_start3A_39 = tpu.memref_slice %arg6[%dma_start3A_34, %dma_start3A_38] : memref<16x128xi32, #tpu.memory_space<vmem>> -> memref<1x128xi32, #tpu.memory_space<vmem>>
      %dma_start3A_40 = tpu.memref_squeeze %dma_start3A_39 : memref<1x128xi32, #tpu.memory_space<vmem>> -> memref<128xi32, #tpu.memory_space<vmem>>
      %dma_start3A_41 = arith.constant 0 : i32
      %dma_start3A_42 = arith.constant 0 : i32
      %dma_start3A_43 = tpu.memref_slice %arg2[%arg0, %dma_start3A_41, %dma_start3A_42] : memref<2x50000x32xf32, #tpu.memory_space<hbm>> -> memref<1x50000x32xf32, #tpu.memory_space<hbm>>
      %dma_start3A_44 = tpu.memref_squeeze %dma_start3A_43 : memref<1x50000x32xf32, #tpu.memory_space<hbm>> -> memref<50000x32xf32, #tpu.memory_space<hbm>>
      %dma_start3A_45 = arith.constant 0 : i32
      %dma_start3A_46 = arith.constant 0 : i32
      %dma_start3A_47 = tpu.memref_slice %dma_start3A_44[%dma_start3A_45, %dma_start3A_46] : memref<50000x32xf32, #tpu.memory_space<hbm>> -> memref<50000x32xf32, #tpu.memory_space<hbm>>
      tpu.enqueue_indirect_dma source(%dma_start3A_47 : memref<50000x32xf32, #tpu.memory_space<hbm>>) target(%dma_start3A_37 : memref<128x32xf32, #tpu.memory_space<vmem>>) offsets(%dma_start3A_40 : memref<128xi32, #tpu.memory_space<vmem>>) semaphore(%arg11 : memref<!tpu.dma_semaphore, #tpu.memory_space<semaphore_mem>>)
      %dma_start3A_48 = arith.constant 4 : i32
      %dma_start3A_49 = arith.constant 256 : i32
      %dma_start3A_50 = arith.constant 0 : i32
      %dma_start3A_51 = tpu.memref_slice %arg7[%dma_start3A_49, %dma_start3A_50] : memref<512x32xf32, #tpu.memory_space<vmem>> -> memref<128x32xf32, #tpu.memory_space<vmem>>
      %dma_start3A_52 = arith.constant 0 : i32
      %dma_start3A_53 = tpu.memref_slice %arg6[%dma_start3A_48, %dma_start3A_52] : memref<16x128xi32, #tpu.memory_space<vmem>> -> memref<1x128xi32, #tpu.memory_space<vmem>>
      %dma_start3A_54 = tpu.memref_squeeze %dma_start3A_53 : memref<1x128xi32, #tpu.memory_space<vmem>> -> memref<128xi32, #tpu.memory_space<vmem>>
      %dma_start3A_55 = arith.constant 0 : i32
      %dma_start3A_56 = arith.constant 0 : i32
      %dma_start3A_57 = tpu.memref_slice %arg2[%arg0, %dma_start3A_55, %dma_start3A_56] : memref<2x50000x32xf32, #tpu.memory_space<hbm>> -> memref<1x50000x32xf32, #tpu.memory_space<hbm>>
      %dma_start3A_58 = tpu.memref_squeeze %dma_start3A_57 : memref<1x50000x32xf32, #tpu.memory_space<hbm>> -> memref<50000x32xf32, #tpu.memory_space<hbm>>
      %dma_start3A_59 = arith.constant 0 : i32
      %dma_start3A_60 = arith.constant 0 : i32
      %dma_start3A_61 = tpu.memref_slice %dma_start3A_58[%dma_start3A_59, %dma_start3A_60] : memref<50000x32xf32, #tpu.memory_space<hbm>> -> memref<50000x32xf32, #tpu.memory_space<hbm>>
      tpu.enqueue_indirect_dma source(%dma_start3A_61 : memref<50000x32xf32, #tpu.memory_space<hbm>>) target(%dma_start3A_51 : memref<128x32xf32, #tpu.memory_space<vmem>>) offsets(%dma_start3A_54 : memref<128xi32, #tpu.memory_space<vmem>>) semaphore(%arg12 : memref<!tpu.dma_semaphore, #tpu.memory_space<semaphore_mem>>)
      %dma_start3A_62 = arith.constant 6 : i32
      %dma_start3A_63 = arith.constant 384 : i32
      %dma_start3A_64 = arith.constant 0 : i32
      %dma_start3A_65 = tpu.memref_slice %arg7[%dma_start3A_63, %dma_start3A_64] : memref<512x32xf32, #tpu.memory_space<vmem>> -> memref<128x32xf32, #tpu.memory_space<vmem>>
      %dma_start3A_66 = arith.constant 0 : i32
      %dma_start3A_67 = tpu.memref_slice %arg6[%dma_start3A_62, %dma_start3A_66] : memref<16x128xi32, #tpu.memory_space<vmem>> -> memref<1x128xi32, #tpu.memory_space<vmem>>
      %dma_start3A_68 = tpu.memref_squeeze %dma_start3A_67 : memref<1x128xi32, #tpu.memory_space<vmem>> -> memref<128xi32, #tpu.memory_space<vmem>>
      %dma_start3A_69 = arith.constant 0 : i32
      %dma_start3A_70 = arith.constant 0 : i32
      %dma_start3A_71 = tpu.memref_slice %arg2[%arg0, %dma_start3A_69, %dma_start3A_70] : memref<2x50000x32xf32, #tpu.memory_space<hbm>> -> memref<1x50000x32xf32, #tpu.memory_space<hbm>>
      %dma_start3A_72 = tpu.memref_squeeze %dma_start3A_71 : memref<1x50000x32xf32, #tpu.memory_space<hbm>> -> memref<50000x32xf32, #tpu.memory_space<hbm>>
      %dma_start3A_73 = arith.constant 0 : i32
      %dma_start3A_74 = arith.constant 0 : i32
      %dma_start3A_75 = tpu.memref_slice %dma_start3A_72[%dma_start3A_73, %dma_start3A_74] : memref<50000x32xf32, #tpu.memory_space<hbm>> -> memref<50000x32xf32, #tpu.memory_space<hbm>>
      tpu.enqueue_indirect_dma source(%dma_start3A_75 : memref<50000x32xf32, #tpu.memory_space<hbm>>) target(%dma_start3A_65 : memref<128x32xf32, #tpu.memory_space<vmem>>) offsets(%dma_start3A_68 : memref<128xi32, #tpu.memory_space<vmem>>) semaphore(%arg13 : memref<!tpu.dma_semaphore, #tpu.memory_space<semaphore_mem>>)
      %dma_wait3A_76 = arith.constant 0 : i32
      %dma_wait3A_77 = arith.constant 0 : i32
      %dma_wait3A_78 = arith.constant 0 : i32
      %dma_wait3A_79 = tpu.memref_slice %arg7[%dma_wait3A_77, %dma_wait3A_78] : memref<512x32xf32, #tpu.memory_space<vmem>> -> memref<128x32xf32, #tpu.memory_space<vmem>>
      %dma_wait3A_80 = arith.constant 0 : i32
      %dma_wait3A_81 = tpu.memref_slice %arg6[%dma_wait3A_76, %dma_wait3A_80] : memref<16x128xi32, #tpu.memory_space<vmem>> -> memref<1x128xi32, #tpu.memory_space<vmem>>
      %dma_wait3A_82 = tpu.memref_squeeze %dma_wait3A_81 : memref<1x128xi32, #tpu.memory_space<vmem>> -> memref<128xi32, #tpu.memory_space<vmem>>
      %dma_wait3A_83 = arith.constant 0 : i32
      %dma_wait3A_84 = arith.constant 0 : i32
      %dma_wait3A_85 = tpu.memref_slice %arg2[%arg0, %dma_wait3A_83, %dma_wait3A_84] : memref<2x50000x32xf32, #tpu.memory_space<hbm>> -> memref<1x50000x32xf32, #tpu.memory_space<hbm>>
      %dma_wait3A_86 = tpu.memref_squeeze %dma_wait3A_85 : memref<1x50000x32xf32, #tpu.memory_space<hbm>> -> memref<50000x32xf32, #tpu.memory_space<hbm>>
      %dma_wait3A_87 = arith.constant 0 : i32
      %dma_wait3A_88 = arith.constant 0 : i32
      %dma_wait3A_89 = tpu.memref_slice %dma_wait3A_86[%dma_wait3A_87, %dma_wait3A_88] : memref<50000x32xf32, #tpu.memory_space<hbm>> -> memref<50000x32xf32, #tpu.memory_space<hbm>>
      tpu.wait_indirect_dma semaphore(%arg10 : memref<!tpu.dma_semaphore, #tpu.memory_space<semaphore_mem>>) src(%dma_wait3A_89 : memref<50000x32xf32, #tpu.memory_space<hbm>>) dst(%dma_wait3A_79 : memref<128x32xf32, #tpu.memory_space<vmem>>)
      %dma_start3A_90 = arith.constant 1 : i32
      %dma_start3A_91 = arith.constant 0 : i32
      %dma_start3A_92 = arith.constant 0 : i32
      %dma_start3A_93 = tpu.memref_slice %arg7[%dma_start3A_91, %dma_start3A_92] : memref<512x32xf32, #tpu.memory_space<vmem>> -> memref<128x32xf32, #tpu.memory_space<vmem>>
      %dma_start3A_94 = arith.constant 0 : i32
      %dma_start3A_95 = tpu.memref_slice %arg6[%dma_start3A_90, %dma_start3A_94] : memref<16x128xi32, #tpu.memory_space<vmem>> -> memref<1x128xi32, #tpu.memory_space<vmem>>
      %dma_start3A_96 = tpu.memref_squeeze %dma_start3A_95 : memref<1x128xi32, #tpu.memory_space<vmem>> -> memref<128xi32, #tpu.memory_space<vmem>>
      %dma_start3A_97 = arith.constant 0 : i32
      %dma_start3A_98 = arith.constant 0 : i32
      %dma_start3A_99 = tpu.memref_slice %arg8[%dma_start3A_97, %dma_start3A_98] : memref<50176x32xf32, #tpu.memory_space<vmem_shared>> -> memref<50176x32xf32, #tpu.memory_space<vmem_shared>>
      tpu.enqueue_indirect_dma source(%dma_start3A_93 : memref<128x32xf32, #tpu.memory_space<vmem>>) target(%dma_start3A_99 : memref<50176x32xf32, #tpu.memory_space<vmem_shared>>) offsets(%dma_start3A_96 : memref<128xi32, #tpu.memory_space<vmem>>) semaphore(%arg14 : memref<!tpu.dma_semaphore, #tpu.memory_space<semaphore_mem>>) {add = true}
      %dma_wait3A_100 = arith.constant 1 : i32
      %dma_wait3A_101 = arith.constant 0 : i32
      %dma_wait3A_102 = arith.constant 0 : i32
      %dma_wait3A_103 = tpu.memref_slice %arg7[%dma_wait3A_101, %dma_wait3A_102] : memref<512x32xf32, #tpu.memory_space<vmem>> -> memref<128x32xf32, #tpu.memory_space<vmem>>
      %dma_wait3A_104 = arith.constant 0 : i32
      %dma_wait3A_105 = tpu.memref_slice %arg6[%dma_wait3A_100, %dma_wait3A_104] : memref<16x128xi32, #tpu.memory_space<vmem>> -> memref<1x128xi32, #tpu.memory_space<vmem>>
      %dma_wait3A_106 = tpu.memref_squeeze %dma_wait3A_105 : memref<1x128xi32, #tpu.memory_space<vmem>> -> memref<128xi32, #tpu.memory_space<vmem>>
      %dma_wait3A_107 = arith.constant 0 : i32
      %dma_wait3A_108 = arith.constant 0 : i32
      %dma_wait3A_109 = tpu.memref_slice %arg8[%dma_wait3A_107, %dma_wait3A_108] : memref<50176x32xf32, #tpu.memory_space<vmem_shared>> -> memref<50176x32xf32, #tpu.memory_space<vmem_shared>>
      tpu.wait_indirect_dma semaphore(%arg14 : memref<!tpu.dma_semaphore, #tpu.memory_space<semaphore_mem>>) src(%dma_wait3A_103 : memref<128x32xf32, #tpu.memory_space<vmem>>) dst(%dma_wait3A_109 : memref<50176x32xf32, #tpu.memory_space<vmem_shared>>)
      %dma_start3A_110 = arith.constant 8 : i32
      %dma_start3A_111 = arith.constant 0 : i32
      %dma_start3A_112 = arith.constant 0 : i32
      %dma_start3A_113 = tpu.memref_slice %arg7[%dma_start3A_111, %dma_start3A_112] : memref<512x32xf32, #tpu.memory_space<vmem>> -> memref<128x32xf32, #tpu.memory_space<vmem>>
      %dma_start3A_114 = arith.constant 0 : i32
      %dma_start3A_115 = tpu.memref_slice %arg6[%dma_start3A_110, %dma_start3A_114] : memref<16x128xi32, #tpu.memory_space<vmem>> -> memref<1x128xi32, #tpu.memory_space<vmem>>
      %dma_start3A_116 = tpu.memref_squeeze %dma_start3A_115 : memref<1x128xi32, #tpu.memory_space<vmem>> -> memref<128xi32, #tpu.memory_space<vmem>>
      %dma_start3A_117 = arith.constant 0 : i32
      %dma_start3A_118 = arith.constant 0 : i32
      %dma_start3A_119 = tpu.memref_slice %arg2[%arg0, %dma_start3A_117, %dma_start3A_118] : memref<2x50000x32xf32, #tpu.memory_space<hbm>> -> memref<1x50000x32xf32, #tpu.memory_space<hbm>>
      %dma_start3A_120 = tpu.memref_squeeze %dma_start3A_119 : memref<1x50000x32xf32, #tpu.memory_space<hbm>> -> memref<50000x32xf32, #tpu.memory_space<hbm>>
      %dma_start3A_121 = arith.constant 0 : i32
      %dma_start3A_122 = arith.constant 0 : i32
      %dma_start3A_123 = tpu.memref_slice %dma_start3A_120[%dma_start3A_121, %dma_start3A_122] : memref<50000x32xf32, #tpu.memory_space<hbm>> -> memref<50000x32xf32, #tpu.memory_space<hbm>>
      tpu.enqueue_indirect_dma source(%dma_start3A_123 : memref<50000x32xf32, #tpu.memory_space<hbm>>) target(%dma_start3A_113 : memref<128x32xf32, #tpu.memory_space<vmem>>) offsets(%dma_start3A_116 : memref<128xi32, #tpu.memory_space<vmem>>) semaphore(%arg10 : memref<!tpu.dma_semaphore, #tpu.memory_space<semaphore_mem>>)
      %dma_wait3A_124 = arith.constant 2 : i32
      %dma_wait3A_125 = arith.constant 128 : i32
      %dma_wait3A_126 = arith.constant 0 : i32
      %dma_wait3A_127 = tpu.memref_slice %arg7[%dma_wait3A_125, %dma_wait3A_126] : memref<512x32xf32, #tpu.memory_space<vmem>> -> memref<128x32xf32, #tpu.memory_space<vmem>>
      %dma_wait3A_128 = arith.constant 0 : i32
      %dma_wait3A_129 = tpu.memref_slice %arg6[%dma_wait3A_124, %dma_wait3A_128] : memref<16x128xi32, #tpu.memory_space<vmem>> -> memref<1x128xi32, #tpu.memory_space<vmem>>
      %dma_wait3A_130 = tpu.memref_squeeze %dma_wait3A_129 : memref<1x128xi32, #tpu.memory_space<vmem>> -> memref<128xi32, #tpu.memory_space<vmem>>
      %dma_wait3A_131 = arith.constant 0 : i32
      %dma_wait3A_132 = arith.constant 0 : i32
      %dma_wait3A_133 = tpu.memref_slice %arg2[%arg0, %dma_wait3A_131, %dma_wait3A_132] : memref<2x50000x32xf32, #tpu.memory_space<hbm>> -> memref<1x50000x32xf32, #tpu.memory_space<hbm>>
      %dma_wait3A_134 = tpu.memref_squeeze %dma_wait3A_133 : memref<1x50000x32xf32, #tpu.memory_space<hbm>> -> memref<50000x32xf32, #tpu.memory_space<hbm>>
      %dma_wait3A_135 = arith.constant 0 : i32
      %dma_wait3A_136 = arith.constant 0 : i32
      %dma_wait3A_137 = tpu.memref_slice %dma_wait3A_134[%dma_wait3A_135, %dma_wait3A_136] : memref<50000x32xf32, #tpu.memory_space<hbm>> -> memref<50000x32xf32, #tpu.memory_space<hbm>>
      tpu.wait_indirect_dma semaphore(%arg11 : memref<!tpu.dma_semaphore, #tpu.memory_space<semaphore_mem>>) src(%dma_wait3A_137 : memref<50000x32xf32, #tpu.memory_space<hbm>>) dst(%dma_wait3A_127 : memref<128x32xf32, #tpu.memory_space<vmem>>)
      %dma_start3A_138 = arith.constant 3 : i32
      %dma_start3A_139 = arith.constant 128 : i32
      %dma_start3A_140 = arith.constant 0 : i32
      %dma_start3A_141 = tpu.memref_slice %arg7[%dma_start3A_139, %dma_start3A_140] : memref<512x32xf32, #tpu.memory_space<vmem>> -> memref<128x32xf32, #tpu.memory_space<vmem>>
      %dma_start3A_142 = arith.constant 0 : i32
      %dma_start3A_143 = tpu.memref_slice %arg6[%dma_start3A_138, %dma_start3A_142] : memref<16x128xi32, #tpu.memory_space<vmem>> -> memref<1x128xi32, #tpu.memory_space<vmem>>
      %dma_start3A_144 = tpu.memref_squeeze %dma_start3A_143 : memref<1x128xi32, #tpu.memory_space<vmem>> -> memref<128xi32, #tpu.memory_space<vmem>>
      %dma_start3A_145 = arith.constant 0 : i32
      %dma_start3A_146 = arith.constant 0 : i32
      %dma_start3A_147 = tpu.memref_slice %arg8[%dma_start3A_145, %dma_start3A_146] : memref<50176x32xf32, #tpu.memory_space<vmem_shared>> -> memref<50176x32xf32, #tpu.memory_space<vmem_shared>>
      tpu.enqueue_indirect_dma source(%dma_start3A_141 : memref<128x32xf32, #tpu.memory_space<vmem>>) target(%dma_start3A_147 : memref<50176x32xf32, #tpu.memory_space<vmem_shared>>) offsets(%dma_start3A_144 : memref<128xi32, #tpu.memory_space<vmem>>) semaphore(%arg15 : memref<!tpu.dma_semaphore, #tpu.memory_space<semaphore_mem>>) {add = true}
      %dma_wait3A_148 = arith.constant 3 : i32
      %dma_wait3A_149 = arith.constant 128 : i32
      %dma_wait3A_150 = arith.constant 0 : i32
      %dma_wait3A_151 = tpu.memref_slice %arg7[%dma_wait3A_149, %dma_wait3A_150] : memref<512x32xf32, #tpu.memory_space<vmem>> -> memref<128x32xf32, #tpu.memory_space<vmem>>
      %dma_wait3A_152 = arith.constant 0 : i32
      %dma_wait3A_153 = tpu.memref_slice %arg6[%dma_wait3A_148, %dma_wait3A_152] : memref<16x128xi32, #tpu.memory_space<vmem>> -> memref<1x128xi32, #tpu.memory_space<vmem>>
      %dma_wait3A_154 = tpu.memref_squeeze %dma_wait3A_153 : memref<1x128xi32, #tpu.memory_space<vmem>> -> memref<128xi32, #tpu.memory_space<vmem>>
      %dma_wait3A_155 = arith.constant 0 : i32
      %dma_wait3A_156 = arith.constant 0 : i32
      %dma_wait3A_157 = tpu.memref_slice %arg8[%dma_wait3A_155, %dma_wait3A_156] : memref<50176x32xf32, #tpu.memory_space<vmem_shared>> -> memref<50176x32xf32, #tpu.memory_space<vmem_shared>>
      tpu.wait_indirect_dma semaphore(%arg15 : memref<!tpu.dma_semaphore, #tpu.memory_space<semaphore_mem>>) src(%dma_wait3A_151 : memref<128x32xf32, #tpu.memory_space<vmem>>) dst(%dma_wait3A_157 : memref<50176x32xf32, #tpu.memory_space<vmem_shared>>)
      %dma_start3A_158 = arith.constant 10 : i32
      %dma_start3A_159 = arith.constant 128 : i32
      %dma_start3A_160 = arith.constant 0 : i32
      %dma_start3A_161 = tpu.memref_slice %arg7[%dma_start3A_159, %dma_start3A_160] : memref<512x32xf32, #tpu.memory_space<vmem>> -> memref<128x32xf32, #tpu.memory_space<vmem>>
      %dma_start3A_162 = arith.constant 0 : i32
      %dma_start3A_163 = tpu.memref_slice %arg6[%dma_start3A_158, %dma_start3A_162] : memref<16x128xi32, #tpu.memory_space<vmem>> -> memref<1x128xi32, #tpu.memory_space<vmem>>
      %dma_start3A_164 = tpu.memref_squeeze %dma_start3A_163 : memref<1x128xi32, #tpu.memory_space<vmem>> -> memref<128xi32, #tpu.memory_space<vmem>>
      %dma_start3A_165 = arith.constant 0 : i32
      %dma_start3A_166 = arith.constant 0 : i32
      %dma_start3A_167 = tpu.memref_slice %arg2[%arg0, %dma_start3A_165, %dma_start3A_166] : memref<2x50000x32xf32, #tpu.memory_space<hbm>> -> memref<1x50000x32xf32, #tpu.memory_space<hbm>>
      %dma_start3A_168 = tpu.memref_squeeze %dma_start3A_167 : memref<1x50000x32xf32, #tpu.memory_space<hbm>> -> memref<50000x32xf32, #tpu.memory_space<hbm>>
      %dma_start3A_169 = arith.constant 0 : i32
      %dma_start3A_170 = arith.constant 0 : i32
      %dma_start3A_171 = tpu.memref_slice %dma_start3A_168[%dma_start3A_169, %dma_start3A_170] : memref<50000x32xf32, #tpu.memory_space<hbm>> -> memref<50000x32xf32, #tpu.memory_space<hbm>>
      tpu.enqueue_indirect_dma source(%dma_start3A_171 : memref<50000x32xf32, #tpu.memory_space<hbm>>) target(%dma_start3A_161 : memref<128x32xf32, #tpu.memory_space<vmem>>) offsets(%dma_start3A_164 : memref<128xi32, #tpu.memory_space<vmem>>) semaphore(%arg11 : memref<!tpu.dma_semaphore, #tpu.memory_space<semaphore_mem>>)
      %dma_wait3A_172 = arith.constant 4 : i32
      %dma_wait3A_173 = arith.constant 256 : i32
      %dma_wait3A_174 = arith.constant 0 : i32
      %dma_wait3A_175 = tpu.memref_slice %arg7[%dma_wait3A_173, %dma_wait3A_174] : memref<512x32xf32, #tpu.memory_space<vmem>> -> memref<128x32xf32, #tpu.memory_space<vmem>>
      %dma_wait3A_176 = arith.constant 0 : i32
      %dma_wait3A_177 = tpu.memref_slice %arg6[%dma_wait3A_172, %dma_wait3A_176] : memref<16x128xi32, #tpu.memory_space<vmem>> -> memref<1x128xi32, #tpu.memory_space<vmem>>
      %dma_wait3A_178 = tpu.memref_squeeze %dma_wait3A_177 : memref<1x128xi32, #tpu.memory_space<vmem>> -> memref<128xi32, #tpu.memory_space<vmem>>
      %dma_wait3A_179 = arith.constant 0 : i32
      %dma_wait3A_180 = arith.constant 0 : i32
      %dma_wait3A_181 = tpu.memref_slice %arg2[%arg0, %dma_wait3A_179, %dma_wait3A_180] : memref<2x50000x32xf32, #tpu.memory_space<hbm>> -> memref<1x50000x32xf32, #tpu.memory_space<hbm>>
      %dma_wait3A_182 = tpu.memref_squeeze %dma_wait3A_181 : memref<1x50000x32xf32, #tpu.memory_space<hbm>> -> memref<50000x32xf32, #tpu.memory_space<hbm>>
      %dma_wait3A_183 = arith.constant 0 : i32
      %dma_wait3A_184 = arith.constant 0 : i32
      %dma_wait3A_185 = tpu.memref_slice %dma_wait3A_182[%dma_wait3A_183, %dma_wait3A_184] : memref<50000x32xf32, #tpu.memory_space<hbm>> -> memref<50000x32xf32, #tpu.memory_space<hbm>>
      tpu.wait_indirect_dma semaphore(%arg12 : memref<!tpu.dma_semaphore, #tpu.memory_space<semaphore_mem>>) src(%dma_wait3A_185 : memref<50000x32xf32, #tpu.memory_space<hbm>>) dst(%dma_wait3A_175 : memref<128x32xf32, #tpu.memory_space<vmem>>)
      %dma_start3A_186 = arith.constant 5 : i32
      %dma_start3A_187 = arith.constant 256 : i32
      %dma_start3A_188 = arith.constant 0 : i32
      %dma_start3A_189 = tpu.memref_slice %arg7[%dma_start3A_187, %dma_start3A_188] : memref<512x32xf32, #tpu.memory_space<vmem>> -> memref<128x32xf32, #tpu.memory_space<vmem>>
      %dma_start3A_190 = arith.constant 0 : i32
      %dma_start3A_191 = tpu.memref_slice %arg6[%dma_start3A_186, %dma_start3A_190] : memref<16x128xi32, #tpu.memory_space<vmem>> -> memref<1x128xi32, #tpu.memory_space<vmem>>
      %dma_start3A_192 = tpu.memref_squeeze %dma_start3A_191 : memref<1x128xi32, #tpu.memory_space<vmem>> -> memref<128xi32, #tpu.memory_space<vmem>>
      %dma_start3A_193 = arith.constant 0 : i32
      %dma_start3A_194 = arith.constant 0 : i32
      %dma_start3A_195 = tpu.memref_slice %arg8[%dma_start3A_193, %dma_start3A_194] : memref<50176x32xf32, #tpu.memory_space<vmem_shared>> -> memref<50176x32xf32, #tpu.memory_space<vmem_shared>>
      tpu.enqueue_indirect_dma source(%dma_start3A_189 : memref<128x32xf32, #tpu.memory_space<vmem>>) target(%dma_start3A_195 : memref<50176x32xf32, #tpu.memory_space<vmem_shared>>) offsets(%dma_start3A_192 : memref<128xi32, #tpu.memory_space<vmem>>) semaphore(%arg16 : memref<!tpu.dma_semaphore, #tpu.memory_space<semaphore_mem>>) {add = true}
      %dma_wait3A_196 = arith.constant 5 : i32
      %dma_wait3A_197 = arith.constant 256 : i32
      %dma_wait3A_198 = arith.constant 0 : i32
      %dma_wait3A_199 = tpu.memref_slice %arg7[%dma_wait3A_197, %dma_wait3A_198] : memref<512x32xf32, #tpu.memory_space<vmem>> -> memref<128x32xf32, #tpu.memory_space<vmem>>
      %dma_wait3A_200 = arith.constant 0 : i32
      %dma_wait3A_201 = tpu.memref_slice %arg6[%dma_wait3A_196, %dma_wait3A_200] : memref<16x128xi32, #tpu.memory_space<vmem>> -> memref<1x128xi32, #tpu.memory_space<vmem>>
      %dma_wait3A_202 = tpu.memref_squeeze %dma_wait3A_201 : memref<1x128xi32, #tpu.memory_space<vmem>> -> memref<128xi32, #tpu.memory_space<vmem>>
      %dma_wait3A_203 = arith.constant 0 : i32
      %dma_wait3A_204 = arith.constant 0 : i32
      %dma_wait3A_205 = tpu.memref_slice %arg8[%dma_wait3A_203, %dma_wait3A_204] : memref<50176x32xf32, #tpu.memory_space<vmem_shared>> -> memref<50176x32xf32, #tpu.memory_space<vmem_shared>>
      tpu.wait_indirect_dma semaphore(%arg16 : memref<!tpu.dma_semaphore, #tpu.memory_space<semaphore_mem>>) src(%dma_wait3A_199 : memref<128x32xf32, #tpu.memory_space<vmem>>) dst(%dma_wait3A_205 : memref<50176x32xf32, #tpu.memory_space<vmem_shared>>)
      %dma_start3A_206 = arith.constant 12 : i32
      %dma_start3A_207 = arith.constant 256 : i32
      %dma_start3A_208 = arith.constant 0 : i32
      %dma_start3A_209 = tpu.memref_slice %arg7[%dma_start3A_207, %dma_start3A_208] : memref<512x32xf32, #tpu.memory_space<vmem>> -> memref<128x32xf32, #tpu.memory_space<vmem>>
      %dma_start3A_210 = arith.constant 0 : i32
      %dma_start3A_211 = tpu.memref_slice %arg6[%dma_start3A_206, %dma_start3A_210] : memref<16x128xi32, #tpu.memory_space<vmem>> -> memref<1x128xi32, #tpu.memory_space<vmem>>
      %dma_start3A_212 = tpu.memref_squeeze %dma_start3A_211 : memref<1x128xi32, #tpu.memory_space<vmem>> -> memref<128xi32, #tpu.memory_space<vmem>>
      %dma_start3A_213 = arith.constant 0 : i32
      %dma_start3A_214 = arith.constant 0 : i32
      %dma_start3A_215 = tpu.memref_slice %arg2[%arg0, %dma_start3A_213, %dma_start3A_214] : memref<2x50000x32xf32, #tpu.memory_space<hbm>> -> memref<1x50000x32xf32, #tpu.memory_space<hbm>>
      %dma_start3A_216 = tpu.memref_squeeze %dma_start3A_215 : memref<1x50000x32xf32, #tpu.memory_space<hbm>> -> memref<50000x32xf32, #tpu.memory_space<hbm>>
      %dma_start3A_217 = arith.constant 0 : i32
      %dma_start3A_218 = arith.constant 0 : i32
      %dma_start3A_219 = tpu.memref_slice %dma_start3A_216[%dma_start3A_217, %dma_start3A_218] : memref<50000x32xf32, #tpu.memory_space<hbm>> -> memref<50000x32xf32, #tpu.memory_space<hbm>>
      tpu.enqueue_indirect_dma source(%dma_start3A_219 : memref<50000x32xf32, #tpu.memory_space<hbm>>) target(%dma_start3A_209 : memref<128x32xf32, #tpu.memory_space<vmem>>) offsets(%dma_start3A_212 : memref<128xi32, #tpu.memory_space<vmem>>) semaphore(%arg12 : memref<!tpu.dma_semaphore, #tpu.memory_space<semaphore_mem>>)
      %dma_wait3A_220 = arith.constant 6 : i32
      %dma_wait3A_221 = arith.constant 384 : i32
      %dma_wait3A_222 = arith.constant 0 : i32
      %dma_wait3A_223 = tpu.memref_slice %arg7[%dma_wait3A_221, %dma_wait3A_222] : memref<512x32xf32, #tpu.memory_space<vmem>> -> memref<128x32xf32, #tpu.memory_space<vmem>>
      %dma_wait3A_224 = arith.constant 0 : i32
      %dma_wait3A_225 = tpu.memref_slice %arg6[%dma_wait3A_220, %dma_wait3A_224] : memref<16x128xi32, #tpu.memory_space<vmem>> -> memref<1x128xi32, #tpu.memory_space<vmem>>
      %dma_wait3A_226 = tpu.memref_squeeze %dma_wait3A_225 : memref<1x128xi32, #tpu.memory_space<vmem>> -> memref<128xi32, #tpu.memory_space<vmem>>
      %dma_wait3A_227 = arith.constant 0 : i32
      %dma_wait3A_228 = arith.constant 0 : i32
      %dma_wait3A_229 = tpu.memref_slice %arg2[%arg0, %dma_wait3A_227, %dma_wait3A_228] : memref<2x50000x32xf32, #tpu.memory_space<hbm>> -> memref<1x50000x32xf32, #tpu.memory_space<hbm>>
      %dma_wait3A_230 = tpu.memref_squeeze %dma_wait3A_229 : memref<1x50000x32xf32, #tpu.memory_space<hbm>> -> memref<50000x32xf32, #tpu.memory_space<hbm>>
      %dma_wait3A_231 = arith.constant 0 : i32
      %dma_wait3A_232 = arith.constant 0 : i32
      %dma_wait3A_233 = tpu.memref_slice %dma_wait3A_230[%dma_wait3A_231, %dma_wait3A_232] : memref<50000x32xf32, #tpu.memory_space<hbm>> -> memref<50000x32xf32, #tpu.memory_space<hbm>>
      tpu.wait_indirect_dma semaphore(%arg13 : memref<!tpu.dma_semaphore, #tpu.memory_space<semaphore_mem>>) src(%dma_wait3A_233 : memref<50000x32xf32, #tpu.memory_space<hbm>>) dst(%dma_wait3A_223 : memref<128x32xf32, #tpu.memory_space<vmem>>)
      %dma_start3A_234 = arith.constant 7 : i32
      %dma_start3A_235 = arith.constant 384 : i32
      %dma_start3A_236 = arith.constant 0 : i32
      %dma_start3A_237 = tpu.memref_slice %arg7[%dma_start3A_235, %dma_start3A_236] : memref<512x32xf32, #tpu.memory_space<vmem>> -> memref<128x32xf32, #tpu.memory_space<vmem>>
      %dma_start3A_238 = arith.constant 0 : i32
      %dma_start3A_239 = tpu.memref_slice %arg6[%dma_start3A_234, %dma_start3A_238] : memref<16x128xi32, #tpu.memory_space<vmem>> -> memref<1x128xi32, #tpu.memory_space<vmem>>
      %dma_start3A_240 = tpu.memref_squeeze %dma_start3A_239 : memref<1x128xi32, #tpu.memory_space<vmem>> -> memref<128xi32, #tpu.memory_space<vmem>>
      %dma_start3A_241 = arith.constant 0 : i32
      %dma_start3A_242 = arith.constant 0 : i32
      %dma_start3A_243 = tpu.memref_slice %arg8[%dma_start3A_241, %dma_start3A_242] : memref<50176x32xf32, #tpu.memory_space<vmem_shared>> -> memref<50176x32xf32, #tpu.memory_space<vmem_shared>>
      tpu.enqueue_indirect_dma source(%dma_start3A_237 : memref<128x32xf32, #tpu.memory_space<vmem>>) target(%dma_start3A_243 : memref<50176x32xf32, #tpu.memory_space<vmem_shared>>) offsets(%dma_start3A_240 : memref<128xi32, #tpu.memory_space<vmem>>) semaphore(%arg17 : memref<!tpu.dma_semaphore, #tpu.memory_space<semaphore_mem>>) {add = true}
      %dma_wait3A_244 = arith.constant 7 : i32
      %dma_wait3A_245 = arith.constant 384 : i32
      %dma_wait3A_246 = arith.constant 0 : i32
      %dma_wait3A_247 = tpu.memref_slice %arg7[%dma_wait3A_245, %dma_wait3A_246] : memref<512x32xf32, #tpu.memory_space<vmem>> -> memref<128x32xf32, #tpu.memory_space<vmem>>
      %dma_wait3A_248 = arith.constant 0 : i32
      %dma_wait3A_249 = tpu.memref_slice %arg6[%dma_wait3A_244, %dma_wait3A_248] : memref<16x128xi32, #tpu.memory_space<vmem>> -> memref<1x128xi32, #tpu.memory_space<vmem>>
      %dma_wait3A_250 = tpu.memref_squeeze %dma_wait3A_249 : memref<1x128xi32, #tpu.memory_space<vmem>> -> memref<128xi32, #tpu.memory_space<vmem>>
      %dma_wait3A_251 = arith.constant 0 : i32
      %dma_wait3A_252 = arith.constant 0 : i32
      %dma_wait3A_253 = tpu.memref_slice %arg8[%dma_wait3A_251, %dma_wait3A_252] : memref<50176x32xf32, #tpu.memory_space<vmem_shared>> -> memref<50176x32xf32, #tpu.memory_space<vmem_shared>>
      tpu.wait_indirect_dma semaphore(%arg17 : memref<!tpu.dma_semaphore, #tpu.memory_space<semaphore_mem>>) src(%dma_wait3A_247 : memref<128x32xf32, #tpu.memory_space<vmem>>) dst(%dma_wait3A_253 : memref<50176x32xf32, #tpu.memory_space<vmem_shared>>)
      %dma_start3A_254 = arith.constant 14 : i32
      %dma_start3A_255 = arith.constant 384 : i32
      %dma_start3A_256 = arith.constant 0 : i32
      %dma_start3A_257 = tpu.memref_slice %arg7[%dma_start3A_255, %dma_start3A_256] : memref<512x32xf32, #tpu.memory_space<vmem>> -> memref<128x32xf32, #tpu.memory_space<vmem>>
      %dma_start3A_258 = arith.constant 0 : i32
      %dma_start3A_259 = tpu.memref_slice %arg6[%dma_start3A_254, %dma_start3A_258] : memref<16x128xi32, #tpu.memory_space<vmem>> -> memref<1x128xi32, #tpu.memory_space<vmem>>
      %dma_start3A_260 = tpu.memref_squeeze %dma_start3A_259 : memref<1x128xi32, #tpu.memory_space<vmem>> -> memref<128xi32, #tpu.memory_space<vmem>>
      %dma_start3A_261 = arith.constant 0 : i32
      %dma_start3A_262 = arith.constant 0 : i32
      %dma_start3A_263 = tpu.memref_slice %arg2[%arg0, %dma_start3A_261, %dma_start3A_262] : memref<2x50000x32xf32, #tpu.memory_space<hbm>> -> memref<1x50000x32xf32, #tpu.memory_space<hbm>>
      %dma_start3A_264 = tpu.memref_squeeze %dma_start3A_263 : memref<1x50000x32xf32, #tpu.memory_space<hbm>> -> memref<50000x32xf32, #tpu.memory_space<hbm>>
      %dma_start3A_265 = arith.constant 0 : i32
      %dma_start3A_266 = arith.constant 0 : i32
      %dma_start3A_267 = tpu.memref_slice %dma_start3A_264[%dma_start3A_265, %dma_start3A_266] : memref<50000x32xf32, #tpu.memory_space<hbm>> -> memref<50000x32xf32, #tpu.memory_space<hbm>>
      tpu.enqueue_indirect_dma source(%dma_start3A_267 : memref<50000x32xf32, #tpu.memory_space<hbm>>) target(%dma_start3A_257 : memref<128x32xf32, #tpu.memory_space<vmem>>) offsets(%dma_start3A_260 : memref<128xi32, #tpu.memory_space<vmem>>) semaphore(%arg13 : memref<!tpu.dma_semaphore, #tpu.memory_space<semaphore_mem>>)
      %dma_wait3A_268 = arith.constant 8 : i32
      %dma_wait3A_269 = arith.constant 0 : i32
      %dma_wait3A_270 = arith.constant 0 : i32
      %dma_wait3A_271 = tpu.memref_slice %arg7[%dma_wait3A_269, %dma_wait3A_270] : memref<512x32xf32, #tpu.memory_space<vmem>> -> memref<128x32xf32, #tpu.memory_space<vmem>>
      %dma_wait3A_272 = arith.constant 0 : i32
      %dma_wait3A_273 = tpu.memref_slice %arg6[%dma_wait3A_268, %dma_wait3A_272] : memref<16x128xi32, #tpu.memory_space<vmem>> -> memref<1x128xi32, #tpu.memory_space<vmem>>
      %dma_wait3A_274 = tpu.memref_squeeze %dma_wait3A_273 : memref<1x128xi32, #tpu.memory_space<vmem>> -> memref<128xi32, #tpu.memory_space<vmem>>
      %dma_wait3A_275 = arith.constant 0 : i32
      %dma_wait3A_276 = arith.constant 0 : i32
      %dma_wait3A_277 = tpu.memref_slice %arg2[%arg0, %dma_wait3A_275, %dma_wait3A_276] : memref<2x50000x32xf32, #tpu.memory_space<hbm>> -> memref<1x50000x32xf32, #tpu.memory_space<hbm>>
      %dma_wait3A_278 = tpu.memref_squeeze %dma_wait3A_277 : memref<1x50000x32xf32, #tpu.memory_space<hbm>> -> memref<50000x32xf32, #tpu.memory_space<hbm>>
      %dma_wait3A_279 = arith.constant 0 : i32
      %dma_wait3A_280 = arith.constant 0 : i32
      %dma_wait3A_281 = tpu.memref_slice %dma_wait3A_278[%dma_wait3A_279, %dma_wait3A_280] : memref<50000x32xf32, #tpu.memory_space<hbm>> -> memref<50000x32xf32, #tpu.memory_space<hbm>>
      tpu.wait_indirect_dma semaphore(%arg10 : memref<!tpu.dma_semaphore, #tpu.memory_space<semaphore_mem>>) src(%dma_wait3A_281 : memref<50000x32xf32, #tpu.memory_space<hbm>>) dst(%dma_wait3A_271 : memref<128x32xf32, #tpu.memory_space<vmem>>)
      %dma_start3A_282 = arith.constant 9 : i32
      %dma_start3A_283 = arith.constant 0 : i32
      %dma_start3A_284 = arith.constant 0 : i32
      %dma_start3A_285 = tpu.memref_slice %arg7[%dma_start3A_283, %dma_start3A_284] : memref<512x32xf32, #tpu.memory_space<vmem>> -> memref<128x32xf32, #tpu.memory_space<vmem>>
      %dma_start3A_286 = arith.constant 0 : i32
      %dma_start3A_287 = tpu.memref_slice %arg6[%dma_start3A_282, %dma_start3A_286] : memref<16x128xi32, #tpu.memory_space<vmem>> -> memref<1x128xi32, #tpu.memory_space<vmem>>
      %dma_start3A_288 = tpu.memref_squeeze %dma_start3A_287 : memref<1x128xi32, #tpu.memory_space<vmem>> -> memref<128xi32, #tpu.memory_space<vmem>>
      %dma_start3A_289 = arith.constant 0 : i32
      %dma_start3A_290 = arith.constant 0 : i32
      %dma_start3A_291 = tpu.memref_slice %arg8[%dma_start3A_289, %dma_start3A_290] : memref<50176x32xf32, #tpu.memory_space<vmem_shared>> -> memref<50176x32xf32, #tpu.memory_space<vmem_shared>>
      tpu.enqueue_indirect_dma source(%dma_start3A_285 : memref<128x32xf32, #tpu.memory_space<vmem>>) target(%dma_start3A_291 : memref<50176x32xf32, #tpu.memory_space<vmem_shared>>) offsets(%dma_start3A_288 : memref<128xi32, #tpu.memory_space<vmem>>) semaphore(%arg14 : memref<!tpu.dma_semaphore, #tpu.memory_space<semaphore_mem>>) {add = true}
      %dma_wait3A_292 = arith.constant 10 : i32
      %dma_wait3A_293 = arith.constant 128 : i32
      %dma_wait3A_294 = arith.constant 0 : i32
      %dma_wait3A_295 = tpu.memref_slice %arg7[%dma_wait3A_293, %dma_wait3A_294] : memref<512x32xf32, #tpu.memory_space<vmem>> -> memref<128x32xf32, #tpu.memory_space<vmem>>
      %dma_wait3A_296 = arith.constant 0 : i32
      %dma_wait3A_297 = tpu.memref_slice %arg6[%dma_wait3A_292, %dma_wait3A_296] : memref<16x128xi32, #tpu.memory_space<vmem>> -> memref<1x128xi32, #tpu.memory_space<vmem>>
      %dma_wait3A_298 = tpu.memref_squeeze %dma_wait3A_297 : memref<1x128xi32, #tpu.memory_space<vmem>> -> memref<128xi32, #tpu.memory_space<vmem>>
      %dma_wait3A_299 = arith.constant 0 : i32
      %dma_wait3A_300 = arith.constant 0 : i32
      %dma_wait3A_301 = tpu.memref_slice %arg2[%arg0, %dma_wait3A_299, %dma_wait3A_300] : memref<2x50000x32xf32, #tpu.memory_space<hbm>> -> memref<1x50000x32xf32, #tpu.memory_space<hbm>>
      %dma_wait3A_302 = tpu.memref_squeeze %dma_wait3A_301 : memref<1x50000x32xf32, #tpu.memory_space<hbm>> -> memref<50000x32xf32, #tpu.memory_space<hbm>>
      %dma_wait3A_303 = arith.constant 0 : i32
      %dma_wait3A_304 = arith.constant 0 : i32
      %dma_wait3A_305 = tpu.memref_slice %dma_wait3A_302[%dma_wait3A_303, %dma_wait3A_304] : memref<50000x32xf32, #tpu.memory_space<hbm>> -> memref<50000x32xf32, #tpu.memory_space<hbm>>
      tpu.wait_indirect_dma semaphore(%arg11 : memref<!tpu.dma_semaphore, #tpu.memory_space<semaphore_mem>>) src(%dma_wait3A_305 : memref<50000x32xf32, #tpu.memory_space<hbm>>) dst(%dma_wait3A_295 : memref<128x32xf32, #tpu.memory_space<vmem>>)
      %dma_start3A_306 = arith.constant 11 : i32
      %dma_start3A_307 = arith.constant 128 : i32
      %dma_start3A_308 = arith.constant 0 : i32
      %dma_start3A_309 = tpu.memref_slice %arg7[%dma_start3A_307, %dma_start3A_308] : memref<512x32xf32, #tpu.memory_space<vmem>> -> memref<128x32xf32, #tpu.memory_space<vmem>>
      %dma_start3A_310 = arith.constant 0 : i32
      %dma_start3A_311 = tpu.memref_slice %arg6[%dma_start3A_306, %dma_start3A_310] : memref<16x128xi32, #tpu.memory_space<vmem>> -> memref<1x128xi32, #tpu.memory_space<vmem>>
      %dma_start3A_312 = tpu.memref_squeeze %dma_start3A_311 : memref<1x128xi32, #tpu.memory_space<vmem>> -> memref<128xi32, #tpu.memory_space<vmem>>
      %dma_start3A_313 = arith.constant 0 : i32
      %dma_start3A_314 = arith.constant 0 : i32
      %dma_start3A_315 = tpu.memref_slice %arg8[%dma_start3A_313, %dma_start3A_314] : memref<50176x32xf32, #tpu.memory_space<vmem_shared>> -> memref<50176x32xf32, #tpu.memory_space<vmem_shared>>
      tpu.enqueue_indirect_dma source(%dma_start3A_309 : memref<128x32xf32, #tpu.memory_space<vmem>>) target(%dma_start3A_315 : memref<50176x32xf32, #tpu.memory_space<vmem_shared>>) offsets(%dma_start3A_312 : memref<128xi32, #tpu.memory_space<vmem>>) semaphore(%arg15 : memref<!tpu.dma_semaphore, #tpu.memory_space<semaphore_mem>>) {add = true}
      %dma_wait3A_316 = arith.constant 12 : i32
      %dma_wait3A_317 = arith.constant 256 : i32
      %dma_wait3A_318 = arith.constant 0 : i32
      %dma_wait3A_319 = tpu.memref_slice %arg7[%dma_wait3A_317, %dma_wait3A_318] : memref<512x32xf32, #tpu.memory_space<vmem>> -> memref<128x32xf32, #tpu.memory_space<vmem>>
      %dma_wait3A_320 = arith.constant 0 : i32
      %dma_wait3A_321 = tpu.memref_slice %arg6[%dma_wait3A_316, %dma_wait3A_320] : memref<16x128xi32, #tpu.memory_space<vmem>> -> memref<1x128xi32, #tpu.memory_space<vmem>>
      %dma_wait3A_322 = tpu.memref_squeeze %dma_wait3A_321 : memref<1x128xi32, #tpu.memory_space<vmem>> -> memref<128xi32, #tpu.memory_space<vmem>>
      %dma_wait3A_323 = arith.constant 0 : i32
      %dma_wait3A_324 = arith.constant 0 : i32
      %dma_wait3A_325 = tpu.memref_slice %arg2[%arg0, %dma_wait3A_323, %dma_wait3A_324] : memref<2x50000x32xf32, #tpu.memory_space<hbm>> -> memref<1x50000x32xf32, #tpu.memory_space<hbm>>
      %dma_wait3A_326 = tpu.memref_squeeze %dma_wait3A_325 : memref<1x50000x32xf32, #tpu.memory_space<hbm>> -> memref<50000x32xf32, #tpu.memory_space<hbm>>
      %dma_wait3A_327 = arith.constant 0 : i32
      %dma_wait3A_328 = arith.constant 0 : i32
      %dma_wait3A_329 = tpu.memref_slice %dma_wait3A_326[%dma_wait3A_327, %dma_wait3A_328] : memref<50000x32xf32, #tpu.memory_space<hbm>> -> memref<50000x32xf32, #tpu.memory_space<hbm>>
      tpu.wait_indirect_dma semaphore(%arg12 : memref<!tpu.dma_semaphore, #tpu.memory_space<semaphore_mem>>) src(%dma_wait3A_329 : memref<50000x32xf32, #tpu.memory_space<hbm>>) dst(%dma_wait3A_319 : memref<128x32xf32, #tpu.memory_space<vmem>>)
      %dma_start3A_330 = arith.constant 13 : i32
      %dma_start3A_331 = arith.constant 256 : i32
      %dma_start3A_332 = arith.constant 0 : i32
      %dma_start3A_333 = tpu.memref_slice %arg7[%dma_start3A_331, %dma_start3A_332] : memref<512x32xf32, #tpu.memory_space<vmem>> -> memref<128x32xf32, #tpu.memory_space<vmem>>
      %dma_start3A_334 = arith.constant 0 : i32
      %dma_start3A_335 = tpu.memref_slice %arg6[%dma_start3A_330, %dma_start3A_334] : memref<16x128xi32, #tpu.memory_space<vmem>> -> memref<1x128xi32, #tpu.memory_space<vmem>>
      %dma_start3A_336 = tpu.memref_squeeze %dma_start3A_335 : memref<1x128xi32, #tpu.memory_space<vmem>> -> memref<128xi32, #tpu.memory_space<vmem>>
      %dma_start3A_337 = arith.constant 0 : i32
      %dma_start3A_338 = arith.constant 0 : i32
      %dma_start3A_339 = tpu.memref_slice %arg8[%dma_start3A_337, %dma_start3A_338] : memref<50176x32xf32, #tpu.memory_space<vmem_shared>> -> memref<50176x32xf32, #tpu.memory_space<vmem_shared>>
      tpu.enqueue_indirect_dma source(%dma_start3A_333 : memref<128x32xf32, #tpu.memory_space<vmem>>) target(%dma_start3A_339 : memref<50176x32xf32, #tpu.memory_space<vmem_shared>>) offsets(%dma_start3A_336 : memref<128xi32, #tpu.memory_space<vmem>>) semaphore(%arg16 : memref<!tpu.dma_semaphore, #tpu.memory_space<semaphore_mem>>) {add = true}
      %dma_wait3A_340 = arith.constant 14 : i32
      %dma_wait3A_341 = arith.constant 384 : i32
      %dma_wait3A_342 = arith.constant 0 : i32
      %dma_wait3A_343 = tpu.memref_slice %arg7[%dma_wait3A_341, %dma_wait3A_342] : memref<512x32xf32, #tpu.memory_space<vmem>> -> memref<128x32xf32, #tpu.memory_space<vmem>>
      %dma_wait3A_344 = arith.constant 0 : i32
      %dma_wait3A_345 = tpu.memref_slice %arg6[%dma_wait3A_340, %dma_wait3A_344] : memref<16x128xi32, #tpu.memory_space<vmem>> -> memref<1x128xi32, #tpu.memory_space<vmem>>
      %dma_wait3A_346 = tpu.memref_squeeze %dma_wait3A_345 : memref<1x128xi32, #tpu.memory_space<vmem>> -> memref<128xi32, #tpu.memory_space<vmem>>
      %dma_wait3A_347 = arith.constant 0 : i32
      %dma_wait3A_348 = arith.constant 0 : i32
      %dma_wait3A_349 = tpu.memref_slice %arg2[%arg0, %dma_wait3A_347, %dma_wait3A_348] : memref<2x50000x32xf32, #tpu.memory_space<hbm>> -> memref<1x50000x32xf32, #tpu.memory_space<hbm>>
      %dma_wait3A_350 = tpu.memref_squeeze %dma_wait3A_349 : memref<1x50000x32xf32, #tpu.memory_space<hbm>> -> memref<50000x32xf32, #tpu.memory_space<hbm>>
      %dma_wait3A_351 = arith.constant 0 : i32
      %dma_wait3A_352 = arith.constant 0 : i32
      %dma_wait3A_353 = tpu.memref_slice %dma_wait3A_350[%dma_wait3A_351, %dma_wait3A_352] : memref<50000x32xf32, #tpu.memory_space<hbm>> -> memref<50000x32xf32, #tpu.memory_space<hbm>>
      tpu.wait_indirect_dma semaphore(%arg13 : memref<!tpu.dma_semaphore, #tpu.memory_space<semaphore_mem>>) src(%dma_wait3A_353 : memref<50000x32xf32, #tpu.memory_space<hbm>>) dst(%dma_wait3A_343 : memref<128x32xf32, #tpu.memory_space<vmem>>)
      %dma_start3A_354 = arith.constant 15 : i32
      %dma_start3A_355 = arith.constant 384 : i32
      %dma_start3A_356 = arith.constant 0 : i32
      %dma_start3A_357 = tpu.memref_slice %arg7[%dma_start3A_355, %dma_start3A_356] : memref<512x32xf32, #tpu.memory_space<vmem>> -> memref<128x32xf32, #tpu.memory_space<vmem>>
      %dma_start3A_358 = arith.constant 0 : i32
      %dma_start3A_359 = tpu.memref_slice %arg6[%dma_start3A_354, %dma_start3A_358] : memref<16x128xi32, #tpu.memory_space<vmem>> -> memref<1x128xi32, #tpu.memory_space<vmem>>
      %dma_start3A_360 = tpu.memref_squeeze %dma_start3A_359 : memref<1x128xi32, #tpu.memory_space<vmem>> -> memref<128xi32, #tpu.memory_space<vmem>>
      %dma_start3A_361 = arith.constant 0 : i32
      %dma_start3A_362 = arith.constant 0 : i32
      %dma_start3A_363 = tpu.memref_slice %arg8[%dma_start3A_361, %dma_start3A_362] : memref<50176x32xf32, #tpu.memory_space<vmem_shared>> -> memref<50176x32xf32, #tpu.memory_space<vmem_shared>>
      tpu.enqueue_indirect_dma source(%dma_start3A_357 : memref<128x32xf32, #tpu.memory_space<vmem>>) target(%dma_start3A_363 : memref<50176x32xf32, #tpu.memory_space<vmem_shared>>) offsets(%dma_start3A_360 : memref<128xi32, #tpu.memory_space<vmem>>) semaphore(%arg17 : memref<!tpu.dma_semaphore, #tpu.memory_space<semaphore_mem>>) {add = true}
      %dma_wait3A_364 = arith.constant 9 : i32
      %dma_wait3A_365 = arith.constant 0 : i32
      %dma_wait3A_366 = arith.constant 0 : i32
      %dma_wait3A_367 = tpu.memref_slice %arg7[%dma_wait3A_365, %dma_wait3A_366] : memref<512x32xf32, #tpu.memory_space<vmem>> -> memref<128x32xf32, #tpu.memory_space<vmem>>
      %dma_wait3A_368 = arith.constant 0 : i32
      %dma_wait3A_369 = tpu.memref_slice %arg6[%dma_wait3A_364, %dma_wait3A_368] : memref<16x128xi32, #tpu.memory_space<vmem>> -> memref<1x128xi32, #tpu.memory_space<vmem>>
      %dma_wait3A_370 = tpu.memref_squeeze %dma_wait3A_369 : memref<1x128xi32, #tpu.memory_space<vmem>> -> memref<128xi32, #tpu.memory_space<vmem>>
      %dma_wait3A_371 = arith.constant 0 : i32
      %dma_wait3A_372 = arith.constant 0 : i32
      %dma_wait3A_373 = tpu.memref_slice %arg8[%dma_wait3A_371, %dma_wait3A_372] : memref<50176x32xf32, #tpu.memory_space<vmem_shared>> -> memref<50176x32xf32, #tpu.memory_space<vmem_shared>>
      tpu.wait_indirect_dma semaphore(%arg14 : memref<!tpu.dma_semaphore, #tpu.memory_space<semaphore_mem>>) src(%dma_wait3A_367 : memref<128x32xf32, #tpu.memory_space<vmem>>) dst(%dma_wait3A_373 : memref<50176x32xf32, #tpu.memory_space<vmem_shared>>)
      %dma_wait3A_374 = arith.constant 11 : i32
      %dma_wait3A_375 = arith.constant 128 : i32
      %dma_wait3A_376 = arith.constant 0 : i32
      %dma_wait3A_377 = tpu.memref_slice %arg7[%dma_wait3A_375, %dma_wait3A_376] : memref<512x32xf32, #tpu.memory_space<vmem>> -> memref<128x32xf32, #tpu.memory_space<vmem>>
      %dma_wait3A_378 = arith.constant 0 : i32
      %dma_wait3A_379 = tpu.memref_slice %arg6[%dma_wait3A_374, %dma_wait3A_378] : memref<16x128xi32, #tpu.memory_space<vmem>> -> memref<1x128xi32, #tpu.memory_space<vmem>>
      %dma_wait3A_380 = tpu.memref_squeeze %dma_wait3A_379 : memref<1x128xi32, #tpu.memory_space<vmem>> -> memref<128xi32, #tpu.memory_space<vmem>>
      %dma_wait3A_381 = arith.constant 0 : i32
      %dma_wait3A_382 = arith.constant 0 : i32
      %dma_wait3A_383 = tpu.memref_slice %arg8[%dma_wait3A_381, %dma_wait3A_382] : memref<50176x32xf32, #tpu.memory_space<vmem_shared>> -> memref<50176x32xf32, #tpu.memory_space<vmem_shared>>
      tpu.wait_indirect_dma semaphore(%arg15 : memref<!tpu.dma_semaphore, #tpu.memory_space<semaphore_mem>>) src(%dma_wait3A_377 : memref<128x32xf32, #tpu.memory_space<vmem>>) dst(%dma_wait3A_383 : memref<50176x32xf32, #tpu.memory_space<vmem_shared>>)
      %dma_wait3A_384 = arith.constant 13 : i32
      %dma_wait3A_385 = arith.constant 256 : i32
      %dma_wait3A_386 = arith.constant 0 : i32
      %dma_wait3A_387 = tpu.memref_slice %arg7[%dma_wait3A_385, %dma_wait3A_386] : memref<512x32xf32, #tpu.memory_space<vmem>> -> memref<128x32xf32, #tpu.memory_space<vmem>>
      %dma_wait3A_388 = arith.constant 0 : i32
      %dma_wait3A_389 = tpu.memref_slice %arg6[%dma_wait3A_384, %dma_wait3A_388] : memref<16x128xi32, #tpu.memory_space<vmem>> -> memref<1x128xi32, #tpu.memory_space<vmem>>
      %dma_wait3A_390 = tpu.memref_squeeze %dma_wait3A_389 : memref<1x128xi32, #tpu.memory_space<vmem>> -> memref<128xi32, #tpu.memory_space<vmem>>
      %dma_wait3A_391 = arith.constant 0 : i32
      %dma_wait3A_392 = arith.constant 0 : i32
      %dma_wait3A_393 = tpu.memref_slice %arg8[%dma_wait3A_391, %dma_wait3A_392] : memref<50176x32xf32, #tpu.memory_space<vmem_shared>> -> memref<50176x32xf32, #tpu.memory_space<vmem_shared>>
      tpu.wait_indirect_dma semaphore(%arg16 : memref<!tpu.dma_semaphore, #tpu.memory_space<semaphore_mem>>) src(%dma_wait3A_387 : memref<128x32xf32, #tpu.memory_space<vmem>>) dst(%dma_wait3A_393 : memref<50176x32xf32, #tpu.memory_space<vmem_shared>>)
      %dma_wait3A_394 = arith.constant 15 : i32
      %dma_wait3A_395 = arith.constant 384 : i32
      %dma_wait3A_396 = arith.constant 0 : i32
      %dma_wait3A_397 = tpu.memref_slice %arg7[%dma_wait3A_395, %dma_wait3A_396] : memref<512x32xf32, #tpu.memory_space<vmem>> -> memref<128x32xf32, #tpu.memory_space<vmem>>
      %dma_wait3A_398 = arith.constant 0 : i32
      %dma_wait3A_399 = tpu.memref_slice %arg6[%dma_wait3A_394, %dma_wait3A_398] : memref<16x128xi32, #tpu.memory_space<vmem>> -> memref<1x128xi32, #tpu.memory_space<vmem>>
      %dma_wait3A_400 = tpu.memref_squeeze %dma_wait3A_399 : memref<1x128xi32, #tpu.memory_space<vmem>> -> memref<128xi32, #tpu.memory_space<vmem>>
      %dma_wait3A_401 = arith.constant 0 : i32
      %dma_wait3A_402 = arith.constant 0 : i32
      %dma_wait3A_403 = tpu.memref_slice %arg8[%dma_wait3A_401, %dma_wait3A_402] : memref<50176x32xf32, #tpu.memory_space<vmem_shared>> -> memref<50176x32xf32, #tpu.memory_space<vmem_shared>>
      tpu.wait_indirect_dma semaphore(%arg17 : memref<!tpu.dma_semaphore, #tpu.memory_space<semaphore_mem>>) src(%dma_wait3A_397 : memref<128x32xf32, #tpu.memory_space<vmem>>) dst(%dma_wait3A_403 : memref<50176x32xf32, #tpu.memory_space<vmem_shared>>)
    }
    %scan3A_9 = arith.constant 49 : i32
    %barrier3A_10 = arith.constant 0 : index
    tpu.barrier barrier_id(%barrier3A_10)
    %lt3A = arith.constant 15 : i32
    %lt3A_11 = arith.cmpi slt, %arg1, %lt3A : i32
    %convert_element_type3A = arith.extui %lt3A_11 : i1 to i32
    %cond3A = arith.constant 0 : i32
    %cond3A_12 = arith.cmpi ne, %convert_element_type3A, %cond3A : i32
    scf.if %cond3A_12 {
      %mul3A_17 = arith.constant 3128 : i32
      %mul3A_18 = arith.muli %arg1, %mul3A_17 : i32
      %mul3A_19 = arith.constant 3128 : i32
      %mul3A_20 = arith.muli %arg1, %mul3A_19 : i32
      %dma_start3A_21 = arith.constant 0 : i32
      %dma_start3A_22 = arith.constant 0 : i32
      %dma_start3A_23 = tpu.memref_slice %arg5[%arg0, %dma_start3A_21, %dma_start3A_22] : memref<2x50000x32xf32, #tpu.memory_space<hbm>> -> memref<1x50000x32xf32, #tpu.memory_space<hbm>>
      %dma_start3A_24 = tpu.memref_squeeze %dma_start3A_23 : memref<1x50000x32xf32, #tpu.memory_space<hbm>> -> memref<50000x32xf32, #tpu.memory_space<hbm>>
      %dma_start3A_25 = arith.constant 0 : i32
      %dma_start3A_26 = tpu.memref_slice %dma_start3A_24[%mul3A_20, %dma_start3A_25] : memref<50000x32xf32, #tpu.memory_space<hbm>> -> memref<3128x32xf32, #tpu.memory_space<hbm>>
      %dma_start3A_27 = arith.constant 0 : i32
      %dma_start3A_28 = tpu.memref_slice %arg8[%mul3A_18, %dma_start3A_27] : memref<50176x32xf32, #tpu.memory_space<vmem_shared>> -> memref<3128x32xf32, #tpu.memory_space<vmem_shared>>
      tpu.enqueue_dma source(%dma_start3A_28 : memref<3128x32xf32, #tpu.memory_space<vmem_shared>>) target(%dma_start3A_26 : memref<3128x32xf32, #tpu.memory_space<hbm>>) target_semaphore(%arg9 : memref<!tpu.dma_semaphore, #tpu.memory_space<semaphore_mem>>)
      %dma_wait3A_29 = arith.constant 0 : i32
      %dma_wait3A_30 = arith.constant 0 : i32
      %dma_wait3A_31 = tpu.memref_slice %arg5[%arg0, %dma_wait3A_29, %dma_wait3A_30] : memref<2x50000x32xf32, #tpu.memory_space<hbm>> -> memref<1x50000x32xf32, #tpu.memory_space<hbm>>
      %dma_wait3A_32 = tpu.memref_squeeze %dma_wait3A_31 : memref<1x50000x32xf32, #tpu.memory_space<hbm>> -> memref<50000x32xf32, #tpu.memory_space<hbm>>
      %dma_wait3A_33 = arith.constant 0 : i32
      %dma_wait3A_34 = tpu.memref_slice %dma_wait3A_32[%mul3A_20, %dma_wait3A_33] : memref<50000x32xf32, #tpu.memory_space<hbm>> -> memref<3128x32xf32, #tpu.memory_space<hbm>>
      %dma_wait3A_35 = arith.constant 0 : i32
      %dma_wait3A_36 = tpu.memref_slice %arg8[%mul3A_18, %dma_wait3A_35] : memref<50176x32xf32, #tpu.memory_space<vmem_shared>> -> memref<3128x32xf32, #tpu.memory_space<vmem_shared>>
      tpu.wait_dma2 semaphore(%arg9 : memref<!tpu.dma_semaphore, #tpu.memory_space<semaphore_mem>>) src(%dma_wait3A_36 : memref<3128x32xf32, #tpu.memory_space<vmem_shared>>) dst(%dma_wait3A_34 : memref<3128x32xf32, #tpu.memory_space<hbm>>)
    } else {
    }
    %eq3A = arith.constant 15 : i32
    %eq3A_13 = arith.cmpi eq, %arg1, %eq3A : i32
    %convert_element_type3A_14 = arith.extui %eq3A_13 : i1 to i32
    %cond3A_15 = arith.constant 0 : i32
    %cond3A_16 = arith.cmpi ne, %convert_element_type3A_14, %cond3A_15 : i32
    scf.if %cond3A_16 {
      %dma_start3A_17 = arith.constant 0 : i32
      %dma_start3A_18 = arith.constant 0 : i32
      %dma_start3A_19 = tpu.memref_slice %arg5[%arg0, %dma_start3A_17, %dma_start3A_18] : memref<2x50000x32xf32, #tpu.memory_space<hbm>> -> memref<1x50000x32xf32, #tpu.memory_space<hbm>>
      %dma_start3A_20 = tpu.memref_squeeze %dma_start3A_19 : memref<1x50000x32xf32, #tpu.memory_space<hbm>> -> memref<50000x32xf32, #tpu.memory_space<hbm>>
      %dma_start3A_21 = arith.constant 46920 : i32
      %dma_start3A_22 = arith.constant 0 : i32
      %dma_start3A_23 = tpu.memref_slice %dma_start3A_20[%dma_start3A_21, %dma_start3A_22] : memref<50000x32xf32, #tpu.memory_space<hbm>> -> memref<3080x32xf32, #tpu.memory_space<hbm>>
      %dma_start3A_24 = arith.constant 46920 : i32
      %dma_start3A_25 = arith.constant 0 : i32
      %dma_start3A_26 = tpu.memref_slice %arg8[%dma_start3A_24, %dma_start3A_25] : memref<50176x32xf32, #tpu.memory_space<vmem_shared>> -> memref<3080x32xf32, #tpu.memory_space<vmem_shared>>
      tpu.enqueue_dma source(%dma_start3A_26 : memref<3080x32xf32, #tpu.memory_space<vmem_shared>>) target(%dma_start3A_23 : memref<3080x32xf32, #tpu.memory_space<hbm>>) target_semaphore(%arg9 : memref<!tpu.dma_semaphore, #tpu.memory_space<semaphore_mem>>)
      %dma_wait3A_27 = arith.constant 0 : i32
      %dma_wait3A_28 = arith.constant 0 : i32
      %dma_wait3A_29 = tpu.memref_slice %arg5[%arg0, %dma_wait3A_27, %dma_wait3A_28] : memref<2x50000x32xf32, #tpu.memory_space<hbm>> -> memref<1x50000x32xf32, #tpu.memory_space<hbm>>
      %dma_wait3A_30 = tpu.memref_squeeze %dma_wait3A_29 : memref<1x50000x32xf32, #tpu.memory_space<hbm>> -> memref<50000x32xf32, #tpu.memory_space<hbm>>
      %dma_wait3A_31 = arith.constant 46920 : i32
      %dma_wait3A_32 = arith.constant 0 : i32
      %dma_wait3A_33 = tpu.memref_slice %dma_wait3A_30[%dma_wait3A_31, %dma_wait3A_32] : memref<50000x32xf32, #tpu.memory_space<hbm>> -> memref<3080x32xf32, #tpu.memory_space<hbm>>
      %dma_wait3A_34 = arith.constant 46920 : i32
      %dma_wait3A_35 = arith.constant 0 : i32
      %dma_wait3A_36 = tpu.memref_slice %arg8[%dma_wait3A_34, %dma_wait3A_35] : memref<50176x32xf32, #tpu.memory_space<vmem_shared>> -> memref<3080x32xf32, #tpu.memory_space<vmem_shared>>
      tpu.wait_dma2 semaphore(%arg9 : memref<!tpu.dma_semaphore, #tpu.memory_space<semaphore_mem>>) src(%dma_wait3A_36 : memref<3080x32xf32, #tpu.memory_space<vmem_shared>>) dst(%dma_wait3A_33 : memref<3080x32xf32, #tpu.memory_space<hbm>>)
    } else {
    }
    return
  }
}

module attributes {stable_mosaic.version = 14 : i64} {
  func.func @_tc_input_body(%arg0: i32, %arg1: memref<2000x8xf32, #tpu.memory_space<vmem>>, %arg2: memref<8x64xf32, #tpu.memory_space<vmem>>, %arg3: memref<1x64xf32, #tpu.memory_space<vmem>>, %arg4: memref<1x64xf32, #tpu.memory_space<vmem>>, %arg5: memref<1x64xf32, #tpu.memory_space<vmem>>, %arg6: memref<2x2000x32xf32, #tpu.memory_space<vmem>>) attributes {dimension_semantics = [#tpu.dimension_semantics<arbitrary>], iteration_bounds = array<i64: 25>, scalar_prefetch = 0 : i64, scratch_operands = 0 : i64, tpu.core_type = #tpu.core_type<tc>, window_params = [{transform_indices = @transform_0, window_bounds = array<i64: 2000, 8>}, {pipeline_mode = #tpu.pipeline_mode<synchronous>, transform_indices = @transform_1, window_bounds = array<i64: 8, 64>}, {pipeline_mode = #tpu.pipeline_mode<synchronous>, transform_indices = @transform_2, window_bounds = array<i64: 1, 64>}, {pipeline_mode = #tpu.pipeline_mode<synchronous>, transform_indices = @transform_3, window_bounds = array<i64: 1, 64>}, {pipeline_mode = #tpu.pipeline_mode<synchronous>, transform_indices = @transform_4, window_bounds = array<i64: 1, 64>}, {transform_indices = @transform_5, window_bounds = array<i64: 2, 2000, 32>}]} {
    %get3A = arith.constant 0 : index
    %get3A_0 = arith.constant 0 : index
    %get3A_1 = vector.load %arg1[%get3A, %get3A_0] : memref<2000x8xf32, #tpu.memory_space<vmem>>, vector<2000x8xf32>
    %get3A_2 = arith.constant 0 : index
    %get3A_3 = arith.constant 0 : index
    %get3A_4 = vector.load %arg2[%get3A_2, %get3A_3] : memref<8x64xf32, #tpu.memory_space<vmem>>, vector<8x64xf32>
    %dot_general3A = arith.constant dense<0.000000e+00> : vector<2000x64xf32>
    %dot_general3A_5 = tpu.matmul %get3A_1, %get3A_4, %dot_general3A {dimension_numbers = #tpu.dot_dimension_numbers<[1], [0], [0], [1], [0, 0, 1, 1], [], []>, transpose_lhs_hint = false} : vector<2000x8xf32>, vector<8x64xf32>, vector<2000x64xf32> -> vector<2000x64xf32>
    %get3A_6 = arith.constant 0 : index
    %get3A_7 = arith.constant 0 : index
    %get3A_8 = vector.load %arg3[%get3A_6, %get3A_7] : memref<1x64xf32, #tpu.memory_space<vmem>>, vector<1x64xf32>
    %add3A = vector.broadcast %get3A_8 : vector<1x64xf32> to vector<2000x64xf32>
    %add3A_9 = arith.addf %dot_general3A_5, %add3A : vector<2000x64xf32>
    %get3A_10 = arith.constant 0 : index
    %get3A_11 = arith.constant 0 : index
    %get3A_12 = vector.load %arg4[%get3A_10, %get3A_11] : memref<1x64xf32, #tpu.memory_space<vmem>>, vector<1x64xf32>
    %get3A_13 = arith.constant 0 : index
    %get3A_14 = arith.constant 0 : index
    %get3A_15 = vector.load %arg5[%get3A_13, %get3A_14] : memref<1x64xf32, #tpu.memory_space<vmem>>, vector<1x64xf32>
    %reduce_sum3A = arith.constant dense<0.000000e+00> : vector<2000xf32>
    %reduce_sum3A_16 = vector.multi_reduction <add>, %add3A_9, %reduce_sum3A [1] : vector<2000x64xf32> to vector<2000xf32>
    %broadcast_in_dim3A = vector.shape_cast %reduce_sum3A_16 : vector<2000xf32> to vector<2000x1xf32>
    %div3A = arith.constant 6.400000e+01 : f32
    %div3A_17 = vector.broadcast %div3A : f32 to vector<2000x1xf32>
    %div3A_18 = arith.divf %broadcast_in_dim3A, %div3A_17 : vector<2000x1xf32>
    %sub3A = vector.broadcast %div3A_18 : vector<2000x1xf32> to vector<2000x64xf32>
    %sub3A_19 = arith.subf %add3A_9, %sub3A : vector<2000x64xf32>
    %sub3A_20 = vector.broadcast %div3A_18 : vector<2000x1xf32> to vector<2000x64xf32>
    %sub3A_21 = arith.subf %add3A_9, %sub3A_20 : vector<2000x64xf32>
    %mul3A = arith.mulf %sub3A_19, %sub3A_21 : vector<2000x64xf32>
    %reduce_sum3A_22 = arith.constant dense<0.000000e+00> : vector<2000xf32>
    %reduce_sum3A_23 = vector.multi_reduction <add>, %mul3A, %reduce_sum3A_22 [1] : vector<2000x64xf32> to vector<2000xf32>
    %broadcast_in_dim3A_24 = vector.shape_cast %reduce_sum3A_23 : vector<2000xf32> to vector<2000x1xf32>
    %div3A_25 = arith.constant 6.400000e+01 : f32
    %div3A_26 = vector.broadcast %div3A_25 : f32 to vector<2000x1xf32>
    %div3A_27 = arith.divf %broadcast_in_dim3A_24, %div3A_26 : vector<2000x1xf32>
    %sub3A_28 = vector.broadcast %div3A_18 : vector<2000x1xf32> to vector<2000x64xf32>
    %sub3A_29 = arith.subf %add3A_9, %sub3A_28 : vector<2000x64xf32>
    %add3A_30 = arith.constant 9.99999974E-6 : f32
    %add3A_31 = vector.broadcast %add3A_30 : f32 to vector<2000x1xf32>
    %add3A_32 = arith.addf %div3A_27, %add3A_31 : vector<2000x1xf32>
    %sqrt3A = math.sqrt %add3A_32 : vector<2000x1xf32>
    %div3A_33 = vector.broadcast %sqrt3A : vector<2000x1xf32> to vector<2000x64xf32>
    %div3A_34 = arith.divf %sub3A_29, %div3A_33 : vector<2000x64xf32>
    %mul3A_35 = vector.broadcast %get3A_12 : vector<1x64xf32> to vector<2000x64xf32>
    %mul3A_36 = arith.mulf %div3A_34, %mul3A_35 : vector<2000x64xf32>
    %add3A_37 = vector.broadcast %get3A_15 : vector<1x64xf32> to vector<2000x64xf32>
    %add3A_38 = arith.addf %mul3A_36, %add3A_37 : vector<2000x64xf32>
    %max3A = arith.constant 0.000000e+00 : f32
    %max3A_39 = vector.broadcast %max3A : f32 to vector<2000x64xf32>
    %max3A_40 = arith.maximumf %add3A_38, %max3A_39 : vector<2000x64xf32>
    %slice3A = vector.extract_strided_slice %max3A_40 {offsets = [0, 0], sizes = [2000, 32], strides = [1, 1]} : vector<2000x64xf32> to vector<2000x32xf32>
    %swap3A = arith.constant 0 : index
    %swap3A_41 = arith.constant 0 : index
    %swap3A_42 = arith.constant 0 : index
    %swap3A_43 = vector.load %arg6[%swap3A, %swap3A_41, %swap3A_42] : memref<2x2000x32xf32, #tpu.memory_space<vmem>>, vector<1x2000x32xf32>
    %swap3A_44 = vector.shape_cast %swap3A_43 : vector<1x2000x32xf32> to vector<2000x32xf32>
    %swap3A_45 = vector.shape_cast %slice3A : vector<2000x32xf32> to vector<1x2000x32xf32>
    tpu.vector_store %arg6[%swap3A, %swap3A_41, %swap3A_42], %swap3A_45 {strides = array<i32>} : memref<2x2000x32xf32, #tpu.memory_space<vmem>>, vector<1x2000x32xf32>,
    %slice3A_46 = vector.extract_strided_slice %max3A_40 {offsets = [0, 32], sizes = [2000, 32], strides = [1, 1]} : vector<2000x64xf32> to vector<2000x32xf32>
    %swap3A_47 = arith.constant 1 : index
    %swap3A_48 = arith.constant 0 : index
    %swap3A_49 = arith.constant 0 : index
    %swap3A_50 = vector.load %arg6[%swap3A_47, %swap3A_48, %swap3A_49] : memref<2x2000x32xf32, #tpu.memory_space<vmem>>, vector<1x2000x32xf32>
    %swap3A_51 = vector.shape_cast %swap3A_50 : vector<1x2000x32xf32> to vector<2000x32xf32>
    %swap3A_52 = vector.shape_cast %slice3A_46 : vector<2000x32xf32> to vector<1x2000x32xf32>
    tpu.vector_store %arg6[%swap3A_47, %swap3A_48, %swap3A_49], %swap3A_52 {strides = array<i32>} : memref<2x2000x32xf32, #tpu.memory_space<vmem>>, vector<1x2000x32xf32>,
    return
  }
  func.func @transform_0(%arg0: i32) -> (i32, i32) {
    %c0_i32 = arith.constant 0 : i32
    %c0_i32_0 = arith.constant 0 : i32
    return %arg0, %c0_i32 : i32, i32
  }
  func.func @transform_1(%arg0: i32) -> (i32, i32) {
    %c0_i32 = arith.constant 0 : i32
    %c0_i32_0 = arith.constant 0 : i32
    %c0_i32_1 = arith.constant 0 : i32
    return %c0_i32, %c0_i32_0 : i32, i32
  }
  func.func @transform_2(%arg0: i32) -> (i32, i32) {
    %c0_i32 = arith.constant 0 : i32
    %c0_i32_0 = arith.constant 0 : i32
    %c0_i32_1 = arith.constant 0 : i32
    return %c0_i32, %c0_i32_0 : i32, i32
  }
  func.func @transform_3(%arg0: i32) -> (i32, i32) {
    %c0_i32 = arith.constant 0 : i32
    %c0_i32_0 = arith.constant 0 : i32
    %c0_i32_1 = arith.constant 0 : i32
    return %c0_i32, %c0_i32_0 : i32, i32
  }
  func.func @transform_4(%arg0: i32) -> (i32, i32) {
    %c0_i32 = arith.constant 0 : i32
    %c0_i32_0 = arith.constant 0 : i32
    %c0_i32_1 = arith.constant 0 : i32
    return %c0_i32, %c0_i32_0 : i32, i32
  }
  func.func @transform_5(%arg0: i32) -> (i32, i32, i32) {
    %c0_i32 = arith.constant 0 : i32
    %c0_i32_0 = arith.constant 0 : i32
    %c0_i32_1 = arith.constant 0 : i32
    return %c0_i32, %arg0, %c0_i32_0 : i32, i32, i32
  }
}

module attributes {stable_mosaic.version = 14 : i64} {
  func.func @_tc_layer_body(%arg0: i32, %arg1: memref<2x2000x32xf32, #tpu.memory_space<vmem>>, %arg2: memref<2x2000x32xf32, #tpu.memory_space<vmem>>, %arg3: memref<2x2000x16xf32, #tpu.memory_space<vmem>>, %arg4: memref<64x64xf32, #tpu.memory_space<vmem>>, %arg5: memref<1x64xf32, #tpu.memory_space<vmem>>, %arg6: memref<64x64xf32, #tpu.memory_space<vmem>>, %arg7: memref<1x64xf32, #tpu.memory_space<vmem>>, %arg8: memref<1x64xf32, #tpu.memory_space<vmem>>, %arg9: memref<2x2000x32xf32, #tpu.memory_space<vmem>>) attributes {dimension_semantics = [#tpu.dimension_semantics<arbitrary>], iteration_bounds = array<i64: 25>, scalar_prefetch = 0 : i64, scratch_operands = 0 : i64, tpu.core_type = #tpu.core_type<tc>, window_params = [{transform_indices = @transform_0, window_bounds = array<i64: 2, 2000, 32>}, {transform_indices = @transform_1, window_bounds = array<i64: 2, 2000, 32>}, {transform_indices = @transform_2, window_bounds = array<i64: 2, 2000, 16>}, {pipeline_mode = #tpu.pipeline_mode<synchronous>, transform_indices = @transform_3, window_bounds = array<i64: 64, 64>}, {pipeline_mode = #tpu.pipeline_mode<synchronous>, transform_indices = @transform_4, window_bounds = array<i64: 1, 64>}, {pipeline_mode = #tpu.pipeline_mode<synchronous>, transform_indices = @transform_5, window_bounds = array<i64: 64, 64>}, {pipeline_mode = #tpu.pipeline_mode<synchronous>, transform_indices = @transform_6, window_bounds = array<i64: 1, 64>}, {pipeline_mode = #tpu.pipeline_mode<synchronous>, transform_indices = @transform_7, window_bounds = array<i64: 1, 64>}, {transform_indices = @transform_8, window_bounds = array<i64: 2, 2000, 32>}]} {
    %get3A = arith.constant 0 : index
    %get3A_0 = arith.constant 0 : index
    %get3A_1 = arith.constant 0 : index
    %get3A_2 = vector.load %arg2[%get3A, %get3A_0, %get3A_1] : memref<2x2000x32xf32, #tpu.memory_space<vmem>>, vector<1x2000x32xf32>
    %get3A_3 = vector.shape_cast %get3A_2 : vector<1x2000x32xf32> to vector<2000x32xf32>
    %get3A_4 = arith.constant 1 : index
    %get3A_5 = arith.constant 0 : index
    %get3A_6 = arith.constant 0 : index
    %get3A_7 = vector.load %arg2[%get3A_4, %get3A_5, %get3A_6] : memref<2x2000x32xf32, #tpu.memory_space<vmem>>, vector<1x2000x32xf32>
    %get3A_8 = vector.shape_cast %get3A_7 : vector<1x2000x32xf32> to vector<2000x32xf32>
    %concatenate3A = tpu.concatenate %get3A_3, %get3A_8 in 1 : vector<2000x32xf32>, vector<2000x32xf32> -> vector<2000x64xf32>
    %get3A_9 = arith.constant 0 : index
    %get3A_10 = arith.constant 0 : index
    %get3A_11 = arith.constant 0 : index
    %get3A_12 = vector.load %arg1[%get3A_9, %get3A_10, %get3A_11] : memref<2x2000x32xf32, #tpu.memory_space<vmem>>, vector<1x2000x32xf32>
    %get3A_13 = vector.shape_cast %get3A_12 : vector<1x2000x32xf32> to vector<2000x32xf32>
    %get3A_14 = arith.constant 1 : index
    %get3A_15 = arith.constant 0 : index
    %get3A_16 = arith.constant 0 : index
    %get3A_17 = vector.load %arg1[%get3A_14, %get3A_15, %get3A_16] : memref<2x2000x32xf32, #tpu.memory_space<vmem>>, vector<1x2000x32xf32>
    %get3A_18 = vector.shape_cast %get3A_17 : vector<1x2000x32xf32> to vector<2000x32xf32>
    %concatenate3A_19 = tpu.concatenate %get3A_13, %get3A_18 in 1 : vector<2000x32xf32>, vector<2000x32xf32> -> vector<2000x64xf32>
    %get3A_20 = arith.constant 0 : index
    %get3A_21 = arith.constant 0 : index
    %get3A_22 = arith.constant 0 : index
    %get3A_23 = vector.load %arg3[%get3A_20, %get3A_21, %get3A_22] : memref<2x2000x16xf32, #tpu.memory_space<vmem>>, vector<1x2000x16xf32>
    %get3A_24 = vector.shape_cast %get3A_23 : vector<1x2000x16xf32> to vector<2000x16xf32>
    %slice3A = vector.extract_strided_slice %get3A_24 {offsets = [0, 0], sizes = [2000, 1], strides = [1, 1]} : vector<2000x16xf32> to vector<2000x1xf32>
    %get3A_25 = arith.constant 1 : index
    %get3A_26 = arith.constant 0 : index
    %get3A_27 = arith.constant 0 : index
    %get3A_28 = vector.load %arg3[%get3A_25, %get3A_26, %get3A_27] : memref<2x2000x16xf32, #tpu.memory_space<vmem>>, vector<1x2000x16xf32>
    %get3A_29 = vector.shape_cast %get3A_28 : vector<1x2000x16xf32> to vector<2000x16xf32>
    %slice3A_30 = vector.extract_strided_slice %get3A_29 {offsets = [0, 0], sizes = [2000, 1], strides = [1, 1]} : vector<2000x16xf32> to vector<2000x1xf32>
    %add3A = arith.addf %slice3A, %slice3A_30 : vector<2000x1xf32>
    %max3A = arith.constant 1.000000e+00 : f32
    %max3A_31 = vector.broadcast %max3A : f32 to vector<2000x1xf32>
    %max3A_32 = arith.maximumf %add3A, %max3A_31 : vector<2000x1xf32>
    %div3A = arith.constant 1.000000e+00 : f32
    %div3A_33 = vector.broadcast %div3A : f32 to vector<2000x1xf32>
    %div3A_34 = arith.divf %div3A_33, %max3A_32 : vector<2000x1xf32>
    %mul3A = vector.broadcast %div3A_34 : vector<2000x1xf32> to vector<2000x64xf32>
    %mul3A_35 = arith.mulf %concatenate3A_19, %mul3A : vector<2000x64xf32>
    %get3A_36 = arith.constant 0 : index
    %get3A_37 = arith.constant 0 : index
    %get3A_38 = vector.load %arg4[%get3A_36, %get3A_37] : memref<64x64xf32, #tpu.memory_space<vmem>>, vector<64x64xf32>
    %dot_general3A = arith.constant dense<0.000000e+00> : vector<2000x64xf32>
    %dot_general3A_39 = tpu.matmul %mul3A_35, %get3A_38, %dot_general3A {dimension_numbers = #tpu.dot_dimension_numbers<[1], [0], [0], [1], [0, 0, 1, 1], [], []>, transpose_lhs_hint = false} : vector<2000x64xf32>, vector<64x64xf32>, vector<2000x64xf32> -> vector<2000x64xf32>
    %get3A_40 = arith.constant 0 : index
    %get3A_41 = arith.constant 0 : index
    %get3A_42 = vector.load %arg5[%get3A_40, %get3A_41] : memref<1x64xf32, #tpu.memory_space<vmem>>, vector<1x64xf32>
    %add3A_43 = vector.broadcast %get3A_42 : vector<1x64xf32> to vector<2000x64xf32>
    %add3A_44 = arith.addf %dot_general3A_39, %add3A_43 : vector<2000x64xf32>
    %get3A_45 = arith.constant 0 : index
    %get3A_46 = arith.constant 0 : index
    %get3A_47 = vector.load %arg6[%get3A_45, %get3A_46] : memref<64x64xf32, #tpu.memory_space<vmem>>, vector<64x64xf32>
    %dot_general3A_48 = arith.constant dense<0.000000e+00> : vector<2000x64xf32>
    %dot_general3A_49 = tpu.matmul %concatenate3A, %get3A_47, %dot_general3A_48 {dimension_numbers = #tpu.dot_dimension_numbers<[1], [0], [0], [1], [0, 0, 1, 1], [], []>, transpose_lhs_hint = false} : vector<2000x64xf32>, vector<64x64xf32>, vector<2000x64xf32> -> vector<2000x64xf32>
    %add3A_50 = arith.addf %add3A_44, %dot_general3A_49 : vector<2000x64xf32>
    %get3A_51 = arith.constant 0 : index
    %get3A_52 = arith.constant 0 : index
    %get3A_53 = vector.load %arg7[%get3A_51, %get3A_52] : memref<1x64xf32, #tpu.memory_space<vmem>>, vector<1x64xf32>
    %get3A_54 = arith.constant 0 : index
    %get3A_55 = arith.constant 0 : index
    %get3A_56 = vector.load %arg8[%get3A_54, %get3A_55] : memref<1x64xf32, #tpu.memory_space<vmem>>, vector<1x64xf32>
    %reduce_sum3A = arith.constant dense<0.000000e+00> : vector<2000xf32>
    %reduce_sum3A_57 = vector.multi_reduction <add>, %add3A_50, %reduce_sum3A [1] : vector<2000x64xf32> to vector<2000xf32>
    %broadcast_in_dim3A = vector.shape_cast %reduce_sum3A_57 : vector<2000xf32> to vector<2000x1xf32>
    %div3A_58 = arith.constant 6.400000e+01 : f32
    %div3A_59 = vector.broadcast %div3A_58 : f32 to vector<2000x1xf32>
    %div3A_60 = arith.divf %broadcast_in_dim3A, %div3A_59 : vector<2000x1xf32>
    %sub3A = vector.broadcast %div3A_60 : vector<2000x1xf32> to vector<2000x64xf32>
    %sub3A_61 = arith.subf %add3A_50, %sub3A : vector<2000x64xf32>
    %sub3A_62 = vector.broadcast %div3A_60 : vector<2000x1xf32> to vector<2000x64xf32>
    %sub3A_63 = arith.subf %add3A_50, %sub3A_62 : vector<2000x64xf32>
    %mul3A_64 = arith.mulf %sub3A_61, %sub3A_63 : vector<2000x64xf32>
    %reduce_sum3A_65 = arith.constant dense<0.000000e+00> : vector<2000xf32>
    %reduce_sum3A_66 = vector.multi_reduction <add>, %mul3A_64, %reduce_sum3A_65 [1] : vector<2000x64xf32> to vector<2000xf32>
    %broadcast_in_dim3A_67 = vector.shape_cast %reduce_sum3A_66 : vector<2000xf32> to vector<2000x1xf32>
    %div3A_68 = arith.constant 6.400000e+01 : f32
    %div3A_69 = vector.broadcast %div3A_68 : f32 to vector<2000x1xf32>
    %div3A_70 = arith.divf %broadcast_in_dim3A_67, %div3A_69 : vector<2000x1xf32>
    %sub3A_71 = vector.broadcast %div3A_60 : vector<2000x1xf32> to vector<2000x64xf32>
    %sub3A_72 = arith.subf %add3A_50, %sub3A_71 : vector<2000x64xf32>
    %add3A_73 = arith.constant 9.99999974E-6 : f32
    %add3A_74 = vector.broadcast %add3A_73 : f32 to vector<2000x1xf32>
    %add3A_75 = arith.addf %div3A_70, %add3A_74 : vector<2000x1xf32>
    %sqrt3A = math.sqrt %add3A_75 : vector<2000x1xf32>
    %div3A_76 = vector.broadcast %sqrt3A : vector<2000x1xf32> to vector<2000x64xf32>
    %div3A_77 = arith.divf %sub3A_72, %div3A_76 : vector<2000x64xf32>
    %mul3A_78 = vector.broadcast %get3A_53 : vector<1x64xf32> to vector<2000x64xf32>
    %mul3A_79 = arith.mulf %div3A_77, %mul3A_78 : vector<2000x64xf32>
    %add3A_80 = vector.broadcast %get3A_56 : vector<1x64xf32> to vector<2000x64xf32>
    %add3A_81 = arith.addf %mul3A_79, %add3A_80 : vector<2000x64xf32>
    %max3A_82 = arith.constant 0.000000e+00 : f32
    %max3A_83 = vector.broadcast %max3A_82 : f32 to vector<2000x64xf32>
    %max3A_84 = arith.maximumf %add3A_81, %max3A_83 : vector<2000x64xf32>
    %add3A_85 = arith.addf %concatenate3A, %max3A_84 : vector<2000x64xf32>
    %slice3A_86 = vector.extract_strided_slice %add3A_85 {offsets = [0, 0], sizes = [2000, 32], strides = [1, 1]} : vector<2000x64xf32> to vector<2000x32xf32>
    %swap3A = arith.constant 0 : index
    %swap3A_87 = arith.constant 0 : index
    %swap3A_88 = arith.constant 0 : index
    %swap3A_89 = vector.load %arg9[%swap3A, %swap3A_87, %swap3A_88] : memref<2x2000x32xf32, #tpu.memory_space<vmem>>, vector<1x2000x32xf32>
    %swap3A_90 = vector.shape_cast %swap3A_89 : vector<1x2000x32xf32> to vector<2000x32xf32>
    %swap3A_91 = vector.shape_cast %slice3A_86 : vector<2000x32xf32> to vector<1x2000x32xf32>
    tpu.vector_store %arg9[%swap3A, %swap3A_87, %swap3A_88], %swap3A_91 {strides = array<i32>} : memref<2x2000x32xf32, #tpu.memory_space<vmem>>, vector<1x2000x32xf32>,
    %slice3A_92 = vector.extract_strided_slice %add3A_85 {offsets = [0, 32], sizes = [2000, 32], strides = [1, 1]} : vector<2000x64xf32> to vector<2000x32xf32>
    %swap3A_93 = arith.constant 1 : index
    %swap3A_94 = arith.constant 0 : index
    %swap3A_95 = arith.constant 0 : index
    %swap3A_96 = vector.load %arg9[%swap3A_93, %swap3A_94, %swap3A_95] : memref<2x2000x32xf32, #tpu.memory_space<vmem>>, vector<1x2000x32xf32>
    %swap3A_97 = vector.shape_cast %swap3A_96 : vector<1x2000x32xf32> to vector<2000x32xf32>
    %swap3A_98 = vector.shape_cast %slice3A_92 : vector<2000x32xf32> to vector<1x2000x32xf32>
    tpu.vector_store %arg9[%swap3A_93, %swap3A_94, %swap3A_95], %swap3A_98 {strides = array<i32>} : memref<2x2000x32xf32, #tpu.memory_space<vmem>>, vector<1x2000x32xf32>,
    return
  }
  func.func @transform_0(%arg0: i32) -> (i32, i32, i32) {
    %c0_i32 = arith.constant 0 : i32
    %c0_i32_0 = arith.constant 0 : i32
    %c0_i32_1 = arith.constant 0 : i32
    return %c0_i32, %arg0, %c0_i32_0 : i32, i32, i32
  }
  func.func @transform_1(%arg0: i32) -> (i32, i32, i32) {
    %c0_i32 = arith.constant 0 : i32
    %c0_i32_0 = arith.constant 0 : i32
    %c0_i32_1 = arith.constant 0 : i32
    return %c0_i32, %arg0, %c0_i32_0 : i32, i32, i32
  }
  func.func @transform_2(%arg0: i32) -> (i32, i32, i32) {
    %c0_i32 = arith.constant 0 : i32
    %c0_i32_0 = arith.constant 0 : i32
    %c0_i32_1 = arith.constant 0 : i32
    return %c0_i32, %arg0, %c0_i32_0 : i32, i32, i32
  }
  func.func @transform_3(%arg0: i32) -> (i32, i32) {
    %c0_i32 = arith.constant 0 : i32
    %c0_i32_0 = arith.constant 0 : i32
    %c0_i32_1 = arith.constant 0 : i32
    return %c0_i32, %c0_i32_0 : i32, i32
  }
  func.func @transform_4(%arg0: i32) -> (i32, i32) {
    %c0_i32 = arith.constant 0 : i32
    %c0_i32_0 = arith.constant 0 : i32
    %c0_i32_1 = arith.constant 0 : i32
    return %c0_i32, %c0_i32_0 : i32, i32
  }
  func.func @transform_5(%arg0: i32) -> (i32, i32) {
    %c0_i32 = arith.constant 0 : i32
    %c0_i32_0 = arith.constant 0 : i32
    %c0_i32_1 = arith.constant 0 : i32
    return %c0_i32, %c0_i32_0 : i32, i32
  }
  func.func @transform_6(%arg0: i32) -> (i32, i32) {
    %c0_i32 = arith.constant 0 : i32
    %c0_i32_0 = arith.constant 0 : i32
    %c0_i32_1 = arith.constant 0 : i32
    return %c0_i32, %c0_i32_0 : i32, i32
  }
  func.func @transform_7(%arg0: i32) -> (i32, i32) {
    %c0_i32 = arith.constant 0 : i32
    %c0_i32_0 = arith.constant 0 : i32
    %c0_i32_1 = arith.constant 0 : i32
    return %c0_i32, %c0_i32_0 : i32, i32
  }
  func.func @transform_8(%arg0: i32) -> (i32, i32, i32) {
    %c0_i32 = arith.constant 0 : i32
    %c0_i32_0 = arith.constant 0 : i32
    %c0_i32_1 = arith.constant 0 : i32
    return %c0_i32, %arg0, %c0_i32_0 : i32, i32, i32
  }
}

module attributes {stable_mosaic.version = 14 : i64} {
  func.func @_tc_out_body(%arg0: i32, %arg1: memref<2x2000x32xf32, #tpu.memory_space<vmem>>, %arg2: memref<64x64xf32, #tpu.memory_space<vmem>>, %arg3: memref<1x64xf32, #tpu.memory_space<vmem>>, %arg4: memref<1x64xf32, #tpu.memory_space<vmem>>, %arg5: memref<1x64xf32, #tpu.memory_space<vmem>>, %arg6: memref<64x32xf32, #tpu.memory_space<vmem>>, %arg7: memref<1x32xf32, #tpu.memory_space<vmem>>, %arg8: memref<32x4xf32, #tpu.memory_space<vmem>>, %arg9: memref<1x4xf32, #tpu.memory_space<vmem>>, %arg10: memref<2000x4xf32, #tpu.memory_space<vmem>>) attributes {dimension_semantics = [#tpu.dimension_semantics<arbitrary>], iteration_bounds = array<i64: 25>, scalar_prefetch = 0 : i64, scratch_operands = 0 : i64, tpu.core_type = #tpu.core_type<tc>, window_params = [{transform_indices = @transform_0, window_bounds = array<i64: 2, 2000, 32>}, {pipeline_mode = #tpu.pipeline_mode<synchronous>, transform_indices = @transform_1, window_bounds = array<i64: 64, 64>}, {pipeline_mode = #tpu.pipeline_mode<synchronous>, transform_indices = @transform_2, window_bounds = array<i64: 1, 64>}, {pipeline_mode = #tpu.pipeline_mode<synchronous>, transform_indices = @transform_3, window_bounds = array<i64: 1, 64>}, {pipeline_mode = #tpu.pipeline_mode<synchronous>, transform_indices = @transform_4, window_bounds = array<i64: 1, 64>}, {pipeline_mode = #tpu.pipeline_mode<synchronous>, transform_indices = @transform_5, window_bounds = array<i64: 64, 32>}, {pipeline_mode = #tpu.pipeline_mode<synchronous>, transform_indices = @transform_6, window_bounds = array<i64: 1, 32>}, {pipeline_mode = #tpu.pipeline_mode<synchronous>, transform_indices = @transform_7, window_bounds = array<i64: 32, 4>}, {pipeline_mode = #tpu.pipeline_mode<synchronous>, transform_indices = @transform_8, window_bounds = array<i64: 1, 4>}, {transform_indices = @transform_9, window_bounds = array<i64: 2000, 4>}]} {
    %get3A = arith.constant 0 : index
    %get3A_0 = arith.constant 0 : index
    %get3A_1 = arith.constant 0 : index
    %get3A_2 = vector.load %arg1[%get3A, %get3A_0, %get3A_1] : memref<2x2000x32xf32, #tpu.memory_space<vmem>>, vector<1x2000x32xf32>
    %get3A_3 = vector.shape_cast %get3A_2 : vector<1x2000x32xf32> to vector<2000x32xf32>
    %get3A_4 = arith.constant 1 : index
    %get3A_5 = arith.constant 0 : index
    %get3A_6 = arith.constant 0 : index
    %get3A_7 = vector.load %arg1[%get3A_4, %get3A_5, %get3A_6] : memref<2x2000x32xf32, #tpu.memory_space<vmem>>, vector<1x2000x32xf32>
    %get3A_8 = vector.shape_cast %get3A_7 : vector<1x2000x32xf32> to vector<2000x32xf32>
    %concatenate3A = tpu.concatenate %get3A_3, %get3A_8 in 1 : vector<2000x32xf32>, vector<2000x32xf32> -> vector<2000x64xf32>
    %get3A_9 = arith.constant 0 : index
    %get3A_10 = arith.constant 0 : index
    %get3A_11 = vector.load %arg2[%get3A_9, %get3A_10] : memref<64x64xf32, #tpu.memory_space<vmem>>, vector<64x64xf32>
    %dot_general3A = arith.constant dense<0.000000e+00> : vector<2000x64xf32>
    %dot_general3A_12 = tpu.matmul %concatenate3A, %get3A_11, %dot_general3A {dimension_numbers = #tpu.dot_dimension_numbers<[1], [0], [0], [1], [0, 0, 1, 1], [], []>, transpose_lhs_hint = false} : vector<2000x64xf32>, vector<64x64xf32>, vector<2000x64xf32> -> vector<2000x64xf32>
    %get3A_13 = arith.constant 0 : index
    %get3A_14 = arith.constant 0 : index
    %get3A_15 = vector.load %arg3[%get3A_13, %get3A_14] : memref<1x64xf32, #tpu.memory_space<vmem>>, vector<1x64xf32>
    %add3A = vector.broadcast %get3A_15 : vector<1x64xf32> to vector<2000x64xf32>
    %add3A_16 = arith.addf %dot_general3A_12, %add3A : vector<2000x64xf32>
    %get3A_17 = arith.constant 0 : index
    %get3A_18 = arith.constant 0 : index
    %get3A_19 = vector.load %arg4[%get3A_17, %get3A_18] : memref<1x64xf32, #tpu.memory_space<vmem>>, vector<1x64xf32>
    %get3A_20 = arith.constant 0 : index
    %get3A_21 = arith.constant 0 : index
    %get3A_22 = vector.load %arg5[%get3A_20, %get3A_21] : memref<1x64xf32, #tpu.memory_space<vmem>>, vector<1x64xf32>
    %reduce_sum3A = arith.constant dense<0.000000e+00> : vector<2000xf32>
    %reduce_sum3A_23 = vector.multi_reduction <add>, %add3A_16, %reduce_sum3A [1] : vector<2000x64xf32> to vector<2000xf32>
    %broadcast_in_dim3A = vector.shape_cast %reduce_sum3A_23 : vector<2000xf32> to vector<2000x1xf32>
    %div3A = arith.constant 6.400000e+01 : f32
    %div3A_24 = vector.broadcast %div3A : f32 to vector<2000x1xf32>
    %div3A_25 = arith.divf %broadcast_in_dim3A, %div3A_24 : vector<2000x1xf32>
    %sub3A = vector.broadcast %div3A_25 : vector<2000x1xf32> to vector<2000x64xf32>
    %sub3A_26 = arith.subf %add3A_16, %sub3A : vector<2000x64xf32>
    %sub3A_27 = vector.broadcast %div3A_25 : vector<2000x1xf32> to vector<2000x64xf32>
    %sub3A_28 = arith.subf %add3A_16, %sub3A_27 : vector<2000x64xf32>
    %mul3A = arith.mulf %sub3A_26, %sub3A_28 : vector<2000x64xf32>
    %reduce_sum3A_29 = arith.constant dense<0.000000e+00> : vector<2000xf32>
    %reduce_sum3A_30 = vector.multi_reduction <add>, %mul3A, %reduce_sum3A_29 [1] : vector<2000x64xf32> to vector<2000xf32>
    %broadcast_in_dim3A_31 = vector.shape_cast %reduce_sum3A_30 : vector<2000xf32> to vector<2000x1xf32>
    %div3A_32 = arith.constant 6.400000e+01 : f32
    %div3A_33 = vector.broadcast %div3A_32 : f32 to vector<2000x1xf32>
    %div3A_34 = arith.divf %broadcast_in_dim3A_31, %div3A_33 : vector<2000x1xf32>
    %sub3A_35 = vector.broadcast %div3A_25 : vector<2000x1xf32> to vector<2000x64xf32>
    %sub3A_36 = arith.subf %add3A_16, %sub3A_35 : vector<2000x64xf32>
    %add3A_37 = arith.constant 9.99999974E-6 : f32
    %add3A_38 = vector.broadcast %add3A_37 : f32 to vector<2000x1xf32>
    %add3A_39 = arith.addf %div3A_34, %add3A_38 : vector<2000x1xf32>
    %sqrt3A = math.sqrt %add3A_39 : vector<2000x1xf32>
    %div3A_40 = vector.broadcast %sqrt3A : vector<2000x1xf32> to vector<2000x64xf32>
    %div3A_41 = arith.divf %sub3A_36, %div3A_40 : vector<2000x64xf32>
    %mul3A_42 = vector.broadcast %get3A_19 : vector<1x64xf32> to vector<2000x64xf32>
    %mul3A_43 = arith.mulf %div3A_41, %mul3A_42 : vector<2000x64xf32>
    %add3A_44 = vector.broadcast %get3A_22 : vector<1x64xf32> to vector<2000x64xf32>
    %add3A_45 = arith.addf %mul3A_43, %add3A_44 : vector<2000x64xf32>
    %max3A = arith.constant 0.000000e+00 : f32
    %max3A_46 = vector.broadcast %max3A : f32 to vector<2000x64xf32>
    %max3A_47 = arith.maximumf %add3A_45, %max3A_46 : vector<2000x64xf32>
    %get3A_48 = arith.constant 0 : index
    %get3A_49 = arith.constant 0 : index
    %get3A_50 = vector.load %arg6[%get3A_48, %get3A_49] : memref<64x32xf32, #tpu.memory_space<vmem>>, vector<64x32xf32>
    %dot_general3A_51 = arith.constant dense<0.000000e+00> : vector<2000x32xf32>
    %dot_general3A_52 = tpu.matmul %max3A_47, %get3A_50, %dot_general3A_51 {dimension_numbers = #tpu.dot_dimension_numbers<[1], [0], [0], [1], [0, 0, 1, 1], [], []>, transpose_lhs_hint = false} : vector<2000x64xf32>, vector<64x32xf32>, vector<2000x32xf32> -> vector<2000x32xf32>
    %get3A_53 = arith.constant 0 : index
    %get3A_54 = arith.constant 0 : index
    %get3A_55 = vector.load %arg7[%get3A_53, %get3A_54] : memref<1x32xf32, #tpu.memory_space<vmem>>, vector<1x32xf32>
    %add3A_56 = vector.broadcast %get3A_55 : vector<1x32xf32> to vector<2000x32xf32>
    %add3A_57 = arith.addf %dot_general3A_52, %add3A_56 : vector<2000x32xf32>
    %max3A_58 = arith.constant 0.000000e+00 : f32
    %max3A_59 = vector.broadcast %max3A_58 : f32 to vector<2000x32xf32>
    %max3A_60 = arith.maximumf %add3A_57, %max3A_59 : vector<2000x32xf32>
    %get3A_61 = arith.constant 0 : index
    %get3A_62 = arith.constant 0 : index
    %get3A_63 = vector.load %arg8[%get3A_61, %get3A_62] : memref<32x4xf32, #tpu.memory_space<vmem>>, vector<32x4xf32>
    %dot_general3A_64 = arith.constant dense<0.000000e+00> : vector<2000x4xf32>
    %dot_general3A_65 = tpu.matmul %max3A_60, %get3A_63, %dot_general3A_64 {dimension_numbers = #tpu.dot_dimension_numbers<[1], [0], [0], [1], [0, 0, 1, 1], [], []>, transpose_lhs_hint = false} : vector<2000x32xf32>, vector<32x4xf32>, vector<2000x4xf32> -> vector<2000x4xf32>
    %get3A_66 = arith.constant 0 : index
    %get3A_67 = arith.constant 0 : index
    %get3A_68 = vector.load %arg9[%get3A_66, %get3A_67] : memref<1x4xf32, #tpu.memory_space<vmem>>, vector<1x4xf32>
    %add3A_69 = vector.broadcast %get3A_68 : vector<1x4xf32> to vector<2000x4xf32>
    %add3A_70 = arith.addf %dot_general3A_65, %add3A_69 : vector<2000x4xf32>
    %swap3A = arith.constant 0 : index
    %swap3A_71 = arith.constant 0 : index
    %swap3A_72 = vector.load %arg10[%swap3A, %swap3A_71] : memref<2000x4xf32, #tpu.memory_space<vmem>>, vector<2000x4xf32>
    tpu.vector_store %arg10[%swap3A, %swap3A_71], %add3A_70 {strides = array<i32>} : memref<2000x4xf32, #tpu.memory_space<vmem>>, vector<2000x4xf32>,
    return
  }
  func.func @transform_0(%arg0: i32) -> (i32, i32, i32) {
    %c0_i32 = arith.constant 0 : i32
    %c0_i32_0 = arith.constant 0 : i32
    %c0_i32_1 = arith.constant 0 : i32
    return %c0_i32, %arg0, %c0_i32_0 : i32, i32, i32
  }
  func.func @transform_1(%arg0: i32) -> (i32, i32) {
    %c0_i32 = arith.constant 0 : i32
    %c0_i32_0 = arith.constant 0 : i32
    %c0_i32_1 = arith.constant 0 : i32
    return %c0_i32, %c0_i32_0 : i32, i32
  }
  func.func @transform_2(%arg0: i32) -> (i32, i32) {
    %c0_i32 = arith.constant 0 : i32
    %c0_i32_0 = arith.constant 0 : i32
    %c0_i32_1 = arith.constant 0 : i32
    return %c0_i32, %c0_i32_0 : i32, i32
  }
  func.func @transform_3(%arg0: i32) -> (i32, i32) {
    %c0_i32 = arith.constant 0 : i32
    %c0_i32_0 = arith.constant 0 : i32
    %c0_i32_1 = arith.constant 0 : i32
    return %c0_i32, %c0_i32_0 : i32, i32
  }
  func.func @transform_4(%arg0: i32) -> (i32, i32) {
    %c0_i32 = arith.constant 0 : i32
    %c0_i32_0 = arith.constant 0 : i32
    %c0_i32_1 = arith.constant 0 : i32
    return %c0_i32, %c0_i32_0 : i32, i32
  }
  func.func @transform_5(%arg0: i32) -> (i32, i32) {
    %c0_i32 = arith.constant 0 : i32
    %c0_i32_0 = arith.constant 0 : i32
    %c0_i32_1 = arith.constant 0 : i32
    return %c0_i32, %c0_i32_0 : i32, i32
  }
  func.func @transform_6(%arg0: i32) -> (i32, i32) {
    %c0_i32 = arith.constant 0 : i32
    %c0_i32_0 = arith.constant 0 : i32
    %c0_i32_1 = arith.constant 0 : i32
    return %c0_i32, %c0_i32_0 : i32, i32
  }
  func.func @transform_7(%arg0: i32) -> (i32, i32) {
    %c0_i32 = arith.constant 0 : i32
    %c0_i32_0 = arith.constant 0 : i32
    %c0_i32_1 = arith.constant 0 : i32
    return %c0_i32, %c0_i32_0 : i32, i32
  }
  func.func @transform_8(%arg0: i32) -> (i32, i32) {
    %c0_i32 = arith.constant 0 : i32
    %c0_i32_0 = arith.constant 0 : i32
    %c0_i32_1 = arith.constant 0 : i32
    return %c0_i32, %c0_i32_0 : i32, i32
  }
  func.func @transform_9(%arg0: i32) -> (i32, i32) {
    %c0_i32 = arith.constant 0 : i32
    %c0_i32_0 = arith.constant 0 : i32
    return %arg0, %c0_i32 : i32, i32
  }
}

</mosaic_0001>

<sc_bundles>
// kernel: kernel.13.cloned.1.call-start
scs
__scs_entry_jumppad:
0x0: {  	(pc) =	sbr.rel $0x88, $3  }
0x1: {  	(tag) =	ssettag $0x0;
	lr =	simm.s32 $0x1  }
0x2: {  	[smem:$0x3F7F] =	sst lr;
	_ =	strace $0xD0000000  }
0x3: {  	_ = 	snop  }
0x4: {  	_ = 	snop  }
0x5: {  	_ = 	snop  }
0x6: {  	_ = 	snop  }
0x7: {  	_ = 	snop  }
__scs_overlays_trampoline_lowered:
0x8: {  	[smem:$0x3F8E] =	sst s0  }
0x9: {  	[smem:$0x3F8F] =	sst s1  }
0xa: {  	[smem:$0x3F90] =	sst s2  }
0xb: {  	[smem:$0x3F91] =	sst s3  }
0xc: {  	[smem:$0x3F92] =	sst s4  }
0xd: {  	[smem:$0x3F93] =	sst s5  }
0xe: {  	[smem:$0x3F94] =	sst s6  }
0xf: {  	[smem:$0x3F95] =	sst s7  }
0x10: {  	[smem:$0x3F96] =	sst s8  }
0x11: {  	[smem:$0x3F97] =	sst s9;
	s0 =	simm.s32 @!p0 $0x0  }
0x12: {  	s1 =	sld [smem:$0x3F7D];
	s0 =	simm.s32 @p0 $0x1  }
0x13: {  	[smem:$0x3F98] =	sst s0;
	s0 =	simm.s32 @!p1 $0x0  }
0x14: {  	s2 =	sld [smem:$0x3F7C];
	s0 =	simm.s32 @p1 $0x1  }
0x15: {  	[smem:$0x3F99] =	sst s0;
	s0 =	simm.s32 @!p2 $0x0  }
0x16: {  	s3 =	sld [smem:$0x3FDB];
	s0 =	simm.s32 @p2 $0x1  }
0x17: {  	s4 =	simm.s32 $0x1BF5;
	[smem:$0x3F9B] =	sst s0  }
0x18: {  	s0 =	sld [smem:$0x3F7E];
	_ =	swait.ge [sflag:s4], $0x0  }
0x19: {  	s7 =	sld [smem:$0x3F7F]  }
0x1a: {  	s8 =	sadd.s32 $0xFFFFE003, lr  }
0x1b: {  	s9 =	sadd.s32 $0xFFFFFEF7, lr;
	s5 =	simm.s32 $0xFFFFFFFF;
	p2 =	slt.u32 s8, $0xFFFFF086  }
0x1c: {  	p1 =	slt.u32 s9, $0xF7A;
	s5 =	simm.s32 @!p2 $0x0  }
0x1d: {  	s5 =	simm.s32 @p1 $0x1;
	p0 =	seq.s32 s7, s2  }
0x1e: {  	s7 =	smul.u32 @!p0 $0xF7A, s2;
	p2 =	seq.s32 @!p0 s5, $0x0  }
0x1f: {  	s9 =	smul.u32 $0xF7A, s1;
	s8 =	simm.s32 @!p0 $0x1BF5;
	p2 =	por !p2, p0  }
0x20: {  	[sflag:s8] =	ssyncset.s32 @!p0 $0xFFFFF086;
	s6 =	sadd.s32 @!p0 s3, s7;
	s7 =	simm.s32 @!p0 $0x108  }
0x21: {  	s3 =	sadd.s32 s3, s9;
	s6 =	sadd.s32 @!p0 $0x88, s6;
	s7 =	simm.s32 @p2 $0x1082  }
0x22: {  	[simem:s7], [sflag:s8] =	dma.local @!p0 [hbm:s6], $0xF7A  }
0x23: {  	s9 =	sor.u32 $0xD0000000, s2;
	s6 =	simm.s32 $0x108;
	_ =	swait.ge @!p0 [sflag:s8], $0x0  }
0x24: {  	s3 =	sadd.s32 $0x88, s3;
	s6 =	simm.s32 @!p1 $0x1082;
	[sflag:s4] =	ssyncset.s32 $0xFFFFF086  }
0x25: {  	[simem:s6], [sflag:s4] =	dma.local [hbm:s3], $0xF7A  }
0x26: {  	[smem:$0x3F7F] =	sst s1;
	(tag) =	ssettag s2;
	_ =	strace s9  }
0x27: {  	s1 =	sld [smem:$0x3F8F]  }
0x28: {  	s2 =	sld [smem:$0x3F90]  }
0x29: {  	s4 =	sld [smem:$0x3F92]  }
0x2a: {  	p0 =	seq.s32 s5, $0x0;
	s5 =	sld [smem:$0x3F93]  }
0x2b: {  	s6 =	sld [smem:$0x3F94]  }
0x2c: {  	s7 =	sld [smem:$0x3F95]  }
0x2d: {  	s3 =	simm.s32 $0x108;
	s8 =	sld [smem:$0x3F96]  }
0x2e: {  	s3 =	simm.s32 @!p0 $0x1082;
	s9 =	sld [smem:$0x3F97]  }
0x2f: {  	lr =	sadd.s32 s0, s3;
	s0 =	sld [smem:$0x3F8E]  }
0x30: {  	s3 =	sld [smem:$0x3F91]  }
0x31: {  	[smem:$0x3F9A] =	sst s10  }
0x32: {  	s10 =	sld [smem:$0x3F98];
	_ =	sdelay $0x3  }
0x33: {  	p0 =	seq.s32 s10, $0x1;
	s10 =	sld [smem:$0x3F9A];
	_ =	sdelay $0x3  }
0x34: {  	[smem:$0x3F9A] =	sst s10  }
0x35: {  	s10 =	sld [smem:$0x3F99];
	_ =	sdelay $0x3  }
0x36: {  	p1 =	seq.s32 s10, $0x1;
	s10 =	sld [smem:$0x3F9A];
	_ =	sdelay $0x3  }
0x37: {  	[smem:$0x3F9A] =	sst s10  }
0x38: {  	s10 =	sld [smem:$0x3F9B]  }
0x39: {  	_ = 	snop;
	(pc) =	sbr.ind lr, $3  }
0x3a: {  	_ = 	snop  }
0x3b: {  	_ = 	snop  }
0x3c: {  	p2 =	seq.s32 s10, $0x1;
	s10 =	sld [smem:$0x3F9A]  }
0x3d: {  	_ =	shalt  }
0x3e: {  	_ =	shalt  }
0x3f: {  	_ =	shalt  }
0x40: {  	_ =	shalt  }
0x41: {  	_ =	shalt  }
0x42: {  	_ =	shalt  }
0x43: {  	_ =	shalt  }
0x44: {  	_ =	shalt  }
0x45: {  	_ =	shalt  }
0x46: {  	_ =	shalt  }
0x47: {  	_ =	shalt  }
0x48: {  	_ =	shalt  }
0x49: {  	_ =	shalt  }
0x4a: {  	_ =	shalt  }
0x4b: {  	_ =	shalt  }
0x4c: {  	_ =	shalt  }
0x4d: {  	_ =	shalt  }
0x4e: {  	_ =	shalt  }
0x4f: {  	_ =	shalt  }
0x50: {  	_ =	shalt  }
0x51: {  	_ =	shalt  }
0x52: {  	_ =	shalt  }
0x53: {  	_ =	shalt  }
0x54: {  	_ =	shalt  }
0x55: {  	_ =	shalt  }
0x56: {  	_ =	shalt  }
0x57: {  	_ =	shalt  }
0x58: {  	_ =	shalt  }
0x59: {  	_ =	shalt  }
0x5a: {  	_ =	shalt  }
0x5b: {  	_ =	shalt  }
0x5c: {  	_ =	shalt  }
0x5d: {  	_ =	shalt  }
0x5e: {  	_ =	shalt  }
0x5f: {  	_ =	shalt  }
0x60: {  	_ =	shalt  }
0x61: {  	_ =	shalt  }
0x62: {  	_ =	shalt  }
0x63: {  	_ =	shalt  }
0x64: {  	_ =	shalt  }
0x65: {  	_ =	shalt  }
0x66: {  	_ =	shalt  }
0x67: {  	_ =	shalt  }
0x68: {  	_ =	shalt  }
0x69: {  	_ =	shalt  }
0x6a: {  	_ =	shalt  }
0x6b: {  	_ =	shalt  }
0x6c: {  	_ =	shalt  }
0x6d: {  	_ =	shalt  }
0x6e: {  	_ =	shalt  }
0x6f: {  	_ =	shalt  }
0x70: {  	_ =	shalt  }
0x71: {  	_ =	shalt  }
0x72: {  	_ =	shalt  }
0x73: {  	_ =	shalt  }
0x74: {  	_ =	shalt  }
0x75: {  	_ =	shalt  }
0x76: {  	_ =	shalt  }
0x77: {  	_ =	shalt  }
0x78: {  	_ =	shalt  }
0x79: {  	_ =	shalt  }
0x7a: {  	_ =	shalt  }
0x7b: {  	_ =	shalt  }
0x7c: {  	_ =	shalt  }
0x7d: {  	_ =	shalt  }
0x7e: {  	_ =	shalt  }
0x7f: {  	_ =	shalt  }
0x80: {  	_ =	shalt  }
0x81: {  	_ =	shalt  }
0x82: {  	_ =	shalt  }
0x83: {  	_ =	shalt  }
0x84: {  	_ =	shalt  }
0x85: {  	_ =	shalt  }
0x86: {  	_ =	shalt  }
0x87: {  	_ =	shalt  }
.Lfunc_end0:
.L_simem_size_0:
called_computation_lowered:
.L_overlay_start_0:
0x88: {  	s2 =	sld [smem:$0x3FD9]  }
0x89: {  	s3 =	sld [smem:$0x3FFE];
	_ =	sdelay $0x1  }
0x8a: {  	s1 =	srdreg.scid  }
0x8b: {  	s0 =	sand.u32 $0x1, s1  }
0x8c: {  	s17 =	sshll.u32 s0, $0xA;
	s2 =	sadd.s32 s3, s2  }
0x8d: {  	s2 =	sadd.s32 s2, s17  }
0x8e: {  	[smem:$0x3FA6] =	sst s2  }
0x8f: {  	_ = 	snop  }
0x90: {  	(tm) =	ssettm $0x1  }
0x91: {  	s18 =	sld [smem:$0x3FFB];
	_ =	sdelay $0x3  }
0x92: {  	_ =	strace s18  }
0x93: {  	s2 =	sld [smem:$0x3FFC];
	_ =	sdelay $0x3  }
0x94: {  	_ =	strace s2  }
0x95: {  	s2 =	sld [smem:$0x3FFD];
	_ =	sdelay $0x3  }
0x96: {  	_ =	strace s2  }
0x97: {  	_ =	strace $0x8FFFFFFF  }
0x98: {  	s19 =	sld [smem:$0x3FDB];
	_ =	sdelay $0x1  }
0x99: {  	s20 =	simm.s32 $_scs_section_size  }
0x9a: {  	s4 =	simm.s32 $_size__tile_overlayer_lowered;
	s5 =	simm.s32 $_tile_overlayer_lowered  }
0x9b: {  	s6 =	simm.s32 $0x1BFF;
	s21 =	sshll.u32 s5, $0x1;
	s3 =	sadd.s32 s20, s19  }
0x9c: {  	s22 =	simm.s32 $0x0;
	s4 =	sshll.u32 s4, $0x1;
	s5 =	sadd.s32 s21, s3  }
0x9d: {  	[timem:s22], [sflag:s6] =	dma.local [hbm:s5], s4  }
0x9e: {  	_ =	swait.ge [sflag:s6], s4  }
0x9f: {  	s4 =	ssub.s32 $0x0, s4;
	[sflag:s6] =	ssyncset.done $0x0  }
0xa0: {  	[sflag:s6] =	ssyncadd.s32 s4;
	_ =	sdelay $0x1  }
0xa1: {  	s23 =	simm.s32 $0x1B8B  }
0xa2: {  	_ =	swait.ge [sflag:s23], $0x1  }
0xa3: {  	[sflag:s23] =	ssyncset.done $0x0  }
0xa4: {  	[sflag:s23] =	ssyncadd.s32 $0xFFFFFFFF  }
0xa5: {  	s4 =	sld [smem:$0x0]  }
0xa6: {  	s5 =	sand.u32 $0xFFFFFFFE, s1  }
0xa7: {  	p0 =	sne.s32 s1, s5  }
0xa8: {  	s5 =	sshll.u32 @p0 s5, $0xE  }
0xa9: {  	s5 =	sadd.s32 @p0 $0x11B8D, s5;
	s6 =	sshll.u32 @p0 s4, $0x11  }
0xaa: {  	s5 =	sor.u32 @p0 s6, s5  }
0xab: {  	[sflag:s5] =	ssyncadd.remote.s32 @p0 $0x1;
	_ =	sdelay $0x1  }
0xac: {  	s5 =	simm.s32 @p0 $0x1B8D  }
0xad: {  	_ =	swait.eq @p0 [sflag:s5], $0x1  }
0xae: {  	[sflag:s5] =	ssyncadd.s32 @p0 $0xFFFFFFFF  }
0xaf: {  	s6 =	sshll.u32 @!p0 s1, $0xE  }
0xb0: {  	s6 =	sor.u32 @!p0 $0x4000, s6;
	s5 =	simm.s32 @!p0 $0x1B8D  }
0xb1: {  	s4 =	sshll.u32 @!p0 s4, $0x11;
	s6 =	sadd.s32 @!p0 $0x11B8D, s6;
	_ =	swait.eq @!p0 [sflag:s5], $0x1  }
0xb2: {  	s4 =	sor.u32 @!p0 s4, s6;
	[sflag:s5] =	ssyncadd.s32 @!p0 $0xFFFFFFFF  }
0xb3: {  	s25 =	simm.s32 $0x1B8E;
	s24 =	sld [smem:$0x3FFE];
	[sflag:s4] =	ssyncadd.remote.s32 @!p0 $0x1  }
0xb4: {  	s26 =	simm.s32 $execute0_lowered;
	[smem:$0x3FD2] =	sst s25  }
0xb5: {  	s5 =	sshll.u32 s26, $0x1;
	_ =	strace $0x80000049;
	[dreg:$0x1] =	wrdreg $0xFFFFFFFF  }
0xb6: {  	s28 =	simm.s32 $_size_execute0_lowered;
	s3 =	sadd.s32 s3, s5;
	[dreg:$0x0] =	wrdreg $0x0  }
0xb7: {  	s5 =	sshll.u32 s28, $0x1;
	[dreg:$0x2] =	wrdreg s3  }
0xb8: {  	[dreg:$0x3] =	wrdreg s5  }
0xb9: {  	[dreg:$0x4] =	wrdreg $0xC0  }
0xba: {  	_ =	task [dreg:s22], $0x5FFFF  }
0xbb: {  	[dreg:$0x1] =	wrdreg $0xFFFFFFFF  }
0xbc: {  	[dreg:$0x0] =	wrdreg $0x60  }
0xbd: {  	[dreg:$0x2] =	wrdreg s24  }
0xbe: {  	[dreg:$0x3] =	wrdreg $0xA000  }
0xbf: {  	[dreg:$0x4] =	wrdreg $0x9  }
0xc0: {  	_ =	task.clear_ibuf [dreg:s22], $0x5FFFF;
	_ =	strace $0x90000049  }
0xc1: {  	s29 =	simm.s32 $0x9;
	_ =	strace $0x8000004B  }
0xc2: {  	_ =	swait.ge [sflag:s29], $0x1  }
0xc3: {  	[sflag:s29] =	ssyncadd.s32 $0xFFFFFFFF  }
0xc4: {  	_ =	strace $0x9000004B  }
0xc5: {  	_ =	sfence  }
0xc6: {  	s30 =	sld [smem:$0x0];
	_ =	sdelay $0x2  }
0xc7: {  	s31 =	sshll.u32 s1, $0xD;
	s1 =	sshrl.u32 s1, $0x2  }
0xc8: {  	s4 =	sand.u32 $0x4000, s31;
	s1 =	sadd.s32 s1, s30  }
0xc9: {  	s0 =	sor.u32 s4, s0;
	s1 =	sshll.u32 s1, $0x11  }
0xca: {  	s0 =	sor.u32 s1, s0  }
0xcb: {  	s0 =	sadd.s32 $0x8F2B, s0  }
0xcc: {  	[sflag:s0] =	ssyncadd.remote.s32 $0x1  }
0xcd: {  	_ =	sfence.sel $0xFFFF  }
0xce: {  	[dreg:$0x0] =	wrdreg $0xFFFFFFFF;
	(pc) =	sbr.abs _section_cstart, $3  }
0xcf: {  	[dreg:$0x1] =	wrdreg $0xFFFFFFFF  }
0xd0: {  	_ =	task.clear_ibuf [dreg:s22], $0x2FFFF;
	_ =	strace $0x9FFFFFFF  }
0xd1: {  	(tm) =	ssettm $0x7FFFFFFF  }
tec
execute0_lowered:
.L_overlay_start_1:
0x0: {  	(tag) =	ssettag $0x1  }
0x1: {  	s6 =	rddreg [dreg:$0x0]  }
0x2: {  	s2 =	rddreg [dreg:$0x1]  }
0x3: {  	s0 =	srdreg.scid;
	s1 =	rddreg [dreg:$0x2];
	s3 =	simm.s32 $0x0  }
0x4: {  	s12 =	simm.s32 $0x2;
	s13 =	simm.s32 $0x3;
	s7 =	sand.u32 $0x1, s0  }
0x5: {  	s14 =	simm.s32 $0x80;
	s0 =	stileid.u32;
	s4 =	smul.u32 $0x62000, s7  }
0x6: {  	s15 =	simm.s32 $0x100;
	s16 =	simm.s32 $0x180;
	s5 =	smul.u32 $0x6200, s0  }
0x7: {  	[smem:$0x7FF] =	sst s3;
	s18 =	sadd.s32 $0xB7480, s2;
	s8 =	smul.u32 $0x186A0, s7  }
0x8: {  	_ =	strace $0x8000004A;
	s10 =	smul.u32 $0x31000, s0;
	s30 =	ssub.s32 $0x2, s7  }
0x9: {  	s11 =	smul.u32 $0xC380, s0;
	s31 =	sshll.u32 s0, $0x6;
	p0 =	seq.s32 s0, $0xF  }
0xa: {  	s7 =	sshrl.u32 s30, $0x1;
	s18 =	sshrl.u32 @p0 s18, $0x3;
	s4 =	sadd.s32 s5, s4  }
0xb: {  	s5 =	sadd.s32 $0xB0200, s6;
	s8 =	sadd.s32 s8, s6;
	s10 =	sshrl.u32 s10, $0x2  }
0xc: {  	s7 =	ssub.s32 s30, s7;
	s20 =	sshrl.u32 s11, $0x3;
	s21 =	sadd.s32 s11, s2  }
0xd: {  	s11 =	simm.s32 $0x200;
	s4 =	sshrl.u32 s4, $0x3;
	s10 =	sadd.s32 s10, s2  }
0xe: {  	s19 =	sadd.s32 $0x2B0A00, s8;
	s7 =	smax.u32 s7, $0x1;
	s9 =	sadd.s32 s4, s6  }
0xf: {  	s4 =	sadd.s32 $0xB1C00, s6;
	s6 =	sor.u32 $0x1C01, s31;
	s17 =	sadd.s32 @p0 $0x16E90, s19  }
0x10: {  	s19 =	sadd.s32 @!p0 s20, s19;
	s20 =	sshrl.u32 @!p0 s21, $0x3;
	s21 =	simm.s32 $0x0  }
0x11: {  	s8 =	sadd.s32 $0x66A00, s9;
	s9 =	sshrl.u32 s10, $0x3;
	s10 =	simm.s32 $0x1  }
.LBB2_1:
0x12: {  	[spmem:s9], [sflag:s6] =	dma.local [hbm:s5], $0x1880  }
0x13: {  	_ =	swait.ge [sflag:s10], $0x1880  }
0x14: {  	[sflag:s10] =	ssyncset.done $0x0  }
0x15: {  	[sflag:s10] =	ssyncadd.s32 $0xFFFFE780  }
0x16: {  	[tilespmem:s11], [sflag:$0x2] =	stream.linear.gather [hbm4b:s4+s3], $0x800, $0x38;
	[tilespmem:$0xCE00] =	vst v63  }
0x17: {  	_ =	swait.ge [sflag:s12], $0x800  }
0x18: {  	[sflag:s12] =	ssyncset.done $0x0  }
0x19: {  	[sflag:s12] =	ssyncadd.s32 $0xFFFFF800  }
0x1a: {  	s22 =	sadd.s32 $0x0, s8;
	[bflag:$0x0] =	sbarrier.arrive $0xFFFF  }
0x1b: {  	[tilespmem:s3], [sflag:$0x3] =	stream.linear.gather [hbm4b:s22+s3], $0x200, $0x38;
	[tilespmem:$0xCE00] =	vst v63  }
0x1c: {  	_ =	swait.ge [sflag:s13], $0x200  }
0x1d: {  	[sflag:s13] =	ssyncset.done $0x0  }
0x1e: {  	[sflag:s13] =	ssyncadd.s32 $0xFFFFFE00  }
0x1f: {  	[spmem:s2] =	stream.indirect.scatter.add.f32 [tilespmem:s11], [sflag:$0x2], $0x10, s3, s14, $0xb8;
	[tilespmem:$0xCE00] =	vst v63  }
0x20: {  	_ = 	snop  }
0x21: {  	[spmem:s2] =	stream.indirect.scatter.add.f32 [tilespmem:s11], [sflag:$0x2], $0x10, s14, s14, $0xb8;
	[tilespmem:$0xCE00] =	vst v63  }
0x22: {  	_ = 	snop  }
0x23: {  	[spmem:s2] =	stream.indirect.scatter.add.f32 [tilespmem:s11], [sflag:$0x2], $0x10, s15, s14, $0xb8;
	[tilespmem:$0xCE00] =	vst v63  }
0x24: {  	_ = 	snop  }
0x25: {  	[spmem:s2] =	stream.indirect.scatter.add.f32 [tilespmem:s11], [sflag:$0x2], $0x10, s16, s14, $0xb8;
	[tilespmem:$0xCE00] =	vst v63  }
0x26: {  	_ =	swait.ge [sflag:s12], $0x800  }
0x27: {  	[sflag:s12] =	ssyncset.done $0x0  }
0x28: {  	[sflag:s12] =	ssyncadd.s32 $0xFFFFF800  }
0x29: {  	_ =	swait.ge [sflag:s12], $0x800  }
0x2a: {  	[sflag:s12] =	ssyncset.done $0x0  }
0x2b: {  	[sflag:s12] =	ssyncadd.s32 $0xFFFFF800  }
0x2c: {  	_ =	swait.ge [sflag:s12], $0x800  }
0x2d: {  	[sflag:s12] =	ssyncset.done $0x0  }
0x2e: {  	[sflag:s12] =	ssyncadd.s32 $0xFFFFF800  }
0x2f: {  	_ =	swait.ge [sflag:s12], $0x800  }
0x30: {  	s23 =	simm.s32 $0x80;
	s22 =	simm.s32 $0x40;
	[sflag:s12] =	ssyncset.done $0x0  }
.LBB2_2:
0x31: {  	s24 =	sadd.s32 s22, s8  }
0x32: {  	[sflag:s12] =	ssyncadd.s32 $0xFFFFF800;
	s22 =	smov.u32 s23;
	s25 =	sadd.s32 $0x40, s23  }
0x33: {  	[tilespmem:s3], [sflag:$0x3] =	stream.linear.gather [hbm4b:s24+s3], $0x200, $0x38;
	[tilespmem:$0xCE00] =	vst v63  }
0x34: {  	p1 =	sne.s32 s23, $0xC00;
	_ =	swait.ge [sflag:s13], $0x200  }
0x35: {  	[sflag:s13] =	ssyncset.done $0x0  }
0x36: {  	[sflag:s13] =	ssyncadd.s32 $0xFFFFFE00  }
0x37: {  	[spmem:s2] =	stream.indirect.scatter.add.f32 [tilespmem:s11], [sflag:$0x2], $0x10, s3, s14, $0xb8;
	[tilespmem:$0xCE00] =	vst v63  }
0x38: {  	_ = 	snop  }
0x39: {  	[spmem:s2] =	stream.indirect.scatter.add.f32 [tilespmem:s11], [sflag:$0x2], $0x10, s14, s14, $0xb8;
	[tilespmem:$0xCE00] =	vst v63  }
0x3a: {  	_ = 	snop  }
0x3b: {  	[spmem:s2] =	stream.indirect.scatter.add.f32 [tilespmem:s11], [sflag:$0x2], $0x10, s15, s14, $0xb8;
	[tilespmem:$0xCE00] =	vst v63  }
0x3c: {  	_ = 	snop  }
0x3d: {  	[spmem:s2] =	stream.indirect.scatter.add.f32 [tilespmem:s11], [sflag:$0x2], $0x10, s16, s14, $0xb8;
	[tilespmem:$0xCE00] =	vst v63  }
0x3e: {  	_ =	swait.ge [sflag:s12], $0x800  }
0x3f: {  	[sflag:s12] =	ssyncset.done $0x0  }
0x40: {  	[sflag:s12] =	ssyncadd.s32 $0xFFFFF800  }
0x41: {  	_ =	swait.ge [sflag:s12], $0x800  }
0x42: {  	[sflag:s12] =	ssyncset.done $0x0  }
0x43: {  	[sflag:s12] =	ssyncadd.s32 $0xFFFFF800  }
.Ltmp0:
0x44: {  	_ =	swait.ge [sflag:s12], $0x800;
	(pc) =	sbr.rel @p1 .LBB2_2-.Ltmp0, $4  }
0x45: {  	[sflag:s12] =	ssyncset.done $0x0  }
0x46: {  	[sflag:s12] =	ssyncadd.s32 $0xFFFFF800  }
0x47: {  	_ =	swait.ge [sflag:s12], $0x800  }
0x48: {  	s23 =	smov.u32 s25;
	[sflag:s12] =	ssyncset.done $0x0  }
0x49: {  	s22 =	sadd.s32 s22, s8;
	[sflag:s12] =	ssyncadd.s32 $0xFFFFF800  }
0x4a: {  	[tilespmem:s3], [sflag:$0x3] =	stream.linear.gather [hbm4b:s22+s3], $0x200, $0x38;
	[tilespmem:$0xCE00] =	vst v63  }
0x4b: {  	_ =	swait.ge [sflag:s13], $0x200  }
0x4c: {  	[sflag:s13] =	ssyncset.done $0x0  }
0x4d: {  	[sflag:s13] =	ssyncadd.s32 $0xFFFFFE00  }
0x4e: {  	[spmem:s2] =	stream.indirect.scatter.add.f32 [tilespmem:s11], [sflag:$0x2], $0x10, s3, s14, $0xb8;
	[tilespmem:$0xCE00] =	vst v63  }
0x4f: {  	_ = 	snop  }
0x50: {  	[spmem:s2] =	stream.indirect.scatter.add.f32 [tilespmem:s11], [sflag:$0x2], $0x10, s14, s14, $0xb8;
	[tilespmem:$0xCE00] =	vst v63  }
0x51: {  	_ = 	snop  }
0x52: {  	[spmem:s2] =	stream.indirect.scatter.add.f32 [tilespmem:s11], [sflag:$0x2], $0x10, s15, s14, $0xb8;
	[tilespmem:$0xCE00] =	vst v63  }
0x53: {  	_ = 	snop  }
0x54: {  	[spmem:s2] =	stream.indirect.scatter.add.f32 [tilespmem:s11], [sflag:$0x2], $0x10, s16, s14, $0xb8;
	[tilespmem:$0xCE00] =	vst v63  }
0x55: {  	_ =	swait.ge [sflag:s12], $0x800  }
0x56: {  	[sflag:s12] =	ssyncset.done $0x0  }
0x57: {  	[sflag:s12] =	ssyncadd.s32 $0xFFFFF800  }
0x58: {  	_ =	swait.ge [sflag:s12], $0x800  }
0x59: {  	[sflag:s12] =	ssyncset.done $0x0  }
0x5a: {  	[sflag:s12] =	ssyncadd.s32 $0xFFFFF800  }
0x5b: {  	_ =	swait.ge [sflag:s12], $0x800  }
0x5c: {  	[sflag:s12] =	ssyncset.done $0x0  }
0x5d: {  	[sflag:s12] =	ssyncadd.s32 $0xFFFFF800  }
0x5e: {  	_ =	swait.ge [sflag:s12], $0x800  }
0x5f: {  	[sflag:s12] =	ssyncset.done $0x0  }
0x60: {  	[sflag:s12] =	ssyncadd.s32 $0xFFFFF800  }
0x61: {  	s22 =	simm.s32 @p0 $0x1;
	[bflag:$0x0] =	sbarrier.arrive $0xFFFF  }
0x62: {  	[hbm:s17], [sflag:s6] =	dma.local @p0 [spmem:s18], $0x1810  }
0x63: {  	s21 =	sadd.s32 $0x1, s21;
	_ =	swait.ge @p0 [sflag:s22], $0x1810  }
0x64: {  	p1 =	sne.s32 s21, s7;
	[sflag:s22] =	ssyncset.done @p0 $0x0  }
.Ltmp1:
0x65: {  	[sflag:s22] =	ssyncadd.s32 @p0 $0xFFFFE7F0;
	s22 =	simm.s32 @!p0 $0x1;
	(pc) =	sbr.rel @p1 .LBB2_1-.Ltmp1, $4  }
0x66: {  	[hbm:s19], [sflag:s6] =	dma.local @!p0 [spmem:s20], $0x1870  }
0x67: {  	_ =	swait.ge @!p0 [sflag:s22], $0x1870  }
0x68: {  	[sflag:s22] =	ssyncset.done @!p0 $0x0  }
0x69: {  	[sflag:s22] =	ssyncadd.s32 @!p0 $0xFFFFE790  }
0x6a: {  	_ =	sfence.sel $0x180000  }
0x6b: {  	[bflag:$0x0] =	sbarrier.arrive $0xFFFF  }
0x6c: {  	p0 =	sne.s32 s0, $0x0;
	_ =	strace $0x9000004A  }
0x6d: {  	s0 =	sadd.s32 @!p0 $0x100000, s1;
	[bflag:$0x2] =	sbarrier.arrive $0xFFFF  }
0x6e: {  	[sflag:s0] =	ssyncadd.tile.s32 @!p0 $0x1;
	_ =	shalt  }
.Lfunc_end2:
_tile_overlayer_lowered:
.L_overlay_start_2:
0x6f: {  	(tag) =	ssettag $0x2  }
0x70: {  	s0 =	rddreg [dreg:$0x0];
	s2 =	stileid.u32  }
0x71: {  	s1 =	rddreg [dreg:$0x1];
	p0 =	sne.s32 s2, $0x0  }
0x72: {  	s3 =	rddreg [dreg:$0x2];
	[bflag:$0x3] =	sbarrier.arrive $0xFFFF;
	s2 =	simm.s32 @!p0 $0x1C03  }
0x73: {  	[timem:s3], [sflag:s2] =	dma.local @!p0 [hbm:s0], s1  }
0x74: {  	s0 =	simm.s32 @!p0 $0x3  }
0x75: {  	_ =	swait.ge @!p0 [sflag:s0], s1  }
0x76: {  	s1 =	ssub.s32 @!p0 $0x0, s1;
	[sflag:s0] =	ssyncset.done @!p0 $0x0  }
0x77: {  	[sflag:s0] =	ssyncadd.s32 @!p0 s1  }
0x78: {  	[bflag:$0x3] =	sbarrier.arrive $0xFFFF  }
0x79: {  	_ =	shalt  }

// kernel: kernel.16.cloned.1.call-start
scs
__scs_entry_jumppad:
0x0: {  	(pc) =	sbr.rel $0x88, $3  }
0x1: {  	(tag) =	ssettag $0x0;
	lr =	simm.s32 $0x1  }
0x2: {  	[smem:$0x3F7F] =	sst lr;
	_ =	strace $0xD0000000  }
0x3: {  	_ = 	snop  }
0x4: {  	_ = 	snop  }
0x5: {  	_ = 	snop  }
0x6: {  	_ = 	snop  }
0x7: {  	_ = 	snop  }
__scs_overlays_trampoline_lowered:
0x8: {  	[smem:$0x3F8E] =	sst s0  }
0x9: {  	[smem:$0x3F8F] =	sst s1  }
0xa: {  	[smem:$0x3F90] =	sst s2  }
0xb: {  	[smem:$0x3F91] =	sst s3  }
0xc: {  	[smem:$0x3F92] =	sst s4  }
0xd: {  	[smem:$0x3F93] =	sst s5  }
0xe: {  	[smem:$0x3F94] =	sst s6  }
0xf: {  	[smem:$0x3F95] =	sst s7  }
0x10: {  	[smem:$0x3F96] =	sst s8  }
0x11: {  	[smem:$0x3F97] =	sst s9;
	s0 =	simm.s32 @!p0 $0x0  }
0x12: {  	s1 =	sld [smem:$0x3F7D];
	s0 =	simm.s32 @p0 $0x1  }
0x13: {  	[smem:$0x3F98] =	sst s0;
	s0 =	simm.s32 @!p1 $0x0  }
0x14: {  	s2 =	sld [smem:$0x3F7C];
	s0 =	simm.s32 @p1 $0x1  }
0x15: {  	[smem:$0x3F99] =	sst s0;
	s0 =	simm.s32 @!p2 $0x0  }
0x16: {  	s3 =	sld [smem:$0x3FDB];
	s0 =	simm.s32 @p2 $0x1  }
0x17: {  	s4 =	simm.s32 $0x1BF5;
	[smem:$0x3F9B] =	sst s0  }
0x18: {  	s0 =	sld [smem:$0x3F7E];
	_ =	swait.ge [sflag:s4], $0x0  }
0x19: {  	s7 =	sld [smem:$0x3F7F]  }
0x1a: {  	s8 =	sadd.s32 $0xFFFFE003, lr  }
0x1b: {  	s9 =	sadd.s32 $0xFFFFFEF7, lr;
	s5 =	simm.s32 $0xFFFFFFFF;
	p2 =	slt.u32 s8, $0xFFFFF086  }
0x1c: {  	p1 =	slt.u32 s9, $0xF7A;
	s5 =	simm.s32 @!p2 $0x0  }
0x1d: {  	s5 =	simm.s32 @p1 $0x1;
	p0 =	seq.s32 s7, s2  }
0x1e: {  	s7 =	smul.u32 @!p0 $0xF7A, s2;
	p2 =	seq.s32 @!p0 s5, $0x0  }
0x1f: {  	s9 =	smul.u32 $0xF7A, s1;
	s8 =	simm.s32 @!p0 $0x1BF5;
	p2 =	por !p2, p0  }
0x20: {  	[sflag:s8] =	ssyncset.s32 @!p0 $0xFFFFF086;
	s6 =	sadd.s32 @!p0 s3, s7;
	s7 =	simm.s32 @!p0 $0x108  }
0x21: {  	s3 =	sadd.s32 s3, s9;
	s6 =	sadd.s32 @!p0 $0x88, s6;
	s7 =	simm.s32 @p2 $0x1082  }
0x22: {  	[simem:s7], [sflag:s8] =	dma.local @!p0 [hbm:s6], $0xF7A  }
0x23: {  	s9 =	sor.u32 $0xD0000000, s2;
	s6 =	simm.s32 $0x108;
	_ =	swait.ge @!p0 [sflag:s8], $0x0  }
0x24: {  	s3 =	sadd.s32 $0x88, s3;
	s6 =	simm.s32 @!p1 $0x1082;
	[sflag:s4] =	ssyncset.s32 $0xFFFFF086  }
0x25: {  	[simem:s6], [sflag:s4] =	dma.local [hbm:s3], $0xF7A  }
0x26: {  	[smem:$0x3F7F] =	sst s1;
	(tag) =	ssettag s2;
	_ =	strace s9  }
0x27: {  	s1 =	sld [smem:$0x3F8F]  }
0x28: {  	s2 =	sld [smem:$0x3F90]  }
0x29: {  	s4 =	sld [smem:$0x3F92]  }
0x2a: {  	p0 =	seq.s32 s5, $0x0;
	s5 =	sld [smem:$0x3F93]  }
0x2b: {  	s6 =	sld [smem:$0x3F94]  }
0x2c: {  	s7 =	sld [smem:$0x3F95]  }
0x2d: {  	s3 =	simm.s32 $0x108;
	s8 =	sld [smem:$0x3F96]  }
0x2e: {  	s3 =	simm.s32 @!p0 $0x1082;
	s9 =	sld [smem:$0x3F97]  }
0x2f: {  	lr =	sadd.s32 s0, s3;
	s0 =	sld [smem:$0x3F8E]  }
0x30: {  	s3 =	sld [smem:$0x3F91]  }
0x31: {  	[smem:$0x3F9A] =	sst s10  }
0x32: {  	s10 =	sld [smem:$0x3F98];
	_ =	sdelay $0x3  }
0x33: {  	p0 =	seq.s32 s10, $0x1;
	s10 =	sld [smem:$0x3F9A];
	_ =	sdelay $0x3  }
0x34: {  	[smem:$0x3F9A] =	sst s10  }
0x35: {  	s10 =	sld [smem:$0x3F99];
	_ =	sdelay $0x3  }
0x36: {  	p1 =	seq.s32 s10, $0x1;
	s10 =	sld [smem:$0x3F9A];
	_ =	sdelay $0x3  }
0x37: {  	[smem:$0x3F9A] =	sst s10  }
0x38: {  	s10 =	sld [smem:$0x3F9B]  }
0x39: {  	_ = 	snop;
	(pc) =	sbr.ind lr, $3  }
0x3a: {  	_ = 	snop  }
0x3b: {  	_ = 	snop  }
0x3c: {  	p2 =	seq.s32 s10, $0x1;
	s10 =	sld [smem:$0x3F9A]  }
0x3d: {  	_ =	shalt  }
0x3e: {  	_ =	shalt  }
0x3f: {  	_ =	shalt  }
0x40: {  	_ =	shalt  }
0x41: {  	_ =	shalt  }
0x42: {  	_ =	shalt  }
0x43: {  	_ =	shalt  }
0x44: {  	_ =	shalt  }
0x45: {  	_ =	shalt  }
0x46: {  	_ =	shalt  }
0x47: {  	_ =	shalt  }
0x48: {  	_ =	shalt  }
0x49: {  	_ =	shalt  }
0x4a: {  	_ =	shalt  }
0x4b: {  	_ =	shalt  }
0x4c: {  	_ =	shalt  }
0x4d: {  	_ =	shalt  }
0x4e: {  	_ =	shalt  }
0x4f: {  	_ =	shalt  }
0x50: {  	_ =	shalt  }
0x51: {  	_ =	shalt  }
0x52: {  	_ =	shalt  }
0x53: {  	_ =	shalt  }
0x54: {  	_ =	shalt  }
0x55: {  	_ =	shalt  }
0x56: {  	_ =	shalt  }
0x57: {  	_ =	shalt  }
0x58: {  	_ =	shalt  }
0x59: {  	_ =	shalt  }
0x5a: {  	_ =	shalt  }
0x5b: {  	_ =	shalt  }
0x5c: {  	_ =	shalt  }
0x5d: {  	_ =	shalt  }
0x5e: {  	_ =	shalt  }
0x5f: {  	_ =	shalt  }
0x60: {  	_ =	shalt  }
0x61: {  	_ =	shalt  }
0x62: {  	_ =	shalt  }
0x63: {  	_ =	shalt  }
0x64: {  	_ =	shalt  }
0x65: {  	_ =	shalt  }
0x66: {  	_ =	shalt  }
0x67: {  	_ =	shalt  }
0x68: {  	_ =	shalt  }
0x69: {  	_ =	shalt  }
0x6a: {  	_ =	shalt  }
0x6b: {  	_ =	shalt  }
0x6c: {  	_ =	shalt  }
0x6d: {  	_ =	shalt  }
0x6e: {  	_ =	shalt  }
0x6f: {  	_ =	shalt  }
0x70: {  	_ =	shalt  }
0x71: {  	_ =	shalt  }
0x72: {  	_ =	shalt  }
0x73: {  	_ =	shalt  }
0x74: {  	_ =	shalt  }
0x75: {  	_ =	shalt  }
0x76: {  	_ =	shalt  }
0x77: {  	_ =	shalt  }
0x78: {  	_ =	shalt  }
0x79: {  	_ =	shalt  }
0x7a: {  	_ =	shalt  }
0x7b: {  	_ =	shalt  }
0x7c: {  	_ =	shalt  }
0x7d: {  	_ =	shalt  }
0x7e: {  	_ =	shalt  }
0x7f: {  	_ =	shalt  }
0x80: {  	_ =	shalt  }
0x81: {  	_ =	shalt  }
0x82: {  	_ =	shalt  }
0x83: {  	_ =	shalt  }
0x84: {  	_ =	shalt  }
0x85: {  	_ =	shalt  }
0x86: {  	_ =	shalt  }
0x87: {  	_ =	shalt  }
.Lfunc_end0:
.L_simem_size_0:
called_computation.1_lowered:
.L_overlay_start_0:
0x88: {  	s2 =	sld [smem:$0x3FD9]  }
0x89: {  	s3 =	sld [smem:$0x3FFE];
	_ =	sdelay $0x1  }
0x8a: {  	s1 =	srdreg.scid  }
0x8b: {  	s0 =	sand.u32 $0x1, s1  }
0x8c: {  	s17 =	sshll.u32 s0, $0xA;
	s2 =	sadd.s32 s3, s2  }
0x8d: {  	s2 =	sadd.s32 s2, s17  }
0x8e: {  	[smem:$0x3FA6] =	sst s2  }
0x8f: {  	_ = 	snop  }
0x90: {  	s2 =	sld [smem:$0x3FD0];
	(tm) =	ssettm $0x1  }
0x91: {  	s18 =	sld [smem:$0x3FFB];
	_ =	sdelay $0x3  }
0x92: {  	_ =	strace s18  }
0x93: {  	s3 =	sld [smem:$0x3FFC];
	_ =	sdelay $0x3  }
0x94: {  	_ =	strace s3  }
0x95: {  	s3 =	sld [smem:$0x3FFD];
	_ =	sdelay $0x3  }
0x96: {  	_ =	strace s3  }
0x97: {  	_ =	strace $0x8FFFFFFF  }
0x98: {  	s19 =	sld [smem:$0x3FDB];
	_ =	sdelay $0x1  }
0x99: {  	s4 =	simm.s32 $_scs_section_size  }
0x9a: {  	s5 =	simm.s32 $_size__tile_overlayer_lowered;
	s6 =	simm.s32 $_tile_overlayer_lowered  }
0x9b: {  	s22 =	simm.s32 $0x1BFF;
	s21 =	sshll.u32 s6, $0x1;
	s3 =	sadd.s32 s4, s19  }
0x9c: {  	s7 =	simm.s32 $0x0;
	s20 =	sshll.u32 s5, $0x1;
	s5 =	sadd.s32 s21, s3  }
0x9d: {  	[timem:s7], [sflag:s22] =	dma.local [hbm:s5], s20  }
0x9e: {  	_ =	swait.ge [sflag:s22], s20  }
0x9f: {  	s4 =	ssub.s32 $0x0, s20;
	[sflag:s22] =	ssyncset.done $0x0  }
0xa0: {  	[sflag:s22] =	ssyncadd.s32 s4;
	_ =	sdelay $0x1  }
0xa1: {  	s23 =	simm.s32 $0x1B8B  }
0xa2: {  	_ =	swait.ge [sflag:s23], $0x1  }
0xa3: {  	[sflag:s23] =	ssyncset.done $0x0  }
0xa4: {  	s25 =	simm.s32 $0x1B8E;
	s24 =	sld [smem:$0x3FFE];
	[sflag:s23] =	ssyncadd.s32 $0xFFFFFFFF  }
0xa5: {  	s26 =	simm.s32 $execute0_lowered;
	[smem:$0x3FD2] =	sst s25  }
0xa6: {  	s5 =	sshll.u32 s26, $0x1;
	_ =	strace $0x80000046;
	[dreg:$0x1] =	wrdreg $0xFFFFFFFF  }
0xa7: {  	s28 =	simm.s32 $_size_execute0_lowered;
	s3 =	sadd.s32 s3, s5;
	[dreg:$0x0] =	wrdreg $0x0  }
0xa8: {  	s5 =	sshll.u32 s28, $0x1;
	[dreg:$0x2] =	wrdreg s3  }
0xa9: {  	[dreg:$0x3] =	wrdreg s5  }
0xaa: {  	[dreg:$0x4] =	wrdreg $0xC0  }
0xab: {  	_ =	task [dreg:s7], $0x5FFFF  }
0xac: {  	[dreg:$0x1] =	wrdreg $0xFFFFFFFF  }
0xad: {  	[dreg:$0x0] =	wrdreg $0x60  }
0xae: {  	[dreg:$0x2] =	wrdreg s24  }
0xaf: {  	[dreg:$0x3] =	wrdreg s2  }
0xb0: {  	[dreg:$0x4] =	wrdreg $0x48000  }
0xb1: {  	[dreg:$0x5] =	wrdreg $0xA  }
0xb2: {  	_ =	task.clear_ibuf [dreg:s7], $0x6FFFF;
	_ =	strace $0x90000046  }
0xb3: {  	s29 =	simm.s32 $0xA;
	_ =	strace $0x80000048  }
0xb4: {  	_ =	swait.ge [sflag:s29], $0x1  }
0xb5: {  	[sflag:s29] =	ssyncadd.s32 $0xFFFFFFFF  }
0xb6: {  	_ =	strace $0x90000048  }
0xb7: {  	_ =	sfence  }
0xb8: {  	s30 =	sld [smem:$0x0];
	_ =	sdelay $0x2  }
0xb9: {  	s31 =	sshll.u32 s1, $0xD;
	s1 =	sshrl.u32 s1, $0x2  }
0xba: {  	s3 =	sand.u32 $0x4000, s31;
	s1 =	sadd.s32 s1, s30  }
0xbb: {  	s0 =	sor.u32 s3, s0;
	s1 =	sshll.u32 s1, $0x11  }
0xbc: {  	s0 =	sor.u32 s1, s0  }
0xbd: {  	s0 =	sadd.s32 $0x8F2B, s0  }
0xbe: {  	[sflag:s0] =	ssyncadd.remote.s32 $0x1  }
0xbf: {  	_ =	sfence.sel $0xFFFF  }
0xc0: {  	[dreg:$0x0] =	wrdreg $0xFFFFFFFF;
	(pc) =	sbr.abs _section_cstart, $3  }
0xc1: {  	[dreg:$0x1] =	wrdreg $0xFFFFFFFF  }
0xc2: {  	_ =	task.clear_ibuf [dreg:s7], $0x2FFFF;
	_ =	strace $0x9FFFFFFF  }
0xc3: {  	(tm) =	ssettm $0x7FFFFFFF  }
tec
execute0_lowered:
.L_overlay_start_1:
0x0: {  	(tag) =	ssettag $0x1  }
0x1: {  	s0 =	rddreg [dreg:$0x0]  }
0x2: {  	s3 =	rddreg [dreg:$0x2]  }
0x3: {  	s10 =	stileid.u32;
	s1 =	srdreg.scid;
	s4 =	simm.s32 $0x0  }
0x4: {  	s11 =	simm.s32 $0xA;
	s12 =	simm.s32 $0x80;
	s26 =	simm.s32 $0x100  }
0x5: {  	s13 =	simm.s32 $0x800;
	s14 =	simm.s32 $0x1800;
	s15 =	simm.s32 $0x2800  }
0x6: {  	s16 =	simm.s32 $0x3800;
	s17 =	simm.s32 $0x2;
	s18 =	simm.s32 $0x6  }
0x7: {  	s19 =	simm.s32 $0x400;
	s28 =	simm.s32 $0x4;
	s29 =	simm.s32 $0x280  }
0x8: {  	s30 =	simm.s32 $0x8;
	s31 =	simm.s32 $0x600;
	s2 =	smul.u32 $0x3100, s10  }
0x9: {  	s1 =	sand.u32 $0x1, s1;
	[smem:$0x7FF] =	sst s4;
	s7 =	smul.u32 $0x62000, s10  }
0xa: {  	s21 =	sshll.u32 s10, $0x6;
	s22 =	smul.u32 $0x18700, s10;
	s9 =	sadd.s32 $0x16E900, s3  }
0xb: {  	p0 =	seq.s32 s10, $0xF;
	s10 =	simm.s32 $0x0;
	s5 =	smul.u32 $0x30D40, s1  }
0xc: {  	s1 =	ssub.s32 $0x2, s1;
	_ =	strace $0x80000047;
	s25 =	sor.u32 $0x1C01, s21  }
0xd: {  	[dreg:$0x5] =	wrdreg s26;
	s21 =	simm.s32 $0x180;
	s26 =	simm.s32 $0x500  }
0xe: {  	[dreg:$0xf] =	wrdreg s10;
	s6 =	sshrl.u32 s1, $0x1;
	s2 =	sadd.s32 s2, s0  }
0xf: {  	s20 =	sshrl.u32 s7, $0x2;
	s7 =	sadd.s32 s22, s3;
	[dreg:$0x8] =	wrdreg s25  }
0x10: {  	s0 =	sadd.s32 s5, s0;
	s1 =	ssub.s32 s1, s6;
	s8 =	sadd.s32 s20, s3  }
0x11: {  	s23 =	sadd.s32 $0x7F200, s2;
	s2 =	simm.s32 $0x200;
	s20 =	simm.s32 $0x3  }
0x12: {  	s6 =	sadd.s32 $0x4E00, s0;
	s5 =	sadd.s32 $0x24EE00, s0;
	[dreg:$0x4] =	wrdreg s23  }
0x13: {  	s0 =	sshrl.u32 s22, $0x3;
	s1 =	smax.u32 s1, $0x1;
	[dreg:$0x6] =	wrdreg s2  }
0x14: {  	s24 =	sshrl.u32 s8, $0x3;
	s8 =	simm.s32 $0x300;
	[dreg:$0xa] =	wrdreg s1  }
0x15: {  	s22 =	simm.s32 $0x7;
	s2 =	simm.s32 $0x9;
	[dreg:$0xb] =	wrdreg s24  }
0x16: {  	s23 =	simm.s32 $0x680;
	[dreg:$0x7] =	wrdreg s8;
	s1 =	sshrl.u32 @p0 s9, $0x3  }
0x17: {  	[dreg:$0x9] =	wrdreg s5;
	s0 =	sadd.s32 @!p0 s0, s5;
	s8 =	simm.s32 $0x700  }
0x18: {  	s9 =	simm.s32 $0x480;
	s24 =	simm.s32 $0x780;
	[dreg:$0xc] =	wrdreg s1  }
0x19: {  	[dreg:$0xd] =	wrdreg s0;
	s0 =	sshrl.u32 @!p0 s7, $0x3;
	s1 =	simm.s32 $0x380  }
0x1a: {  	s7 =	simm.s32 $0x580;
	[dreg:$0xe] =	wrdreg s0;
	s0 =	simm.s32 $0x5  }
.LBB2_1:
0x1b: {  	s5 =	rddreg [dreg:$0x1]  }
0x1c: {  	s10 =	rddreg [dreg:$0xb]  }
0x1d: {  	[spmem:s10], [sflag:s25] =	dma.local [hbm:s5], $0x3100  }
0x1e: {  	s25 =	simm.s32 $0x1  }
0x1f: {  	_ =	swait.ge [sflag:s25], $0x3100  }
0x20: {  	[sflag:s25] =	ssyncset.done $0x0  }
0x21: {  	[sflag:s25] =	ssyncadd.s32 $0xFFFFCF00  }
0x22: {  	[bflag:$0x0] =	sbarrier.arrive $0xFFFF  }
0x23: {  	s5 =	rddreg [dreg:$0x4]  }
0x24: {  	s10 =	sadd.s32 $0x0, s5  }
0x25: {  	[tilespmem:s4], [sflag:$0xA] =	stream.linear.gather [hbm4b:s10+s4], $0x800, $0x38;
	[tilespmem:$0x1D000] =	vst v63  }
0x26: {  	_ =	swait.ge [sflag:s11], $0x800  }
0x27: {  	[sflag:s11] =	ssyncset.done $0x0  }
0x28: {  	[sflag:s11] =	ssyncadd.s32 $0xFFFFF800  }
0x29: {  	[tilespmem:s13], [sflag:$0x2] =	stream.indirect.gather [hbm4b:s6+s12], $0x20, s4, s12, $0xb8;
	[tilespmem:$0x1D000] =	vst v63  }
0x2a: {  	s25 =	rddreg [dreg:$0x5]  }
0x2b: {  	[tilespmem:s14], [sflag:$0x3] =	stream.indirect.gather [hbm4b:s6+s12], $0x20, s25, s12, $0xb8;
	[tilespmem:$0x1D000] =	vst v63  }
0x2c: {  	s5 =	rddreg [dreg:$0x6]  }
0x2d: {  	[tilespmem:s15], [sflag:$0x4] =	stream.indirect.gather [hbm4b:s6+s12], $0x20, s5, s12, $0xb8;
	[tilespmem:$0x1D000] =	vst v63  }
0x2e: {  	s25 =	rddreg [dreg:$0x7]  }
0x2f: {  	[tilespmem:s16], [sflag:$0x5] =	stream.indirect.gather [hbm4b:s6+s12], $0x20, s25, s12, $0xb8;
	[tilespmem:$0x1D000] =	vst v63  }
0x30: {  	_ =	swait.ge [sflag:s17], $0x1000  }
0x31: {  	[sflag:s17] =	ssyncset.done $0x0  }
0x32: {  	[sflag:s17] =	ssyncadd.s32 $0xFFFFF000  }
0x33: {  	[spmem:s3] =	stream.indirect.scatter.add.f32 [tilespmem:s13], [sflag:$0x6], $0x20, s12, s12, $0xb8;
	[tilespmem:$0x1D000] =	vst v63  }
0x34: {  	_ =	swait.ge [sflag:s18], $0x1000  }
0x35: {  	[sflag:s18] =	ssyncset.done $0x0  }
0x36: {  	[sflag:s18] =	ssyncadd.s32 $0xFFFFF000  }
0x37: {  	[tilespmem:s13], [sflag:$0x2] =	stream.indirect.gather [hbm4b:s6+s12], $0x20, s19, s12, $0xb8;
	[tilespmem:$0x1D000] =	vst v63  }
0x38: {  	_ =	swait.ge [sflag:s20], $0x1000  }
0x39: {  	[sflag:s20] =	ssyncset.done $0x0  }
0x3a: {  	[sflag:s20] =	ssyncadd.s32 $0xFFFFF000  }
0x3b: {  	[spmem:s3] =	stream.indirect.scatter.add.f32 [tilespmem:s14], [sflag:$0x7], $0x20, s21, s12, $0xb8;
	[tilespmem:$0x1D000] =	vst v63  }
0x3c: {  	_ =	swait.ge [sflag:s22], $0x1000  }
0x3d: {  	[sflag:s22] =	ssyncset.done $0x0  }
0x3e: {  	[sflag:s22] =	ssyncadd.s32 $0xFFFFF000  }
0x3f: {  	[tilespmem:s14], [sflag:$0x3] =	stream.indirect.gather [hbm4b:s6+s12], $0x20, s26, s12, $0xb8;
	[tilespmem:$0x1D000] =	vst v63  }
0x40: {  	_ =	swait.ge [sflag:s28], $0x1000  }
0x41: {  	[sflag:s28] =	ssyncset.done $0x0  }
0x42: {  	[sflag:s28] =	ssyncadd.s32 $0xFFFFF000  }
0x43: {  	[spmem:s3] =	stream.indirect.scatter.add.f32 [tilespmem:s15], [sflag:$0x8], $0x20, s29, s12, $0xb8;
	[tilespmem:$0x1D000] =	vst v63  }
0x44: {  	_ =	swait.ge [sflag:s30], $0x1000  }
0x45: {  	[sflag:s30] =	ssyncset.done $0x0  }
0x46: {  	[sflag:s30] =	ssyncadd.s32 $0xFFFFF000  }
0x47: {  	[tilespmem:s15], [sflag:$0x4] =	stream.indirect.gather [hbm4b:s6+s12], $0x20, s31, s12, $0xb8;
	[tilespmem:$0x1D000] =	vst v63  }
0x48: {  	_ =	swait.ge [sflag:s0], $0x1000  }
0x49: {  	[sflag:s0] =	ssyncset.done $0x0  }
0x4a: {  	[sflag:s0] =	ssyncadd.s32 $0xFFFFF000  }
0x4b: {  	[spmem:s3] =	stream.indirect.scatter.add.f32 [tilespmem:s16], [sflag:$0x9], $0x20, s1, s12, $0xb8;
	[tilespmem:$0x1D000] =	vst v63  }
0x4c: {  	_ =	swait.ge [sflag:s2], $0x1000  }
0x4d: {  	[sflag:s2] =	ssyncset.done $0x0  }
0x4e: {  	[sflag:s2] =	ssyncadd.s32 $0xFFFFF000  }
0x4f: {  	[tilespmem:s16], [sflag:$0x5] =	stream.indirect.gather [hbm4b:s6+s12], $0x20, s8, s12, $0xb8;
	[tilespmem:$0x1D000] =	vst v63  }
0x50: {  	_ =	swait.ge [sflag:s17], $0x1000  }
0x51: {  	[sflag:s17] =	ssyncset.done $0x0  }
0x52: {  	[sflag:s17] =	ssyncadd.s32 $0xFFFFF000  }
0x53: {  	[spmem:s3] =	stream.indirect.scatter.add.f32 [tilespmem:s13], [sflag:$0x6], $0x20, s9, s12, $0xb8;
	[tilespmem:$0x1D000] =	vst v63  }
0x54: {  	_ =	swait.ge [sflag:s20], $0x1000  }
0x55: {  	[sflag:s20] =	ssyncset.done $0x0  }
0x56: {  	[sflag:s20] =	ssyncadd.s32 $0xFFFFF000  }
0x57: {  	[spmem:s3] =	stream.indirect.scatter.add.f32 [tilespmem:s14], [sflag:$0x7], $0x20, s7, s12, $0xb8;
	[tilespmem:$0x1D000] =	vst v63  }
0x58: {  	_ =	swait.ge [sflag:s28], $0x1000  }
0x59: {  	[sflag:s28] =	ssyncset.done $0x0  }
0x5a: {  	[sflag:s28] =	ssyncadd.s32 $0xFFFFF000  }
0x5b: {  	[spmem:s3] =	stream.indirect.scatter.add.f32 [tilespmem:s15], [sflag:$0x8], $0x20, s23, s12, $0xb8;
	[tilespmem:$0x1D000] =	vst v63  }
0x5c: {  	_ =	swait.ge [sflag:s0], $0x1000  }
0x5d: {  	[sflag:s0] =	ssyncset.done $0x0  }
0x5e: {  	[sflag:s0] =	ssyncadd.s32 $0xFFFFF000  }
0x5f: {  	[spmem:s3] =	stream.indirect.scatter.add.f32 [tilespmem:s16], [sflag:$0x9], $0x20, s24, s12, $0xb8;
	[tilespmem:$0x1D000] =	vst v63  }
0x60: {  	_ =	swait.ge [sflag:s18], $0x1000  }
0x61: {  	[sflag:s18] =	ssyncset.done $0x0  }
0x62: {  	[sflag:s18] =	ssyncadd.s32 $0xFFFFF000  }
0x63: {  	_ =	swait.ge [sflag:s22], $0x1000  }
0x64: {  	[sflag:s22] =	ssyncset.done $0x0  }
0x65: {  	[sflag:s22] =	ssyncadd.s32 $0xFFFFF000  }
0x66: {  	_ =	swait.ge [sflag:s30], $0x1000  }
0x67: {  	[sflag:s30] =	ssyncset.done $0x0  }
0x68: {  	[sflag:s30] =	ssyncadd.s32 $0xFFFFF000  }
0x69: {  	s10 =	simm.s32 $0x100;
	_ =	swait.ge [sflag:s2], $0x1000  }
.LBB2_2:
0x6a: {  	s5 =	rddreg [dreg:$0x4];
	s25 =	smov.u32 s10;
	[sflag:s2] =	ssyncset.done $0x0  }
0x6b: {  	s5 =	sadd.s32 s25, s5;
	[sflag:s2] =	ssyncadd.s32 $0xFFFFF000  }
0x6c: {  	[tilespmem:s4], [sflag:$0xA] =	stream.linear.gather [hbm4b:s5+s4], $0x800, $0x38;
	[tilespmem:$0x1D000] =	vst v63  }
0x6d: {  	_ =	swait.ge [sflag:s11], $0x800  }
0x6e: {  	[sflag:s11] =	ssyncset.done $0x0  }
0x6f: {  	[sflag:s11] =	ssyncadd.s32 $0xFFFFF800  }
0x70: {  	[tilespmem:s13], [sflag:$0x2] =	stream.indirect.gather [hbm4b:s6+s12], $0x20, s4, s12, $0xb8;
	[tilespmem:$0x1D000] =	vst v63  }
0x71: {  	s5 =	rddreg [dreg:$0x5]  }
0x72: {  	[tilespmem:s14], [sflag:$0x3] =	stream.indirect.gather [hbm4b:s6+s12], $0x20, s5, s12, $0xb8;
	[tilespmem:$0x1D000] =	vst v63  }
0x73: {  	s25 =	rddreg [dreg:$0x6]  }
0x74: {  	[tilespmem:s15], [sflag:$0x4] =	stream.indirect.gather [hbm4b:s6+s12], $0x20, s25, s12, $0xb8;
	[tilespmem:$0x1D000] =	vst v63  }
0x75: {  	s5 =	rddreg [dreg:$0x7]  }
0x76: {  	[tilespmem:s16], [sflag:$0x5] =	stream.indirect.gather [hbm4b:s6+s12], $0x20, s5, s12, $0xb8;
	[tilespmem:$0x1D000] =	vst v63  }
0x77: {  	_ =	swait.ge [sflag:s17], $0x1000  }
0x78: {  	[sflag:s17] =	ssyncset.done $0x0  }
0x79: {  	[sflag:s17] =	ssyncadd.s32 $0xFFFFF000  }
0x7a: {  	[spmem:s3] =	stream.indirect.scatter.add.f32 [tilespmem:s13], [sflag:$0x6], $0x20, s12, s12, $0xb8;
	[tilespmem:$0x1D000] =	vst v63  }
0x7b: {  	_ =	swait.ge [sflag:s18], $0x1000  }
0x7c: {  	[sflag:s18] =	ssyncset.done $0x0  }
0x7d: {  	[sflag:s18] =	ssyncadd.s32 $0xFFFFF000  }
0x7e: {  	[tilespmem:s13], [sflag:$0x2] =	stream.indirect.gather [hbm4b:s6+s12], $0x20, s19, s12, $0xb8;
	[tilespmem:$0x1D000] =	vst v63  }
0x7f: {  	_ =	swait.ge [sflag:s20], $0x1000  }
0x80: {  	[sflag:s20] =	ssyncset.done $0x0  }
0x81: {  	[sflag:s20] =	ssyncadd.s32 $0xFFFFF000  }
0x82: {  	[spmem:s3] =	stream.indirect.scatter.add.f32 [tilespmem:s14], [sflag:$0x7], $0x20, s21, s12, $0xb8;
	[tilespmem:$0x1D000] =	vst v63  }
0x83: {  	_ =	swait.ge [sflag:s22], $0x1000  }
0x84: {  	[sflag:s22] =	ssyncset.done $0x0  }
0x85: {  	[sflag:s22] =	ssyncadd.s32 $0xFFFFF000  }
0x86: {  	[tilespmem:s14], [sflag:$0x3] =	stream.indirect.gather [hbm4b:s6+s12], $0x20, s26, s12, $0xb8;
	[tilespmem:$0x1D000] =	vst v63  }
0x87: {  	_ =	swait.ge [sflag:s28], $0x1000  }
0x88: {  	[sflag:s28] =	ssyncset.done $0x0  }
0x89: {  	[sflag:s28] =	ssyncadd.s32 $0xFFFFF000  }
0x8a: {  	[spmem:s3] =	stream.indirect.scatter.add.f32 [tilespmem:s15], [sflag:$0x8], $0x20, s29, s12, $0xb8;
	[tilespmem:$0x1D000] =	vst v63  }
0x8b: {  	_ =	swait.ge [sflag:s30], $0x1000  }
0x8c: {  	[sflag:s30] =	ssyncset.done $0x0  }
0x8d: {  	[sflag:s30] =	ssyncadd.s32 $0xFFFFF000  }
0x8e: {  	[tilespmem:s15], [sflag:$0x4] =	stream.indirect.gather [hbm4b:s6+s12], $0x20, s31, s12, $0xb8;
	[tilespmem:$0x1D000] =	vst v63  }
0x8f: {  	_ =	swait.ge [sflag:s0], $0x1000  }
0x90: {  	[sflag:s0] =	ssyncset.done $0x0  }
0x91: {  	[sflag:s0] =	ssyncadd.s32 $0xFFFFF000  }
0x92: {  	[spmem:s3] =	stream.indirect.scatter.add.f32 [tilespmem:s16], [sflag:$0x9], $0x20, s1, s12, $0xb8;
	[tilespmem:$0x1D000] =	vst v63  }
0x93: {  	_ =	swait.ge [sflag:s2], $0x1000  }
0x94: {  	[sflag:s2] =	ssyncset.done $0x0  }
0x95: {  	[sflag:s2] =	ssyncadd.s32 $0xFFFFF000  }
0x96: {  	[tilespmem:s16], [sflag:$0x5] =	stream.indirect.gather [hbm4b:s6+s12], $0x20, s8, s12, $0xb8;
	[tilespmem:$0x1D000] =	vst v63  }
0x97: {  	_ =	swait.ge [sflag:s17], $0x1000  }
0x98: {  	[sflag:s17] =	ssyncset.done $0x0  }
0x99: {  	[sflag:s17] =	ssyncadd.s32 $0xFFFFF000  }
0x9a: {  	[spmem:s3] =	stream.indirect.scatter.add.f32 [tilespmem:s13], [sflag:$0x6], $0x20, s9, s12, $0xb8;
	[tilespmem:$0x1D000] =	vst v63  }
0x9b: {  	_ =	swait.ge [sflag:s20], $0x1000  }
0x9c: {  	[sflag:s20] =	ssyncset.done $0x0  }
0x9d: {  	[sflag:s20] =	ssyncadd.s32 $0xFFFFF000  }
0x9e: {  	[spmem:s3] =	stream.indirect.scatter.add.f32 [tilespmem:s14], [sflag:$0x7], $0x20, s7, s12, $0xb8;
	[tilespmem:$0x1D000] =	vst v63  }
0x9f: {  	_ =	swait.ge [sflag:s28], $0x1000  }
0xa0: {  	[sflag:s28] =	ssyncset.done $0x0  }
0xa1: {  	[sflag:s28] =	ssyncadd.s32 $0xFFFFF000  }
0xa2: {  	[spmem:s3] =	stream.indirect.scatter.add.f32 [tilespmem:s15], [sflag:$0x8], $0x20, s23, s12, $0xb8;
	[tilespmem:$0x1D000] =	vst v63  }
0xa3: {  	_ =	swait.ge [sflag:s0], $0x1000  }
0xa4: {  	[sflag:s0] =	ssyncset.done $0x0  }
0xa5: {  	[sflag:s0] =	ssyncadd.s32 $0xFFFFF000  }
0xa6: {  	[spmem:s3] =	stream.indirect.scatter.add.f32 [tilespmem:s16], [sflag:$0x9], $0x20, s24, s12, $0xb8;
	[tilespmem:$0x1D000] =	vst v63  }
0xa7: {  	_ =	swait.ge [sflag:s18], $0x1000  }
0xa8: {  	[sflag:s18] =	ssyncset.done $0x0  }
0xa9: {  	[sflag:s18] =	ssyncadd.s32 $0xFFFFF000  }
0xaa: {  	_ =	swait.ge [sflag:s22], $0x1000  }
0xab: {  	p1 =	sne.s32 s10, $0x3000;
	[sflag:s22] =	ssyncset.done $0x0  }
.Ltmp0:
0xac: {  	[sflag:s22] =	ssyncadd.s32 $0xFFFFF000;
	(pc) =	sbr.rel @p1 .LBB2_2-.Ltmp0, $4  }
0xad: {  	_ =	swait.ge [sflag:s30], $0x1000  }
0xae: {  	[sflag:s30] =	ssyncset.done $0x0  }
0xaf: {  	[sflag:s30] =	ssyncadd.s32 $0xFFFFF000  }
0xb0: {  	s10 =	sadd.s32 $0x100, s10;
	_ =	swait.ge [sflag:s2], $0x1000  }
0xb1: {  	[sflag:s2] =	ssyncset.done $0x0  }
0xb2: {  	[sflag:s2] =	ssyncadd.s32 $0xFFFFF000  }
0xb3: {  	[bflag:$0x0] =	sbarrier.arrive $0xFFFF  }
0xb4: {  	s5 =	rddreg [dreg:$0x9]  }
0xb5: {  	s25 =	rddreg [dreg:$0x8]  }
0xb6: {  	s10 =	rddreg [dreg:$0xc];
	s5 =	sadd.s32 @p0 $0x2DD20, s5  }
0xb7: {  	[hbm:s5], [sflag:s25] =	dma.local @p0 [spmem:s10], $0x3020  }
0xb8: {  	s5 =	simm.s32 @p0 $0x1  }
0xb9: {  	_ =	swait.ge @p0 [sflag:s5], $0x3020  }
0xba: {  	[sflag:s5] =	ssyncset.done @p0 $0x0;
	s10 =	rddreg [dreg:$0xe]  }
0xbb: {  	[sflag:s5] =	ssyncadd.s32 @p0 $0xFFFFCFE0;
	s5 =	rddreg [dreg:$0xd]  }
0xbc: {  	[hbm:s5], [sflag:s25] =	dma.local @!p0 [spmem:s10], $0x30E0  }
0xbd: {  	s10 =	simm.s32 @!p0 $0x1  }
0xbe: {  	_ =	swait.ge @!p0 [sflag:s10], $0x30E0  }
0xbf: {  	s5 =	rddreg [dreg:$0xf]  }
0xc0: {  	[sflag:s10] =	ssyncset.done @!p0 $0x0;
	s10 =	rddreg [dreg:$0xa];
	s5 =	sadd.s32 $0x1, s5  }
0xc1: {  	p1 =	sne.s32 s5, s10  }
.Ltmp1:
0xc2: {  	_ = 	snop;
	(pc) =	sbr.rel @p1 .LBB2_1-.Ltmp1, $3  }
0xc3: {  	_ =	sdelay $0x1  }
0xc4: {  	[dreg:$0xf] =	wrdreg s5;
	s5 =	simm.s32 @!p0 $0x1  }
0xc5: {  	[sflag:s5] =	ssyncadd.s32 @!p0 $0xFFFFCF20  }
0xc6: {  	_ =	sfence.sel $0x180000  }
0xc7: {  	[bflag:$0x0] =	sbarrier.arrive $0xFFFF  }
0xc8: {  	_ =	strace $0x90000047  }
0xc9: {  	s0 =	stileid.u32;
	[bflag:$0x2] =	sbarrier.arrive $0xFFFF  }
0xca: {  	p0 =	sne.s32 s0, $0x0;
	s0 =	rddreg [dreg:$0x3]  }
0xcb: {  	s0 =	sadd.s32 @!p0 $0x100000, s0  }
0xcc: {  	[sflag:s0] =	ssyncadd.tile.s32 @!p0 $0x1;
	_ =	shalt  }
.Lfunc_end2:
_tile_overlayer_lowered:
.L_overlay_start_2:
0xcd: {  	(tag) =	ssettag $0x2  }
0xce: {  	s0 =	rddreg [dreg:$0x0];
	s2 =	stileid.u32  }
0xcf: {  	s1 =	rddreg [dreg:$0x1];
	p0 =	sne.s32 s2, $0x0  }
0xd0: {  	s3 =	rddreg [dreg:$0x2];
	[bflag:$0x3] =	sbarrier.arrive $0xFFFF;
	s2 =	simm.s32 @!p0 $0x1C0A  }
0xd1: {  	[timem:s3], [sflag:s2] =	dma.local @!p0 [hbm:s0], s1  }
0xd2: {  	s0 =	simm.s32 @!p0 $0xA  }
0xd3: {  	_ =	swait.ge @!p0 [sflag:s0], s1  }
0xd4: {  	s1 =	ssub.s32 @!p0 $0x0, s1;
	[sflag:s0] =	ssyncset.done @!p0 $0x0  }
0xd5: {  	[sflag:s0] =	ssyncadd.s32 @!p0 s1  }
0xd6: {  	[bflag:$0x3] =	sbarrier.arrive $0xFFFF  }
0xd7: {  	_ =	shalt  }

// kernel: kernel.19.cloned.1.call-start
scs
__scs_entry_jumppad:
0x0: {  	(pc) =	sbr.rel $0x88, $3  }
0x1: {  	(tag) =	ssettag $0x0;
	lr =	simm.s32 $0x1  }
0x2: {  	[smem:$0x3F7F] =	sst lr;
	_ =	strace $0xD0000000  }
0x3: {  	_ = 	snop  }
0x4: {  	_ = 	snop  }
0x5: {  	_ = 	snop  }
0x6: {  	_ = 	snop  }
0x7: {  	_ = 	snop  }
__scs_overlays_trampoline_lowered:
0x8: {  	[smem:$0x3F8E] =	sst s0  }
0x9: {  	[smem:$0x3F8F] =	sst s1  }
0xa: {  	[smem:$0x3F90] =	sst s2  }
0xb: {  	[smem:$0x3F91] =	sst s3  }
0xc: {  	[smem:$0x3F92] =	sst s4  }
0xd: {  	[smem:$0x3F93] =	sst s5  }
0xe: {  	[smem:$0x3F94] =	sst s6  }
0xf: {  	[smem:$0x3F95] =	sst s7  }
0x10: {  	[smem:$0x3F96] =	sst s8  }
0x11: {  	[smem:$0x3F97] =	sst s9;
	s0 =	simm.s32 @!p0 $0x0  }
0x12: {  	s1 =	sld [smem:$0x3F7D];
	s0 =	simm.s32 @p0 $0x1  }
0x13: {  	[smem:$0x3F98] =	sst s0;
	s0 =	simm.s32 @!p1 $0x0  }
0x14: {  	s2 =	sld [smem:$0x3F7C];
	s0 =	simm.s32 @p1 $0x1  }
0x15: {  	[smem:$0x3F99] =	sst s0;
	s0 =	simm.s32 @!p2 $0x0  }
0x16: {  	s3 =	sld [smem:$0x3FDB];
	s0 =	simm.s32 @p2 $0x1  }
0x17: {  	s4 =	simm.s32 $0x1BF5;
	[smem:$0x3F9B] =	sst s0  }
0x18: {  	s0 =	sld [smem:$0x3F7E];
	_ =	swait.ge [sflag:s4], $0x0  }
0x19: {  	s7 =	sld [smem:$0x3F7F]  }
0x1a: {  	s8 =	sadd.s32 $0xFFFFE003, lr  }
0x1b: {  	s9 =	sadd.s32 $0xFFFFFEF7, lr;
	s5 =	simm.s32 $0xFFFFFFFF;
	p2 =	slt.u32 s8, $0xFFFFF086  }
0x1c: {  	p1 =	slt.u32 s9, $0xF7A;
	s5 =	simm.s32 @!p2 $0x0  }
0x1d: {  	s5 =	simm.s32 @p1 $0x1;
	p0 =	seq.s32 s7, s2  }
0x1e: {  	s7 =	smul.u32 @!p0 $0xF7A, s2;
	p2 =	seq.s32 @!p0 s5, $0x0  }
0x1f: {  	s9 =	smul.u32 $0xF7A, s1;
	s8 =	simm.s32 @!p0 $0x1BF5;
	p2 =	por !p2, p0  }
0x20: {  	[sflag:s8] =	ssyncset.s32 @!p0 $0xFFFFF086;
	s6 =	sadd.s32 @!p0 s3, s7;
	s7 =	simm.s32 @!p0 $0x108  }
0x21: {  	s3 =	sadd.s32 s3, s9;
	s6 =	sadd.s32 @!p0 $0x88, s6;
	s7 =	simm.s32 @p2 $0x1082  }
0x22: {  	[simem:s7], [sflag:s8] =	dma.local @!p0 [hbm:s6], $0xF7A  }
0x23: {  	s9 =	sor.u32 $0xD0000000, s2;
	s6 =	simm.s32 $0x108;
	_ =	swait.ge @!p0 [sflag:s8], $0x0  }
0x24: {  	s3 =	sadd.s32 $0x88, s3;
	s6 =	simm.s32 @!p1 $0x1082;
	[sflag:s4] =	ssyncset.s32 $0xFFFFF086  }
0x25: {  	[simem:s6], [sflag:s4] =	dma.local [hbm:s3], $0xF7A  }
0x26: {  	[smem:$0x3F7F] =	sst s1;
	(tag) =	ssettag s2;
	_ =	strace s9  }
0x27: {  	s1 =	sld [smem:$0x3F8F]  }
0x28: {  	s2 =	sld [smem:$0x3F90]  }
0x29: {  	s4 =	sld [smem:$0x3F92]  }
0x2a: {  	p0 =	seq.s32 s5, $0x0;
	s5 =	sld [smem:$0x3F93]  }
0x2b: {  	s6 =	sld [smem:$0x3F94]  }
0x2c: {  	s7 =	sld [smem:$0x3F95]  }
0x2d: {  	s3 =	simm.s32 $0x108;
	s8 =	sld [smem:$0x3F96]  }
0x2e: {  	s3 =	simm.s32 @!p0 $0x1082;
	s9 =	sld [smem:$0x3F97]  }
0x2f: {  	lr =	sadd.s32 s0, s3;
	s0 =	sld [smem:$0x3F8E]  }
0x30: {  	s3 =	sld [smem:$0x3F91]  }
0x31: {  	[smem:$0x3F9A] =	sst s10  }
0x32: {  	s10 =	sld [smem:$0x3F98];
	_ =	sdelay $0x3  }
0x33: {  	p0 =	seq.s32 s10, $0x1;
	s10 =	sld [smem:$0x3F9A];
	_ =	sdelay $0x3  }
0x34: {  	[smem:$0x3F9A] =	sst s10  }
0x35: {  	s10 =	sld [smem:$0x3F99];
	_ =	sdelay $0x3  }
0x36: {  	p1 =	seq.s32 s10, $0x1;
	s10 =	sld [smem:$0x3F9A];
	_ =	sdelay $0x3  }
0x37: {  	[smem:$0x3F9A] =	sst s10  }
0x38: {  	s10 =	sld [smem:$0x3F9B]  }
0x39: {  	_ = 	snop;
	(pc) =	sbr.ind lr, $3  }
0x3a: {  	_ = 	snop  }
0x3b: {  	_ = 	snop  }
0x3c: {  	p2 =	seq.s32 s10, $0x1;
	s10 =	sld [smem:$0x3F9A]  }
0x3d: {  	_ =	shalt  }
0x3e: {  	_ =	shalt  }
0x3f: {  	_ =	shalt  }
0x40: {  	_ =	shalt  }
0x41: {  	_ =	shalt  }
0x42: {  	_ =	shalt  }
0x43: {  	_ =	shalt  }
0x44: {  	_ =	shalt  }
0x45: {  	_ =	shalt  }
0x46: {  	_ =	shalt  }
0x47: {  	_ =	shalt  }
0x48: {  	_ =	shalt  }
0x49: {  	_ =	shalt  }
0x4a: {  	_ =	shalt  }
0x4b: {  	_ =	shalt  }
0x4c: {  	_ =	shalt  }
0x4d: {  	_ =	shalt  }
0x4e: {  	_ =	shalt  }
0x4f: {  	_ =	shalt  }
0x50: {  	_ =	shalt  }
0x51: {  	_ =	shalt  }
0x52: {  	_ =	shalt  }
0x53: {  	_ =	shalt  }
0x54: {  	_ =	shalt  }
0x55: {  	_ =	shalt  }
0x56: {  	_ =	shalt  }
0x57: {  	_ =	shalt  }
0x58: {  	_ =	shalt  }
0x59: {  	_ =	shalt  }
0x5a: {  	_ =	shalt  }
0x5b: {  	_ =	shalt  }
0x5c: {  	_ =	shalt  }
0x5d: {  	_ =	shalt  }
0x5e: {  	_ =	shalt  }
0x5f: {  	_ =	shalt  }
0x60: {  	_ =	shalt  }
0x61: {  	_ =	shalt  }
0x62: {  	_ =	shalt  }
0x63: {  	_ =	shalt  }
0x64: {  	_ =	shalt  }
0x65: {  	_ =	shalt  }
0x66: {  	_ =	shalt  }
0x67: {  	_ =	shalt  }
0x68: {  	_ =	shalt  }
0x69: {  	_ =	shalt  }
0x6a: {  	_ =	shalt  }
0x6b: {  	_ =	shalt  }
0x6c: {  	_ =	shalt  }
0x6d: {  	_ =	shalt  }
0x6e: {  	_ =	shalt  }
0x6f: {  	_ =	shalt  }
0x70: {  	_ =	shalt  }
0x71: {  	_ =	shalt  }
0x72: {  	_ =	shalt  }
0x73: {  	_ =	shalt  }
0x74: {  	_ =	shalt  }
0x75: {  	_ =	shalt  }
0x76: {  	_ =	shalt  }
0x77: {  	_ =	shalt  }
0x78: {  	_ =	shalt  }
0x79: {  	_ =	shalt  }
0x7a: {  	_ =	shalt  }
0x7b: {  	_ =	shalt  }
0x7c: {  	_ =	shalt  }
0x7d: {  	_ =	shalt  }
0x7e: {  	_ =	shalt  }
0x7f: {  	_ =	shalt  }
0x80: {  	_ =	shalt  }
0x81: {  	_ =	shalt  }
0x82: {  	_ =	shalt  }
0x83: {  	_ =	shalt  }
0x84: {  	_ =	shalt  }
0x85: {  	_ =	shalt  }
0x86: {  	_ =	shalt  }
0x87: {  	_ =	shalt  }
.Lfunc_end0:
.L_simem_size_0:
called_computation.2_lowered:
.L_overlay_start_0:
0x88: {  	s2 =	sld [smem:$0x3FD9]  }
0x89: {  	s3 =	sld [smem:$0x3FFE];
	_ =	sdelay $0x1  }
0x8a: {  	s1 =	srdreg.scid  }
0x8b: {  	s0 =	sand.u32 $0x1, s1  }
0x8c: {  	s17 =	sshll.u32 s0, $0xA;
	s2 =	sadd.s32 s3, s2  }
0x8d: {  	s2 =	sadd.s32 s2, s17  }
0x8e: {  	[smem:$0x3FA6] =	sst s2  }
0x8f: {  	_ = 	snop  }
0x90: {  	s2 =	sld [smem:$0x3FD0];
	(tm) =	ssettm $0x1  }
0x91: {  	s18 =	sld [smem:$0x3FFB];
	_ =	sdelay $0x3  }
0x92: {  	_ =	strace s18  }
0x93: {  	s3 =	sld [smem:$0x3FFC];
	_ =	sdelay $0x3  }
0x94: {  	_ =	strace s3  }
0x95: {  	s3 =	sld [smem:$0x3FFD];
	_ =	sdelay $0x3  }
0x96: {  	_ =	strace s3  }
0x97: {  	_ =	strace $0x8FFFFFFF  }
0x98: {  	s19 =	sld [smem:$0x3FDB];
	_ =	sdelay $0x1  }
0x99: {  	s4 =	simm.s32 $_scs_section_size  }
0x9a: {  	s5 =	simm.s32 $_size__tile_overlayer_lowered;
	s6 =	simm.s32 $_tile_overlayer_lowered  }
0x9b: {  	s22 =	simm.s32 $0x1BFF;
	s21 =	sshll.u32 s6, $0x1;
	s3 =	sadd.s32 s4, s19  }
0x9c: {  	s7 =	simm.s32 $0x0;
	s20 =	sshll.u32 s5, $0x1;
	s5 =	sadd.s32 s21, s3  }
0x9d: {  	[timem:s7], [sflag:s22] =	dma.local [hbm:s5], s20  }
0x9e: {  	_ =	swait.ge [sflag:s22], s20  }
0x9f: {  	s4 =	ssub.s32 $0x0, s20;
	[sflag:s22] =	ssyncset.done $0x0  }
0xa0: {  	[sflag:s22] =	ssyncadd.s32 s4;
	_ =	sdelay $0x1  }
0xa1: {  	s23 =	simm.s32 $0x1B8B  }
0xa2: {  	_ =	swait.ge [sflag:s23], $0x1  }
0xa3: {  	[sflag:s23] =	ssyncset.done $0x0  }
0xa4: {  	s25 =	simm.s32 $0x1B8E;
	s24 =	sld [smem:$0x3FFE];
	[sflag:s23] =	ssyncadd.s32 $0xFFFFFFFF  }
0xa5: {  	s26 =	simm.s32 $execute0_lowered;
	[smem:$0x3FD2] =	sst s25  }
0xa6: {  	s5 =	sshll.u32 s26, $0x1;
	_ =	strace $0x8000004C;
	[dreg:$0x1] =	wrdreg $0xFFFFFFFF  }
0xa7: {  	s28 =	simm.s32 $_size_execute0_lowered;
	s3 =	sadd.s32 s3, s5;
	[dreg:$0x0] =	wrdreg $0x0  }
0xa8: {  	s5 =	sshll.u32 s28, $0x1;
	[dreg:$0x2] =	wrdreg s3  }
0xa9: {  	[dreg:$0x3] =	wrdreg s5  }
0xaa: {  	[dreg:$0x4] =	wrdreg $0xC0  }
0xab: {  	_ =	task [dreg:s7], $0x5FFFF  }
0xac: {  	[dreg:$0x1] =	wrdreg $0xFFFFFFFF  }
0xad: {  	[dreg:$0x0] =	wrdreg $0x60  }
0xae: {  	[dreg:$0x2] =	wrdreg s24  }
0xaf: {  	[dreg:$0x3] =	wrdreg s2  }
0xb0: {  	[dreg:$0x4] =	wrdreg $0x48000  }
0xb1: {  	[dreg:$0x5] =	wrdreg $0x9  }
0xb2: {  	_ =	task.clear_ibuf [dreg:s7], $0x6FFFF;
	_ =	strace $0x9000004C  }
0xb3: {  	s29 =	simm.s32 $0x9;
	_ =	strace $0x8000004E  }
0xb4: {  	_ =	swait.ge [sflag:s29], $0x1  }
0xb5: {  	[sflag:s29] =	ssyncadd.s32 $0xFFFFFFFF  }
0xb6: {  	_ =	strace $0x9000004E  }
0xb7: {  	_ =	sfence  }
0xb8: {  	s30 =	sld [smem:$0x0];
	_ =	sdelay $0x2  }
0xb9: {  	s31 =	sshll.u32 s1, $0xD;
	s1 =	sshrl.u32 s1, $0x2  }
0xba: {  	s3 =	sand.u32 $0x4000, s31;
	s1 =	sadd.s32 s1, s30  }
0xbb: {  	s0 =	sor.u32 s3, s0;
	s1 =	sshll.u32 s1, $0x11  }
0xbc: {  	s0 =	sor.u32 s1, s0  }
0xbd: {  	s0 =	sadd.s32 $0x8F2B, s0  }
0xbe: {  	[sflag:s0] =	ssyncadd.remote.s32 $0x1  }
0xbf: {  	_ =	sfence.sel $0xFFFF  }
0xc0: {  	[dreg:$0x0] =	wrdreg $0xFFFFFFFF;
	(pc) =	sbr.abs _section_cstart, $3  }
0xc1: {  	[dreg:$0x1] =	wrdreg $0xFFFFFFFF  }
0xc2: {  	_ =	task.clear_ibuf [dreg:s7], $0x2FFFF;
	_ =	strace $0x9FFFFFFF  }
0xc3: {  	(tm) =	ssettm $0x7FFFFFFF  }
tec
execute0_lowered:
.L_overlay_start_1:
0x0: {  	(tag) =	ssettag $0x1  }
0x1: {  	s0 =	rddreg [dreg:$0x0]  }
0x2: {  	s3 =	rddreg [dreg:$0x2]  }
0x3: {  	s10 =	stileid.u32;
	s1 =	srdreg.scid;
	s4 =	simm.s32 $0x0  }
0x4: {  	s11 =	simm.s32 $0xA;
	s12 =	simm.s32 $0x80;
	s26 =	simm.s32 $0x100  }
0x5: {  	s13 =	simm.s32 $0x800;
	s14 =	simm.s32 $0x1800;
	s15 =	simm.s32 $0x2800  }
0x6: {  	s16 =	simm.s32 $0x3800;
	s17 =	simm.s32 $0x2;
	s18 =	simm.s32 $0x6  }
0x7: {  	s19 =	simm.s32 $0x400;
	s28 =	simm.s32 $0x4;
	s29 =	simm.s32 $0x280  }
0x8: {  	s30 =	simm.s32 $0x8;
	s31 =	simm.s32 $0x600;
	s2 =	smul.u32 $0x3100, s10  }
0x9: {  	s1 =	sand.u32 $0x1, s1;
	[smem:$0x7FF] =	sst s4;
	s7 =	smul.u32 $0x62000, s10  }
0xa: {  	s21 =	sshll.u32 s10, $0x6;
	s22 =	smul.u32 $0x18700, s10;
	s9 =	sadd.s32 $0x16E900, s3  }
0xb: {  	p0 =	seq.s32 s10, $0xF;
	s10 =	simm.s32 $0x0;
	s5 =	smul.u32 $0x30D40, s1  }
0xc: {  	s1 =	ssub.s32 $0x2, s1;
	_ =	strace $0x8000004D;
	s25 =	sor.u32 $0x1C01, s21  }
0xd: {  	[dreg:$0x5] =	wrdreg s26;
	s21 =	simm.s32 $0x180;
	s26 =	simm.s32 $0x500  }
0xe: {  	[dreg:$0xf] =	wrdreg s10;
	s6 =	sshrl.u32 s1, $0x1;
	s2 =	sadd.s32 s2, s0  }
0xf: {  	s20 =	sshrl.u32 s7, $0x2;
	s7 =	sadd.s32 s22, s3;
	[dreg:$0x8] =	wrdreg s25  }
0x10: {  	s0 =	sadd.s32 s5, s0;
	s1 =	ssub.s32 s1, s6;
	s8 =	sadd.s32 s20, s3  }
0x11: {  	s23 =	sadd.s32 $0x7F200, s2;
	s2 =	simm.s32 $0x200;
	s20 =	simm.s32 $0x3  }
0x12: {  	s6 =	sadd.s32 $0x4E00, s0;
	s5 =	sadd.s32 $0xB0200, s0;
	[dreg:$0x4] =	wrdreg s23  }
0x13: {  	s0 =	sshrl.u32 s22, $0x3;
	s1 =	smax.u32 s1, $0x1;
	[dreg:$0x6] =	wrdreg s2  }
0x14: {  	s24 =	sshrl.u32 s8, $0x3;
	s8 =	simm.s32 $0x300;
	[dreg:$0xa] =	wrdreg s1  }
0x15: {  	s22 =	simm.s32 $0x7;
	s2 =	simm.s32 $0x9;
	[dreg:$0xb] =	wrdreg s24  }
0x16: {  	s23 =	simm.s32 $0x680;
	[dreg:$0x7] =	wrdreg s8;
	s1 =	sshrl.u32 @p0 s9, $0x3  }
0x17: {  	[dreg:$0x9] =	wrdreg s5;
	s0 =	sadd.s32 @!p0 s0, s5;
	s8 =	simm.s32 $0x700  }
0x18: {  	s9 =	simm.s32 $0x480;
	s24 =	simm.s32 $0x780;
	[dreg:$0xc] =	wrdreg s1  }
0x19: {  	[dreg:$0xd] =	wrdreg s0;
	s0 =	sshrl.u32 @!p0 s7, $0x3;
	s1 =	simm.s32 $0x380  }
0x1a: {  	s7 =	simm.s32 $0x580;
	[dreg:$0xe] =	wrdreg s0;
	s0 =	simm.s32 $0x5  }
.LBB2_1:
0x1b: {  	s5 =	rddreg [dreg:$0x1]  }
0x1c: {  	s10 =	rddreg [dreg:$0xb]  }
0x1d: {  	[spmem:s10], [sflag:s25] =	dma.local [hbm:s5], $0x3100  }
0x1e: {  	s25 =	simm.s32 $0x1  }
0x1f: {  	_ =	swait.ge [sflag:s25], $0x3100  }
0x20: {  	[sflag:s25] =	ssyncset.done $0x0  }
0x21: {  	[sflag:s25] =	ssyncadd.s32 $0xFFFFCF00  }
0x22: {  	[bflag:$0x0] =	sbarrier.arrive $0xFFFF  }
0x23: {  	s5 =	rddreg [dreg:$0x4]  }
0x24: {  	s10 =	sadd.s32 $0x0, s5  }
0x25: {  	[tilespmem:s4], [sflag:$0xA] =	stream.linear.gather [hbm4b:s10+s4], $0x800, $0x38;
	[tilespmem:$0x1D000] =	vst v63  }
0x26: {  	_ =	swait.ge [sflag:s11], $0x800  }
0x27: {  	[sflag:s11] =	ssyncset.done $0x0  }
0x28: {  	[sflag:s11] =	ssyncadd.s32 $0xFFFFF800  }
0x29: {  	[tilespmem:s13], [sflag:$0x2] =	stream.indirect.gather [hbm4b:s6+s12], $0x20, s4, s12, $0xb8;
	[tilespmem:$0x1D000] =	vst v63  }
0x2a: {  	s25 =	rddreg [dreg:$0x5]  }
0x2b: {  	[tilespmem:s14], [sflag:$0x3] =	stream.indirect.gather [hbm4b:s6+s12], $0x20, s25, s12, $0xb8;
	[tilespmem:$0x1D000] =	vst v63  }
0x2c: {  	s5 =	rddreg [dreg:$0x6]  }
0x2d: {  	[tilespmem:s15], [sflag:$0x4] =	stream.indirect.gather [hbm4b:s6+s12], $0x20, s5, s12, $0xb8;
	[tilespmem:$0x1D000] =	vst v63  }
0x2e: {  	s25 =	rddreg [dreg:$0x7]  }
0x2f: {  	[tilespmem:s16], [sflag:$0x5] =	stream.indirect.gather [hbm4b:s6+s12], $0x20, s25, s12, $0xb8;
	[tilespmem:$0x1D000] =	vst v63  }
0x30: {  	_ =	swait.ge [sflag:s17], $0x1000  }
0x31: {  	[sflag:s17] =	ssyncset.done $0x0  }
0x32: {  	[sflag:s17] =	ssyncadd.s32 $0xFFFFF000  }
0x33: {  	[spmem:s3] =	stream.indirect.scatter.add.f32 [tilespmem:s13], [sflag:$0x6], $0x20, s12, s12, $0xb8;
	[tilespmem:$0x1D000] =	vst v63  }
0x34: {  	_ =	swait.ge [sflag:s18], $0x1000  }
0x35: {  	[sflag:s18] =	ssyncset.done $0x0  }
0x36: {  	[sflag:s18] =	ssyncadd.s32 $0xFFFFF000  }
0x37: {  	[tilespmem:s13], [sflag:$0x2] =	stream.indirect.gather [hbm4b:s6+s12], $0x20, s19, s12, $0xb8;
	[tilespmem:$0x1D000] =	vst v63  }
0x38: {  	_ =	swait.ge [sflag:s20], $0x1000  }
0x39: {  	[sflag:s20] =	ssyncset.done $0x0  }
0x3a: {  	[sflag:s20] =	ssyncadd.s32 $0xFFFFF000  }
0x3b: {  	[spmem:s3] =	stream.indirect.scatter.add.f32 [tilespmem:s14], [sflag:$0x7], $0x20, s21, s12, $0xb8;
	[tilespmem:$0x1D000] =	vst v63  }
0x3c: {  	_ =	swait.ge [sflag:s22], $0x1000  }
0x3d: {  	[sflag:s22] =	ssyncset.done $0x0  }
0x3e: {  	[sflag:s22] =	ssyncadd.s32 $0xFFFFF000  }
0x3f: {  	[tilespmem:s14], [sflag:$0x3] =	stream.indirect.gather [hbm4b:s6+s12], $0x20, s26, s12, $0xb8;
	[tilespmem:$0x1D000] =	vst v63  }
0x40: {  	_ =	swait.ge [sflag:s28], $0x1000  }
0x41: {  	[sflag:s28] =	ssyncset.done $0x0  }
0x42: {  	[sflag:s28] =	ssyncadd.s32 $0xFFFFF000  }
0x43: {  	[spmem:s3] =	stream.indirect.scatter.add.f32 [tilespmem:s15], [sflag:$0x8], $0x20, s29, s12, $0xb8;
	[tilespmem:$0x1D000] =	vst v63  }
0x44: {  	_ =	swait.ge [sflag:s30], $0x1000  }
0x45: {  	[sflag:s30] =	ssyncset.done $0x0  }
0x46: {  	[sflag:s30] =	ssyncadd.s32 $0xFFFFF000  }
0x47: {  	[tilespmem:s15], [sflag:$0x4] =	stream.indirect.gather [hbm4b:s6+s12], $0x20, s31, s12, $0xb8;
	[tilespmem:$0x1D000] =	vst v63  }
0x48: {  	_ =	swait.ge [sflag:s0], $0x1000  }
0x49: {  	[sflag:s0] =	ssyncset.done $0x0  }
0x4a: {  	[sflag:s0] =	ssyncadd.s32 $0xFFFFF000  }
0x4b: {  	[spmem:s3] =	stream.indirect.scatter.add.f32 [tilespmem:s16], [sflag:$0x9], $0x20, s1, s12, $0xb8;
	[tilespmem:$0x1D000] =	vst v63  }
0x4c: {  	_ =	swait.ge [sflag:s2], $0x1000  }
0x4d: {  	[sflag:s2] =	ssyncset.done $0x0  }
0x4e: {  	[sflag:s2] =	ssyncadd.s32 $0xFFFFF000  }
0x4f: {  	[tilespmem:s16], [sflag:$0x5] =	stream.indirect.gather [hbm4b:s6+s12], $0x20, s8, s12, $0xb8;
	[tilespmem:$0x1D000] =	vst v63  }
0x50: {  	_ =	swait.ge [sflag:s17], $0x1000  }
0x51: {  	[sflag:s17] =	ssyncset.done $0x0  }
0x52: {  	[sflag:s17] =	ssyncadd.s32 $0xFFFFF000  }
0x53: {  	[spmem:s3] =	stream.indirect.scatter.add.f32 [tilespmem:s13], [sflag:$0x6], $0x20, s9, s12, $0xb8;
	[tilespmem:$0x1D000] =	vst v63  }
0x54: {  	_ =	swait.ge [sflag:s20], $0x1000  }
0x55: {  	[sflag:s20] =	ssyncset.done $0x0  }
0x56: {  	[sflag:s20] =	ssyncadd.s32 $0xFFFFF000  }
0x57: {  	[spmem:s3] =	stream.indirect.scatter.add.f32 [tilespmem:s14], [sflag:$0x7], $0x20, s7, s12, $0xb8;
	[tilespmem:$0x1D000] =	vst v63  }
0x58: {  	_ =	swait.ge [sflag:s28], $0x1000  }
0x59: {  	[sflag:s28] =	ssyncset.done $0x0  }
0x5a: {  	[sflag:s28] =	ssyncadd.s32 $0xFFFFF000  }
0x5b: {  	[spmem:s3] =	stream.indirect.scatter.add.f32 [tilespmem:s15], [sflag:$0x8], $0x20, s23, s12, $0xb8;
	[tilespmem:$0x1D000] =	vst v63  }
0x5c: {  	_ =	swait.ge [sflag:s0], $0x1000  }
0x5d: {  	[sflag:s0] =	ssyncset.done $0x0  }
0x5e: {  	[sflag:s0] =	ssyncadd.s32 $0xFFFFF000  }
0x5f: {  	[spmem:s3] =	stream.indirect.scatter.add.f32 [tilespmem:s16], [sflag:$0x9], $0x20, s24, s12, $0xb8;
	[tilespmem:$0x1D000] =	vst v63  }
0x60: {  	_ =	swait.ge [sflag:s18], $0x1000  }
0x61: {  	[sflag:s18] =	ssyncset.done $0x0  }
0x62: {  	[sflag:s18] =	ssyncadd.s32 $0xFFFFF000  }
0x63: {  	_ =	swait.ge [sflag:s22], $0x1000  }
0x64: {  	[sflag:s22] =	ssyncset.done $0x0  }
0x65: {  	[sflag:s22] =	ssyncadd.s32 $0xFFFFF000  }
0x66: {  	_ =	swait.ge [sflag:s30], $0x1000  }
0x67: {  	[sflag:s30] =	ssyncset.done $0x0  }
0x68: {  	[sflag:s30] =	ssyncadd.s32 $0xFFFFF000  }
0x69: {  	s10 =	simm.s32 $0x100;
	_ =	swait.ge [sflag:s2], $0x1000  }
.LBB2_2:
0x6a: {  	s5 =	rddreg [dreg:$0x4];
	s25 =	smov.u32 s10;
	[sflag:s2] =	ssyncset.done $0x0  }
0x6b: {  	s5 =	sadd.s32 s25, s5;
	[sflag:s2] =	ssyncadd.s32 $0xFFFFF000  }
0x6c: {  	[tilespmem:s4], [sflag:$0xA] =	stream.linear.gather [hbm4b:s5+s4], $0x800, $0x38;
	[tilespmem:$0x1D000] =	vst v63  }
0x6d: {  	_ =	swait.ge [sflag:s11], $0x800  }
0x6e: {  	[sflag:s11] =	ssyncset.done $0x0  }
0x6f: {  	[sflag:s11] =	ssyncadd.s32 $0xFFFFF800  }
0x70: {  	[tilespmem:s13], [sflag:$0x2] =	stream.indirect.gather [hbm4b:s6+s12], $0x20, s4, s12, $0xb8;
	[tilespmem:$0x1D000] =	vst v63  }
0x71: {  	s5 =	rddreg [dreg:$0x5]  }
0x72: {  	[tilespmem:s14], [sflag:$0x3] =	stream.indirect.gather [hbm4b:s6+s12], $0x20, s5, s12, $0xb8;
	[tilespmem:$0x1D000] =	vst v63  }
0x73: {  	s25 =	rddreg [dreg:$0x6]  }
0x74: {  	[tilespmem:s15], [sflag:$0x4] =	stream.indirect.gather [hbm4b:s6+s12], $0x20, s25, s12, $0xb8;
	[tilespmem:$0x1D000] =	vst v63  }
0x75: {  	s5 =	rddreg [dreg:$0x7]  }
0x76: {  	[tilespmem:s16], [sflag:$0x5] =	stream.indirect.gather [hbm4b:s6+s12], $0x20, s5, s12, $0xb8;
	[tilespmem:$0x1D000] =	vst v63  }
0x77: {  	_ =	swait.ge [sflag:s17], $0x1000  }
0x78: {  	[sflag:s17] =	ssyncset.done $0x0  }
0x79: {  	[sflag:s17] =	ssyncadd.s32 $0xFFFFF000  }
0x7a: {  	[spmem:s3] =	stream.indirect.scatter.add.f32 [tilespmem:s13], [sflag:$0x6], $0x20, s12, s12, $0xb8;
	[tilespmem:$0x1D000] =	vst v63  }
0x7b: {  	_ =	swait.ge [sflag:s18], $0x1000  }
0x7c: {  	[sflag:s18] =	ssyncset.done $0x0  }
0x7d: {  	[sflag:s18] =	ssyncadd.s32 $0xFFFFF000  }
0x7e: {  	[tilespmem:s13], [sflag:$0x2] =	stream.indirect.gather [hbm4b:s6+s12], $0x20, s19, s12, $0xb8;
	[tilespmem:$0x1D000] =	vst v63  }
0x7f: {  	_ =	swait.ge [sflag:s20], $0x1000  }
0x80: {  	[sflag:s20] =	ssyncset.done $0x0  }
0x81: {  	[sflag:s20] =	ssyncadd.s32 $0xFFFFF000  }
0x82: {  	[spmem:s3] =	stream.indirect.scatter.add.f32 [tilespmem:s14], [sflag:$0x7], $0x20, s21, s12, $0xb8;
	[tilespmem:$0x1D000] =	vst v63  }
0x83: {  	_ =	swait.ge [sflag:s22], $0x1000  }
0x84: {  	[sflag:s22] =	ssyncset.done $0x0  }
0x85: {  	[sflag:s22] =	ssyncadd.s32 $0xFFFFF000  }
0x86: {  	[tilespmem:s14], [sflag:$0x3] =	stream.indirect.gather [hbm4b:s6+s12], $0x20, s26, s12, $0xb8;
	[tilespmem:$0x1D000] =	vst v63  }
0x87: {  	_ =	swait.ge [sflag:s28], $0x1000  }
0x88: {  	[sflag:s28] =	ssyncset.done $0x0  }
0x89: {  	[sflag:s28] =	ssyncadd.s32 $0xFFFFF000  }
0x8a: {  	[spmem:s3] =	stream.indirect.scatter.add.f32 [tilespmem:s15], [sflag:$0x8], $0x20, s29, s12, $0xb8;
	[tilespmem:$0x1D000] =	vst v63  }
0x8b: {  	_ =	swait.ge [sflag:s30], $0x1000  }
0x8c: {  	[sflag:s30] =	ssyncset.done $0x0  }
0x8d: {  	[sflag:s30] =	ssyncadd.s32 $0xFFFFF000  }
0x8e: {  	[tilespmem:s15], [sflag:$0x4] =	stream.indirect.gather [hbm4b:s6+s12], $0x20, s31, s12, $0xb8;
	[tilespmem:$0x1D000] =	vst v63  }
0x8f: {  	_ =	swait.ge [sflag:s0], $0x1000  }
0x90: {  	[sflag:s0] =	ssyncset.done $0x0  }
0x91: {  	[sflag:s0] =	ssyncadd.s32 $0xFFFFF000  }
0x92: {  	[spmem:s3] =	stream.indirect.scatter.add.f32 [tilespmem:s16], [sflag:$0x9], $0x20, s1, s12, $0xb8;
	[tilespmem:$0x1D000] =	vst v63  }
0x93: {  	_ =	swait.ge [sflag:s2], $0x1000  }
0x94: {  	[sflag:s2] =	ssyncset.done $0x0  }
0x95: {  	[sflag:s2] =	ssyncadd.s32 $0xFFFFF000  }
0x96: {  	[tilespmem:s16], [sflag:$0x5] =	stream.indirect.gather [hbm4b:s6+s12], $0x20, s8, s12, $0xb8;
	[tilespmem:$0x1D000] =	vst v63  }
0x97: {  	_ =	swait.ge [sflag:s17], $0x1000  }
0x98: {  	[sflag:s17] =	ssyncset.done $0x0  }
0x99: {  	[sflag:s17] =	ssyncadd.s32 $0xFFFFF000  }
0x9a: {  	[spmem:s3] =	stream.indirect.scatter.add.f32 [tilespmem:s13], [sflag:$0x6], $0x20, s9, s12, $0xb8;
	[tilespmem:$0x1D000] =	vst v63  }
0x9b: {  	_ =	swait.ge [sflag:s20], $0x1000  }
0x9c: {  	[sflag:s20] =	ssyncset.done $0x0  }
0x9d: {  	[sflag:s20] =	ssyncadd.s32 $0xFFFFF000  }
0x9e: {  	[spmem:s3] =	stream.indirect.scatter.add.f32 [tilespmem:s14], [sflag:$0x7], $0x20, s7, s12, $0xb8;
	[tilespmem:$0x1D000] =	vst v63  }
0x9f: {  	_ =	swait.ge [sflag:s28], $0x1000  }
0xa0: {  	[sflag:s28] =	ssyncset.done $0x0  }
0xa1: {  	[sflag:s28] =	ssyncadd.s32 $0xFFFFF000  }
0xa2: {  	[spmem:s3] =	stream.indirect.scatter.add.f32 [tilespmem:s15], [sflag:$0x8], $0x20, s23, s12, $0xb8;
	[tilespmem:$0x1D000] =	vst v63  }
0xa3: {  	_ =	swait.ge [sflag:s0], $0x1000  }
0xa4: {  	[sflag:s0] =	ssyncset.done $0x0  }
0xa5: {  	[sflag:s0] =	ssyncadd.s32 $0xFFFFF000  }
0xa6: {  	[spmem:s3] =	stream.indirect.scatter.add.f32 [tilespmem:s16], [sflag:$0x9], $0x20, s24, s12, $0xb8;
	[tilespmem:$0x1D000] =	vst v63  }
0xa7: {  	_ =	swait.ge [sflag:s18], $0x1000  }
0xa8: {  	[sflag:s18] =	ssyncset.done $0x0  }
0xa9: {  	[sflag:s18] =	ssyncadd.s32 $0xFFFFF000  }
0xaa: {  	_ =	swait.ge [sflag:s22], $0x1000  }
0xab: {  	p1 =	sne.s32 s10, $0x3000;
	[sflag:s22] =	ssyncset.done $0x0  }
.Ltmp0:
0xac: {  	[sflag:s22] =	ssyncadd.s32 $0xFFFFF000;
	(pc) =	sbr.rel @p1 .LBB2_2-.Ltmp0, $4  }
0xad: {  	_ =	swait.ge [sflag:s30], $0x1000  }
0xae: {  	[sflag:s30] =	ssyncset.done $0x0  }
0xaf: {  	[sflag:s30] =	ssyncadd.s32 $0xFFFFF000  }
0xb0: {  	s10 =	sadd.s32 $0x100, s10;
	_ =	swait.ge [sflag:s2], $0x1000  }
0xb1: {  	[sflag:s2] =	ssyncset.done $0x0  }
0xb2: {  	[sflag:s2] =	ssyncadd.s32 $0xFFFFF000  }
0xb3: {  	[bflag:$0x0] =	sbarrier.arrive $0xFFFF  }
0xb4: {  	s5 =	rddreg [dreg:$0x9]  }
0xb5: {  	s25 =	rddreg [dreg:$0x8]  }
0xb6: {  	s10 =	rddreg [dreg:$0xc];
	s5 =	sadd.s32 @p0 $0x2DD20, s5  }
0xb7: {  	[hbm:s5], [sflag:s25] =	dma.local @p0 [spmem:s10], $0x3020  }
0xb8: {  	s5 =	simm.s32 @p0 $0x1  }
0xb9: {  	_ =	swait.ge @p0 [sflag:s5], $0x3020  }
0xba: {  	[sflag:s5] =	ssyncset.done @p0 $0x0;
	s10 =	rddreg [dreg:$0xe]  }
0xbb: {  	[sflag:s5] =	ssyncadd.s32 @p0 $0xFFFFCFE0;
	s5 =	rddreg [dreg:$0xd]  }
0xbc: {  	[hbm:s5], [sflag:s25] =	dma.local @!p0 [spmem:s10], $0x30E0  }
0xbd: {  	s10 =	simm.s32 @!p0 $0x1  }
0xbe: {  	_ =	swait.ge @!p0 [sflag:s10], $0x30E0  }
0xbf: {  	s5 =	rddreg [dreg:$0xf]  }
0xc0: {  	[sflag:s10] =	ssyncset.done @!p0 $0x0;
	s10 =	rddreg [dreg:$0xa];
	s5 =	sadd.s32 $0x1, s5  }
0xc1: {  	p1 =	sne.s32 s5, s10  }
.Ltmp1:
0xc2: {  	_ = 	snop;
	(pc) =	sbr.rel @p1 .LBB2_1-.Ltmp1, $3  }
0xc3: {  	_ =	sdelay $0x1  }
0xc4: {  	[dreg:$0xf] =	wrdreg s5;
	s5 =	simm.s32 @!p0 $0x1  }
0xc5: {  	[sflag:s5] =	ssyncadd.s32 @!p0 $0xFFFFCF20  }
0xc6: {  	_ =	sfence.sel $0x180000  }
0xc7: {  	[bflag:$0x0] =	sbarrier.arrive $0xFFFF  }
0xc8: {  	_ =	strace $0x9000004D  }
0xc9: {  	s0 =	stileid.u32;
	[bflag:$0x2] =	sbarrier.arrive $0xFFFF  }
0xca: {  	p0 =	sne.s32 s0, $0x0;
	s0 =	rddreg [dreg:$0x3]  }
0xcb: {  	s0 =	sadd.s32 @!p0 $0x100000, s0  }
0xcc: {  	[sflag:s0] =	ssyncadd.tile.s32 @!p0 $0x1;
	_ =	shalt  }
.Lfunc_end2:
_tile_overlayer_lowered:
.L_overlay_start_2:
0xcd: {  	(tag) =	ssettag $0x2  }
0xce: {  	s0 =	rddreg [dreg:$0x0];
	s2 =	stileid.u32  }
0xcf: {  	s1 =	rddreg [dreg:$0x1];
	p0 =	sne.s32 s2, $0x0  }
0xd0: {  	s3 =	rddreg [dreg:$0x2];
	[bflag:$0x3] =	sbarrier.arrive $0xFFFF;
	s2 =	simm.s32 @!p0 $0x1C0A  }
0xd1: {  	[timem:s3], [sflag:s2] =	dma.local @!p0 [hbm:s0], s1  }
0xd2: {  	s0 =	simm.s32 @!p0 $0xA  }
0xd3: {  	_ =	swait.ge @!p0 [sflag:s0], s1  }
0xd4: {  	s1 =	ssub.s32 @!p0 $0x0, s1;
	[sflag:s0] =	ssyncset.done @!p0 $0x0  }
0xd5: {  	[sflag:s0] =	ssyncadd.s32 @!p0 s1  }
0xd6: {  	[bflag:$0x3] =	sbarrier.arrive $0xFFFF  }
0xd7: {  	_ =	shalt  }

// kernel: kernel.22.cloned.1.call-start
scs
__scs_entry_jumppad:
0x0: {  	(pc) =	sbr.rel $0x88, $3  }
0x1: {  	(tag) =	ssettag $0x0;
	lr =	simm.s32 $0x1  }
0x2: {  	[smem:$0x3F7F] =	sst lr;
	_ =	strace $0xD0000000  }
0x3: {  	_ = 	snop  }
0x4: {  	_ = 	snop  }
0x5: {  	_ = 	snop  }
0x6: {  	_ = 	snop  }
0x7: {  	_ = 	snop  }
__scs_overlays_trampoline_lowered:
0x8: {  	[smem:$0x3F8E] =	sst s0  }
0x9: {  	[smem:$0x3F8F] =	sst s1  }
0xa: {  	[smem:$0x3F90] =	sst s2  }
0xb: {  	[smem:$0x3F91] =	sst s3  }
0xc: {  	[smem:$0x3F92] =	sst s4  }
0xd: {  	[smem:$0x3F93] =	sst s5  }
0xe: {  	[smem:$0x3F94] =	sst s6  }
0xf: {  	[smem:$0x3F95] =	sst s7  }
0x10: {  	[smem:$0x3F96] =	sst s8  }
0x11: {  	[smem:$0x3F97] =	sst s9;
	s0 =	simm.s32 @!p0 $0x0  }
0x12: {  	s1 =	sld [smem:$0x3F7D];
	s0 =	simm.s32 @p0 $0x1  }
0x13: {  	[smem:$0x3F98] =	sst s0;
	s0 =	simm.s32 @!p1 $0x0  }
0x14: {  	s2 =	sld [smem:$0x3F7C];
	s0 =	simm.s32 @p1 $0x1  }
0x15: {  	[smem:$0x3F99] =	sst s0;
	s0 =	simm.s32 @!p2 $0x0  }
0x16: {  	s3 =	sld [smem:$0x3FDB];
	s0 =	simm.s32 @p2 $0x1  }
0x17: {  	s4 =	simm.s32 $0x1BF5;
	[smem:$0x3F9B] =	sst s0  }
0x18: {  	s0 =	sld [smem:$0x3F7E];
	_ =	swait.ge [sflag:s4], $0x0  }
0x19: {  	s7 =	sld [smem:$0x3F7F]  }
0x1a: {  	s8 =	sadd.s32 $0xFFFFE003, lr  }
0x1b: {  	s9 =	sadd.s32 $0xFFFFFEF7, lr;
	s5 =	simm.s32 $0xFFFFFFFF;
	p2 =	slt.u32 s8, $0xFFFFF086  }
0x1c: {  	p1 =	slt.u32 s9, $0xF7A;
	s5 =	simm.s32 @!p2 $0x0  }
0x1d: {  	s5 =	simm.s32 @p1 $0x1;
	p0 =	seq.s32 s7, s2  }
0x1e: {  	s7 =	smul.u32 @!p0 $0xF7A, s2;
	p2 =	seq.s32 @!p0 s5, $0x0  }
0x1f: {  	s9 =	smul.u32 $0xF7A, s1;
	s8 =	simm.s32 @!p0 $0x1BF5;
	p2 =	por !p2, p0  }
0x20: {  	[sflag:s8] =	ssyncset.s32 @!p0 $0xFFFFF086;
	s6 =	sadd.s32 @!p0 s3, s7;
	s7 =	simm.s32 @!p0 $0x108  }
0x21: {  	s3 =	sadd.s32 s3, s9;
	s6 =	sadd.s32 @!p0 $0x88, s6;
	s7 =	simm.s32 @p2 $0x1082  }
0x22: {  	[simem:s7], [sflag:s8] =	dma.local @!p0 [hbm:s6], $0xF7A  }
0x23: {  	s9 =	sor.u32 $0xD0000000, s2;
	s6 =	simm.s32 $0x108;
	_ =	swait.ge @!p0 [sflag:s8], $0x0  }
0x24: {  	s3 =	sadd.s32 $0x88, s3;
	s6 =	simm.s32 @!p1 $0x1082;
	[sflag:s4] =	ssyncset.s32 $0xFFFFF086  }
0x25: {  	[simem:s6], [sflag:s4] =	dma.local [hbm:s3], $0xF7A  }
0x26: {  	[smem:$0x3F7F] =	sst s1;
	(tag) =	ssettag s2;
	_ =	strace s9  }
0x27: {  	s1 =	sld [smem:$0x3F8F]  }
0x28: {  	s2 =	sld [smem:$0x3F90]  }
0x29: {  	s4 =	sld [smem:$0x3F92]  }
0x2a: {  	p0 =	seq.s32 s5, $0x0;
	s5 =	sld [smem:$0x3F93]  }
0x2b: {  	s6 =	sld [smem:$0x3F94]  }
0x2c: {  	s7 =	sld [smem:$0x3F95]  }
0x2d: {  	s3 =	simm.s32 $0x108;
	s8 =	sld [smem:$0x3F96]  }
0x2e: {  	s3 =	simm.s32 @!p0 $0x1082;
	s9 =	sld [smem:$0x3F97]  }
0x2f: {  	lr =	sadd.s32 s0, s3;
	s0 =	sld [smem:$0x3F8E]  }
0x30: {  	s3 =	sld [smem:$0x3F91]  }
0x31: {  	[smem:$0x3F9A] =	sst s10  }
0x32: {  	s10 =	sld [smem:$0x3F98];
	_ =	sdelay $0x3  }
0x33: {  	p0 =	seq.s32 s10, $0x1;
	s10 =	sld [smem:$0x3F9A];
	_ =	sdelay $0x3  }
0x34: {  	[smem:$0x3F9A] =	sst s10  }
0x35: {  	s10 =	sld [smem:$0x3F99];
	_ =	sdelay $0x3  }
0x36: {  	p1 =	seq.s32 s10, $0x1;
	s10 =	sld [smem:$0x3F9A];
	_ =	sdelay $0x3  }
0x37: {  	[smem:$0x3F9A] =	sst s10  }
0x38: {  	s10 =	sld [smem:$0x3F9B]  }
0x39: {  	_ = 	snop;
	(pc) =	sbr.ind lr, $3  }
0x3a: {  	_ = 	snop  }
0x3b: {  	_ = 	snop  }
0x3c: {  	p2 =	seq.s32 s10, $0x1;
	s10 =	sld [smem:$0x3F9A]  }
0x3d: {  	_ =	shalt  }
0x3e: {  	_ =	shalt  }
0x3f: {  	_ =	shalt  }
0x40: {  	_ =	shalt  }
0x41: {  	_ =	shalt  }
0x42: {  	_ =	shalt  }
0x43: {  	_ =	shalt  }
0x44: {  	_ =	shalt  }
0x45: {  	_ =	shalt  }
0x46: {  	_ =	shalt  }
0x47: {  	_ =	shalt  }
0x48: {  	_ =	shalt  }
0x49: {  	_ =	shalt  }
0x4a: {  	_ =	shalt  }
0x4b: {  	_ =	shalt  }
0x4c: {  	_ =	shalt  }
0x4d: {  	_ =	shalt  }
0x4e: {  	_ =	shalt  }
0x4f: {  	_ =	shalt  }
0x50: {  	_ =	shalt  }
0x51: {  	_ =	shalt  }
0x52: {  	_ =	shalt  }
0x53: {  	_ =	shalt  }
0x54: {  	_ =	shalt  }
0x55: {  	_ =	shalt  }
0x56: {  	_ =	shalt  }
0x57: {  	_ =	shalt  }
0x58: {  	_ =	shalt  }
0x59: {  	_ =	shalt  }
0x5a: {  	_ =	shalt  }
0x5b: {  	_ =	shalt  }
0x5c: {  	_ =	shalt  }
0x5d: {  	_ =	shalt  }
0x5e: {  	_ =	shalt  }
0x5f: {  	_ =	shalt  }
0x60: {  	_ =	shalt  }
0x61: {  	_ =	shalt  }
0x62: {  	_ =	shalt  }
0x63: {  	_ =	shalt  }
0x64: {  	_ =	shalt  }
0x65: {  	_ =	shalt  }
0x66: {  	_ =	shalt  }
0x67: {  	_ =	shalt  }
0x68: {  	_ =	shalt  }
0x69: {  	_ =	shalt  }
0x6a: {  	_ =	shalt  }
0x6b: {  	_ =	shalt  }
0x6c: {  	_ =	shalt  }
0x6d: {  	_ =	shalt  }
0x6e: {  	_ =	shalt  }
0x6f: {  	_ =	shalt  }
0x70: {  	_ =	shalt  }
0x71: {  	_ =	shalt  }
0x72: {  	_ =	shalt  }
0x73: {  	_ =	shalt  }
0x74: {  	_ =	shalt  }
0x75: {  	_ =	shalt  }
0x76: {  	_ =	shalt  }
0x77: {  	_ =	shalt  }
0x78: {  	_ =	shalt  }
0x79: {  	_ =	shalt  }
0x7a: {  	_ =	shalt  }
0x7b: {  	_ =	shalt  }
0x7c: {  	_ =	shalt  }
0x7d: {  	_ =	shalt  }
0x7e: {  	_ =	shalt  }
0x7f: {  	_ =	shalt  }
0x80: {  	_ =	shalt  }
0x81: {  	_ =	shalt  }
0x82: {  	_ =	shalt  }
0x83: {  	_ =	shalt  }
0x84: {  	_ =	shalt  }
0x85: {  	_ =	shalt  }
0x86: {  	_ =	shalt  }
0x87: {  	_ =	shalt  }
.Lfunc_end0:
.L_simem_size_0:
called_computation.3_lowered:
.L_overlay_start_0:
0x88: {  	s2 =	sld [smem:$0x3FD9]  }
0x89: {  	s3 =	sld [smem:$0x3FFE];
	_ =	sdelay $0x1  }
0x8a: {  	s1 =	srdreg.scid  }
0x8b: {  	s0 =	sand.u32 $0x1, s1  }
0x8c: {  	s17 =	sshll.u32 s0, $0xA;
	s2 =	sadd.s32 s3, s2  }
0x8d: {  	s2 =	sadd.s32 s2, s17  }
0x8e: {  	[smem:$0x3FA6] =	sst s2  }
0x8f: {  	_ = 	snop  }
0x90: {  	s2 =	sld [smem:$0x3FD0];
	(tm) =	ssettm $0x1  }
0x91: {  	s18 =	sld [smem:$0x3FFB];
	_ =	sdelay $0x3  }
0x92: {  	_ =	strace s18  }
0x93: {  	s3 =	sld [smem:$0x3FFC];
	_ =	sdelay $0x3  }
0x94: {  	_ =	strace s3  }
0x95: {  	s3 =	sld [smem:$0x3FFD];
	_ =	sdelay $0x3  }
0x96: {  	_ =	strace s3  }
0x97: {  	_ =	strace $0x8FFFFFFF  }
0x98: {  	s19 =	sld [smem:$0x3FDB];
	_ =	sdelay $0x1  }
0x99: {  	s4 =	simm.s32 $_scs_section_size  }
0x9a: {  	s5 =	simm.s32 $_size__tile_overlayer_lowered;
	s6 =	simm.s32 $_tile_overlayer_lowered  }
0x9b: {  	s22 =	simm.s32 $0x1BFF;
	s21 =	sshll.u32 s6, $0x1;
	s3 =	sadd.s32 s4, s19  }
0x9c: {  	s7 =	simm.s32 $0x0;
	s20 =	sshll.u32 s5, $0x1;
	s5 =	sadd.s32 s21, s3  }
0x9d: {  	[timem:s7], [sflag:s22] =	dma.local [hbm:s5], s20  }
0x9e: {  	_ =	swait.ge [sflag:s22], s20  }
0x9f: {  	s4 =	ssub.s32 $0x0, s20;
	[sflag:s22] =	ssyncset.done $0x0  }
0xa0: {  	[sflag:s22] =	ssyncadd.s32 s4;
	_ =	sdelay $0x1  }
0xa1: {  	s23 =	simm.s32 $0x1B8B  }
0xa2: {  	_ =	swait.ge [sflag:s23], $0x1  }
0xa3: {  	[sflag:s23] =	ssyncset.done $0x0  }
0xa4: {  	s25 =	simm.s32 $0x1B8E;
	s24 =	sld [smem:$0x3FFE];
	[sflag:s23] =	ssyncadd.s32 $0xFFFFFFFF  }
0xa5: {  	s26 =	simm.s32 $execute0_lowered;
	[smem:$0x3FD2] =	sst s25  }
0xa6: {  	s5 =	sshll.u32 s26, $0x1;
	_ =	strace $0x8000004F;
	[dreg:$0x1] =	wrdreg $0xFFFFFFFF  }
0xa7: {  	s28 =	simm.s32 $_size_execute0_lowered;
	s3 =	sadd.s32 s3, s5;
	[dreg:$0x0] =	wrdreg $0x0  }
0xa8: {  	s5 =	sshll.u32 s28, $0x1;
	[dreg:$0x2] =	wrdreg s3  }
0xa9: {  	[dreg:$0x3] =	wrdreg s5  }
0xaa: {  	[dreg:$0x4] =	wrdreg $0xC0  }
0xab: {  	_ =	task [dreg:s7], $0x5FFFF  }
0xac: {  	[dreg:$0x1] =	wrdreg $0xFFFFFFFF  }
0xad: {  	[dreg:$0x0] =	wrdreg $0x60  }
0xae: {  	[dreg:$0x2] =	wrdreg s24  }
0xaf: {  	[dreg:$0x3] =	wrdreg s2  }
0xb0: {  	[dreg:$0x4] =	wrdreg $0x48000  }
0xb1: {  	[dreg:$0x5] =	wrdreg $0x9  }
0xb2: {  	_ =	task.clear_ibuf [dreg:s7], $0x6FFFF;
	_ =	strace $0x9000004F  }
0xb3: {  	s29 =	simm.s32 $0x9;
	_ =	strace $0x80000051  }
0xb4: {  	_ =	swait.ge [sflag:s29], $0x1  }
0xb5: {  	[sflag:s29] =	ssyncadd.s32 $0xFFFFFFFF  }
0xb6: {  	_ =	strace $0x90000051  }
0xb7: {  	_ =	sfence  }
0xb8: {  	s30 =	sld [smem:$0x0];
	_ =	sdelay $0x2  }
0xb9: {  	s31 =	sshll.u32 s1, $0xD;
	s1 =	sshrl.u32 s1, $0x2  }
0xba: {  	s3 =	sand.u32 $0x4000, s31;
	s1 =	sadd.s32 s1, s30  }
0xbb: {  	s0 =	sor.u32 s3, s0;
	s1 =	sshll.u32 s1, $0x11  }
0xbc: {  	s0 =	sor.u32 s1, s0  }
0xbd: {  	s0 =	sadd.s32 $0x8F2B, s0  }
0xbe: {  	[sflag:s0] =	ssyncadd.remote.s32 $0x1  }
0xbf: {  	_ =	sfence.sel $0xFFFF  }
0xc0: {  	[dreg:$0x0] =	wrdreg $0xFFFFFFFF;
	(pc) =	sbr.abs _section_cstart, $3  }
0xc1: {  	[dreg:$0x1] =	wrdreg $0xFFFFFFFF  }
0xc2: {  	_ =	task.clear_ibuf [dreg:s7], $0x2FFFF;
	_ =	strace $0x9FFFFFFF  }
0xc3: {  	(tm) =	ssettm $0x7FFFFFFF  }
tec
execute0_lowered:
.L_overlay_start_1:
0x0: {  	(tag) =	ssettag $0x1  }
0x1: {  	s0 =	rddreg [dreg:$0x0]  }
0x2: {  	s3 =	rddreg [dreg:$0x2]  }
0x3: {  	s10 =	stileid.u32;
	s1 =	srdreg.scid;
	s4 =	simm.s32 $0x0  }
0x4: {  	s11 =	simm.s32 $0xA;
	s12 =	simm.s32 $0x80;
	s26 =	simm.s32 $0x100  }
0x5: {  	s13 =	simm.s32 $0x800;
	s14 =	simm.s32 $0x1800;
	s15 =	simm.s32 $0x2800  }
0x6: {  	s16 =	simm.s32 $0x3800;
	s17 =	simm.s32 $0x2;
	s18 =	simm.s32 $0x6  }
0x7: {  	s19 =	simm.s32 $0x400;
	s28 =	simm.s32 $0x4;
	s29 =	simm.s32 $0x280  }
0x8: {  	s30 =	simm.s32 $0x8;
	s31 =	simm.s32 $0x600;
	s2 =	smul.u32 $0x3100, s10  }
0x9: {  	s1 =	sand.u32 $0x1, s1;
	[smem:$0x7FF] =	sst s4;
	s7 =	smul.u32 $0x62000, s10  }
0xa: {  	s21 =	sshll.u32 s10, $0x6;
	s22 =	smul.u32 $0x18700, s10;
	s9 =	sadd.s32 $0x16E900, s3  }
0xb: {  	p0 =	seq.s32 s10, $0xF;
	s10 =	simm.s32 $0x0;
	s5 =	smul.u32 $0x30D40, s1  }
0xc: {  	s1 =	ssub.s32 $0x2, s1;
	_ =	strace $0x80000050;
	s25 =	sor.u32 $0x1C01, s21  }
0xd: {  	[dreg:$0x5] =	wrdreg s26;
	s21 =	simm.s32 $0x180;
	s26 =	simm.s32 $0x500  }
0xe: {  	[dreg:$0xf] =	wrdreg s10;
	s6 =	sshrl.u32 s1, $0x1;
	s2 =	sadd.s32 s2, s0  }
0xf: {  	s20 =	sshrl.u32 s7, $0x2;
	s7 =	sadd.s32 s22, s3;
	[dreg:$0x8] =	wrdreg s25  }
0x10: {  	s0 =	sadd.s32 s5, s0;
	s1 =	ssub.s32 s1, s6;
	s8 =	sadd.s32 s20, s3  }
0x11: {  	s23 =	sadd.s32 $0x7F200, s2;
	s2 =	simm.s32 $0x200;
	s20 =	simm.s32 $0x3  }
0x12: {  	s6 =	sadd.s32 $0x4E00, s0;
	s5 =	sadd.s32 $0xB0200, s0;
	[dreg:$0x4] =	wrdreg s23  }
0x13: {  	s0 =	sshrl.u32 s22, $0x3;
	s1 =	smax.u32 s1, $0x1;
	[dreg:$0x6] =	wrdreg s2  }
0x14: {  	s24 =	sshrl.u32 s8, $0x3;
	s8 =	simm.s32 $0x300;
	[dreg:$0xa] =	wrdreg s1  }
0x15: {  	s22 =	simm.s32 $0x7;
	s2 =	simm.s32 $0x9;
	[dreg:$0xb] =	wrdreg s24  }
0x16: {  	s23 =	simm.s32 $0x680;
	[dreg:$0x7] =	wrdreg s8;
	s1 =	sshrl.u32 @p0 s9, $0x3  }
0x17: {  	[dreg:$0x9] =	wrdreg s5;
	s0 =	sadd.s32 @!p0 s0, s5;
	s8 =	simm.s32 $0x700  }
0x18: {  	s9 =	simm.s32 $0x480;
	s24 =	simm.s32 $0x780;
	[dreg:$0xc] =	wrdreg s1  }
0x19: {  	[dreg:$0xd] =	wrdreg s0;
	s0 =	sshrl.u32 @!p0 s7, $0x3;
	s1 =	simm.s32 $0x380  }
0x1a: {  	s7 =	simm.s32 $0x580;
	[dreg:$0xe] =	wrdreg s0;
	s0 =	simm.s32 $0x5  }
.LBB2_1:
0x1b: {  	s5 =	rddreg [dreg:$0x1]  }
0x1c: {  	s10 =	rddreg [dreg:$0xb]  }
0x1d: {  	[spmem:s10], [sflag:s25] =	dma.local [hbm:s5], $0x3100  }
0x1e: {  	s25 =	simm.s32 $0x1  }
0x1f: {  	_ =	swait.ge [sflag:s25], $0x3100  }
0x20: {  	[sflag:s25] =	ssyncset.done $0x0  }
0x21: {  	[sflag:s25] =	ssyncadd.s32 $0xFFFFCF00  }
0x22: {  	[bflag:$0x0] =	sbarrier.arrive $0xFFFF  }
0x23: {  	s5 =	rddreg [dreg:$0x4]  }
0x24: {  	s10 =	sadd.s32 $0x0, s5  }
0x25: {  	[tilespmem:s4], [sflag:$0xA] =	stream.linear.gather [hbm4b:s10+s4], $0x800, $0x38;
	[tilespmem:$0x1D000] =	vst v63  }
0x26: {  	_ =	swait.ge [sflag:s11], $0x800  }
0x27: {  	[sflag:s11] =	ssyncset.done $0x0  }
0x28: {  	[sflag:s11] =	ssyncadd.s32 $0xFFFFF800  }
0x29: {  	[tilespmem:s13], [sflag:$0x2] =	stream.indirect.gather [hbm4b:s6+s12], $0x20, s4, s12, $0xb8;
	[tilespmem:$0x1D000] =	vst v63  }
0x2a: {  	s25 =	rddreg [dreg:$0x5]  }
0x2b: {  	[tilespmem:s14], [sflag:$0x3] =	stream.indirect.gather [hbm4b:s6+s12], $0x20, s25, s12, $0xb8;
	[tilespmem:$0x1D000] =	vst v63  }
0x2c: {  	s5 =	rddreg [dreg:$0x6]  }
0x2d: {  	[tilespmem:s15], [sflag:$0x4] =	stream.indirect.gather [hbm4b:s6+s12], $0x20, s5, s12, $0xb8;
	[tilespmem:$0x1D000] =	vst v63  }
0x2e: {  	s25 =	rddreg [dreg:$0x7]  }
0x2f: {  	[tilespmem:s16], [sflag:$0x5] =	stream.indirect.gather [hbm4b:s6+s12], $0x20, s25, s12, $0xb8;
	[tilespmem:$0x1D000] =	vst v63  }
0x30: {  	_ =	swait.ge [sflag:s17], $0x1000  }
0x31: {  	[sflag:s17] =	ssyncset.done $0x0  }
0x32: {  	[sflag:s17] =	ssyncadd.s32 $0xFFFFF000  }
0x33: {  	[spmem:s3] =	stream.indirect.scatter.add.f32 [tilespmem:s13], [sflag:$0x6], $0x20, s12, s12, $0xb8;
	[tilespmem:$0x1D000] =	vst v63  }
0x34: {  	_ =	swait.ge [sflag:s18], $0x1000  }
0x35: {  	[sflag:s18] =	ssyncset.done $0x0  }
0x36: {  	[sflag:s18] =	ssyncadd.s32 $0xFFFFF000  }
0x37: {  	[tilespmem:s13], [sflag:$0x2] =	stream.indirect.gather [hbm4b:s6+s12], $0x20, s19, s12, $0xb8;
	[tilespmem:$0x1D000] =	vst v63  }
0x38: {  	_ =	swait.ge [sflag:s20], $0x1000  }
0x39: {  	[sflag:s20] =	ssyncset.done $0x0  }
0x3a: {  	[sflag:s20] =	ssyncadd.s32 $0xFFFFF000  }
0x3b: {  	[spmem:s3] =	stream.indirect.scatter.add.f32 [tilespmem:s14], [sflag:$0x7], $0x20, s21, s12, $0xb8;
	[tilespmem:$0x1D000] =	vst v63  }
0x3c: {  	_ =	swait.ge [sflag:s22], $0x1000  }
0x3d: {  	[sflag:s22] =	ssyncset.done $0x0  }
0x3e: {  	[sflag:s22] =	ssyncadd.s32 $0xFFFFF000  }
0x3f: {  	[tilespmem:s14], [sflag:$0x3] =	stream.indirect.gather [hbm4b:s6+s12], $0x20, s26, s12, $0xb8;
	[tilespmem:$0x1D000] =	vst v63  }
0x40: {  	_ =	swait.ge [sflag:s28], $0x1000  }
0x41: {  	[sflag:s28] =	ssyncset.done $0x0  }
0x42: {  	[sflag:s28] =	ssyncadd.s32 $0xFFFFF000  }
0x43: {  	[spmem:s3] =	stream.indirect.scatter.add.f32 [tilespmem:s15], [sflag:$0x8], $0x20, s29, s12, $0xb8;
	[tilespmem:$0x1D000] =	vst v63  }
0x44: {  	_ =	swait.ge [sflag:s30], $0x1000  }
0x45: {  	[sflag:s30] =	ssyncset.done $0x0  }
0x46: {  	[sflag:s30] =	ssyncadd.s32 $0xFFFFF000  }
0x47: {  	[tilespmem:s15], [sflag:$0x4] =	stream.indirect.gather [hbm4b:s6+s12], $0x20, s31, s12, $0xb8;
	[tilespmem:$0x1D000] =	vst v63  }
0x48: {  	_ =	swait.ge [sflag:s0], $0x1000  }
0x49: {  	[sflag:s0] =	ssyncset.done $0x0  }
0x4a: {  	[sflag:s0] =	ssyncadd.s32 $0xFFFFF000  }
0x4b: {  	[spmem:s3] =	stream.indirect.scatter.add.f32 [tilespmem:s16], [sflag:$0x9], $0x20, s1, s12, $0xb8;
	[tilespmem:$0x1D000] =	vst v63  }
0x4c: {  	_ =	swait.ge [sflag:s2], $0x1000  }
0x4d: {  	[sflag:s2] =	ssyncset.done $0x0  }
0x4e: {  	[sflag:s2] =	ssyncadd.s32 $0xFFFFF000  }
0x4f: {  	[tilespmem:s16], [sflag:$0x5] =	stream.indirect.gather [hbm4b:s6+s12], $0x20, s8, s12, $0xb8;
	[tilespmem:$0x1D000] =	vst v63  }
0x50: {  	_ =	swait.ge [sflag:s17], $0x1000  }
0x51: {  	[sflag:s17] =	ssyncset.done $0x0  }
0x52: {  	[sflag:s17] =	ssyncadd.s32 $0xFFFFF000  }
0x53: {  	[spmem:s3] =	stream.indirect.scatter.add.f32 [tilespmem:s13], [sflag:$0x6], $0x20, s9, s12, $0xb8;
	[tilespmem:$0x1D000] =	vst v63  }
0x54: {  	_ =	swait.ge [sflag:s20], $0x1000  }
0x55: {  	[sflag:s20] =	ssyncset.done $0x0  }
0x56: {  	[sflag:s20] =	ssyncadd.s32 $0xFFFFF000  }
0x57: {  	[spmem:s3] =	stream.indirect.scatter.add.f32 [tilespmem:s14], [sflag:$0x7], $0x20, s7, s12, $0xb8;
	[tilespmem:$0x1D000] =	vst v63  }
0x58: {  	_ =	swait.ge [sflag:s28], $0x1000  }
0x59: {  	[sflag:s28] =	ssyncset.done $0x0  }
0x5a: {  	[sflag:s28] =	ssyncadd.s32 $0xFFFFF000  }
0x5b: {  	[spmem:s3] =	stream.indirect.scatter.add.f32 [tilespmem:s15], [sflag:$0x8], $0x20, s23, s12, $0xb8;
	[tilespmem:$0x1D000] =	vst v63  }
0x5c: {  	_ =	swait.ge [sflag:s0], $0x1000  }
0x5d: {  	[sflag:s0] =	ssyncset.done $0x0  }
0x5e: {  	[sflag:s0] =	ssyncadd.s32 $0xFFFFF000  }
0x5f: {  	[spmem:s3] =	stream.indirect.scatter.add.f32 [tilespmem:s16], [sflag:$0x9], $0x20, s24, s12, $0xb8;
	[tilespmem:$0x1D000] =	vst v63  }
0x60: {  	_ =	swait.ge [sflag:s18], $0x1000  }
0x61: {  	[sflag:s18] =	ssyncset.done $0x0  }
0x62: {  	[sflag:s18] =	ssyncadd.s32 $0xFFFFF000  }
0x63: {  	_ =	swait.ge [sflag:s22], $0x1000  }
0x64: {  	[sflag:s22] =	ssyncset.done $0x0  }
0x65: {  	[sflag:s22] =	ssyncadd.s32 $0xFFFFF000  }
0x66: {  	_ =	swait.ge [sflag:s30], $0x1000  }
0x67: {  	[sflag:s30] =	ssyncset.done $0x0  }
0x68: {  	[sflag:s30] =	ssyncadd.s32 $0xFFFFF000  }
0x69: {  	s10 =	simm.s32 $0x100;
	_ =	swait.ge [sflag:s2], $0x1000  }
.LBB2_2:
0x6a: {  	s5 =	rddreg [dreg:$0x4];
	s25 =	smov.u32 s10;
	[sflag:s2] =	ssyncset.done $0x0  }
0x6b: {  	s5 =	sadd.s32 s25, s5;
	[sflag:s2] =	ssyncadd.s32 $0xFFFFF000  }
0x6c: {  	[tilespmem:s4], [sflag:$0xA] =	stream.linear.gather [hbm4b:s5+s4], $0x800, $0x38;
	[tilespmem:$0x1D000] =	vst v63  }
0x6d: {  	_ =	swait.ge [sflag:s11], $0x800  }
0x6e: {  	[sflag:s11] =	ssyncset.done $0x0  }
0x6f: {  	[sflag:s11] =	ssyncadd.s32 $0xFFFFF800  }
0x70: {  	[tilespmem:s13], [sflag:$0x2] =	stream.indirect.gather [hbm4b:s6+s12], $0x20, s4, s12, $0xb8;
	[tilespmem:$0x1D000] =	vst v63  }
0x71: {  	s5 =	rddreg [dreg:$0x5]  }
0x72: {  	[tilespmem:s14], [sflag:$0x3] =	stream.indirect.gather [hbm4b:s6+s12], $0x20, s5, s12, $0xb8;
	[tilespmem:$0x1D000] =	vst v63  }
0x73: {  	s25 =	rddreg [dreg:$0x6]  }
0x74: {  	[tilespmem:s15], [sflag:$0x4] =	stream.indirect.gather [hbm4b:s6+s12], $0x20, s25, s12, $0xb8;
	[tilespmem:$0x1D000] =	vst v63  }
0x75: {  	s5 =	rddreg [dreg:$0x7]  }
0x76: {  	[tilespmem:s16], [sflag:$0x5] =	stream.indirect.gather [hbm4b:s6+s12], $0x20, s5, s12, $0xb8;
	[tilespmem:$0x1D000] =	vst v63  }
0x77: {  	_ =	swait.ge [sflag:s17], $0x1000  }
0x78: {  	[sflag:s17] =	ssyncset.done $0x0  }
0x79: {  	[sflag:s17] =	ssyncadd.s32 $0xFFFFF000  }
0x7a: {  	[spmem:s3] =	stream.indirect.scatter.add.f32 [tilespmem:s13], [sflag:$0x6], $0x20, s12, s12, $0xb8;
	[tilespmem:$0x1D000] =	vst v63  }
0x7b: {  	_ =	swait.ge [sflag:s18], $0x1000  }
0x7c: {  	[sflag:s18] =	ssyncset.done $0x0  }
0x7d: {  	[sflag:s18] =	ssyncadd.s32 $0xFFFFF000  }
0x7e: {  	[tilespmem:s13], [sflag:$0x2] =	stream.indirect.gather [hbm4b:s6+s12], $0x20, s19, s12, $0xb8;
	[tilespmem:$0x1D000] =	vst v63  }
0x7f: {  	_ =	swait.ge [sflag:s20], $0x1000  }
0x80: {  	[sflag:s20] =	ssyncset.done $0x0  }
0x81: {  	[sflag:s20] =	ssyncadd.s32 $0xFFFFF000  }
0x82: {  	[spmem:s3] =	stream.indirect.scatter.add.f32 [tilespmem:s14], [sflag:$0x7], $0x20, s21, s12, $0xb8;
	[tilespmem:$0x1D000] =	vst v63  }
0x83: {  	_ =	swait.ge [sflag:s22], $0x1000  }
0x84: {  	[sflag:s22] =	ssyncset.done $0x0  }
0x85: {  	[sflag:s22] =	ssyncadd.s32 $0xFFFFF000  }
0x86: {  	[tilespmem:s14], [sflag:$0x3] =	stream.indirect.gather [hbm4b:s6+s12], $0x20, s26, s12, $0xb8;
	[tilespmem:$0x1D000] =	vst v63  }
0x87: {  	_ =	swait.ge [sflag:s28], $0x1000  }
0x88: {  	[sflag:s28] =	ssyncset.done $0x0  }
0x89: {  	[sflag:s28] =	ssyncadd.s32 $0xFFFFF000  }
0x8a: {  	[spmem:s3] =	stream.indirect.scatter.add.f32 [tilespmem:s15], [sflag:$0x8], $0x20, s29, s12, $0xb8;
	[tilespmem:$0x1D000] =	vst v63  }
0x8b: {  	_ =	swait.ge [sflag:s30], $0x1000  }
0x8c: {  	[sflag:s30] =	ssyncset.done $0x0  }
0x8d: {  	[sflag:s30] =	ssyncadd.s32 $0xFFFFF000  }
0x8e: {  	[tilespmem:s15], [sflag:$0x4] =	stream.indirect.gather [hbm4b:s6+s12], $0x20, s31, s12, $0xb8;
	[tilespmem:$0x1D000] =	vst v63  }
0x8f: {  	_ =	swait.ge [sflag:s0], $0x1000  }
0x90: {  	[sflag:s0] =	ssyncset.done $0x0  }
0x91: {  	[sflag:s0] =	ssyncadd.s32 $0xFFFFF000  }
0x92: {  	[spmem:s3] =	stream.indirect.scatter.add.f32 [tilespmem:s16], [sflag:$0x9], $0x20, s1, s12, $0xb8;
	[tilespmem:$0x1D000] =	vst v63  }
0x93: {  	_ =	swait.ge [sflag:s2], $0x1000  }
0x94: {  	[sflag:s2] =	ssyncset.done $0x0  }
0x95: {  	[sflag:s2] =	ssyncadd.s32 $0xFFFFF000  }
0x96: {  	[tilespmem:s16], [sflag:$0x5] =	stream.indirect.gather [hbm4b:s6+s12], $0x20, s8, s12, $0xb8;
	[tilespmem:$0x1D000] =	vst v63  }
0x97: {  	_ =	swait.ge [sflag:s17], $0x1000  }
0x98: {  	[sflag:s17] =	ssyncset.done $0x0  }
0x99: {  	[sflag:s17] =	ssyncadd.s32 $0xFFFFF000  }
0x9a: {  	[spmem:s3] =	stream.indirect.scatter.add.f32 [tilespmem:s13], [sflag:$0x6], $0x20, s9, s12, $0xb8;
	[tilespmem:$0x1D000] =	vst v63  }
0x9b: {  	_ =	swait.ge [sflag:s20], $0x1000  }
0x9c: {  	[sflag:s20] =	ssyncset.done $0x0  }
0x9d: {  	[sflag:s20] =	ssyncadd.s32 $0xFFFFF000  }
0x9e: {  	[spmem:s3] =	stream.indirect.scatter.add.f32 [tilespmem:s14], [sflag:$0x7], $0x20, s7, s12, $0xb8;
	[tilespmem:$0x1D000] =	vst v63  }
0x9f: {  	_ =	swait.ge [sflag:s28], $0x1000  }
0xa0: {  	[sflag:s28] =	ssyncset.done $0x0  }
0xa1: {  	[sflag:s28] =	ssyncadd.s32 $0xFFFFF000  }
0xa2: {  	[spmem:s3] =	stream.indirect.scatter.add.f32 [tilespmem:s15], [sflag:$0x8], $0x20, s23, s12, $0xb8;
	[tilespmem:$0x1D000] =	vst v63  }
0xa3: {  	_ =	swait.ge [sflag:s0], $0x1000  }
0xa4: {  	[sflag:s0] =	ssyncset.done $0x0  }
0xa5: {  	[sflag:s0] =	ssyncadd.s32 $0xFFFFF000  }
0xa6: {  	[spmem:s3] =	stream.indirect.scatter.add.f32 [tilespmem:s16], [sflag:$0x9], $0x20, s24, s12, $0xb8;
	[tilespmem:$0x1D000] =	vst v63  }
0xa7: {  	_ =	swait.ge [sflag:s18], $0x1000  }
0xa8: {  	[sflag:s18] =	ssyncset.done $0x0  }
0xa9: {  	[sflag:s18] =	ssyncadd.s32 $0xFFFFF000  }
0xaa: {  	_ =	swait.ge [sflag:s22], $0x1000  }
0xab: {  	p1 =	sne.s32 s10, $0x3000;
	[sflag:s22] =	ssyncset.done $0x0  }
.Ltmp0:
0xac: {  	[sflag:s22] =	ssyncadd.s32 $0xFFFFF000;
	(pc) =	sbr.rel @p1 .LBB2_2-.Ltmp0, $4  }
0xad: {  	_ =	swait.ge [sflag:s30], $0x1000  }
0xae: {  	[sflag:s30] =	ssyncset.done $0x0  }
0xaf: {  	[sflag:s30] =	ssyncadd.s32 $0xFFFFF000  }
0xb0: {  	s10 =	sadd.s32 $0x100, s10;
	_ =	swait.ge [sflag:s2], $0x1000  }
0xb1: {  	[sflag:s2] =	ssyncset.done $0x0  }
0xb2: {  	[sflag:s2] =	ssyncadd.s32 $0xFFFFF000  }
0xb3: {  	[bflag:$0x0] =	sbarrier.arrive $0xFFFF  }
0xb4: {  	s5 =	rddreg [dreg:$0x9]  }
0xb5: {  	s25 =	rddreg [dreg:$0x8]  }
0xb6: {  	s10 =	rddreg [dreg:$0xc];
	s5 =	sadd.s32 @p0 $0x2DD20, s5  }
0xb7: {  	[hbm:s5], [sflag:s25] =	dma.local @p0 [spmem:s10], $0x3020  }
0xb8: {  	s5 =	simm.s32 @p0 $0x1  }
0xb9: {  	_ =	swait.ge @p0 [sflag:s5], $0x3020  }
0xba: {  	[sflag:s5] =	ssyncset.done @p0 $0x0;
	s10 =	rddreg [dreg:$0xe]  }
0xbb: {  	[sflag:s5] =	ssyncadd.s32 @p0 $0xFFFFCFE0;
	s5 =	rddreg [dreg:$0xd]  }
0xbc: {  	[hbm:s5], [sflag:s25] =	dma.local @!p0 [spmem:s10], $0x30E0  }
0xbd: {  	s10 =	simm.s32 @!p0 $0x1  }
0xbe: {  	_ =	swait.ge @!p0 [sflag:s10], $0x30E0  }
0xbf: {  	s5 =	rddreg [dreg:$0xf]  }
0xc0: {  	[sflag:s10] =	ssyncset.done @!p0 $0x0;
	s10 =	rddreg [dreg:$0xa];
	s5 =	sadd.s32 $0x1, s5  }
0xc1: {  	p1 =	sne.s32 s5, s10  }
.Ltmp1:
0xc2: {  	_ = 	snop;
	(pc) =	sbr.rel @p1 .LBB2_1-.Ltmp1, $3  }
0xc3: {  	_ =	sdelay $0x1  }
0xc4: {  	[dreg:$0xf] =	wrdreg s5;
	s5 =	simm.s32 @!p0 $0x1  }
0xc5: {  	[sflag:s5] =	ssyncadd.s32 @!p0 $0xFFFFCF20  }
0xc6: {  	_ =	sfence.sel $0x180000  }
0xc7: {  	[bflag:$0x0] =	sbarrier.arrive $0xFFFF  }
0xc8: {  	_ =	strace $0x90000050  }
0xc9: {  	s0 =	stileid.u32;
	[bflag:$0x2] =	sbarrier.arrive $0xFFFF  }
0xca: {  	p0 =	sne.s32 s0, $0x0;
	s0 =	rddreg [dreg:$0x3]  }
0xcb: {  	s0 =	sadd.s32 @!p0 $0x100000, s0  }
0xcc: {  	[sflag:s0] =	ssyncadd.tile.s32 @!p0 $0x1;
	_ =	shalt  }
.Lfunc_end2:
_tile_overlayer_lowered:
.L_overlay_start_2:
0xcd: {  	(tag) =	ssettag $0x2  }
0xce: {  	s0 =	rddreg [dreg:$0x0];
	s2 =	stileid.u32  }
0xcf: {  	s1 =	rddreg [dreg:$0x1];
	p0 =	sne.s32 s2, $0x0  }
0xd0: {  	s3 =	rddreg [dreg:$0x2];
	[bflag:$0x3] =	sbarrier.arrive $0xFFFF;
	s2 =	simm.s32 @!p0 $0x1C0A  }
0xd1: {  	[timem:s3], [sflag:s2] =	dma.local @!p0 [hbm:s0], s1  }
0xd2: {  	s0 =	simm.s32 @!p0 $0xA  }
0xd3: {  	_ =	swait.ge @!p0 [sflag:s0], s1  }
0xd4: {  	s1 =	ssub.s32 @!p0 $0x0, s1;
	[sflag:s0] =	ssyncset.done @!p0 $0x0  }
0xd5: {  	[sflag:s0] =	ssyncadd.s32 @!p0 s1  }
0xd6: {  	[bflag:$0x3] =	sbarrier.arrive $0xFFFF  }
0xd7: {  	_ =	shalt  }

// kernel: kernel.25.cloned.1.call-start
scs
__scs_entry_jumppad:
0x0: {  	(pc) =	sbr.rel $0x88, $3  }
0x1: {  	(tag) =	ssettag $0x0;
	lr =	simm.s32 $0x1  }
0x2: {  	[smem:$0x3F7F] =	sst lr;
	_ =	strace $0xD0000000  }
0x3: {  	_ = 	snop  }
0x4: {  	_ = 	snop  }
0x5: {  	_ = 	snop  }
0x6: {  	_ = 	snop  }
0x7: {  	_ = 	snop  }
__scs_overlays_trampoline_lowered:
0x8: {  	[smem:$0x3F8E] =	sst s0  }
0x9: {  	[smem:$0x3F8F] =	sst s1  }
0xa: {  	[smem:$0x3F90] =	sst s2  }
0xb: {  	[smem:$0x3F91] =	sst s3  }
0xc: {  	[smem:$0x3F92] =	sst s4  }
0xd: {  	[smem:$0x3F93] =	sst s5  }
0xe: {  	[smem:$0x3F94] =	sst s6  }
0xf: {  	[smem:$0x3F95] =	sst s7  }
0x10: {  	[smem:$0x3F96] =	sst s8  }
0x11: {  	[smem:$0x3F97] =	sst s9;
	s0 =	simm.s32 @!p0 $0x0  }
0x12: {  	s1 =	sld [smem:$0x3F7D];
	s0 =	simm.s32 @p0 $0x1  }
0x13: {  	[smem:$0x3F98] =	sst s0;
	s0 =	simm.s32 @!p1 $0x0  }
0x14: {  	s2 =	sld [smem:$0x3F7C];
	s0 =	simm.s32 @p1 $0x1  }
0x15: {  	[smem:$0x3F99] =	sst s0;
	s0 =	simm.s32 @!p2 $0x0  }
0x16: {  	s3 =	sld [smem:$0x3FDB];
	s0 =	simm.s32 @p2 $0x1  }
0x17: {  	s4 =	simm.s32 $0x1BF5;
	[smem:$0x3F9B] =	sst s0  }
0x18: {  	s0 =	sld [smem:$0x3F7E];
	_ =	swait.ge [sflag:s4], $0x0  }
0x19: {  	s7 =	sld [smem:$0x3F7F]  }
0x1a: {  	s8 =	sadd.s32 $0xFFFFE003, lr  }
0x1b: {  	s9 =	sadd.s32 $0xFFFFFEF7, lr;
	s5 =	simm.s32 $0xFFFFFFFF;
	p2 =	slt.u32 s8, $0xFFFFF086  }
0x1c: {  	p1 =	slt.u32 s9, $0xF7A;
	s5 =	simm.s32 @!p2 $0x0  }
0x1d: {  	s5 =	simm.s32 @p1 $0x1;
	p0 =	seq.s32 s7, s2  }
0x1e: {  	s7 =	smul.u32 @!p0 $0xF7A, s2;
	p2 =	seq.s32 @!p0 s5, $0x0  }
0x1f: {  	s9 =	smul.u32 $0xF7A, s1;
	s8 =	simm.s32 @!p0 $0x1BF5;
	p2 =	por !p2, p0  }
0x20: {  	[sflag:s8] =	ssyncset.s32 @!p0 $0xFFFFF086;
	s6 =	sadd.s32 @!p0 s3, s7;
	s7 =	simm.s32 @!p0 $0x108  }
0x21: {  	s3 =	sadd.s32 s3, s9;
	s6 =	sadd.s32 @!p0 $0x88, s6;
	s7 =	simm.s32 @p2 $0x1082  }
0x22: {  	[simem:s7], [sflag:s8] =	dma.local @!p0 [hbm:s6], $0xF7A  }
0x23: {  	s9 =	sor.u32 $0xD0000000, s2;
	s6 =	simm.s32 $0x108;
	_ =	swait.ge @!p0 [sflag:s8], $0x0  }
0x24: {  	s3 =	sadd.s32 $0x88, s3;
	s6 =	simm.s32 @!p1 $0x1082;
	[sflag:s4] =	ssyncset.s32 $0xFFFFF086  }
0x25: {  	[simem:s6], [sflag:s4] =	dma.local [hbm:s3], $0xF7A  }
0x26: {  	[smem:$0x3F7F] =	sst s1;
	(tag) =	ssettag s2;
	_ =	strace s9  }
0x27: {  	s1 =	sld [smem:$0x3F8F]  }
0x28: {  	s2 =	sld [smem:$0x3F90]  }
0x29: {  	s4 =	sld [smem:$0x3F92]  }
0x2a: {  	p0 =	seq.s32 s5, $0x0;
	s5 =	sld [smem:$0x3F93]  }
0x2b: {  	s6 =	sld [smem:$0x3F94]  }
0x2c: {  	s7 =	sld [smem:$0x3F95]  }
0x2d: {  	s3 =	simm.s32 $0x108;
	s8 =	sld [smem:$0x3F96]  }
0x2e: {  	s3 =	simm.s32 @!p0 $0x1082;
	s9 =	sld [smem:$0x3F97]  }
0x2f: {  	lr =	sadd.s32 s0, s3;
	s0 =	sld [smem:$0x3F8E]  }
0x30: {  	s3 =	sld [smem:$0x3F91]  }
0x31: {  	[smem:$0x3F9A] =	sst s10  }
0x32: {  	s10 =	sld [smem:$0x3F98];
	_ =	sdelay $0x3  }
0x33: {  	p0 =	seq.s32 s10, $0x1;
	s10 =	sld [smem:$0x3F9A];
	_ =	sdelay $0x3  }
0x34: {  	[smem:$0x3F9A] =	sst s10  }
0x35: {  	s10 =	sld [smem:$0x3F99];
	_ =	sdelay $0x3  }
0x36: {  	p1 =	seq.s32 s10, $0x1;
	s10 =	sld [smem:$0x3F9A];
	_ =	sdelay $0x3  }
0x37: {  	[smem:$0x3F9A] =	sst s10  }
0x38: {  	s10 =	sld [smem:$0x3F9B]  }
0x39: {  	_ = 	snop;
	(pc) =	sbr.ind lr, $3  }
0x3a: {  	_ = 	snop  }
0x3b: {  	_ = 	snop  }
0x3c: {  	p2 =	seq.s32 s10, $0x1;
	s10 =	sld [smem:$0x3F9A]  }
0x3d: {  	_ =	shalt  }
0x3e: {  	_ =	shalt  }
0x3f: {  	_ =	shalt  }
0x40: {  	_ =	shalt  }
0x41: {  	_ =	shalt  }
0x42: {  	_ =	shalt  }
0x43: {  	_ =	shalt  }
0x44: {  	_ =	shalt  }
0x45: {  	_ =	shalt  }
0x46: {  	_ =	shalt  }
0x47: {  	_ =	shalt  }
0x48: {  	_ =	shalt  }
0x49: {  	_ =	shalt  }
0x4a: {  	_ =	shalt  }
0x4b: {  	_ =	shalt  }
0x4c: {  	_ =	shalt  }
0x4d: {  	_ =	shalt  }
0x4e: {  	_ =	shalt  }
0x4f: {  	_ =	shalt  }
0x50: {  	_ =	shalt  }
0x51: {  	_ =	shalt  }
0x52: {  	_ =	shalt  }
0x53: {  	_ =	shalt  }
0x54: {  	_ =	shalt  }
0x55: {  	_ =	shalt  }
0x56: {  	_ =	shalt  }
0x57: {  	_ =	shalt  }
0x58: {  	_ =	shalt  }
0x59: {  	_ =	shalt  }
0x5a: {  	_ =	shalt  }
0x5b: {  	_ =	shalt  }
0x5c: {  	_ =	shalt  }
0x5d: {  	_ =	shalt  }
0x5e: {  	_ =	shalt  }
0x5f: {  	_ =	shalt  }
0x60: {  	_ =	shalt  }
0x61: {  	_ =	shalt  }
0x62: {  	_ =	shalt  }
0x63: {  	_ =	shalt  }
0x64: {  	_ =	shalt  }
0x65: {  	_ =	shalt  }
0x66: {  	_ =	shalt  }
0x67: {  	_ =	shalt  }
0x68: {  	_ =	shalt  }
0x69: {  	_ =	shalt  }
0x6a: {  	_ =	shalt  }
0x6b: {  	_ =	shalt  }
0x6c: {  	_ =	shalt  }
0x6d: {  	_ =	shalt  }
0x6e: {  	_ =	shalt  }
0x6f: {  	_ =	shalt  }
0x70: {  	_ =	shalt  }
0x71: {  	_ =	shalt  }
0x72: {  	_ =	shalt  }
0x73: {  	_ =	shalt  }
0x74: {  	_ =	shalt  }
0x75: {  	_ =	shalt  }
0x76: {  	_ =	shalt  }
0x77: {  	_ =	shalt  }
0x78: {  	_ =	shalt  }
0x79: {  	_ =	shalt  }
0x7a: {  	_ =	shalt  }
0x7b: {  	_ =	shalt  }
0x7c: {  	_ =	shalt  }
0x7d: {  	_ =	shalt  }
0x7e: {  	_ =	shalt  }
0x7f: {  	_ =	shalt  }
0x80: {  	_ =	shalt  }
0x81: {  	_ =	shalt  }
0x82: {  	_ =	shalt  }
0x83: {  	_ =	shalt  }
0x84: {  	_ =	shalt  }
0x85: {  	_ =	shalt  }
0x86: {  	_ =	shalt  }
0x87: {  	_ =	shalt  }
.Lfunc_end0:
.L_simem_size_0:
called_computation.4_lowered:
.L_overlay_start_0:
0x88: {  	s2 =	sld [smem:$0x3FD9]  }
0x89: {  	s3 =	sld [smem:$0x3FFE];
	_ =	sdelay $0x1  }
0x8a: {  	s1 =	srdreg.scid  }
0x8b: {  	s0 =	sand.u32 $0x1, s1  }
0x8c: {  	s17 =	sshll.u32 s0, $0xA;
	s2 =	sadd.s32 s3, s2  }
0x8d: {  	s2 =	sadd.s32 s2, s17  }
0x8e: {  	[smem:$0x3FA6] =	sst s2  }
0x8f: {  	_ = 	snop  }
0x90: {  	s2 =	sld [smem:$0x3FD0];
	(tm) =	ssettm $0x1  }
0x91: {  	s18 =	sld [smem:$0x3FFB];
	_ =	sdelay $0x3  }
0x92: {  	_ =	strace s18  }
0x93: {  	s3 =	sld [smem:$0x3FFC];
	_ =	sdelay $0x3  }
0x94: {  	_ =	strace s3  }
0x95: {  	s3 =	sld [smem:$0x3FFD];
	_ =	sdelay $0x3  }
0x96: {  	_ =	strace s3  }
0x97: {  	_ =	strace $0x8FFFFFFF  }
0x98: {  	s19 =	sld [smem:$0x3FDB];
	_ =	sdelay $0x1  }
0x99: {  	s4 =	simm.s32 $_scs_section_size  }
0x9a: {  	s5 =	simm.s32 $_size__tile_overlayer_lowered;
	s6 =	simm.s32 $_tile_overlayer_lowered  }
0x9b: {  	s22 =	simm.s32 $0x1BFF;
	s21 =	sshll.u32 s6, $0x1;
	s3 =	sadd.s32 s4, s19  }
0x9c: {  	s7 =	simm.s32 $0x0;
	s20 =	sshll.u32 s5, $0x1;
	s5 =	sadd.s32 s21, s3  }
0x9d: {  	[timem:s7], [sflag:s22] =	dma.local [hbm:s5], s20  }
0x9e: {  	_ =	swait.ge [sflag:s22], s20  }
0x9f: {  	s4 =	ssub.s32 $0x0, s20;
	[sflag:s22] =	ssyncset.done $0x0  }
0xa0: {  	[sflag:s22] =	ssyncadd.s32 s4;
	_ =	sdelay $0x1  }
0xa1: {  	s23 =	simm.s32 $0x1B8B  }
0xa2: {  	_ =	swait.ge [sflag:s23], $0x1  }
0xa3: {  	[sflag:s23] =	ssyncset.done $0x0  }
0xa4: {  	s25 =	simm.s32 $0x1B8E;
	s24 =	sld [smem:$0x3FFE];
	[sflag:s23] =	ssyncadd.s32 $0xFFFFFFFF  }
0xa5: {  	s26 =	simm.s32 $execute0_lowered;
	[smem:$0x3FD2] =	sst s25  }
0xa6: {  	s5 =	sshll.u32 s26, $0x1;
	_ =	strace $0x80000052;
	[dreg:$0x1] =	wrdreg $0xFFFFFFFF  }
0xa7: {  	s28 =	simm.s32 $_size_execute0_lowered;
	s3 =	sadd.s32 s3, s5;
	[dreg:$0x0] =	wrdreg $0x0  }
0xa8: {  	s5 =	sshll.u32 s28, $0x1;
	[dreg:$0x2] =	wrdreg s3  }
0xa9: {  	[dreg:$0x3] =	wrdreg s5  }
0xaa: {  	[dreg:$0x4] =	wrdreg $0xC0  }
0xab: {  	_ =	task [dreg:s7], $0x5FFFF  }
0xac: {  	[dreg:$0x1] =	wrdreg $0xFFFFFFFF  }
0xad: {  	[dreg:$0x0] =	wrdreg $0x60  }
0xae: {  	[dreg:$0x2] =	wrdreg s24  }
0xaf: {  	[dreg:$0x3] =	wrdreg s2  }
0xb0: {  	[dreg:$0x4] =	wrdreg $0x48000  }
0xb1: {  	[dreg:$0x5] =	wrdreg $0x9  }
0xb2: {  	_ =	task.clear_ibuf [dreg:s7], $0x6FFFF;
	_ =	strace $0x90000052  }
0xb3: {  	s29 =	simm.s32 $0x9;
	_ =	strace $0x80000054  }
0xb4: {  	_ =	swait.ge [sflag:s29], $0x1  }
0xb5: {  	[sflag:s29] =	ssyncadd.s32 $0xFFFFFFFF  }
0xb6: {  	_ =	strace $0x90000054  }
0xb7: {  	_ =	sfence  }
0xb8: {  	s30 =	sld [smem:$0x0];
	_ =	sdelay $0x2  }
0xb9: {  	s31 =	sshll.u32 s1, $0xD;
	s1 =	sshrl.u32 s1, $0x2  }
0xba: {  	s3 =	sand.u32 $0x4000, s31;
	s1 =	sadd.s32 s1, s30  }
0xbb: {  	s0 =	sor.u32 s3, s0;
	s1 =	sshll.u32 s1, $0x11  }
0xbc: {  	s0 =	sor.u32 s1, s0  }
0xbd: {  	s0 =	sadd.s32 $0x8F2B, s0  }
0xbe: {  	[sflag:s0] =	ssyncadd.remote.s32 $0x1  }
0xbf: {  	_ =	sfence.sel $0xFFFF  }
0xc0: {  	[dreg:$0x0] =	wrdreg $0xFFFFFFFF;
	(pc) =	sbr.abs _section_cstart, $3  }
0xc1: {  	[dreg:$0x1] =	wrdreg $0xFFFFFFFF  }
0xc2: {  	_ =	task.clear_ibuf [dreg:s7], $0x2FFFF;
	_ =	strace $0x9FFFFFFF  }
0xc3: {  	(tm) =	ssettm $0x7FFFFFFF  }
tec
execute0_lowered:
.L_overlay_start_1:
0x0: {  	(tag) =	ssettag $0x1  }
0x1: {  	s0 =	rddreg [dreg:$0x0]  }
0x2: {  	s3 =	rddreg [dreg:$0x2]  }
0x3: {  	s10 =	stileid.u32;
	s1 =	srdreg.scid;
	s4 =	simm.s32 $0x0  }
0x4: {  	s11 =	simm.s32 $0xA;
	s12 =	simm.s32 $0x80;
	s26 =	simm.s32 $0x100  }
0x5: {  	s13 =	simm.s32 $0x800;
	s14 =	simm.s32 $0x1800;
	s15 =	simm.s32 $0x2800  }
0x6: {  	s16 =	simm.s32 $0x3800;
	s17 =	simm.s32 $0x2;
	s18 =	simm.s32 $0x6  }
0x7: {  	s19 =	simm.s32 $0x400;
	s28 =	simm.s32 $0x4;
	s29 =	simm.s32 $0x280  }
0x8: {  	s30 =	simm.s32 $0x8;
	s31 =	simm.s32 $0x600;
	s2 =	smul.u32 $0x3100, s10  }
0x9: {  	s1 =	sand.u32 $0x1, s1;
	[smem:$0x7FF] =	sst s4;
	s7 =	smul.u32 $0x62000, s10  }
0xa: {  	s21 =	sshll.u32 s10, $0x6;
	s22 =	smul.u32 $0x18700, s10;
	s9 =	sadd.s32 $0x16E900, s3  }
0xb: {  	p0 =	seq.s32 s10, $0xF;
	s10 =	simm.s32 $0x0;
	s5 =	smul.u32 $0x30D40, s1  }
0xc: {  	s1 =	ssub.s32 $0x2, s1;
	_ =	strace $0x80000053;
	s25 =	sor.u32 $0x1C01, s21  }
0xd: {  	[dreg:$0x5] =	wrdreg s26;
	s21 =	simm.s32 $0x180;
	s26 =	simm.s32 $0x500  }
0xe: {  	[dreg:$0xf] =	wrdreg s10;
	s6 =	sshrl.u32 s1, $0x1;
	s2 =	sadd.s32 s2, s0  }
0xf: {  	s20 =	sshrl.u32 s7, $0x2;
	s7 =	sadd.s32 s22, s3;
	[dreg:$0x8] =	wrdreg s25  }
0x10: {  	s0 =	sadd.s32 s5, s0;
	s1 =	ssub.s32 s1, s6;
	s8 =	sadd.s32 s20, s3  }
0x11: {  	s23 =	sadd.s32 $0x7F200, s2;
	s2 =	simm.s32 $0x200;
	s20 =	simm.s32 $0x3  }
0x12: {  	s6 =	sadd.s32 $0x4E00, s0;
	s5 =	sadd.s32 $0xB0200, s0;
	[dreg:$0x4] =	wrdreg s23  }
0x13: {  	s0 =	sshrl.u32 s22, $0x3;
	s1 =	smax.u32 s1, $0x1;
	[dreg:$0x6] =	wrdreg s2  }
0x14: {  	s24 =	sshrl.u32 s8, $0x3;
	s8 =	simm.s32 $0x300;
	[dreg:$0xa] =	wrdreg s1  }
0x15: {  	s22 =	simm.s32 $0x7;
	s2 =	simm.s32 $0x9;
	[dreg:$0xb] =	wrdreg s24  }
0x16: {  	s23 =	simm.s32 $0x680;
	[dreg:$0x7] =	wrdreg s8;
	s1 =	sshrl.u32 @p0 s9, $0x3  }
0x17: {  	[dreg:$0x9] =	wrdreg s5;
	s0 =	sadd.s32 @!p0 s0, s5;
	s8 =	simm.s32 $0x700  }
0x18: {  	s9 =	simm.s32 $0x480;
	s24 =	simm.s32 $0x780;
	[dreg:$0xc] =	wrdreg s1  }
0x19: {  	[dreg:$0xd] =	wrdreg s0;
	s0 =	sshrl.u32 @!p0 s7, $0x3;
	s1 =	simm.s32 $0x380  }
0x1a: {  	s7 =	simm.s32 $0x580;
	[dreg:$0xe] =	wrdreg s0;
	s0 =	simm.s32 $0x5  }
.LBB2_1:
0x1b: {  	s5 =	rddreg [dreg:$0x1]  }
0x1c: {  	s10 =	rddreg [dreg:$0xb]  }
0x1d: {  	[spmem:s10], [sflag:s25] =	dma.local [hbm:s5], $0x3100  }
0x1e: {  	s25 =	simm.s32 $0x1  }
0x1f: {  	_ =	swait.ge [sflag:s25], $0x3100  }
0x20: {  	[sflag:s25] =	ssyncset.done $0x0  }
0x21: {  	[sflag:s25] =	ssyncadd.s32 $0xFFFFCF00  }
0x22: {  	[bflag:$0x0] =	sbarrier.arrive $0xFFFF  }
0x23: {  	s5 =	rddreg [dreg:$0x4]  }
0x24: {  	s10 =	sadd.s32 $0x0, s5  }
0x25: {  	[tilespmem:s4], [sflag:$0xA] =	stream.linear.gather [hbm4b:s10+s4], $0x800, $0x38;
	[tilespmem:$0x1D000] =	vst v63  }
0x26: {  	_ =	swait.ge [sflag:s11], $0x800  }
0x27: {  	[sflag:s11] =	ssyncset.done $0x0  }
0x28: {  	[sflag:s11] =	ssyncadd.s32 $0xFFFFF800  }
0x29: {  	[tilespmem:s13], [sflag:$0x2] =	stream.indirect.gather [hbm4b:s6+s12], $0x20, s4, s12, $0xb8;
	[tilespmem:$0x1D000] =	vst v63  }
0x2a: {  	s25 =	rddreg [dreg:$0x5]  }
0x2b: {  	[tilespmem:s14], [sflag:$0x3] =	stream.indirect.gather [hbm4b:s6+s12], $0x20, s25, s12, $0xb8;
	[tilespmem:$0x1D000] =	vst v63  }
0x2c: {  	s5 =	rddreg [dreg:$0x6]  }
0x2d: {  	[tilespmem:s15], [sflag:$0x4] =	stream.indirect.gather [hbm4b:s6+s12], $0x20, s5, s12, $0xb8;
	[tilespmem:$0x1D000] =	vst v63  }
0x2e: {  	s25 =	rddreg [dreg:$0x7]  }
0x2f: {  	[tilespmem:s16], [sflag:$0x5] =	stream.indirect.gather [hbm4b:s6+s12], $0x20, s25, s12, $0xb8;
	[tilespmem:$0x1D000] =	vst v63  }
0x30: {  	_ =	swait.ge [sflag:s17], $0x1000  }
0x31: {  	[sflag:s17] =	ssyncset.done $0x0  }
0x32: {  	[sflag:s17] =	ssyncadd.s32 $0xFFFFF000  }
0x33: {  	[spmem:s3] =	stream.indirect.scatter.add.f32 [tilespmem:s13], [sflag:$0x6], $0x20, s12, s12, $0xb8;
	[tilespmem:$0x1D000] =	vst v63  }
0x34: {  	_ =	swait.ge [sflag:s18], $0x1000  }
0x35: {  	[sflag:s18] =	ssyncset.done $0x0  }
0x36: {  	[sflag:s18] =	ssyncadd.s32 $0xFFFFF000  }
0x37: {  	[tilespmem:s13], [sflag:$0x2] =	stream.indirect.gather [hbm4b:s6+s12], $0x20, s19, s12, $0xb8;
	[tilespmem:$0x1D000] =	vst v63  }
0x38: {  	_ =	swait.ge [sflag:s20], $0x1000  }
0x39: {  	[sflag:s20] =	ssyncset.done $0x0  }
0x3a: {  	[sflag:s20] =	ssyncadd.s32 $0xFFFFF000  }
0x3b: {  	[spmem:s3] =	stream.indirect.scatter.add.f32 [tilespmem:s14], [sflag:$0x7], $0x20, s21, s12, $0xb8;
	[tilespmem:$0x1D000] =	vst v63  }
0x3c: {  	_ =	swait.ge [sflag:s22], $0x1000  }
0x3d: {  	[sflag:s22] =	ssyncset.done $0x0  }
0x3e: {  	[sflag:s22] =	ssyncadd.s32 $0xFFFFF000  }
0x3f: {  	[tilespmem:s14], [sflag:$0x3] =	stream.indirect.gather [hbm4b:s6+s12], $0x20, s26, s12, $0xb8;
	[tilespmem:$0x1D000] =	vst v63  }
0x40: {  	_ =	swait.ge [sflag:s28], $0x1000  }
0x41: {  	[sflag:s28] =	ssyncset.done $0x0  }
0x42: {  	[sflag:s28] =	ssyncadd.s32 $0xFFFFF000  }
0x43: {  	[spmem:s3] =	stream.indirect.scatter.add.f32 [tilespmem:s15], [sflag:$0x8], $0x20, s29, s12, $0xb8;
	[tilespmem:$0x1D000] =	vst v63  }
0x44: {  	_ =	swait.ge [sflag:s30], $0x1000  }
0x45: {  	[sflag:s30] =	ssyncset.done $0x0  }
0x46: {  	[sflag:s30] =	ssyncadd.s32 $0xFFFFF000  }
0x47: {  	[tilespmem:s15], [sflag:$0x4] =	stream.indirect.gather [hbm4b:s6+s12], $0x20, s31, s12, $0xb8;
	[tilespmem:$0x1D000] =	vst v63  }
0x48: {  	_ =	swait.ge [sflag:s0], $0x1000  }
0x49: {  	[sflag:s0] =	ssyncset.done $0x0  }
0x4a: {  	[sflag:s0] =	ssyncadd.s32 $0xFFFFF000  }
0x4b: {  	[spmem:s3] =	stream.indirect.scatter.add.f32 [tilespmem:s16], [sflag:$0x9], $0x20, s1, s12, $0xb8;
	[tilespmem:$0x1D000] =	vst v63  }
0x4c: {  	_ =	swait.ge [sflag:s2], $0x1000  }
0x4d: {  	[sflag:s2] =	ssyncset.done $0x0  }
0x4e: {  	[sflag:s2] =	ssyncadd.s32 $0xFFFFF000  }
0x4f: {  	[tilespmem:s16], [sflag:$0x5] =	stream.indirect.gather [hbm4b:s6+s12], $0x20, s8, s12, $0xb8;
	[tilespmem:$0x1D000] =	vst v63  }
0x50: {  	_ =	swait.ge [sflag:s17], $0x1000  }
0x51: {  	[sflag:s17] =	ssyncset.done $0x0  }
0x52: {  	[sflag:s17] =	ssyncadd.s32 $0xFFFFF000  }
0x53: {  	[spmem:s3] =	stream.indirect.scatter.add.f32 [tilespmem:s13], [sflag:$0x6], $0x20, s9, s12, $0xb8;
	[tilespmem:$0x1D000] =	vst v63  }
0x54: {  	_ =	swait.ge [sflag:s20], $0x1000  }
0x55: {  	[sflag:s20] =	ssyncset.done $0x0  }
0x56: {  	[sflag:s20] =	ssyncadd.s32 $0xFFFFF000  }
0x57: {  	[spmem:s3] =	stream.indirect.scatter.add.f32 [tilespmem:s14], [sflag:$0x7], $0x20, s7, s12, $0xb8;
	[tilespmem:$0x1D000] =	vst v63  }
0x58: {  	_ =	swait.ge [sflag:s28], $0x1000  }
0x59: {  	[sflag:s28] =	ssyncset.done $0x0  }
0x5a: {  	[sflag:s28] =	ssyncadd.s32 $0xFFFFF000  }
0x5b: {  	[spmem:s3] =	stream.indirect.scatter.add.f32 [tilespmem:s15], [sflag:$0x8], $0x20, s23, s12, $0xb8;
	[tilespmem:$0x1D000] =	vst v63  }
0x5c: {  	_ =	swait.ge [sflag:s0], $0x1000  }
0x5d: {  	[sflag:s0] =	ssyncset.done $0x0  }
0x5e: {  	[sflag:s0] =	ssyncadd.s32 $0xFFFFF000  }
0x5f: {  	[spmem:s3] =	stream.indirect.scatter.add.f32 [tilespmem:s16], [sflag:$0x9], $0x20, s24, s12, $0xb8;
	[tilespmem:$0x1D000] =	vst v63  }
0x60: {  	_ =	swait.ge [sflag:s18], $0x1000  }
0x61: {  	[sflag:s18] =	ssyncset.done $0x0  }
0x62: {  	[sflag:s18] =	ssyncadd.s32 $0xFFFFF000  }
0x63: {  	_ =	swait.ge [sflag:s22], $0x1000  }
0x64: {  	[sflag:s22] =	ssyncset.done $0x0  }
0x65: {  	[sflag:s22] =	ssyncadd.s32 $0xFFFFF000  }
0x66: {  	_ =	swait.ge [sflag:s30], $0x1000  }
0x67: {  	[sflag:s30] =	ssyncset.done $0x0  }
0x68: {  	[sflag:s30] =	ssyncadd.s32 $0xFFFFF000  }
0x69: {  	s10 =	simm.s32 $0x100;
	_ =	swait.ge [sflag:s2], $0x1000  }
.LBB2_2:
0x6a: {  	s5 =	rddreg [dreg:$0x4];
	s25 =	smov.u32 s10;
	[sflag:s2] =	ssyncset.done $0x0  }
0x6b: {  	s5 =	sadd.s32 s25, s5;
	[sflag:s2] =	ssyncadd.s32 $0xFFFFF000  }
0x6c: {  	[tilespmem:s4], [sflag:$0xA] =	stream.linear.gather [hbm4b:s5+s4], $0x800, $0x38;
	[tilespmem:$0x1D000] =	vst v63  }
0x6d: {  	_ =	swait.ge [sflag:s11], $0x800  }
0x6e: {  	[sflag:s11] =	ssyncset.done $0x0  }
0x6f: {  	[sflag:s11] =	ssyncadd.s32 $0xFFFFF800  }
0x70: {  	[tilespmem:s13], [sflag:$0x2] =	stream.indirect.gather [hbm4b:s6+s12], $0x20, s4, s12, $0xb8;
	[tilespmem:$0x1D000] =	vst v63  }
0x71: {  	s5 =	rddreg [dreg:$0x5]  }
0x72: {  	[tilespmem:s14], [sflag:$0x3] =	stream.indirect.gather [hbm4b:s6+s12], $0x20, s5, s12, $0xb8;
	[tilespmem:$0x1D000] =	vst v63  }
0x73: {  	s25 =	rddreg [dreg:$0x6]  }
0x74: {  	[tilespmem:s15], [sflag:$0x4] =	stream.indirect.gather [hbm4b:s6+s12], $0x20, s25, s12, $0xb8;
	[tilespmem:$0x1D000] =	vst v63  }
0x75: {  	s5 =	rddreg [dreg:$0x7]  }
0x76: {  	[tilespmem:s16], [sflag:$0x5] =	stream.indirect.gather [hbm4b:s6+s12], $0x20, s5, s12, $0xb8;
	[tilespmem:$0x1D000] =	vst v63  }
0x77: {  	_ =	swait.ge [sflag:s17], $0x1000  }
0x78: {  	[sflag:s17] =	ssyncset.done $0x0  }
0x79: {  	[sflag:s17] =	ssyncadd.s32 $0xFFFFF000  }
0x7a: {  	[spmem:s3] =	stream.indirect.scatter.add.f32 [tilespmem:s13], [sflag:$0x6], $0x20, s12, s12, $0xb8;
	[tilespmem:$0x1D000] =	vst v63  }
0x7b: {  	_ =	swait.ge [sflag:s18], $0x1000  }
0x7c: {  	[sflag:s18] =	ssyncset.done $0x0  }
0x7d: {  	[sflag:s18] =	ssyncadd.s32 $0xFFFFF000  }
0x7e: {  	[tilespmem:s13], [sflag:$0x2] =	stream.indirect.gather [hbm4b:s6+s12], $0x20, s19, s12, $0xb8;
	[tilespmem:$0x1D000] =	vst v63  }
0x7f: {  	_ =	swait.ge [sflag:s20], $0x1000  }
0x80: {  	[sflag:s20] =	ssyncset.done $0x0  }
0x81: {  	[sflag:s20] =	ssyncadd.s32 $0xFFFFF000  }
0x82: {  	[spmem:s3] =	stream.indirect.scatter.add.f32 [tilespmem:s14], [sflag:$0x7], $0x20, s21, s12, $0xb8;
	[tilespmem:$0x1D000] =	vst v63  }
0x83: {  	_ =	swait.ge [sflag:s22], $0x1000  }
0x84: {  	[sflag:s22] =	ssyncset.done $0x0  }
0x85: {  	[sflag:s22] =	ssyncadd.s32 $0xFFFFF000  }
0x86: {  	[tilespmem:s14], [sflag:$0x3] =	stream.indirect.gather [hbm4b:s6+s12], $0x20, s26, s12, $0xb8;
	[tilespmem:$0x1D000] =	vst v63  }
0x87: {  	_ =	swait.ge [sflag:s28], $0x1000  }
0x88: {  	[sflag:s28] =	ssyncset.done $0x0  }
0x89: {  	[sflag:s28] =	ssyncadd.s32 $0xFFFFF000  }
0x8a: {  	[spmem:s3] =	stream.indirect.scatter.add.f32 [tilespmem:s15], [sflag:$0x8], $0x20, s29, s12, $0xb8;
	[tilespmem:$0x1D000] =	vst v63  }
0x8b: {  	_ =	swait.ge [sflag:s30], $0x1000  }
0x8c: {  	[sflag:s30] =	ssyncset.done $0x0  }
0x8d: {  	[sflag:s30] =	ssyncadd.s32 $0xFFFFF000  }
0x8e: {  	[tilespmem:s15], [sflag:$0x4] =	stream.indirect.gather [hbm4b:s6+s12], $0x20, s31, s12, $0xb8;
	[tilespmem:$0x1D000] =	vst v63  }
0x8f: {  	_ =	swait.ge [sflag:s0], $0x1000  }
0x90: {  	[sflag:s0] =	ssyncset.done $0x0  }
0x91: {  	[sflag:s0] =	ssyncadd.s32 $0xFFFFF000  }
0x92: {  	[spmem:s3] =	stream.indirect.scatter.add.f32 [tilespmem:s16], [sflag:$0x9], $0x20, s1, s12, $0xb8;
	[tilespmem:$0x1D000] =	vst v63  }
0x93: {  	_ =	swait.ge [sflag:s2], $0x1000  }
0x94: {  	[sflag:s2] =	ssyncset.done $0x0  }
0x95: {  	[sflag:s2] =	ssyncadd.s32 $0xFFFFF000  }
0x96: {  	[tilespmem:s16], [sflag:$0x5] =	stream.indirect.gather [hbm4b:s6+s12], $0x20, s8, s12, $0xb8;
	[tilespmem:$0x1D000] =	vst v63  }
0x97: {  	_ =	swait.ge [sflag:s17], $0x1000  }
0x98: {  	[sflag:s17] =	ssyncset.done $0x0  }
0x99: {  	[sflag:s17] =	ssyncadd.s32 $0xFFFFF000  }
0x9a: {  	[spmem:s3] =	stream.indirect.scatter.add.f32 [tilespmem:s13], [sflag:$0x6], $0x20, s9, s12, $0xb8;
	[tilespmem:$0x1D000] =	vst v63  }
0x9b: {  	_ =	swait.ge [sflag:s20], $0x1000  }
0x9c: {  	[sflag:s20] =	ssyncset.done $0x0  }
0x9d: {  	[sflag:s20] =	ssyncadd.s32 $0xFFFFF000  }
0x9e: {  	[spmem:s3] =	stream.indirect.scatter.add.f32 [tilespmem:s14], [sflag:$0x7], $0x20, s7, s12, $0xb8;
	[tilespmem:$0x1D000] =	vst v63  }
0x9f: {  	_ =	swait.ge [sflag:s28], $0x1000  }
0xa0: {  	[sflag:s28] =	ssyncset.done $0x0  }
0xa1: {  	[sflag:s28] =	ssyncadd.s32 $0xFFFFF000  }
0xa2: {  	[spmem:s3] =	stream.indirect.scatter.add.f32 [tilespmem:s15], [sflag:$0x8], $0x20, s23, s12, $0xb8;
	[tilespmem:$0x1D000] =	vst v63  }
0xa3: {  	_ =	swait.ge [sflag:s0], $0x1000  }
0xa4: {  	[sflag:s0] =	ssyncset.done $0x0  }
0xa5: {  	[sflag:s0] =	ssyncadd.s32 $0xFFFFF000  }
0xa6: {  	[spmem:s3] =	stream.indirect.scatter.add.f32 [tilespmem:s16], [sflag:$0x9], $0x20, s24, s12, $0xb8;
	[tilespmem:$0x1D000] =	vst v63  }
0xa7: {  	_ =	swait.ge [sflag:s18], $0x1000  }
0xa8: {  	[sflag:s18] =	ssyncset.done $0x0  }
0xa9: {  	[sflag:s18] =	ssyncadd.s32 $0xFFFFF000  }
0xaa: {  	_ =	swait.ge [sflag:s22], $0x1000  }
0xab: {  	p1 =	sne.s32 s10, $0x3000;
	[sflag:s22] =	ssyncset.done $0x0  }
.Ltmp0:
0xac: {  	[sflag:s22] =	ssyncadd.s32 $0xFFFFF000;
	(pc) =	sbr.rel @p1 .LBB2_2-.Ltmp0, $4  }
0xad: {  	_ =	swait.ge [sflag:s30], $0x1000  }
0xae: {  	[sflag:s30] =	ssyncset.done $0x0  }
0xaf: {  	[sflag:s30] =	ssyncadd.s32 $0xFFFFF000  }
0xb0: {  	s10 =	sadd.s32 $0x100, s10;
	_ =	swait.ge [sflag:s2], $0x1000  }
0xb1: {  	[sflag:s2] =	ssyncset.done $0x0  }
0xb2: {  	[sflag:s2] =	ssyncadd.s32 $0xFFFFF000  }
0xb3: {  	[bflag:$0x0] =	sbarrier.arrive $0xFFFF  }
0xb4: {  	s5 =	rddreg [dreg:$0x9]  }
0xb5: {  	s25 =	rddreg [dreg:$0x8]  }
0xb6: {  	s10 =	rddreg [dreg:$0xc];
	s5 =	sadd.s32 @p0 $0x2DD20, s5  }
0xb7: {  	[hbm:s5], [sflag:s25] =	dma.local @p0 [spmem:s10], $0x3020  }
0xb8: {  	s5 =	simm.s32 @p0 $0x1  }
0xb9: {  	_ =	swait.ge @p0 [sflag:s5], $0x3020  }
0xba: {  	[sflag:s5] =	ssyncset.done @p0 $0x0;
	s10 =	rddreg [dreg:$0xe]  }
0xbb: {  	[sflag:s5] =	ssyncadd.s32 @p0 $0xFFFFCFE0;
	s5 =	rddreg [dreg:$0xd]  }
0xbc: {  	[hbm:s5], [sflag:s25] =	dma.local @!p0 [spmem:s10], $0x30E0  }
0xbd: {  	s10 =	simm.s32 @!p0 $0x1  }
0xbe: {  	_ =	swait.ge @!p0 [sflag:s10], $0x30E0  }
0xbf: {  	s5 =	rddreg [dreg:$0xf]  }
0xc0: {  	[sflag:s10] =	ssyncset.done @!p0 $0x0;
	s10 =	rddreg [dreg:$0xa];
	s5 =	sadd.s32 $0x1, s5  }
0xc1: {  	p1 =	sne.s32 s5, s10  }
.Ltmp1:
0xc2: {  	_ = 	snop;
	(pc) =	sbr.rel @p1 .LBB2_1-.Ltmp1, $3  }
0xc3: {  	_ =	sdelay $0x1  }
0xc4: {  	[dreg:$0xf] =	wrdreg s5;
	s5 =	simm.s32 @!p0 $0x1  }
0xc5: {  	[sflag:s5] =	ssyncadd.s32 @!p0 $0xFFFFCF20  }
0xc6: {  	_ =	sfence.sel $0x180000  }
0xc7: {  	[bflag:$0x0] =	sbarrier.arrive $0xFFFF  }
0xc8: {  	_ =	strace $0x90000053  }
0xc9: {  	s0 =	stileid.u32;
	[bflag:$0x2] =	sbarrier.arrive $0xFFFF  }
0xca: {  	p0 =	sne.s32 s0, $0x0;
	s0 =	rddreg [dreg:$0x3]  }
0xcb: {  	s0 =	sadd.s32 @!p0 $0x100000, s0  }
0xcc: {  	[sflag:s0] =	ssyncadd.tile.s32 @!p0 $0x1;
	_ =	shalt  }
.Lfunc_end2:
_tile_overlayer_lowered:
.L_overlay_start_2:
0xcd: {  	(tag) =	ssettag $0x2  }
0xce: {  	s0 =	rddreg [dreg:$0x0];
	s2 =	stileid.u32  }
0xcf: {  	s1 =	rddreg [dreg:$0x1];
	p0 =	sne.s32 s2, $0x0  }
0xd0: {  	s3 =	rddreg [dreg:$0x2];
	[bflag:$0x3] =	sbarrier.arrive $0xFFFF;
	s2 =	simm.s32 @!p0 $0x1C0A  }
0xd1: {  	[timem:s3], [sflag:s2] =	dma.local @!p0 [hbm:s0], s1  }
0xd2: {  	s0 =	simm.s32 @!p0 $0xA  }
0xd3: {  	_ =	swait.ge @!p0 [sflag:s0], s1  }
0xd4: {  	s1 =	ssub.s32 @!p0 $0x0, s1;
	[sflag:s0] =	ssyncset.done @!p0 $0x0  }
0xd5: {  	[sflag:s0] =	ssyncadd.s32 @!p0 s1  }
0xd6: {  	[bflag:$0x3] =	sbarrier.arrive $0xFFFF  }
0xd7: {  	_ =	shalt  }

</sc_bundles>
